<compile_context>
chip_gen: v7x
topology: tpu7x:2x2x1
jax: 0.10.2.dev20260603
libtpu: 0.0.44.dev20260713+nightly
codegen_flags: <defaults>
</compile_context>

<pallas_src>
import jax
import jax.numpy as jnp
from jax import lax
from jax.experimental import pallas as pl
from jax.experimental.pallas import tpu as pltpu
from jax.experimental.pallas import tpu_sc as plsc

_B = 10000
_K = 32
_D = 128

_NC = 2
_NS = 16
_NW = _NC * _NS
_CH = 128

_PARTS = ((3200, 25), (3200, 25), (3600, 30))
_C2 = 3
_N2_PAD = _NW * _C2 * _CH

_BB = 200


def _sc_gather_body(c1, with_self, table_h, idx1_h, idx2_h, out1_h, out2_h,
                    idx1_v, idx2_v, bufs, gsems, osems):
    wid = lax.axis_index("s") * _NC + lax.axis_index("c")
    pltpu.sync_copy(idx1_h.at[wid], idx1_v)
    if with_self:
        pltpu.sync_copy(idx2_h.at[wid], idx2_v)

    def start_g(idx_v, j, b):
        pltpu.make_async_copy(
            table_h.at[idx_v.at[j]], bufs.at[b], gsems.at[b]).start()

    def wait_g(b):
        pltpu.make_async_copy(
            table_h.at[idx1_v.at[0]], bufs.at[b], gsems.at[b]).wait()

    def start_s(out_h, row0, b):
        pltpu.make_async_copy(
            bufs.at[b], out_h.at[pl.ds(row0, _CH)], osems.at[b]).start()

    def wait_s(b):
        pltpu.make_async_copy(
            bufs.at[b], out1_h.at[pl.ds(0, _CH)], osems.at[b]).wait()

    base1 = wid * c1 * _CH

    for b in range(3):
        start_g(idx1_v, b, b)

    @pl.loop(0, c1 // 5)
    def _round(t):
        for b in range(5):
            j = 5 * t + b
            wait_g(b)
            start_s(out1_h, base1 + j * _CH, b)
            b2 = (b + 3) % 5

            @pl.when(j + 3 < c1)
            def _():
                @pl.when(j >= 2)
                def _():
                    wait_s(b2)

                start_g(idx1_v, j + 3, b2)

    for b in range(5):
        wait_s(b)

    if with_self:
        base2 = wid * _C2 * _CH
        for j in range(_C2):
            pltpu.async_copy(
                table_h.at[idx2_v.at[j]], bufs.at[j], gsems.at[j]).wait()
            start_s(out2_h, base2 + j * _CH, j)
        for j in range(_C2):
            pltpu.make_async_copy(
                bufs.at[j], out2_h.at[pl.ds(0, _CH)], osems.at[j]).wait()


_MESH = plsc.VectorSubcoreMesh(core_axis_name="c", subcore_axis_name="s")


def _scratch(c1):
    return [
        pltpu.VMEM((c1, _CH), jnp.int32),
        pltpu.VMEM((_C2, _CH), jnp.int32),
        pltpu.VMEM((5, _CH, _D), jnp.float32),
        pltpu.SemaphoreType.DMA((5,)),
        pltpu.SemaphoreType.DMA((5,)),
    ]


def _make_sc(c1, with_self):
    n1 = _NW * c1 * _CH

    if with_self:
        def body(table_h, idx1_h, idx2_h, out1_h, out2_h, *scratch):
            _sc_gather_body(c1, True, table_h, idx1_h, idx2_h,
                            out1_h, out2_h, *scratch)

        out_type = (jax.ShapeDtypeStruct((n1, _D), jnp.float32),
                    jax.ShapeDtypeStruct((_N2_PAD, _D), jnp.float32))
    else:
        def body(table_h, idx1_h, out1_h, *scratch):
            idx1_v, idx2_v, bufs, gsems, osems = scratch
            _sc_gather_body(c1, False, table_h, idx1_h, None, out1_h, None,
                            idx1_v, idx2_v, bufs, gsems, osems)

        out_type = jax.ShapeDtypeStruct((n1, _D), jnp.float32)

    k = pl.kernel(body, out_type=out_type, mesh=_MESH,
                  scratch_types=_scratch(c1))
    return k


_SC_KERNELS = tuple(
    _make_sc(c1, p == 0) for p, (_, c1) in enumerate(_PARTS))


def _tc_mlp_body(e3_ref, u_ref, w1t_ref, w1b_ref, w2_ref, w3t_ref,
                 b1_ref, b2_ref, b3_ref, out_ref):
    e3 = e3_ref[...]
    e2 = e3.reshape(_BB * _K, _D).astype(jnp.bfloat16)
    u = u_ref[...].astype(jnp.bfloat16)

    uw = jnp.dot(u, w1b_ref[...], preferred_element_type=jnp.float32)
    uw = uw + b1_ref[...]
    z1 = jnp.dot(e2, w1t_ref[...], preferred_element_type=jnp.float32)
    h1 = jnp.maximum(z1.reshape(_BB, _K, _D) + uw[:, None, :], 0.0)

    h2 = jnp.dot(h1.reshape(_BB * _K, _D).astype(jnp.bfloat16), w2_ref[...],
                 preferred_element_type=jnp.float32)
    h2 = jnp.maximum(h2 + b2_ref[...], 0.0)

    w3row = w3t_ref[...].reshape(1, 1, _D)
    t = jnp.sum(h2.reshape(_BB, _K, _D) * w3row, axis=2, keepdims=True)
    t = t + b3_ref[0, 0]

    m = jnp.max(t, axis=1, keepdims=True)
    p = jnp.exp(t - m)
    s = jnp.sum(p, axis=1, keepdims=True)
    att = p / s

    out_ref[...] = jnp.sum(e3 * att, axis=1)


def _tc_mlp(nodes_p, ublk, e3, u, w1t, w1b, w2, w3t, b1, b2, b3):
    return pl.pallas_call(
        _tc_mlp_body,
        grid=(nodes_p // _BB,),
        in_specs=[
            pl.BlockSpec((_BB, _K, _D), lambda i: (i, 0, 0)),
            pl.BlockSpec((_BB, _D), lambda i: (i + ublk, 0)),
            pl.BlockSpec((_D, _D), lambda i: (0, 0)),
            pl.BlockSpec((_D, _D), lambda i: (0, 0)),
            pl.BlockSpec((_D, _D), lambda i: (0, 0)),
            pl.BlockSpec((1, _D), lambda i: (0, 0)),
            pl.BlockSpec((1, _D), lambda i: (0, 0)),
            pl.BlockSpec((1, _D), lambda i: (0, 0)),
            pl.BlockSpec((1, 1), lambda i: (0, 0)),
        ],
        out_specs=pl.BlockSpec((_BB, _D), lambda i: (i, 0)),
        out_shape=jax.ShapeDtypeStruct((nodes_p, _D), jnp.float32),
    )(e3, u, w1t, w1b, w2, w3t, b1, b2, b3)


def kernel(nodes, to_neighs, u2e, W1, b1, W2, b2, W3, b3):
    nflat = to_neighs.reshape(-1)
    idx2 = jnp.zeros((_N2_PAD,), jnp.int32).at[:_B].set(
        nodes).reshape(_NW, _C2, _CH)

    idx1 = []
    row0 = 0
    for nodes_p, c1 in _PARTS:
        n1 = _NW * c1 * _CH
        nrows = nodes_p * _K
        idx1.append(jnp.zeros((n1,), jnp.int32).at[:nrows].set(
            nflat[row0: row0 + nrows]).reshape(_NW, c1, _CH))
        row0 += nrows

    e_parts = []
    for p, k in enumerate(_SC_KERNELS):
        if p == 0:
            ea, u_rows = k(u2e, idx1[0], idx2)
            e_parts.append(ea)
        else:
            e_parts.append(k(u2e, idx1[p]))

    bf = jnp.bfloat16
    args = (W1[:_D].astype(bf), W1[_D:].astype(bf), W2.astype(bf),
            W3.reshape(1, _D), b1.reshape(1, _D), b2.reshape(1, _D),
            b3.reshape(1, 1))
    outs = []
    ublk = 0
    for (nodes_p, c1), rows in zip(_PARTS, e_parts):
        e3 = rows.reshape(rows.shape[0] // _K, _K, _D)
        outs.append(_tc_mlp(nodes_p, ublk, e3, u_rows, *args))
        ublk += nodes_p // _BB
    return jnp.concatenate(outs, axis=0)

# --- scband reference (transcript-rebuilt; emitter-appended) ---
"""Pipeline reference for scband-social-aggregator-21148418965783 (READ-ONLY COPY).

The authoritative reference and input builder live on the scoring server;
editing this copy changes nothing except your own understanding.
"""

import jax, jax.numpy as jnp
import numpy as np

B = 10000
K = 32
NUM_USERS = 100000
D = 128

def setup_inputs(seed: int = 0) -> dict:
    key = jax.random.key(seed)
    k1, k2, k3, k4, k5, k6 = jax.random.split(key, 6)
    nodes = jax.random.randint(k1, (B,), 0, NUM_USERS, dtype=jnp.int32)
    to_neighs = jax.random.randint(k2, (B, K), 0, NUM_USERS, dtype=jnp.int32)
    u2e = jax.random.normal(k3, (NUM_USERS, D), dtype=jnp.float32) * 0.02
    W1 = jax.random.normal(k4, (2 * D, D), dtype=jnp.float32) * (1.0 / np.sqrt(2 * D))
    b1 = jnp.zeros((D,), dtype=jnp.float32)
    W2 = jax.random.normal(k5, (D, D), dtype=jnp.float32) * (1.0 / np.sqrt(D))
    b2 = jnp.zeros((D,), dtype=jnp.float32)
    W3 = jax.random.normal(k6, (D, 1), dtype=jnp.float32) * (1.0 / np.sqrt(D))
    b3 = jnp.zeros((1,), dtype=jnp.float32)
    return {"nodes": nodes, "to_neighs": to_neighs, "u2e": u2e,
            "W1": W1, "b1": b1, "W2": W2, "b2": b2, "W3": W3, "b3": b3}

def reference(nodes, to_neighs, u2e, W1, b1, W2, b2, W3, b3):
    # Gather neighbor embeddings e_u and self embedding u_rep (u2e lookups)
    e_u = jnp.take(u2e, to_neighs, axis=0)            # [B, K, D]
    u_rep = jnp.take(u2e, nodes, axis=0)              # [B, D]
    # Attention(embed_dim): concat(neighbor, tiled self) -> MLP -> softmax over neighbors
    uv = jnp.broadcast_to(u_rep[:, None, :], e_u.shape)
    x = jnp.concatenate([e_u, uv], axis=-1)           # [B, K, 2D]
    x = jax.nn.relu(jnp.einsum('bkf,fd->bkd', x, W1) + b1)
    x = jax.nn.relu(jnp.einsum('bkd,de->bke', x, W2) + b2)
    logits = jnp.einsum('bkd,do->bko', x, W3) + b3    # [B, K, 1]
    att_w = jax.nn.softmax(logits, axis=1)            # softmax over neighbors (axis=0 per-node in original loop)
    # att_history = (e_u^T @ att_w)^T  == attention-weighted sum of neighbor embeddings
    to_feats = jnp.sum(e_u * att_w, axis=1)           # [B, D]  (stack + squeeze in original)
    return to_feats

if __name__ == "__main__":
    import jax
    _d = setup_inputs()
    print(jax.jit(kernel)(*tuple(_d.values())))

</pallas_src>

<mosaic_0001>
#map = affine_map<(d0, d1) -> (0, 0)>
#map1 = affine_map<(d0, d1) -> (0, 0, 0)>
module attributes {stable_mosaic.version = 14 : i64} {
  func.func @body(%arg0: i32, %arg1: i32, %arg2: memref<100000x128xf32, #tpu.memory_space<hbm>>, %arg3: memref<32x25x128xi32, #tpu.memory_space<hbm>>, %arg4: memref<102400x128xf32, #tpu.memory_space<hbm>>, %arg5: memref<25x128xi32, #tpu.memory_space<vmem>>, %arg6: memref<3x128xi32, #tpu.memory_space<vmem>>, %arg7: memref<5x128x128xf32, #tpu.memory_space<vmem>>, %arg8: memref<5x!tpu.dma_semaphore, #tpu.memory_space<semaphore_mem>>, %arg9: memref<5x!tpu.dma_semaphore, #tpu.memory_space<semaphore_mem>>) attributes {dimension_semantics = [#tpu.dimension_semantics<core_parallel>, #tpu.dimension_semantics<subcore_parallel>], iteration_bounds = array<i64: 2, 16>, scalar_prefetch = 0 : i64, scratch_operands = 5 : i64, tpu.core_type = #tpu.core_type<sc_vector_subcore>, window_params = [{transform_indices = #map}, {transform_indices = #map1}, {transform_indices = #map}]} {
    %mul3A = arith.constant 2 : i32
    %mul3A_0 = arith.muli %arg1, %mul3A : i32
    %add3A = arith.addi %mul3A_0, %arg0 : i32
    "tpu.region"() ({
      %run_scoped3A = tpu.sem_alloc : memref<!tpu.dma_semaphore, #tpu.memory_space<semaphore_mem>>
      %dma_start3A_142 = arith.constant 0 : i32
      %dma_start3A_143 = arith.constant 0 : i32
      %dma_start3A_144 = tpu.memref_slice %arg3[%add3A, %dma_start3A_142, %dma_start3A_143] : memref<32x25x128xi32, #tpu.memory_space<hbm>> -> memref<1x25x128xi32, #tpu.memory_space<hbm>>
      %dma_start3A_145 = tpu.memref_squeeze %dma_start3A_144 : memref<1x25x128xi32, #tpu.memory_space<hbm>> -> memref<25x128xi32, #tpu.memory_space<hbm>>
      %dma_start3A_146 = arith.constant 0 : i32
      %dma_start3A_147 = arith.constant 0 : i32
      %dma_start3A_148 = tpu.memref_slice %arg3[%add3A, %dma_start3A_146, %dma_start3A_147] : memref<32x25x128xi32, #tpu.memory_space<hbm>> -> memref<1x25x128xi32, #tpu.memory_space<hbm>>
      %dma_start3A_149 = tpu.memref_squeeze %dma_start3A_148 : memref<1x25x128xi32, #tpu.memory_space<hbm>> -> memref<25x128xi32, #tpu.memory_space<hbm>>
      tpu.enqueue_dma source(%dma_start3A_149 : memref<25x128xi32, #tpu.memory_space<hbm>>) target(%arg5 : memref<25x128xi32, #tpu.memory_space<vmem>>) target_semaphore(%run_scoped3A : memref<!tpu.dma_semaphore, #tpu.memory_space<semaphore_mem>>)
      %dma_wait3A_150 = arith.constant 0 : i32
      %dma_wait3A_151 = arith.constant 0 : i32
      %dma_wait3A_152 = tpu.memref_slice %arg3[%add3A, %dma_wait3A_150, %dma_wait3A_151] : memref<32x25x128xi32, #tpu.memory_space<hbm>> -> memref<1x25x128xi32, #tpu.memory_space<hbm>>
      %dma_wait3A_153 = tpu.memref_squeeze %dma_wait3A_152 : memref<1x25x128xi32, #tpu.memory_space<hbm>> -> memref<25x128xi32, #tpu.memory_space<hbm>>
      %dma_wait3A_154 = arith.constant 0 : i32
      %dma_wait3A_155 = arith.constant 0 : i32
      %dma_wait3A_156 = tpu.memref_slice %arg3[%add3A, %dma_wait3A_154, %dma_wait3A_155] : memref<32x25x128xi32, #tpu.memory_space<hbm>> -> memref<1x25x128xi32, #tpu.memory_space<hbm>>
      %dma_wait3A_157 = tpu.memref_squeeze %dma_wait3A_156 : memref<1x25x128xi32, #tpu.memory_space<hbm>> -> memref<25x128xi32, #tpu.memory_space<hbm>>
      tpu.wait_dma2 semaphore(%run_scoped3A : memref<!tpu.dma_semaphore, #tpu.memory_space<semaphore_mem>>) src(%dma_wait3A_157 : memref<25x128xi32, #tpu.memory_space<hbm>>) dst(%arg5 : memref<25x128xi32, #tpu.memory_space<vmem>>)
      tpu.yield
    }) : () -> ()
    %mul3A_1 = arith.constant 25 : i32
    %mul3A_2 = arith.muli %add3A, %mul3A_1 : i32
    %mul3A_3 = arith.constant 128 : i32
    %mul3A_4 = arith.muli %mul3A_2, %mul3A_3 : i32
    %dma_start3A = arith.constant 0 : i32
    %dma_start3A_5 = arith.constant 0 : i32
    %dma_start3A_6 = arith.constant 0 : i32
    %dma_start3A_7 = arith.constant 0 : i32
    %dma_start3A_8 = arith.constant 0 : i32
    %dma_start3A_9 = tpu.memref_slice %arg7[%dma_start3A_5, %dma_start3A_7, %dma_start3A_8] : memref<5x128x128xf32, #tpu.memory_space<vmem>> -> memref<1x128x128xf32, #tpu.memory_space<vmem>>
    %dma_start3A_10 = tpu.memref_squeeze %dma_start3A_9 : memref<1x128x128xf32, #tpu.memory_space<vmem>> -> memref<128x128xf32, #tpu.memory_space<vmem>>
    %dma_start3A_11 = arith.constant 0 : i32
    %dma_start3A_12 = tpu.memref_slice %arg5[%dma_start3A, %dma_start3A_11] : memref<25x128xi32, #tpu.memory_space<vmem>> -> memref<1x128xi32, #tpu.memory_space<vmem>>
    %dma_start3A_13 = tpu.memref_squeeze %dma_start3A_12 : memref<1x128xi32, #tpu.memory_space<vmem>> -> memref<128xi32, #tpu.memory_space<vmem>>
    %dma_start3A_14 = arith.constant 0 : i32
    %dma_start3A_15 = arith.constant 0 : i32
    %dma_start3A_16 = tpu.memref_slice %arg2[%dma_start3A_14, %dma_start3A_15] : memref<100000x128xf32, #tpu.memory_space<hbm>> -> memref<100000x128xf32, #tpu.memory_space<hbm>>
    %dma_start3A_17 = tpu.memref_slice %arg8[%dma_start3A_6] : memref<5x!tpu.dma_semaphore, #tpu.memory_space<semaphore_mem>> -> memref<1x!tpu.dma_semaphore, #tpu.memory_space<semaphore_mem>>
    %dma_start3A_18 = tpu.memref_squeeze %dma_start3A_17 : memref<1x!tpu.dma_semaphore, #tpu.memory_space<semaphore_mem>> -> memref<!tpu.dma_semaphore, #tpu.memory_space<semaphore_mem>>
    tpu.enqueue_indirect_dma source(%dma_start3A_16 : memref<100000x128xf32, #tpu.memory_space<hbm>>) target(%dma_start3A_10 : memref<128x128xf32, #tpu.memory_space<vmem>>) offsets(%dma_start3A_13 : memref<128xi32, #tpu.memory_space<vmem>>) semaphore(%dma_start3A_18 : memref<!tpu.dma_semaphore, #tpu.memory_space<semaphore_mem>>)
    %dma_start3A_19 = arith.constant 1 : i32
    %dma_start3A_20 = arith.constant 1 : i32
    %dma_start3A_21 = arith.constant 1 : i32
    %dma_start3A_22 = arith.constant 0 : i32
    %dma_start3A_23 = arith.constant 0 : i32
    %dma_start3A_24 = tpu.memref_slice %arg7[%dma_start3A_20, %dma_start3A_22, %dma_start3A_23] : memref<5x128x128xf32, #tpu.memory_space<vmem>> -> memref<1x128x128xf32, #tpu.memory_space<vmem>>
    %dma_start3A_25 = tpu.memref_squeeze %dma_start3A_24 : memref<1x128x128xf32, #tpu.memory_space<vmem>> -> memref<128x128xf32, #tpu.memory_space<vmem>>
    %dma_start3A_26 = arith.constant 0 : i32
    %dma_start3A_27 = tpu.memref_slice %arg5[%dma_start3A_19, %dma_start3A_26] : memref<25x128xi32, #tpu.memory_space<vmem>> -> memref<1x128xi32, #tpu.memory_space<vmem>>
    %dma_start3A_28 = tpu.memref_squeeze %dma_start3A_27 : memref<1x128xi32, #tpu.memory_space<vmem>> -> memref<128xi32, #tpu.memory_space<vmem>>
    %dma_start3A_29 = arith.constant 0 : i32
    %dma_start3A_30 = arith.constant 0 : i32
    %dma_start3A_31 = tpu.memref_slice %arg2[%dma_start3A_29, %dma_start3A_30] : memref<100000x128xf32, #tpu.memory_space<hbm>> -> memref<100000x128xf32, #tpu.memory_space<hbm>>
    %dma_start3A_32 = tpu.memref_slice %arg8[%dma_start3A_21] : memref<5x!tpu.dma_semaphore, #tpu.memory_space<semaphore_mem>> -> memref<1x!tpu.dma_semaphore, #tpu.memory_space<semaphore_mem>>
    %dma_start3A_33 = tpu.memref_squeeze %dma_start3A_32 : memref<1x!tpu.dma_semaphore, #tpu.memory_space<semaphore_mem>> -> memref<!tpu.dma_semaphore, #tpu.memory_space<semaphore_mem>>
    tpu.enqueue_indirect_dma source(%dma_start3A_31 : memref<100000x128xf32, #tpu.memory_space<hbm>>) target(%dma_start3A_25 : memref<128x128xf32, #tpu.memory_space<vmem>>) offsets(%dma_start3A_28 : memref<128xi32, #tpu.memory_space<vmem>>) semaphore(%dma_start3A_33 : memref<!tpu.dma_semaphore, #tpu.memory_space<semaphore_mem>>)
    %dma_start3A_34 = arith.constant 2 : i32
    %dma_start3A_35 = arith.constant 2 : i32
    %dma_start3A_36 = arith.constant 2 : i32
    %dma_start3A_37 = arith.constant 0 : i32
    %dma_start3A_38 = arith.constant 0 : i32
    %dma_start3A_39 = tpu.memref_slice %arg7[%dma_start3A_35, %dma_start3A_37, %dma_start3A_38] : memref<5x128x128xf32, #tpu.memory_space<vmem>> -> memref<1x128x128xf32, #tpu.memory_space<vmem>>
    %dma_start3A_40 = tpu.memref_squeeze %dma_start3A_39 : memref<1x128x128xf32, #tpu.memory_space<vmem>> -> memref<128x128xf32, #tpu.memory_space<vmem>>
    %dma_start3A_41 = arith.constant 0 : i32
    %dma_start3A_42 = tpu.memref_slice %arg5[%dma_start3A_34, %dma_start3A_41] : memref<25x128xi32, #tpu.memory_space<vmem>> -> memref<1x128xi32, #tpu.memory_space<vmem>>
    %dma_start3A_43 = tpu.memref_squeeze %dma_start3A_42 : memref<1x128xi32, #tpu.memory_space<vmem>> -> memref<128xi32, #tpu.memory_space<vmem>>
    %dma_start3A_44 = arith.constant 0 : i32
    %dma_start3A_45 = arith.constant 0 : i32
    %dma_start3A_46 = tpu.memref_slice %arg2[%dma_start3A_44, %dma_start3A_45] : memref<100000x128xf32, #tpu.memory_space<hbm>> -> memref<100000x128xf32, #tpu.memory_space<hbm>>
    %dma_start3A_47 = tpu.memref_slice %arg8[%dma_start3A_36] : memref<5x!tpu.dma_semaphore, #tpu.memory_space<semaphore_mem>> -> memref<1x!tpu.dma_semaphore, #tpu.memory_space<semaphore_mem>>
    %dma_start3A_48 = tpu.memref_squeeze %dma_start3A_47 : memref<1x!tpu.dma_semaphore, #tpu.memory_space<semaphore_mem>> -> memref<!tpu.dma_semaphore, #tpu.memory_space<semaphore_mem>>
    tpu.enqueue_indirect_dma source(%dma_start3A_46 : memref<100000x128xf32, #tpu.memory_space<hbm>>) target(%dma_start3A_40 : memref<128x128xf32, #tpu.memory_space<vmem>>) offsets(%dma_start3A_43 : memref<128xi32, #tpu.memory_space<vmem>>) semaphore(%dma_start3A_48 : memref<!tpu.dma_semaphore, #tpu.memory_space<semaphore_mem>>)
    %scan3A = arith.constant 0 : i32
    %scan3A_49 = arith.constant 5 : i32
    %scan3A_50 = arith.addi %scan3A, %scan3A_49 : i32
    %scan3A_51 = arith.constant 1 : i32
    scf.for %scan3A_142 = %scan3A to %scan3A_50 step %scan3A_51  : i32 {
      %mul3A_143 = arith.constant 1 : i32
      %mul3A_144 = arith.muli %scan3A_142, %mul3A_143 : i32
      %add3A_145 = arith.constant 0 : i32
      %add3A_146 = arith.addi %add3A_145, %mul3A_144 : i32
      %mul3A_147 = arith.constant 5 : i32
      %mul3A_148 = arith.muli %mul3A_147, %add3A_146 : i32
      %add3A_149 = arith.constant 0 : i32
      %add3A_150 = arith.addi %mul3A_148, %add3A_149 : i32
      %dma_wait3A_151 = arith.constant 0 : i32
      %dma_wait3A_152 = arith.constant 0 : i32
      %dma_wait3A_153 = arith.constant 0 : i32
      %dma_wait3A_154 = arith.constant 0 : i32
      %dma_wait3A_155 = arith.constant 0 : i32
      %dma_wait3A_156 = tpu.memref_slice %arg7[%dma_wait3A_152, %dma_wait3A_154, %dma_wait3A_155] : memref<5x128x128xf32, #tpu.memory_space<vmem>> -> memref<1x128x128xf32, #tpu.memory_space<vmem>>
      %dma_wait3A_157 = tpu.memref_squeeze %dma_wait3A_156 : memref<1x128x128xf32, #tpu.memory_space<vmem>> -> memref<128x128xf32, #tpu.memory_space<vmem>>
      %dma_wait3A_158 = arith.constant 0 : i32
      %dma_wait3A_159 = tpu.memref_slice %arg5[%dma_wait3A_151, %dma_wait3A_158] : memref<25x128xi32, #tpu.memory_space<vmem>> -> memref<1x128xi32, #tpu.memory_space<vmem>>
      %dma_wait3A_160 = tpu.memref_squeeze %dma_wait3A_159 : memref<1x128xi32, #tpu.memory_space<vmem>> -> memref<128xi32, #tpu.memory_space<vmem>>
      %dma_wait3A_161 = arith.constant 0 : i32
      %dma_wait3A_162 = arith.constant 0 : i32
      %dma_wait3A_163 = tpu.memref_slice %arg2[%dma_wait3A_161, %dma_wait3A_162] : memref<100000x128xf32, #tpu.memory_space<hbm>> -> memref<100000x128xf32, #tpu.memory_space<hbm>>
      %dma_wait3A_164 = tpu.memref_slice %arg8[%dma_wait3A_153] : memref<5x!tpu.dma_semaphore, #tpu.memory_space<semaphore_mem>> -> memref<1x!tpu.dma_semaphore, #tpu.memory_space<semaphore_mem>>
      %dma_wait3A_165 = tpu.memref_squeeze %dma_wait3A_164 : memref<1x!tpu.dma_semaphore, #tpu.memory_space<semaphore_mem>> -> memref<!tpu.dma_semaphore, #tpu.memory_space<semaphore_mem>>
      tpu.wait_indirect_dma semaphore(%dma_wait3A_165 : memref<!tpu.dma_semaphore, #tpu.memory_space<semaphore_mem>>) src(%dma_wait3A_163 : memref<100000x128xf32, #tpu.memory_space<hbm>>) dst(%dma_wait3A_157 : memref<128x128xf32, #tpu.memory_space<vmem>>)
      %mul3A_166 = arith.constant 128 : i32
      %mul3A_167 = arith.muli %add3A_150, %mul3A_166 : i32
      %add3A_168 = arith.addi %mul3A_4, %mul3A_167 : i32
      %dma_start3A_169 = arith.constant 0 : i32
      %dma_start3A_170 = arith.constant 0 : i32
      %dma_start3A_171 = arith.constant 0 : i32
      %dma_start3A_172 = arith.constant 0 : i32
      %dma_start3A_173 = tpu.memref_slice %arg7[%dma_start3A_169, %dma_start3A_171, %dma_start3A_172] : memref<5x128x128xf32, #tpu.memory_space<vmem>> -> memref<1x128x128xf32, #tpu.memory_space<vmem>>
      %dma_start3A_174 = tpu.memref_squeeze %dma_start3A_173 : memref<1x128x128xf32, #tpu.memory_space<vmem>> -> memref<128x128xf32, #tpu.memory_space<vmem>>
      %dma_start3A_175 = arith.constant 0 : i32
      %dma_start3A_176 = tpu.memref_slice %arg4[%add3A_168, %dma_start3A_175] : memref<102400x128xf32, #tpu.memory_space<hbm>> -> memref<128x128xf32, #tpu.memory_space<hbm>>
      %dma_start3A_177 = tpu.memref_slice %arg9[%dma_start3A_170] : memref<5x!tpu.dma_semaphore, #tpu.memory_space<semaphore_mem>> -> memref<1x!tpu.dma_semaphore, #tpu.memory_space<semaphore_mem>>
      %dma_start3A_178 = tpu.memref_squeeze %dma_start3A_177 : memref<1x!tpu.dma_semaphore, #tpu.memory_space<semaphore_mem>> -> memref<!tpu.dma_semaphore, #tpu.memory_space<semaphore_mem>>
      %dma_start3A_179 = arith.constant 0 : i32
      %dma_start3A_180 = tpu.memref_slice %arg4[%add3A_168, %dma_start3A_179] : memref<102400x128xf32, #tpu.memory_space<hbm>> -> memref<128x128xf32, #tpu.memory_space<hbm>>
      %dma_start3A_181 = arith.constant 0 : i32
      %dma_start3A_182 = arith.constant 0 : i32
      %dma_start3A_183 = tpu.memref_slice %arg7[%dma_start3A_169, %dma_start3A_181, %dma_start3A_182] : memref<5x128x128xf32, #tpu.memory_space<vmem>> -> memref<1x128x128xf32, #tpu.memory_space<vmem>>
      %dma_start3A_184 = tpu.memref_squeeze %dma_start3A_183 : memref<1x128x128xf32, #tpu.memory_space<vmem>> -> memref<128x128xf32, #tpu.memory_space<vmem>>
      tpu.enqueue_dma source(%dma_start3A_184 : memref<128x128xf32, #tpu.memory_space<vmem>>) target(%dma_start3A_180 : memref<128x128xf32, #tpu.memory_space<hbm>>) target_semaphore(%dma_start3A_178 : memref<!tpu.dma_semaphore, #tpu.memory_space<semaphore_mem>>)
      %add3A_185 = arith.constant 3 : i32
      %add3A_186 = arith.addi %add3A_150, %add3A_185 : i32
      %lt3A = arith.constant 25 : i32
      %lt3A_187 = arith.cmpi slt, %add3A_186, %lt3A : i32
      %convert_element_type3A = arith.extui %lt3A_187 : i1 to i32
      %cond3A = arith.constant 0 : i32
      %cond3A_188 = arith.cmpi ne, %convert_element_type3A, %cond3A : i32
      scf.if %cond3A_188 {
        %ge3A = arith.constant 2 : i32
        %ge3A_369 = arith.cmpi sge, %add3A_150, %ge3A : i32
        %convert_element_type3A_370 = arith.extui %ge3A_369 : i1 to i32
        %cond3A_371 = arith.constant 0 : i32
        %cond3A_372 = arith.cmpi ne, %convert_element_type3A_370, %cond3A_371 : i32
        scf.if %cond3A_372 {
          %dma_wait3A_389 = arith.constant 3 : i32
          %dma_wait3A_390 = arith.constant 3 : i32
          %dma_wait3A_391 = arith.constant 0 : i32
          %dma_wait3A_392 = arith.constant 0 : i32
          %dma_wait3A_393 = tpu.memref_slice %arg7[%dma_wait3A_389, %dma_wait3A_391, %dma_wait3A_392] : memref<5x128x128xf32, #tpu.memory_space<vmem>> -> memref<1x128x128xf32, #tpu.memory_space<vmem>>
          %dma_wait3A_394 = tpu.memref_squeeze %dma_wait3A_393 : memref<1x128x128xf32, #tpu.memory_space<vmem>> -> memref<128x128xf32, #tpu.memory_space<vmem>>
          %dma_wait3A_395 = arith.constant 0 : i32
          %dma_wait3A_396 = arith.constant 0 : i32
          %dma_wait3A_397 = tpu.memref_slice %arg4[%dma_wait3A_395, %dma_wait3A_396] : memref<102400x128xf32, #tpu.memory_space<hbm>> -> memref<128x128xf32, #tpu.memory_space<hbm>>
          %dma_wait3A_398 = tpu.memref_slice %arg9[%dma_wait3A_390] : memref<5x!tpu.dma_semaphore, #tpu.memory_space<semaphore_mem>> -> memref<1x!tpu.dma_semaphore, #tpu.memory_space<semaphore_mem>>
          %dma_wait3A_399 = tpu.memref_squeeze %dma_wait3A_398 : memref<1x!tpu.dma_semaphore, #tpu.memory_space<semaphore_mem>> -> memref<!tpu.dma_semaphore, #tpu.memory_space<semaphore_mem>>
          %dma_wait3A_400 = arith.constant 0 : i32
          %dma_wait3A_401 = arith.constant 0 : i32
          %dma_wait3A_402 = tpu.memref_slice %arg4[%dma_wait3A_400, %dma_wait3A_401] : memref<102400x128xf32, #tpu.memory_space<hbm>> -> memref<128x128xf32, #tpu.memory_space<hbm>>
          %dma_wait3A_403 = arith.constant 0 : i32
          %dma_wait3A_404 = arith.constant 0 : i32
          %dma_wait3A_405 = tpu.memref_slice %arg7[%dma_wait3A_389, %dma_wait3A_403, %dma_wait3A_404] : memref<5x128x128xf32, #tpu.memory_space<vmem>> -> memref<1x128x128xf32, #tpu.memory_space<vmem>>
          %dma_wait3A_406 = tpu.memref_squeeze %dma_wait3A_405 : memref<1x128x128xf32, #tpu.memory_space<vmem>> -> memref<128x128xf32, #tpu.memory_space<vmem>>
          tpu.wait_dma2 semaphore(%dma_wait3A_399 : memref<!tpu.dma_semaphore, #tpu.memory_space<semaphore_mem>>) src(%dma_wait3A_406 : memref<128x128xf32, #tpu.memory_space<vmem>>) dst(%dma_wait3A_402 : memref<128x128xf32, #tpu.memory_space<hbm>>)
        } else {
        }
        %add3A_373 = arith.constant 3 : i32
        %add3A_374 = arith.addi %add3A_150, %add3A_373 : i32
        %dma_start3A_375 = arith.constant 3 : i32
        %dma_start3A_376 = arith.constant 3 : i32
        %dma_start3A_377 = arith.constant 0 : i32
        %dma_start3A_378 = arith.constant 0 : i32
        %dma_start3A_379 = tpu.memref_slice %arg7[%dma_start3A_375, %dma_start3A_377, %dma_start3A_378] : memref<5x128x128xf32, #tpu.memory_space<vmem>> -> memref<1x128x128xf32, #tpu.memory_space<vmem>>
        %dma_start3A_380 = tpu.memref_squeeze %dma_start3A_379 : memref<1x128x128xf32, #tpu.memory_space<vmem>> -> memref<128x128xf32, #tpu.memory_space<vmem>>
        %dma_start3A_381 = arith.constant 0 : i32
        %dma_start3A_382 = tpu.memref_slice %arg5[%add3A_374, %dma_start3A_381] : memref<25x128xi32, #tpu.memory_space<vmem>> -> memref<1x128xi32, #tpu.memory_space<vmem>>
        %dma_start3A_383 = tpu.memref_squeeze %dma_start3A_382 : memref<1x128xi32, #tpu.memory_space<vmem>> -> memref<128xi32, #tpu.memory_space<vmem>>
        %dma_start3A_384 = arith.constant 0 : i32
        %dma_start3A_385 = arith.constant 0 : i32
        %dma_start3A_386 = tpu.memref_slice %arg2[%dma_start3A_384, %dma_start3A_385] : memref<100000x128xf32, #tpu.memory_space<hbm>> -> memref<100000x128xf32, #tpu.memory_space<hbm>>
        %dma_start3A_387 = tpu.memref_slice %arg8[%dma_start3A_376] : memref<5x!tpu.dma_semaphore, #tpu.memory_space<semaphore_mem>> -> memref<1x!tpu.dma_semaphore, #tpu.memory_space<semaphore_mem>>
        %dma_start3A_388 = tpu.memref_squeeze %dma_start3A_387 : memref<1x!tpu.dma_semaphore, #tpu.memory_space<semaphore_mem>> -> memref<!tpu.dma_semaphore, #tpu.memory_space<semaphore_mem>>
        tpu.enqueue_indirect_dma source(%dma_start3A_386 : memref<100000x128xf32, #tpu.memory_space<hbm>>) target(%dma_start3A_380 : memref<128x128xf32, #tpu.memory_space<vmem>>) offsets(%dma_start3A_383 : memref<128xi32, #tpu.memory_space<vmem>>) semaphore(%dma_start3A_388 : memref<!tpu.dma_semaphore, #tpu.memory_space<semaphore_mem>>)
      } else {
      }
      %mul3A_189 = arith.constant 5 : i32
      %mul3A_190 = arith.muli %mul3A_189, %add3A_146 : i32
      %add3A_191 = arith.constant 1 : i32
      %add3A_192 = arith.addi %mul3A_190, %add3A_191 : i32
      %dma_wait3A_193 = arith.constant 0 : i32
      %dma_wait3A_194 = arith.constant 1 : i32
      %dma_wait3A_195 = arith.constant 1 : i32
      %dma_wait3A_196 = arith.constant 0 : i32
      %dma_wait3A_197 = arith.constant 0 : i32
      %dma_wait3A_198 = tpu.memref_slice %arg7[%dma_wait3A_194, %dma_wait3A_196, %dma_wait3A_197] : memref<5x128x128xf32, #tpu.memory_space<vmem>> -> memref<1x128x128xf32, #tpu.memory_space<vmem>>
      %dma_wait3A_199 = tpu.memref_squeeze %dma_wait3A_198 : memref<1x128x128xf32, #tpu.memory_space<vmem>> -> memref<128x128xf32, #tpu.memory_space<vmem>>
      %dma_wait3A_200 = arith.constant 0 : i32
      %dma_wait3A_201 = tpu.memref_slice %arg5[%dma_wait3A_193, %dma_wait3A_200] : memref<25x128xi32, #tpu.memory_space<vmem>> -> memref<1x128xi32, #tpu.memory_space<vmem>>
      %dma_wait3A_202 = tpu.memref_squeeze %dma_wait3A_201 : memref<1x128xi32, #tpu.memory_space<vmem>> -> memref<128xi32, #tpu.memory_space<vmem>>
      %dma_wait3A_203 = arith.constant 0 : i32
      %dma_wait3A_204 = arith.constant 0 : i32
      %dma_wait3A_205 = tpu.memref_slice %arg2[%dma_wait3A_203, %dma_wait3A_204] : memref<100000x128xf32, #tpu.memory_space<hbm>> -> memref<100000x128xf32, #tpu.memory_space<hbm>>
      %dma_wait3A_206 = tpu.memref_slice %arg8[%dma_wait3A_195] : memref<5x!tpu.dma_semaphore, #tpu.memory_space<semaphore_mem>> -> memref<1x!tpu.dma_semaphore, #tpu.memory_space<semaphore_mem>>
      %dma_wait3A_207 = tpu.memref_squeeze %dma_wait3A_206 : memref<1x!tpu.dma_semaphore, #tpu.memory_space<semaphore_mem>> -> memref<!tpu.dma_semaphore, #tpu.memory_space<semaphore_mem>>
      tpu.wait_indirect_dma semaphore(%dma_wait3A_207 : memref<!tpu.dma_semaphore, #tpu.memory_space<semaphore_mem>>) src(%dma_wait3A_205 : memref<100000x128xf32, #tpu.memory_space<hbm>>) dst(%dma_wait3A_199 : memref<128x128xf32, #tpu.memory_space<vmem>>)
      %mul3A_208 = arith.constant 128 : i32
      %mul3A_209 = arith.muli %add3A_192, %mul3A_208 : i32
      %add3A_210 = arith.addi %mul3A_4, %mul3A_209 : i32
      %dma_start3A_211 = arith.constant 1 : i32
      %dma_start3A_212 = arith.constant 1 : i32
      %dma_start3A_213 = arith.constant 0 : i32
      %dma_start3A_214 = arith.constant 0 : i32
      %dma_start3A_215 = tpu.memref_slice %arg7[%dma_start3A_211, %dma_start3A_213, %dma_start3A_214] : memref<5x128x128xf32, #tpu.memory_space<vmem>> -> memref<1x128x128xf32, #tpu.memory_space<vmem>>
      %dma_start3A_216 = tpu.memref_squeeze %dma_start3A_215 : memref<1x128x128xf32, #tpu.memory_space<vmem>> -> memref<128x128xf32, #tpu.memory_space<vmem>>
      %dma_start3A_217 = arith.constant 0 : i32
      %dma_start3A_218 = tpu.memref_slice %arg4[%add3A_210, %dma_start3A_217] : memref<102400x128xf32, #tpu.memory_space<hbm>> -> memref<128x128xf32, #tpu.memory_space<hbm>>
      %dma_start3A_219 = tpu.memref_slice %arg9[%dma_start3A_212] : memref<5x!tpu.dma_semaphore, #tpu.memory_space<semaphore_mem>> -> memref<1x!tpu.dma_semaphore, #tpu.memory_space<semaphore_mem>>
      %dma_start3A_220 = tpu.memref_squeeze %dma_start3A_219 : memref<1x!tpu.dma_semaphore, #tpu.memory_space<semaphore_mem>> -> memref<!tpu.dma_semaphore, #tpu.memory_space<semaphore_mem>>
      %dma_start3A_221 = arith.constant 0 : i32
      %dma_start3A_222 = tpu.memref_slice %arg4[%add3A_210, %dma_start3A_221] : memref<102400x128xf32, #tpu.memory_space<hbm>> -> memref<128x128xf32, #tpu.memory_space<hbm>>
      %dma_start3A_223 = arith.constant 0 : i32
      %dma_start3A_224 = arith.constant 0 : i32
      %dma_start3A_225 = tpu.memref_slice %arg7[%dma_start3A_211, %dma_start3A_223, %dma_start3A_224] : memref<5x128x128xf32, #tpu.memory_space<vmem>> -> memref<1x128x128xf32, #tpu.memory_space<vmem>>
      %dma_start3A_226 = tpu.memref_squeeze %dma_start3A_225 : memref<1x128x128xf32, #tpu.memory_space<vmem>> -> memref<128x128xf32, #tpu.memory_space<vmem>>
      tpu.enqueue_dma source(%dma_start3A_226 : memref<128x128xf32, #tpu.memory_space<vmem>>) target(%dma_start3A_222 : memref<128x128xf32, #tpu.memory_space<hbm>>) target_semaphore(%dma_start3A_220 : memref<!tpu.dma_semaphore, #tpu.memory_space<semaphore_mem>>)
      %add3A_227 = arith.constant 3 : i32
      %add3A_228 = arith.addi %add3A_192, %add3A_227 : i32
      %lt3A_229 = arith.constant 25 : i32
      %lt3A_230 = arith.cmpi slt, %add3A_228, %lt3A_229 : i32
      %convert_element_type3A_231 = arith.extui %lt3A_230 : i1 to i32
      %cond3A_232 = arith.constant 0 : i32
      %cond3A_233 = arith.cmpi ne, %convert_element_type3A_231, %cond3A_232 : i32
      scf.if %cond3A_233 {
        %ge3A = arith.constant 2 : i32
        %ge3A_369 = arith.cmpi sge, %add3A_192, %ge3A : i32
        %convert_element_type3A_370 = arith.extui %ge3A_369 : i1 to i32
        %cond3A_371 = arith.constant 0 : i32
        %cond3A_372 = arith.cmpi ne, %convert_element_type3A_370, %cond3A_371 : i32
        scf.if %cond3A_372 {
          %dma_wait3A_389 = arith.constant 4 : i32
          %dma_wait3A_390 = arith.constant 4 : i32
          %dma_wait3A_391 = arith.constant 0 : i32
          %dma_wait3A_392 = arith.constant 0 : i32
          %dma_wait3A_393 = tpu.memref_slice %arg7[%dma_wait3A_389, %dma_wait3A_391, %dma_wait3A_392] : memref<5x128x128xf32, #tpu.memory_space<vmem>> -> memref<1x128x128xf32, #tpu.memory_space<vmem>>
          %dma_wait3A_394 = tpu.memref_squeeze %dma_wait3A_393 : memref<1x128x128xf32, #tpu.memory_space<vmem>> -> memref<128x128xf32, #tpu.memory_space<vmem>>
          %dma_wait3A_395 = arith.constant 0 : i32
          %dma_wait3A_396 = arith.constant 0 : i32
          %dma_wait3A_397 = tpu.memref_slice %arg4[%dma_wait3A_395, %dma_wait3A_396] : memref<102400x128xf32, #tpu.memory_space<hbm>> -> memref<128x128xf32, #tpu.memory_space<hbm>>
          %dma_wait3A_398 = tpu.memref_slice %arg9[%dma_wait3A_390] : memref<5x!tpu.dma_semaphore, #tpu.memory_space<semaphore_mem>> -> memref<1x!tpu.dma_semaphore, #tpu.memory_space<semaphore_mem>>
          %dma_wait3A_399 = tpu.memref_squeeze %dma_wait3A_398 : memref<1x!tpu.dma_semaphore, #tpu.memory_space<semaphore_mem>> -> memref<!tpu.dma_semaphore, #tpu.memory_space<semaphore_mem>>
          %dma_wait3A_400 = arith.constant 0 : i32
          %dma_wait3A_401 = arith.constant 0 : i32
          %dma_wait3A_402 = tpu.memref_slice %arg4[%dma_wait3A_400, %dma_wait3A_401] : memref<102400x128xf32, #tpu.memory_space<hbm>> -> memref<128x128xf32, #tpu.memory_space<hbm>>
          %dma_wait3A_403 = arith.constant 0 : i32
          %dma_wait3A_404 = arith.constant 0 : i32
          %dma_wait3A_405 = tpu.memref_slice %arg7[%dma_wait3A_389, %dma_wait3A_403, %dma_wait3A_404] : memref<5x128x128xf32, #tpu.memory_space<vmem>> -> memref<1x128x128xf32, #tpu.memory_space<vmem>>
          %dma_wait3A_406 = tpu.memref_squeeze %dma_wait3A_405 : memref<1x128x128xf32, #tpu.memory_space<vmem>> -> memref<128x128xf32, #tpu.memory_space<vmem>>
          tpu.wait_dma2 semaphore(%dma_wait3A_399 : memref<!tpu.dma_semaphore, #tpu.memory_space<semaphore_mem>>) src(%dma_wait3A_406 : memref<128x128xf32, #tpu.memory_space<vmem>>) dst(%dma_wait3A_402 : memref<128x128xf32, #tpu.memory_space<hbm>>)
        } else {
        }
        %add3A_373 = arith.constant 3 : i32
        %add3A_374 = arith.addi %add3A_192, %add3A_373 : i32
        %dma_start3A_375 = arith.constant 4 : i32
        %dma_start3A_376 = arith.constant 4 : i32
        %dma_start3A_377 = arith.constant 0 : i32
        %dma_start3A_378 = arith.constant 0 : i32
        %dma_start3A_379 = tpu.memref_slice %arg7[%dma_start3A_375, %dma_start3A_377, %dma_start3A_378] : memref<5x128x128xf32, #tpu.memory_space<vmem>> -> memref<1x128x128xf32, #tpu.memory_space<vmem>>
        %dma_start3A_380 = tpu.memref_squeeze %dma_start3A_379 : memref<1x128x128xf32, #tpu.memory_space<vmem>> -> memref<128x128xf32, #tpu.memory_space<vmem>>
        %dma_start3A_381 = arith.constant 0 : i32
        %dma_start3A_382 = tpu.memref_slice %arg5[%add3A_374, %dma_start3A_381] : memref<25x128xi32, #tpu.memory_space<vmem>> -> memref<1x128xi32, #tpu.memory_space<vmem>>
        %dma_start3A_383 = tpu.memref_squeeze %dma_start3A_382 : memref<1x128xi32, #tpu.memory_space<vmem>> -> memref<128xi32, #tpu.memory_space<vmem>>
        %dma_start3A_384 = arith.constant 0 : i32
        %dma_start3A_385 = arith.constant 0 : i32
        %dma_start3A_386 = tpu.memref_slice %arg2[%dma_start3A_384, %dma_start3A_385] : memref<100000x128xf32, #tpu.memory_space<hbm>> -> memref<100000x128xf32, #tpu.memory_space<hbm>>
        %dma_start3A_387 = tpu.memref_slice %arg8[%dma_start3A_376] : memref<5x!tpu.dma_semaphore, #tpu.memory_space<semaphore_mem>> -> memref<1x!tpu.dma_semaphore, #tpu.memory_space<semaphore_mem>>
        %dma_start3A_388 = tpu.memref_squeeze %dma_start3A_387 : memref<1x!tpu.dma_semaphore, #tpu.memory_space<semaphore_mem>> -> memref<!tpu.dma_semaphore, #tpu.memory_space<semaphore_mem>>
        tpu.enqueue_indirect_dma source(%dma_start3A_386 : memref<100000x128xf32, #tpu.memory_space<hbm>>) target(%dma_start3A_380 : memref<128x128xf32, #tpu.memory_space<vmem>>) offsets(%dma_start3A_383 : memref<128xi32, #tpu.memory_space<vmem>>) semaphore(%dma_start3A_388 : memref<!tpu.dma_semaphore, #tpu.memory_space<semaphore_mem>>)
      } else {
      }
      %mul3A_234 = arith.constant 5 : i32
      %mul3A_235 = arith.muli %mul3A_234, %add3A_146 : i32
      %add3A_236 = arith.constant 2 : i32
      %add3A_237 = arith.addi %mul3A_235, %add3A_236 : i32
      %dma_wait3A_238 = arith.constant 0 : i32
      %dma_wait3A_239 = arith.constant 2 : i32
      %dma_wait3A_240 = arith.constant 2 : i32
      %dma_wait3A_241 = arith.constant 0 : i32
      %dma_wait3A_242 = arith.constant 0 : i32
      %dma_wait3A_243 = tpu.memref_slice %arg7[%dma_wait3A_239, %dma_wait3A_241, %dma_wait3A_242] : memref<5x128x128xf32, #tpu.memory_space<vmem>> -> memref<1x128x128xf32, #tpu.memory_space<vmem>>
      %dma_wait3A_244 = tpu.memref_squeeze %dma_wait3A_243 : memref<1x128x128xf32, #tpu.memory_space<vmem>> -> memref<128x128xf32, #tpu.memory_space<vmem>>
      %dma_wait3A_245 = arith.constant 0 : i32
      %dma_wait3A_246 = tpu.memref_slice %arg5[%dma_wait3A_238, %dma_wait3A_245] : memref<25x128xi32, #tpu.memory_space<vmem>> -> memref<1x128xi32, #tpu.memory_space<vmem>>
      %dma_wait3A_247 = tpu.memref_squeeze %dma_wait3A_246 : memref<1x128xi32, #tpu.memory_space<vmem>> -> memref<128xi32, #tpu.memory_space<vmem>>
      %dma_wait3A_248 = arith.constant 0 : i32
      %dma_wait3A_249 = arith.constant 0 : i32
      %dma_wait3A_250 = tpu.memref_slice %arg2[%dma_wait3A_248, %dma_wait3A_249] : memref<100000x128xf32, #tpu.memory_space<hbm>> -> memref<100000x128xf32, #tpu.memory_space<hbm>>
      %dma_wait3A_251 = tpu.memref_slice %arg8[%dma_wait3A_240] : memref<5x!tpu.dma_semaphore, #tpu.memory_space<semaphore_mem>> -> memref<1x!tpu.dma_semaphore, #tpu.memory_space<semaphore_mem>>
      %dma_wait3A_252 = tpu.memref_squeeze %dma_wait3A_251 : memref<1x!tpu.dma_semaphore, #tpu.memory_space<semaphore_mem>> -> memref<!tpu.dma_semaphore, #tpu.memory_space<semaphore_mem>>
      tpu.wait_indirect_dma semaphore(%dma_wait3A_252 : memref<!tpu.dma_semaphore, #tpu.memory_space<semaphore_mem>>) src(%dma_wait3A_250 : memref<100000x128xf32, #tpu.memory_space<hbm>>) dst(%dma_wait3A_244 : memref<128x128xf32, #tpu.memory_space<vmem>>)
      %mul3A_253 = arith.constant 128 : i32
      %mul3A_254 = arith.muli %add3A_237, %mul3A_253 : i32
      %add3A_255 = arith.addi %mul3A_4, %mul3A_254 : i32
      %dma_start3A_256 = arith.constant 2 : i32
      %dma_start3A_257 = arith.constant 2 : i32
      %dma_start3A_258 = arith.constant 0 : i32
      %dma_start3A_259 = arith.constant 0 : i32
      %dma_start3A_260 = tpu.memref_slice %arg7[%dma_start3A_256, %dma_start3A_258, %dma_start3A_259] : memref<5x128x128xf32, #tpu.memory_space<vmem>> -> memref<1x128x128xf32, #tpu.memory_space<vmem>>
      %dma_start3A_261 = tpu.memref_squeeze %dma_start3A_260 : memref<1x128x128xf32, #tpu.memory_space<vmem>> -> memref<128x128xf32, #tpu.memory_space<vmem>>
      %dma_start3A_262 = arith.constant 0 : i32
      %dma_start3A_263 = tpu.memref_slice %arg4[%add3A_255, %dma_start3A_262] : memref<102400x128xf32, #tpu.memory_space<hbm>> -> memref<128x128xf32, #tpu.memory_space<hbm>>
      %dma_start3A_264 = tpu.memref_slice %arg9[%dma_start3A_257] : memref<5x!tpu.dma_semaphore, #tpu.memory_space<semaphore_mem>> -> memref<1x!tpu.dma_semaphore, #tpu.memory_space<semaphore_mem>>
      %dma_start3A_265 = tpu.memref_squeeze %dma_start3A_264 : memref<1x!tpu.dma_semaphore, #tpu.memory_space<semaphore_mem>> -> memref<!tpu.dma_semaphore, #tpu.memory_space<semaphore_mem>>
      %dma_start3A_266 = arith.constant 0 : i32
      %dma_start3A_267 = tpu.memref_slice %arg4[%add3A_255, %dma_start3A_266] : memref<102400x128xf32, #tpu.memory_space<hbm>> -> memref<128x128xf32, #tpu.memory_space<hbm>>
      %dma_start3A_268 = arith.constant 0 : i32
      %dma_start3A_269 = arith.constant 0 : i32
      %dma_start3A_270 = tpu.memref_slice %arg7[%dma_start3A_256, %dma_start3A_268, %dma_start3A_269] : memref<5x128x128xf32, #tpu.memory_space<vmem>> -> memref<1x128x128xf32, #tpu.memory_space<vmem>>
      %dma_start3A_271 = tpu.memref_squeeze %dma_start3A_270 : memref<1x128x128xf32, #tpu.memory_space<vmem>> -> memref<128x128xf32, #tpu.memory_space<vmem>>
      tpu.enqueue_dma source(%dma_start3A_271 : memref<128x128xf32, #tpu.memory_space<vmem>>) target(%dma_start3A_267 : memref<128x128xf32, #tpu.memory_space<hbm>>) target_semaphore(%dma_start3A_265 : memref<!tpu.dma_semaphore, #tpu.memory_space<semaphore_mem>>)
      %add3A_272 = arith.constant 3 : i32
      %add3A_273 = arith.addi %add3A_237, %add3A_272 : i32
      %lt3A_274 = arith.constant 25 : i32
      %lt3A_275 = arith.cmpi slt, %add3A_273, %lt3A_274 : i32
      %convert_element_type3A_276 = arith.extui %lt3A_275 : i1 to i32
      %cond3A_277 = arith.constant 0 : i32
      %cond3A_278 = arith.cmpi ne, %convert_element_type3A_276, %cond3A_277 : i32
      scf.if %cond3A_278 {
        %ge3A = arith.constant 2 : i32
        %ge3A_369 = arith.cmpi sge, %add3A_237, %ge3A : i32
        %convert_element_type3A_370 = arith.extui %ge3A_369 : i1 to i32
        %cond3A_371 = arith.constant 0 : i32
        %cond3A_372 = arith.cmpi ne, %convert_element_type3A_370, %cond3A_371 : i32
        scf.if %cond3A_372 {
          %dma_wait3A_389 = arith.constant 0 : i32
          %dma_wait3A_390 = arith.constant 0 : i32
          %dma_wait3A_391 = arith.constant 0 : i32
          %dma_wait3A_392 = arith.constant 0 : i32
          %dma_wait3A_393 = tpu.memref_slice %arg7[%dma_wait3A_389, %dma_wait3A_391, %dma_wait3A_392] : memref<5x128x128xf32, #tpu.memory_space<vmem>> -> memref<1x128x128xf32, #tpu.memory_space<vmem>>
          %dma_wait3A_394 = tpu.memref_squeeze %dma_wait3A_393 : memref<1x128x128xf32, #tpu.memory_space<vmem>> -> memref<128x128xf32, #tpu.memory_space<vmem>>
          %dma_wait3A_395 = arith.constant 0 : i32
          %dma_wait3A_396 = arith.constant 0 : i32
          %dma_wait3A_397 = tpu.memref_slice %arg4[%dma_wait3A_395, %dma_wait3A_396] : memref<102400x128xf32, #tpu.memory_space<hbm>> -> memref<128x128xf32, #tpu.memory_space<hbm>>
          %dma_wait3A_398 = tpu.memref_slice %arg9[%dma_wait3A_390] : memref<5x!tpu.dma_semaphore, #tpu.memory_space<semaphore_mem>> -> memref<1x!tpu.dma_semaphore, #tpu.memory_space<semaphore_mem>>
          %dma_wait3A_399 = tpu.memref_squeeze %dma_wait3A_398 : memref<1x!tpu.dma_semaphore, #tpu.memory_space<semaphore_mem>> -> memref<!tpu.dma_semaphore, #tpu.memory_space<semaphore_mem>>
          %dma_wait3A_400 = arith.constant 0 : i32
          %dma_wait3A_401 = arith.constant 0 : i32
          %dma_wait3A_402 = tpu.memref_slice %arg4[%dma_wait3A_400, %dma_wait3A_401] : memref<102400x128xf32, #tpu.memory_space<hbm>> -> memref<128x128xf32, #tpu.memory_space<hbm>>
          %dma_wait3A_403 = arith.constant 0 : i32
          %dma_wait3A_404 = arith.constant 0 : i32
          %dma_wait3A_405 = tpu.memref_slice %arg7[%dma_wait3A_389, %dma_wait3A_403, %dma_wait3A_404] : memref<5x128x128xf32, #tpu.memory_space<vmem>> -> memref<1x128x128xf32, #tpu.memory_space<vmem>>
          %dma_wait3A_406 = tpu.memref_squeeze %dma_wait3A_405 : memref<1x128x128xf32, #tpu.memory_space<vmem>> -> memref<128x128xf32, #tpu.memory_space<vmem>>
          tpu.wait_dma2 semaphore(%dma_wait3A_399 : memref<!tpu.dma_semaphore, #tpu.memory_space<semaphore_mem>>) src(%dma_wait3A_406 : memref<128x128xf32, #tpu.memory_space<vmem>>) dst(%dma_wait3A_402 : memref<128x128xf32, #tpu.memory_space<hbm>>)
        } else {
        }
        %add3A_373 = arith.constant 3 : i32
        %add3A_374 = arith.addi %add3A_237, %add3A_373 : i32
        %dma_start3A_375 = arith.constant 0 : i32
        %dma_start3A_376 = arith.constant 0 : i32
        %dma_start3A_377 = arith.constant 0 : i32
        %dma_start3A_378 = arith.constant 0 : i32
        %dma_start3A_379 = tpu.memref_slice %arg7[%dma_start3A_375, %dma_start3A_377, %dma_start3A_378] : memref<5x128x128xf32, #tpu.memory_space<vmem>> -> memref<1x128x128xf32, #tpu.memory_space<vmem>>
        %dma_start3A_380 = tpu.memref_squeeze %dma_start3A_379 : memref<1x128x128xf32, #tpu.memory_space<vmem>> -> memref<128x128xf32, #tpu.memory_space<vmem>>
        %dma_start3A_381 = arith.constant 0 : i32
        %dma_start3A_382 = tpu.memref_slice %arg5[%add3A_374, %dma_start3A_381] : memref<25x128xi32, #tpu.memory_space<vmem>> -> memref<1x128xi32, #tpu.memory_space<vmem>>
        %dma_start3A_383 = tpu.memref_squeeze %dma_start3A_382 : memref<1x128xi32, #tpu.memory_space<vmem>> -> memref<128xi32, #tpu.memory_space<vmem>>
        %dma_start3A_384 = arith.constant 0 : i32
        %dma_start3A_385 = arith.constant 0 : i32
        %dma_start3A_386 = tpu.memref_slice %arg2[%dma_start3A_384, %dma_start3A_385] : memref<100000x128xf32, #tpu.memory_space<hbm>> -> memref<100000x128xf32, #tpu.memory_space<hbm>>
        %dma_start3A_387 = tpu.memref_slice %arg8[%dma_start3A_376] : memref<5x!tpu.dma_semaphore, #tpu.memory_space<semaphore_mem>> -> memref<1x!tpu.dma_semaphore, #tpu.memory_space<semaphore_mem>>
        %dma_start3A_388 = tpu.memref_squeeze %dma_start3A_387 : memref<1x!tpu.dma_semaphore, #tpu.memory_space<semaphore_mem>> -> memref<!tpu.dma_semaphore, #tpu.memory_space<semaphore_mem>>
        tpu.enqueue_indirect_dma source(%dma_start3A_386 : memref<100000x128xf32, #tpu.memory_space<hbm>>) target(%dma_start3A_380 : memref<128x128xf32, #tpu.memory_space<vmem>>) offsets(%dma_start3A_383 : memref<128xi32, #tpu.memory_space<vmem>>) semaphore(%dma_start3A_388 : memref<!tpu.dma_semaphore, #tpu.memory_space<semaphore_mem>>)
      } else {
      }
      %mul3A_279 = arith.constant 5 : i32
      %mul3A_280 = arith.muli %mul3A_279, %add3A_146 : i32
      %add3A_281 = arith.constant 3 : i32
      %add3A_282 = arith.addi %mul3A_280, %add3A_281 : i32
      %dma_wait3A_283 = arith.constant 0 : i32
      %dma_wait3A_284 = arith.constant 3 : i32
      %dma_wait3A_285 = arith.constant 3 : i32
      %dma_wait3A_286 = arith.constant 0 : i32
      %dma_wait3A_287 = arith.constant 0 : i32
      %dma_wait3A_288 = tpu.memref_slice %arg7[%dma_wait3A_284, %dma_wait3A_286, %dma_wait3A_287] : memref<5x128x128xf32, #tpu.memory_space<vmem>> -> memref<1x128x128xf32, #tpu.memory_space<vmem>>
      %dma_wait3A_289 = tpu.memref_squeeze %dma_wait3A_288 : memref<1x128x128xf32, #tpu.memory_space<vmem>> -> memref<128x128xf32, #tpu.memory_space<vmem>>
      %dma_wait3A_290 = arith.constant 0 : i32
      %dma_wait3A_291 = tpu.memref_slice %arg5[%dma_wait3A_283, %dma_wait3A_290] : memref<25x128xi32, #tpu.memory_space<vmem>> -> memref<1x128xi32, #tpu.memory_space<vmem>>
      %dma_wait3A_292 = tpu.memref_squeeze %dma_wait3A_291 : memref<1x128xi32, #tpu.memory_space<vmem>> -> memref<128xi32, #tpu.memory_space<vmem>>
      %dma_wait3A_293 = arith.constant 0 : i32
      %dma_wait3A_294 = arith.constant 0 : i32
      %dma_wait3A_295 = tpu.memref_slice %arg2[%dma_wait3A_293, %dma_wait3A_294] : memref<100000x128xf32, #tpu.memory_space<hbm>> -> memref<100000x128xf32, #tpu.memory_space<hbm>>
      %dma_wait3A_296 = tpu.memref_slice %arg8[%dma_wait3A_285] : memref<5x!tpu.dma_semaphore, #tpu.memory_space<semaphore_mem>> -> memref<1x!tpu.dma_semaphore, #tpu.memory_space<semaphore_mem>>
      %dma_wait3A_297 = tpu.memref_squeeze %dma_wait3A_296 : memref<1x!tpu.dma_semaphore, #tpu.memory_space<semaphore_mem>> -> memref<!tpu.dma_semaphore, #tpu.memory_space<semaphore_mem>>
      tpu.wait_indirect_dma semaphore(%dma_wait3A_297 : memref<!tpu.dma_semaphore, #tpu.memory_space<semaphore_mem>>) src(%dma_wait3A_295 : memref<100000x128xf32, #tpu.memory_space<hbm>>) dst(%dma_wait3A_289 : memref<128x128xf32, #tpu.memory_space<vmem>>)
      %mul3A_298 = arith.constant 128 : i32
      %mul3A_299 = arith.muli %add3A_282, %mul3A_298 : i32
      %add3A_300 = arith.addi %mul3A_4, %mul3A_299 : i32
      %dma_start3A_301 = arith.constant 3 : i32
      %dma_start3A_302 = arith.constant 3 : i32
      %dma_start3A_303 = arith.constant 0 : i32
      %dma_start3A_304 = arith.constant 0 : i32
      %dma_start3A_305 = tpu.memref_slice %arg7[%dma_start3A_301, %dma_start3A_303, %dma_start3A_304] : memref<5x128x128xf32, #tpu.memory_space<vmem>> -> memref<1x128x128xf32, #tpu.memory_space<vmem>>
      %dma_start3A_306 = tpu.memref_squeeze %dma_start3A_305 : memref<1x128x128xf32, #tpu.memory_space<vmem>> -> memref<128x128xf32, #tpu.memory_space<vmem>>
      %dma_start3A_307 = arith.constant 0 : i32
      %dma_start3A_308 = tpu.memref_slice %arg4[%add3A_300, %dma_start3A_307] : memref<102400x128xf32, #tpu.memory_space<hbm>> -> memref<128x128xf32, #tpu.memory_space<hbm>>
      %dma_start3A_309 = tpu.memref_slice %arg9[%dma_start3A_302] : memref<5x!tpu.dma_semaphore, #tpu.memory_space<semaphore_mem>> -> memref<1x!tpu.dma_semaphore, #tpu.memory_space<semaphore_mem>>
      %dma_start3A_310 = tpu.memref_squeeze %dma_start3A_309 : memref<1x!tpu.dma_semaphore, #tpu.memory_space<semaphore_mem>> -> memref<!tpu.dma_semaphore, #tpu.memory_space<semaphore_mem>>
      %dma_start3A_311 = arith.constant 0 : i32
      %dma_start3A_312 = tpu.memref_slice %arg4[%add3A_300, %dma_start3A_311] : memref<102400x128xf32, #tpu.memory_space<hbm>> -> memref<128x128xf32, #tpu.memory_space<hbm>>
      %dma_start3A_313 = arith.constant 0 : i32
      %dma_start3A_314 = arith.constant 0 : i32
      %dma_start3A_315 = tpu.memref_slice %arg7[%dma_start3A_301, %dma_start3A_313, %dma_start3A_314] : memref<5x128x128xf32, #tpu.memory_space<vmem>> -> memref<1x128x128xf32, #tpu.memory_space<vmem>>
      %dma_start3A_316 = tpu.memref_squeeze %dma_start3A_315 : memref<1x128x128xf32, #tpu.memory_space<vmem>> -> memref<128x128xf32, #tpu.memory_space<vmem>>
      tpu.enqueue_dma source(%dma_start3A_316 : memref<128x128xf32, #tpu.memory_space<vmem>>) target(%dma_start3A_312 : memref<128x128xf32, #tpu.memory_space<hbm>>) target_semaphore(%dma_start3A_310 : memref<!tpu.dma_semaphore, #tpu.memory_space<semaphore_mem>>)
      %add3A_317 = arith.constant 3 : i32
      %add3A_318 = arith.addi %add3A_282, %add3A_317 : i32
      %lt3A_319 = arith.constant 25 : i32
      %lt3A_320 = arith.cmpi slt, %add3A_318, %lt3A_319 : i32
      %convert_element_type3A_321 = arith.extui %lt3A_320 : i1 to i32
      %cond3A_322 = arith.constant 0 : i32
      %cond3A_323 = arith.cmpi ne, %convert_element_type3A_321, %cond3A_322 : i32
      scf.if %cond3A_323 {
        %ge3A = arith.constant 2 : i32
        %ge3A_369 = arith.cmpi sge, %add3A_282, %ge3A : i32
        %convert_element_type3A_370 = arith.extui %ge3A_369 : i1 to i32
        %cond3A_371 = arith.constant 0 : i32
        %cond3A_372 = arith.cmpi ne, %convert_element_type3A_370, %cond3A_371 : i32
        scf.if %cond3A_372 {
          %dma_wait3A_389 = arith.constant 1 : i32
          %dma_wait3A_390 = arith.constant 1 : i32
          %dma_wait3A_391 = arith.constant 0 : i32
          %dma_wait3A_392 = arith.constant 0 : i32
          %dma_wait3A_393 = tpu.memref_slice %arg7[%dma_wait3A_389, %dma_wait3A_391, %dma_wait3A_392] : memref<5x128x128xf32, #tpu.memory_space<vmem>> -> memref<1x128x128xf32, #tpu.memory_space<vmem>>
          %dma_wait3A_394 = tpu.memref_squeeze %dma_wait3A_393 : memref<1x128x128xf32, #tpu.memory_space<vmem>> -> memref<128x128xf32, #tpu.memory_space<vmem>>
          %dma_wait3A_395 = arith.constant 0 : i32
          %dma_wait3A_396 = arith.constant 0 : i32
          %dma_wait3A_397 = tpu.memref_slice %arg4[%dma_wait3A_395, %dma_wait3A_396] : memref<102400x128xf32, #tpu.memory_space<hbm>> -> memref<128x128xf32, #tpu.memory_space<hbm>>
          %dma_wait3A_398 = tpu.memref_slice %arg9[%dma_wait3A_390] : memref<5x!tpu.dma_semaphore, #tpu.memory_space<semaphore_mem>> -> memref<1x!tpu.dma_semaphore, #tpu.memory_space<semaphore_mem>>
          %dma_wait3A_399 = tpu.memref_squeeze %dma_wait3A_398 : memref<1x!tpu.dma_semaphore, #tpu.memory_space<semaphore_mem>> -> memref<!tpu.dma_semaphore, #tpu.memory_space<semaphore_mem>>
          %dma_wait3A_400 = arith.constant 0 : i32
          %dma_wait3A_401 = arith.constant 0 : i32
          %dma_wait3A_402 = tpu.memref_slice %arg4[%dma_wait3A_400, %dma_wait3A_401] : memref<102400x128xf32, #tpu.memory_space<hbm>> -> memref<128x128xf32, #tpu.memory_space<hbm>>
          %dma_wait3A_403 = arith.constant 0 : i32
          %dma_wait3A_404 = arith.constant 0 : i32
          %dma_wait3A_405 = tpu.memref_slice %arg7[%dma_wait3A_389, %dma_wait3A_403, %dma_wait3A_404] : memref<5x128x128xf32, #tpu.memory_space<vmem>> -> memref<1x128x128xf32, #tpu.memory_space<vmem>>
          %dma_wait3A_406 = tpu.memref_squeeze %dma_wait3A_405 : memref<1x128x128xf32, #tpu.memory_space<vmem>> -> memref<128x128xf32, #tpu.memory_space<vmem>>
          tpu.wait_dma2 semaphore(%dma_wait3A_399 : memref<!tpu.dma_semaphore, #tpu.memory_space<semaphore_mem>>) src(%dma_wait3A_406 : memref<128x128xf32, #tpu.memory_space<vmem>>) dst(%dma_wait3A_402 : memref<128x128xf32, #tpu.memory_space<hbm>>)
        } else {
        }
        %add3A_373 = arith.constant 3 : i32
        %add3A_374 = arith.addi %add3A_282, %add3A_373 : i32
        %dma_start3A_375 = arith.constant 1 : i32
        %dma_start3A_376 = arith.constant 1 : i32
        %dma_start3A_377 = arith.constant 0 : i32
        %dma_start3A_378 = arith.constant 0 : i32
        %dma_start3A_379 = tpu.memref_slice %arg7[%dma_start3A_375, %dma_start3A_377, %dma_start3A_378] : memref<5x128x128xf32, #tpu.memory_space<vmem>> -> memref<1x128x128xf32, #tpu.memory_space<vmem>>
        %dma_start3A_380 = tpu.memref_squeeze %dma_start3A_379 : memref<1x128x128xf32, #tpu.memory_space<vmem>> -> memref<128x128xf32, #tpu.memory_space<vmem>>
        %dma_start3A_381 = arith.constant 0 : i32
        %dma_start3A_382 = tpu.memref_slice %arg5[%add3A_374, %dma_start3A_381] : memref<25x128xi32, #tpu.memory_space<vmem>> -> memref<1x128xi32, #tpu.memory_space<vmem>>
        %dma_start3A_383 = tpu.memref_squeeze %dma_start3A_382 : memref<1x128xi32, #tpu.memory_space<vmem>> -> memref<128xi32, #tpu.memory_space<vmem>>
        %dma_start3A_384 = arith.constant 0 : i32
        %dma_start3A_385 = arith.constant 0 : i32
        %dma_start3A_386 = tpu.memref_slice %arg2[%dma_start3A_384, %dma_start3A_385] : memref<100000x128xf32, #tpu.memory_space<hbm>> -> memref<100000x128xf32, #tpu.memory_space<hbm>>
        %dma_start3A_387 = tpu.memref_slice %arg8[%dma_start3A_376] : memref<5x!tpu.dma_semaphore, #tpu.memory_space<semaphore_mem>> -> memref<1x!tpu.dma_semaphore, #tpu.memory_space<semaphore_mem>>
        %dma_start3A_388 = tpu.memref_squeeze %dma_start3A_387 : memref<1x!tpu.dma_semaphore, #tpu.memory_space<semaphore_mem>> -> memref<!tpu.dma_semaphore, #tpu.memory_space<semaphore_mem>>
        tpu.enqueue_indirect_dma source(%dma_start3A_386 : memref<100000x128xf32, #tpu.memory_space<hbm>>) target(%dma_start3A_380 : memref<128x128xf32, #tpu.memory_space<vmem>>) offsets(%dma_start3A_383 : memref<128xi32, #tpu.memory_space<vmem>>) semaphore(%dma_start3A_388 : memref<!tpu.dma_semaphore, #tpu.memory_space<semaphore_mem>>)
      } else {
      }
      %mul3A_324 = arith.constant 5 : i32
      %mul3A_325 = arith.muli %mul3A_324, %add3A_146 : i32
      %add3A_326 = arith.constant 4 : i32
      %add3A_327 = arith.addi %mul3A_325, %add3A_326 : i32
      %dma_wait3A_328 = arith.constant 0 : i32
      %dma_wait3A_329 = arith.constant 4 : i32
      %dma_wait3A_330 = arith.constant 4 : i32
      %dma_wait3A_331 = arith.constant 0 : i32
      %dma_wait3A_332 = arith.constant 0 : i32
      %dma_wait3A_333 = tpu.memref_slice %arg7[%dma_wait3A_329, %dma_wait3A_331, %dma_wait3A_332] : memref<5x128x128xf32, #tpu.memory_space<vmem>> -> memref<1x128x128xf32, #tpu.memory_space<vmem>>
      %dma_wait3A_334 = tpu.memref_squeeze %dma_wait3A_333 : memref<1x128x128xf32, #tpu.memory_space<vmem>> -> memref<128x128xf32, #tpu.memory_space<vmem>>
      %dma_wait3A_335 = arith.constant 0 : i32
      %dma_wait3A_336 = tpu.memref_slice %arg5[%dma_wait3A_328, %dma_wait3A_335] : memref<25x128xi32, #tpu.memory_space<vmem>> -> memref<1x128xi32, #tpu.memory_space<vmem>>
      %dma_wait3A_337 = tpu.memref_squeeze %dma_wait3A_336 : memref<1x128xi32, #tpu.memory_space<vmem>> -> memref<128xi32, #tpu.memory_space<vmem>>
      %dma_wait3A_338 = arith.constant 0 : i32
      %dma_wait3A_339 = arith.constant 0 : i32
      %dma_wait3A_340 = tpu.memref_slice %arg2[%dma_wait3A_338, %dma_wait3A_339] : memref<100000x128xf32, #tpu.memory_space<hbm>> -> memref<100000x128xf32, #tpu.memory_space<hbm>>
      %dma_wait3A_341 = tpu.memref_slice %arg8[%dma_wait3A_330] : memref<5x!tpu.dma_semaphore, #tpu.memory_space<semaphore_mem>> -> memref<1x!tpu.dma_semaphore, #tpu.memory_space<semaphore_mem>>
      %dma_wait3A_342 = tpu.memref_squeeze %dma_wait3A_341 : memref<1x!tpu.dma_semaphore, #tpu.memory_space<semaphore_mem>> -> memref<!tpu.dma_semaphore, #tpu.memory_space<semaphore_mem>>
      tpu.wait_indirect_dma semaphore(%dma_wait3A_342 : memref<!tpu.dma_semaphore, #tpu.memory_space<semaphore_mem>>) src(%dma_wait3A_340 : memref<100000x128xf32, #tpu.memory_space<hbm>>) dst(%dma_wait3A_334 : memref<128x128xf32, #tpu.memory_space<vmem>>)
      %mul3A_343 = arith.constant 128 : i32
      %mul3A_344 = arith.muli %add3A_327, %mul3A_343 : i32
      %add3A_345 = arith.addi %mul3A_4, %mul3A_344 : i32
      %dma_start3A_346 = arith.constant 4 : i32
      %dma_start3A_347 = arith.constant 4 : i32
      %dma_start3A_348 = arith.constant 0 : i32
      %dma_start3A_349 = arith.constant 0 : i32
      %dma_start3A_350 = tpu.memref_slice %arg7[%dma_start3A_346, %dma_start3A_348, %dma_start3A_349] : memref<5x128x128xf32, #tpu.memory_space<vmem>> -> memref<1x128x128xf32, #tpu.memory_space<vmem>>
      %dma_start3A_351 = tpu.memref_squeeze %dma_start3A_350 : memref<1x128x128xf32, #tpu.memory_space<vmem>> -> memref<128x128xf32, #tpu.memory_space<vmem>>
      %dma_start3A_352 = arith.constant 0 : i32
      %dma_start3A_353 = tpu.memref_slice %arg4[%add3A_345, %dma_start3A_352] : memref<102400x128xf32, #tpu.memory_space<hbm>> -> memref<128x128xf32, #tpu.memory_space<hbm>>
      %dma_start3A_354 = tpu.memref_slice %arg9[%dma_start3A_347] : memref<5x!tpu.dma_semaphore, #tpu.memory_space<semaphore_mem>> -> memref<1x!tpu.dma_semaphore, #tpu.memory_space<semaphore_mem>>
      %dma_start3A_355 = tpu.memref_squeeze %dma_start3A_354 : memref<1x!tpu.dma_semaphore, #tpu.memory_space<semaphore_mem>> -> memref<!tpu.dma_semaphore, #tpu.memory_space<semaphore_mem>>
      %dma_start3A_356 = arith.constant 0 : i32
      %dma_start3A_357 = tpu.memref_slice %arg4[%add3A_345, %dma_start3A_356] : memref<102400x128xf32, #tpu.memory_space<hbm>> -> memref<128x128xf32, #tpu.memory_space<hbm>>
      %dma_start3A_358 = arith.constant 0 : i32
      %dma_start3A_359 = arith.constant 0 : i32
      %dma_start3A_360 = tpu.memref_slice %arg7[%dma_start3A_346, %dma_start3A_358, %dma_start3A_359] : memref<5x128x128xf32, #tpu.memory_space<vmem>> -> memref<1x128x128xf32, #tpu.memory_space<vmem>>
      %dma_start3A_361 = tpu.memref_squeeze %dma_start3A_360 : memref<1x128x128xf32, #tpu.memory_space<vmem>> -> memref<128x128xf32, #tpu.memory_space<vmem>>
      tpu.enqueue_dma source(%dma_start3A_361 : memref<128x128xf32, #tpu.memory_space<vmem>>) target(%dma_start3A_357 : memref<128x128xf32, #tpu.memory_space<hbm>>) target_semaphore(%dma_start3A_355 : memref<!tpu.dma_semaphore, #tpu.memory_space<semaphore_mem>>)
      %add3A_362 = arith.constant 3 : i32
      %add3A_363 = arith.addi %add3A_327, %add3A_362 : i32
      %lt3A_364 = arith.constant 25 : i32
      %lt3A_365 = arith.cmpi slt, %add3A_363, %lt3A_364 : i32
      %convert_element_type3A_366 = arith.extui %lt3A_365 : i1 to i32
      %cond3A_367 = arith.constant 0 : i32
      %cond3A_368 = arith.cmpi ne, %convert_element_type3A_366, %cond3A_367 : i32
      scf.if %cond3A_368 {
        %ge3A = arith.constant 2 : i32
        %ge3A_369 = arith.cmpi sge, %add3A_327, %ge3A : i32
        %convert_element_type3A_370 = arith.extui %ge3A_369 : i1 to i32
        %cond3A_371 = arith.constant 0 : i32
        %cond3A_372 = arith.cmpi ne, %convert_element_type3A_370, %cond3A_371 : i32
        scf.if %cond3A_372 {
          %dma_wait3A_389 = arith.constant 2 : i32
          %dma_wait3A_390 = arith.constant 2 : i32
          %dma_wait3A_391 = arith.constant 0 : i32
          %dma_wait3A_392 = arith.constant 0 : i32
          %dma_wait3A_393 = tpu.memref_slice %arg7[%dma_wait3A_389, %dma_wait3A_391, %dma_wait3A_392] : memref<5x128x128xf32, #tpu.memory_space<vmem>> -> memref<1x128x128xf32, #tpu.memory_space<vmem>>
          %dma_wait3A_394 = tpu.memref_squeeze %dma_wait3A_393 : memref<1x128x128xf32, #tpu.memory_space<vmem>> -> memref<128x128xf32, #tpu.memory_space<vmem>>
          %dma_wait3A_395 = arith.constant 0 : i32
          %dma_wait3A_396 = arith.constant 0 : i32
          %dma_wait3A_397 = tpu.memref_slice %arg4[%dma_wait3A_395, %dma_wait3A_396] : memref<102400x128xf32, #tpu.memory_space<hbm>> -> memref<128x128xf32, #tpu.memory_space<hbm>>
          %dma_wait3A_398 = tpu.memref_slice %arg9[%dma_wait3A_390] : memref<5x!tpu.dma_semaphore, #tpu.memory_space<semaphore_mem>> -> memref<1x!tpu.dma_semaphore, #tpu.memory_space<semaphore_mem>>
          %dma_wait3A_399 = tpu.memref_squeeze %dma_wait3A_398 : memref<1x!tpu.dma_semaphore, #tpu.memory_space<semaphore_mem>> -> memref<!tpu.dma_semaphore, #tpu.memory_space<semaphore_mem>>
          %dma_wait3A_400 = arith.constant 0 : i32
          %dma_wait3A_401 = arith.constant 0 : i32
          %dma_wait3A_402 = tpu.memref_slice %arg4[%dma_wait3A_400, %dma_wait3A_401] : memref<102400x128xf32, #tpu.memory_space<hbm>> -> memref<128x128xf32, #tpu.memory_space<hbm>>
          %dma_wait3A_403 = arith.constant 0 : i32
          %dma_wait3A_404 = arith.constant 0 : i32
          %dma_wait3A_405 = tpu.memref_slice %arg7[%dma_wait3A_389, %dma_wait3A_403, %dma_wait3A_404] : memref<5x128x128xf32, #tpu.memory_space<vmem>> -> memref<1x128x128xf32, #tpu.memory_space<vmem>>
          %dma_wait3A_406 = tpu.memref_squeeze %dma_wait3A_405 : memref<1x128x128xf32, #tpu.memory_space<vmem>> -> memref<128x128xf32, #tpu.memory_space<vmem>>
          tpu.wait_dma2 semaphore(%dma_wait3A_399 : memref<!tpu.dma_semaphore, #tpu.memory_space<semaphore_mem>>) src(%dma_wait3A_406 : memref<128x128xf32, #tpu.memory_space<vmem>>) dst(%dma_wait3A_402 : memref<128x128xf32, #tpu.memory_space<hbm>>)
        } else {
        }
        %add3A_373 = arith.constant 3 : i32
        %add3A_374 = arith.addi %add3A_327, %add3A_373 : i32
        %dma_start3A_375 = arith.constant 2 : i32
        %dma_start3A_376 = arith.constant 2 : i32
        %dma_start3A_377 = arith.constant 0 : i32
        %dma_start3A_378 = arith.constant 0 : i32
        %dma_start3A_379 = tpu.memref_slice %arg7[%dma_start3A_375, %dma_start3A_377, %dma_start3A_378] : memref<5x128x128xf32, #tpu.memory_space<vmem>> -> memref<1x128x128xf32, #tpu.memory_space<vmem>>
        %dma_start3A_380 = tpu.memref_squeeze %dma_start3A_379 : memref<1x128x128xf32, #tpu.memory_space<vmem>> -> memref<128x128xf32, #tpu.memory_space<vmem>>
        %dma_start3A_381 = arith.constant 0 : i32
        %dma_start3A_382 = tpu.memref_slice %arg5[%add3A_374, %dma_start3A_381] : memref<25x128xi32, #tpu.memory_space<vmem>> -> memref<1x128xi32, #tpu.memory_space<vmem>>
        %dma_start3A_383 = tpu.memref_squeeze %dma_start3A_382 : memref<1x128xi32, #tpu.memory_space<vmem>> -> memref<128xi32, #tpu.memory_space<vmem>>
        %dma_start3A_384 = arith.constant 0 : i32
        %dma_start3A_385 = arith.constant 0 : i32
        %dma_start3A_386 = tpu.memref_slice %arg2[%dma_start3A_384, %dma_start3A_385] : memref<100000x128xf32, #tpu.memory_space<hbm>> -> memref<100000x128xf32, #tpu.memory_space<hbm>>
        %dma_start3A_387 = tpu.memref_slice %arg8[%dma_start3A_376] : memref<5x!tpu.dma_semaphore, #tpu.memory_space<semaphore_mem>> -> memref<1x!tpu.dma_semaphore, #tpu.memory_space<semaphore_mem>>
        %dma_start3A_388 = tpu.memref_squeeze %dma_start3A_387 : memref<1x!tpu.dma_semaphore, #tpu.memory_space<semaphore_mem>> -> memref<!tpu.dma_semaphore, #tpu.memory_space<semaphore_mem>>
        tpu.enqueue_indirect_dma source(%dma_start3A_386 : memref<100000x128xf32, #tpu.memory_space<hbm>>) target(%dma_start3A_380 : memref<128x128xf32, #tpu.memory_space<vmem>>) offsets(%dma_start3A_383 : memref<128xi32, #tpu.memory_space<vmem>>) semaphore(%dma_start3A_388 : memref<!tpu.dma_semaphore, #tpu.memory_space<semaphore_mem>>)
      } else {
      }
    }
    %scan3A_52 = arith.constant 5 : i32
    %dma_wait3A = arith.constant 0 : i32
    %dma_wait3A_53 = arith.constant 0 : i32
    %dma_wait3A_54 = arith.constant 0 : i32
    %dma_wait3A_55 = arith.constant 0 : i32
    %dma_wait3A_56 = tpu.memref_slice %arg7[%dma_wait3A, %dma_wait3A_54, %dma_wait3A_55] : memref<5x128x128xf32, #tpu.memory_space<vmem>> -> memref<1x128x128xf32, #tpu.memory_space<vmem>>
    %dma_wait3A_57 = tpu.memref_squeeze %dma_wait3A_56 : memref<1x128x128xf32, #tpu.memory_space<vmem>> -> memref<128x128xf32, #tpu.memory_space<vmem>>
    %dma_wait3A_58 = arith.constant 0 : i32
    %dma_wait3A_59 = arith.constant 0 : i32
    %dma_wait3A_60 = tpu.memref_slice %arg4[%dma_wait3A_58, %dma_wait3A_59] : memref<102400x128xf32, #tpu.memory_space<hbm>> -> memref<128x128xf32, #tpu.memory_space<hbm>>
    %dma_wait3A_61 = tpu.memref_slice %arg9[%dma_wait3A_53] : memref<5x!tpu.dma_semaphore, #tpu.memory_space<semaphore_mem>> -> memref<1x!tpu.dma_semaphore, #tpu.memory_space<semaphore_mem>>
    %dma_wait3A_62 = tpu.memref_squeeze %dma_wait3A_61 : memref<1x!tpu.dma_semaphore, #tpu.memory_space<semaphore_mem>> -> memref<!tpu.dma_semaphore, #tpu.memory_space<semaphore_mem>>
    %dma_wait3A_63 = arith.constant 0 : i32
    %dma_wait3A_64 = arith.constant 0 : i32
    %dma_wait3A_65 = tpu.memref_slice %arg4[%dma_wait3A_63, %dma_wait3A_64] : memref<102400x128xf32, #tpu.memory_space<hbm>> -> memref<128x128xf32, #tpu.memory_space<hbm>>
    %dma_wait3A_66 = arith.constant 0 : i32
    %dma_wait3A_67 = arith.constant 0 : i32
    %dma_wait3A_68 = tpu.memref_slice %arg7[%dma_wait3A, %dma_wait3A_66, %dma_wait3A_67] : memref<5x128x128xf32, #tpu.memory_space<vmem>> -> memref<1x128x128xf32, #tpu.memory_space<vmem>>
    %dma_wait3A_69 = tpu.memref_squeeze %dma_wait3A_68 : memref<1x128x128xf32, #tpu.memory_space<vmem>> -> memref<128x128xf32, #tpu.memory_space<vmem>>
    tpu.wait_dma2 semaphore(%dma_wait3A_62 : memref<!tpu.dma_semaphore, #tpu.memory_space<semaphore_mem>>) src(%dma_wait3A_69 : memref<128x128xf32, #tpu.memory_space<vmem>>) dst(%dma_wait3A_65 : memref<128x128xf32, #tpu.memory_space<hbm>>)
    %dma_wait3A_70 = arith.constant 1 : i32
    %dma_wait3A_71 = arith.constant 1 : i32
    %dma_wait3A_72 = arith.constant 0 : i32
    %dma_wait3A_73 = arith.constant 0 : i32
    %dma_wait3A_74 = tpu.memref_slice %arg7[%dma_wait3A_70, %dma_wait3A_72, %dma_wait3A_73] : memref<5x128x128xf32, #tpu.memory_space<vmem>> -> memref<1x128x128xf32, #tpu.memory_space<vmem>>
    %dma_wait3A_75 = tpu.memref_squeeze %dma_wait3A_74 : memref<1x128x128xf32, #tpu.memory_space<vmem>> -> memref<128x128xf32, #tpu.memory_space<vmem>>
    %dma_wait3A_76 = arith.constant 0 : i32
    %dma_wait3A_77 = arith.constant 0 : i32
    %dma_wait3A_78 = tpu.memref_slice %arg4[%dma_wait3A_76, %dma_wait3A_77] : memref<102400x128xf32, #tpu.memory_space<hbm>> -> memref<128x128xf32, #tpu.memory_space<hbm>>
    %dma_wait3A_79 = tpu.memref_slice %arg9[%dma_wait3A_71] : memref<5x!tpu.dma_semaphore, #tpu.memory_space<semaphore_mem>> -> memref<1x!tpu.dma_semaphore, #tpu.memory_space<semaphore_mem>>
    %dma_wait3A_80 = tpu.memref_squeeze %dma_wait3A_79 : memref<1x!tpu.dma_semaphore, #tpu.memory_space<semaphore_mem>> -> memref<!tpu.dma_semaphore, #tpu.memory_space<semaphore_mem>>
    %dma_wait3A_81 = arith.constant 0 : i32
    %dma_wait3A_82 = arith.constant 0 : i32
    %dma_wait3A_83 = tpu.memref_slice %arg4[%dma_wait3A_81, %dma_wait3A_82] : memref<102400x128xf32, #tpu.memory_space<hbm>> -> memref<128x128xf32, #tpu.memory_space<hbm>>
    %dma_wait3A_84 = arith.constant 0 : i32
    %dma_wait3A_85 = arith.constant 0 : i32
    %dma_wait3A_86 = tpu.memref_slice %arg7[%dma_wait3A_70, %dma_wait3A_84, %dma_wait3A_85] : memref<5x128x128xf32, #tpu.memory_space<vmem>> -> memref<1x128x128xf32, #tpu.memory_space<vmem>>
    %dma_wait3A_87 = tpu.memref_squeeze %dma_wait3A_86 : memref<1x128x128xf32, #tpu.memory_space<vmem>> -> memref<128x128xf32, #tpu.memory_space<vmem>>
    tpu.wait_dma2 semaphore(%dma_wait3A_80 : memref<!tpu.dma_semaphore, #tpu.memory_space<semaphore_mem>>) src(%dma_wait3A_87 : memref<128x128xf32, #tpu.memory_space<vmem>>) dst(%dma_wait3A_83 : memref<128x128xf32, #tpu.memory_space<hbm>>)
    %dma_wait3A_88 = arith.constant 2 : i32
    %dma_wait3A_89 = arith.constant 2 : i32
    %dma_wait3A_90 = arith.constant 0 : i32
    %dma_wait3A_91 = arith.constant 0 : i32
    %dma_wait3A_92 = tpu.memref_slice %arg7[%dma_wait3A_88, %dma_wait3A_90, %dma_wait3A_91] : memref<5x128x128xf32, #tpu.memory_space<vmem>> -> memref<1x128x128xf32, #tpu.memory_space<vmem>>
    %dma_wait3A_93 = tpu.memref_squeeze %dma_wait3A_92 : memref<1x128x128xf32, #tpu.memory_space<vmem>> -> memref<128x128xf32, #tpu.memory_space<vmem>>
    %dma_wait3A_94 = arith.constant 0 : i32
    %dma_wait3A_95 = arith.constant 0 : i32
    %dma_wait3A_96 = tpu.memref_slice %arg4[%dma_wait3A_94, %dma_wait3A_95] : memref<102400x128xf32, #tpu.memory_space<hbm>> -> memref<128x128xf32, #tpu.memory_space<hbm>>
    %dma_wait3A_97 = tpu.memref_slice %arg9[%dma_wait3A_89] : memref<5x!tpu.dma_semaphore, #tpu.memory_space<semaphore_mem>> -> memref<1x!tpu.dma_semaphore, #tpu.memory_space<semaphore_mem>>
    %dma_wait3A_98 = tpu.memref_squeeze %dma_wait3A_97 : memref<1x!tpu.dma_semaphore, #tpu.memory_space<semaphore_mem>> -> memref<!tpu.dma_semaphore, #tpu.memory_space<semaphore_mem>>
    %dma_wait3A_99 = arith.constant 0 : i32
    %dma_wait3A_100 = arith.constant 0 : i32
    %dma_wait3A_101 = tpu.memref_slice %arg4[%dma_wait3A_99, %dma_wait3A_100] : memref<102400x128xf32, #tpu.memory_space<hbm>> -> memref<128x128xf32, #tpu.memory_space<hbm>>
    %dma_wait3A_102 = arith.constant 0 : i32
    %dma_wait3A_103 = arith.constant 0 : i32
    %dma_wait3A_104 = tpu.memref_slice %arg7[%dma_wait3A_88, %dma_wait3A_102, %dma_wait3A_103] : memref<5x128x128xf32, #tpu.memory_space<vmem>> -> memref<1x128x128xf32, #tpu.memory_space<vmem>>
    %dma_wait3A_105 = tpu.memref_squeeze %dma_wait3A_104 : memref<1x128x128xf32, #tpu.memory_space<vmem>> -> memref<128x128xf32, #tpu.memory_space<vmem>>
    tpu.wait_dma2 semaphore(%dma_wait3A_98 : memref<!tpu.dma_semaphore, #tpu.memory_space<semaphore_mem>>) src(%dma_wait3A_105 : memref<128x128xf32, #tpu.memory_space<vmem>>) dst(%dma_wait3A_101 : memref<128x128xf32, #tpu.memory_space<hbm>>)
    %dma_wait3A_106 = arith.constant 3 : i32
    %dma_wait3A_107 = arith.constant 3 : i32
    %dma_wait3A_108 = arith.constant 0 : i32
    %dma_wait3A_109 = arith.constant 0 : i32
    %dma_wait3A_110 = tpu.memref_slice %arg7[%dma_wait3A_106, %dma_wait3A_108, %dma_wait3A_109] : memref<5x128x128xf32, #tpu.memory_space<vmem>> -> memref<1x128x128xf32, #tpu.memory_space<vmem>>
    %dma_wait3A_111 = tpu.memref_squeeze %dma_wait3A_110 : memref<1x128x128xf32, #tpu.memory_space<vmem>> -> memref<128x128xf32, #tpu.memory_space<vmem>>
    %dma_wait3A_112 = arith.constant 0 : i32
    %dma_wait3A_113 = arith.constant 0 : i32
    %dma_wait3A_114 = tpu.memref_slice %arg4[%dma_wait3A_112, %dma_wait3A_113] : memref<102400x128xf32, #tpu.memory_space<hbm>> -> memref<128x128xf32, #tpu.memory_space<hbm>>
    %dma_wait3A_115 = tpu.memref_slice %arg9[%dma_wait3A_107] : memref<5x!tpu.dma_semaphore, #tpu.memory_space<semaphore_mem>> -> memref<1x!tpu.dma_semaphore, #tpu.memory_space<semaphore_mem>>
    %dma_wait3A_116 = tpu.memref_squeeze %dma_wait3A_115 : memref<1x!tpu.dma_semaphore, #tpu.memory_space<semaphore_mem>> -> memref<!tpu.dma_semaphore, #tpu.memory_space<semaphore_mem>>
    %dma_wait3A_117 = arith.constant 0 : i32
    %dma_wait3A_118 = arith.constant 0 : i32
    %dma_wait3A_119 = tpu.memref_slice %arg4[%dma_wait3A_117, %dma_wait3A_118] : memref<102400x128xf32, #tpu.memory_space<hbm>> -> memref<128x128xf32, #tpu.memory_space<hbm>>
    %dma_wait3A_120 = arith.constant 0 : i32
    %dma_wait3A_121 = arith.constant 0 : i32
    %dma_wait3A_122 = tpu.memref_slice %arg7[%dma_wait3A_106, %dma_wait3A_120, %dma_wait3A_121] : memref<5x128x128xf32, #tpu.memory_space<vmem>> -> memref<1x128x128xf32, #tpu.memory_space<vmem>>
    %dma_wait3A_123 = tpu.memref_squeeze %dma_wait3A_122 : memref<1x128x128xf32, #tpu.memory_space<vmem>> -> memref<128x128xf32, #tpu.memory_space<vmem>>
    tpu.wait_dma2 semaphore(%dma_wait3A_116 : memref<!tpu.dma_semaphore, #tpu.memory_space<semaphore_mem>>) src(%dma_wait3A_123 : memref<128x128xf32, #tpu.memory_space<vmem>>) dst(%dma_wait3A_119 : memref<128x128xf32, #tpu.memory_space<hbm>>)
    %dma_wait3A_124 = arith.constant 4 : i32
    %dma_wait3A_125 = arith.constant 4 : i32
    %dma_wait3A_126 = arith.constant 0 : i32
    %dma_wait3A_127 = arith.constant 0 : i32
    %dma_wait3A_128 = tpu.memref_slice %arg7[%dma_wait3A_124, %dma_wait3A_126, %dma_wait3A_127] : memref<5x128x128xf32, #tpu.memory_space<vmem>> -> memref<1x128x128xf32, #tpu.memory_space<vmem>>
    %dma_wait3A_129 = tpu.memref_squeeze %dma_wait3A_128 : memref<1x128x128xf32, #tpu.memory_space<vmem>> -> memref<128x128xf32, #tpu.memory_space<vmem>>
    %dma_wait3A_130 = arith.constant 0 : i32
    %dma_wait3A_131 = arith.constant 0 : i32
    %dma_wait3A_132 = tpu.memref_slice %arg4[%dma_wait3A_130, %dma_wait3A_131] : memref<102400x128xf32, #tpu.memory_space<hbm>> -> memref<128x128xf32, #tpu.memory_space<hbm>>
    %dma_wait3A_133 = tpu.memref_slice %arg9[%dma_wait3A_125] : memref<5x!tpu.dma_semaphore, #tpu.memory_space<semaphore_mem>> -> memref<1x!tpu.dma_semaphore, #tpu.memory_space<semaphore_mem>>
    %dma_wait3A_134 = tpu.memref_squeeze %dma_wait3A_133 : memref<1x!tpu.dma_semaphore, #tpu.memory_space<semaphore_mem>> -> memref<!tpu.dma_semaphore, #tpu.memory_space<semaphore_mem>>
    %dma_wait3A_135 = arith.constant 0 : i32
    %dma_wait3A_136 = arith.constant 0 : i32
    %dma_wait3A_137 = tpu.memref_slice %arg4[%dma_wait3A_135, %dma_wait3A_136] : memref<102400x128xf32, #tpu.memory_space<hbm>> -> memref<128x128xf32, #tpu.memory_space<hbm>>
    %dma_wait3A_138 = arith.constant 0 : i32
    %dma_wait3A_139 = arith.constant 0 : i32
    %dma_wait3A_140 = tpu.memref_slice %arg7[%dma_wait3A_124, %dma_wait3A_138, %dma_wait3A_139] : memref<5x128x128xf32, #tpu.memory_space<vmem>> -> memref<1x128x128xf32, #tpu.memory_space<vmem>>
    %dma_wait3A_141 = tpu.memref_squeeze %dma_wait3A_140 : memref<1x128x128xf32, #tpu.memory_space<vmem>> -> memref<128x128xf32, #tpu.memory_space<vmem>>
    tpu.wait_dma2 semaphore(%dma_wait3A_134 : memref<!tpu.dma_semaphore, #tpu.memory_space<semaphore_mem>>) src(%dma_wait3A_141 : memref<128x128xf32, #tpu.memory_space<vmem>>) dst(%dma_wait3A_137 : memref<128x128xf32, #tpu.memory_space<hbm>>)
    return
  }
}

#map = affine_map<(d0, d1) -> (0, 0)>
#map1 = affine_map<(d0, d1) -> (0, 0, 0)>
module attributes {stable_mosaic.version = 14 : i64} {
  func.func @body(%arg0: i32, %arg1: i32, %arg2: memref<100000x128xf32, #tpu.memory_space<hbm>>, %arg3: memref<32x30x128xi32, #tpu.memory_space<hbm>>, %arg4: memref<122880x128xf32, #tpu.memory_space<hbm>>, %arg5: memref<30x128xi32, #tpu.memory_space<vmem>>, %arg6: memref<3x128xi32, #tpu.memory_space<vmem>>, %arg7: memref<5x128x128xf32, #tpu.memory_space<vmem>>, %arg8: memref<5x!tpu.dma_semaphore, #tpu.memory_space<semaphore_mem>>, %arg9: memref<5x!tpu.dma_semaphore, #tpu.memory_space<semaphore_mem>>) attributes {dimension_semantics = [#tpu.dimension_semantics<core_parallel>, #tpu.dimension_semantics<subcore_parallel>], iteration_bounds = array<i64: 2, 16>, scalar_prefetch = 0 : i64, scratch_operands = 5 : i64, tpu.core_type = #tpu.core_type<sc_vector_subcore>, window_params = [{transform_indices = #map}, {transform_indices = #map1}, {transform_indices = #map}]} {
    %mul3A = arith.constant 2 : i32
    %mul3A_0 = arith.muli %arg1, %mul3A : i32
    %add3A = arith.addi %mul3A_0, %arg0 : i32
    "tpu.region"() ({
      %run_scoped3A = tpu.sem_alloc : memref<!tpu.dma_semaphore, #tpu.memory_space<semaphore_mem>>
      %dma_start3A_142 = arith.constant 0 : i32
      %dma_start3A_143 = arith.constant 0 : i32
      %dma_start3A_144 = tpu.memref_slice %arg3[%add3A, %dma_start3A_142, %dma_start3A_143] : memref<32x30x128xi32, #tpu.memory_space<hbm>> -> memref<1x30x128xi32, #tpu.memory_space<hbm>>
      %dma_start3A_145 = tpu.memref_squeeze %dma_start3A_144 : memref<1x30x128xi32, #tpu.memory_space<hbm>> -> memref<30x128xi32, #tpu.memory_space<hbm>>
      %dma_start3A_146 = arith.constant 0 : i32
      %dma_start3A_147 = arith.constant 0 : i32
      %dma_start3A_148 = tpu.memref_slice %arg3[%add3A, %dma_start3A_146, %dma_start3A_147] : memref<32x30x128xi32, #tpu.memory_space<hbm>> -> memref<1x30x128xi32, #tpu.memory_space<hbm>>
      %dma_start3A_149 = tpu.memref_squeeze %dma_start3A_148 : memref<1x30x128xi32, #tpu.memory_space<hbm>> -> memref<30x128xi32, #tpu.memory_space<hbm>>
      tpu.enqueue_dma source(%dma_start3A_149 : memref<30x128xi32, #tpu.memory_space<hbm>>) target(%arg5 : memref<30x128xi32, #tpu.memory_space<vmem>>) target_semaphore(%run_scoped3A : memref<!tpu.dma_semaphore, #tpu.memory_space<semaphore_mem>>)
      %dma_wait3A_150 = arith.constant 0 : i32
      %dma_wait3A_151 = arith.constant 0 : i32
      %dma_wait3A_152 = tpu.memref_slice %arg3[%add3A, %dma_wait3A_150, %dma_wait3A_151] : memref<32x30x128xi32, #tpu.memory_space<hbm>> -> memref<1x30x128xi32, #tpu.memory_space<hbm>>
      %dma_wait3A_153 = tpu.memref_squeeze %dma_wait3A_152 : memref<1x30x128xi32, #tpu.memory_space<hbm>> -> memref<30x128xi32, #tpu.memory_space<hbm>>
      %dma_wait3A_154 = arith.constant 0 : i32
      %dma_wait3A_155 = arith.constant 0 : i32
      %dma_wait3A_156 = tpu.memref_slice %arg3[%add3A, %dma_wait3A_154, %dma_wait3A_155] : memref<32x30x128xi32, #tpu.memory_space<hbm>> -> memref<1x30x128xi32, #tpu.memory_space<hbm>>
      %dma_wait3A_157 = tpu.memref_squeeze %dma_wait3A_156 : memref<1x30x128xi32, #tpu.memory_space<hbm>> -> memref<30x128xi32, #tpu.memory_space<hbm>>
      tpu.wait_dma2 semaphore(%run_scoped3A : memref<!tpu.dma_semaphore, #tpu.memory_space<semaphore_mem>>) src(%dma_wait3A_157 : memref<30x128xi32, #tpu.memory_space<hbm>>) dst(%arg5 : memref<30x128xi32, #tpu.memory_space<vmem>>)
      tpu.yield
    }) : () -> ()
    %mul3A_1 = arith.constant 30 : i32
    %mul3A_2 = arith.muli %add3A, %mul3A_1 : i32
    %mul3A_3 = arith.constant 128 : i32
    %mul3A_4 = arith.muli %mul3A_2, %mul3A_3 : i32
    %dma_start3A = arith.constant 0 : i32
    %dma_start3A_5 = arith.constant 0 : i32
    %dma_start3A_6 = arith.constant 0 : i32
    %dma_start3A_7 = arith.constant 0 : i32
    %dma_start3A_8 = arith.constant 0 : i32
    %dma_start3A_9 = tpu.memref_slice %arg7[%dma_start3A_5, %dma_start3A_7, %dma_start3A_8] : memref<5x128x128xf32, #tpu.memory_space<vmem>> -> memref<1x128x128xf32, #tpu.memory_space<vmem>>
    %dma_start3A_10 = tpu.memref_squeeze %dma_start3A_9 : memref<1x128x128xf32, #tpu.memory_space<vmem>> -> memref<128x128xf32, #tpu.memory_space<vmem>>
    %dma_start3A_11 = arith.constant 0 : i32
    %dma_start3A_12 = tpu.memref_slice %arg5[%dma_start3A, %dma_start3A_11] : memref<30x128xi32, #tpu.memory_space<vmem>> -> memref<1x128xi32, #tpu.memory_space<vmem>>
    %dma_start3A_13 = tpu.memref_squeeze %dma_start3A_12 : memref<1x128xi32, #tpu.memory_space<vmem>> -> memref<128xi32, #tpu.memory_space<vmem>>
    %dma_start3A_14 = arith.constant 0 : i32
    %dma_start3A_15 = arith.constant 0 : i32
    %dma_start3A_16 = tpu.memref_slice %arg2[%dma_start3A_14, %dma_start3A_15] : memref<100000x128xf32, #tpu.memory_space<hbm>> -> memref<100000x128xf32, #tpu.memory_space<hbm>>
    %dma_start3A_17 = tpu.memref_slice %arg8[%dma_start3A_6] : memref<5x!tpu.dma_semaphore, #tpu.memory_space<semaphore_mem>> -> memref<1x!tpu.dma_semaphore, #tpu.memory_space<semaphore_mem>>
    %dma_start3A_18 = tpu.memref_squeeze %dma_start3A_17 : memref<1x!tpu.dma_semaphore, #tpu.memory_space<semaphore_mem>> -> memref<!tpu.dma_semaphore, #tpu.memory_space<semaphore_mem>>
    tpu.enqueue_indirect_dma source(%dma_start3A_16 : memref<100000x128xf32, #tpu.memory_space<hbm>>) target(%dma_start3A_10 : memref<128x128xf32, #tpu.memory_space<vmem>>) offsets(%dma_start3A_13 : memref<128xi32, #tpu.memory_space<vmem>>) semaphore(%dma_start3A_18 : memref<!tpu.dma_semaphore, #tpu.memory_space<semaphore_mem>>)
    %dma_start3A_19 = arith.constant 1 : i32
    %dma_start3A_20 = arith.constant 1 : i32
    %dma_start3A_21 = arith.constant 1 : i32
    %dma_start3A_22 = arith.constant 0 : i32
    %dma_start3A_23 = arith.constant 0 : i32
    %dma_start3A_24 = tpu.memref_slice %arg7[%dma_start3A_20, %dma_start3A_22, %dma_start3A_23] : memref<5x128x128xf32, #tpu.memory_space<vmem>> -> memref<1x128x128xf32, #tpu.memory_space<vmem>>
    %dma_start3A_25 = tpu.memref_squeeze %dma_start3A_24 : memref<1x128x128xf32, #tpu.memory_space<vmem>> -> memref<128x128xf32, #tpu.memory_space<vmem>>
    %dma_start3A_26 = arith.constant 0 : i32
    %dma_start3A_27 = tpu.memref_slice %arg5[%dma_start3A_19, %dma_start3A_26] : memref<30x128xi32, #tpu.memory_space<vmem>> -> memref<1x128xi32, #tpu.memory_space<vmem>>
    %dma_start3A_28 = tpu.memref_squeeze %dma_start3A_27 : memref<1x128xi32, #tpu.memory_space<vmem>> -> memref<128xi32, #tpu.memory_space<vmem>>
    %dma_start3A_29 = arith.constant 0 : i32
    %dma_start3A_30 = arith.constant 0 : i32
    %dma_start3A_31 = tpu.memref_slice %arg2[%dma_start3A_29, %dma_start3A_30] : memref<100000x128xf32, #tpu.memory_space<hbm>> -> memref<100000x128xf32, #tpu.memory_space<hbm>>
    %dma_start3A_32 = tpu.memref_slice %arg8[%dma_start3A_21] : memref<5x!tpu.dma_semaphore, #tpu.memory_space<semaphore_mem>> -> memref<1x!tpu.dma_semaphore, #tpu.memory_space<semaphore_mem>>
    %dma_start3A_33 = tpu.memref_squeeze %dma_start3A_32 : memref<1x!tpu.dma_semaphore, #tpu.memory_space<semaphore_mem>> -> memref<!tpu.dma_semaphore, #tpu.memory_space<semaphore_mem>>
    tpu.enqueue_indirect_dma source(%dma_start3A_31 : memref<100000x128xf32, #tpu.memory_space<hbm>>) target(%dma_start3A_25 : memref<128x128xf32, #tpu.memory_space<vmem>>) offsets(%dma_start3A_28 : memref<128xi32, #tpu.memory_space<vmem>>) semaphore(%dma_start3A_33 : memref<!tpu.dma_semaphore, #tpu.memory_space<semaphore_mem>>)
    %dma_start3A_34 = arith.constant 2 : i32
    %dma_start3A_35 = arith.constant 2 : i32
    %dma_start3A_36 = arith.constant 2 : i32
    %dma_start3A_37 = arith.constant 0 : i32
    %dma_start3A_38 = arith.constant 0 : i32
    %dma_start3A_39 = tpu.memref_slice %arg7[%dma_start3A_35, %dma_start3A_37, %dma_start3A_38] : memref<5x128x128xf32, #tpu.memory_space<vmem>> -> memref<1x128x128xf32, #tpu.memory_space<vmem>>
    %dma_start3A_40 = tpu.memref_squeeze %dma_start3A_39 : memref<1x128x128xf32, #tpu.memory_space<vmem>> -> memref<128x128xf32, #tpu.memory_space<vmem>>
    %dma_start3A_41 = arith.constant 0 : i32
    %dma_start3A_42 = tpu.memref_slice %arg5[%dma_start3A_34, %dma_start3A_41] : memref<30x128xi32, #tpu.memory_space<vmem>> -> memref<1x128xi32, #tpu.memory_space<vmem>>
    %dma_start3A_43 = tpu.memref_squeeze %dma_start3A_42 : memref<1x128xi32, #tpu.memory_space<vmem>> -> memref<128xi32, #tpu.memory_space<vmem>>
    %dma_start3A_44 = arith.constant 0 : i32
    %dma_start3A_45 = arith.constant 0 : i32
    %dma_start3A_46 = tpu.memref_slice %arg2[%dma_start3A_44, %dma_start3A_45] : memref<100000x128xf32, #tpu.memory_space<hbm>> -> memref<100000x128xf32, #tpu.memory_space<hbm>>
    %dma_start3A_47 = tpu.memref_slice %arg8[%dma_start3A_36] : memref<5x!tpu.dma_semaphore, #tpu.memory_space<semaphore_mem>> -> memref<1x!tpu.dma_semaphore, #tpu.memory_space<semaphore_mem>>
    %dma_start3A_48 = tpu.memref_squeeze %dma_start3A_47 : memref<1x!tpu.dma_semaphore, #tpu.memory_space<semaphore_mem>> -> memref<!tpu.dma_semaphore, #tpu.memory_space<semaphore_mem>>
    tpu.enqueue_indirect_dma source(%dma_start3A_46 : memref<100000x128xf32, #tpu.memory_space<hbm>>) target(%dma_start3A_40 : memref<128x128xf32, #tpu.memory_space<vmem>>) offsets(%dma_start3A_43 : memref<128xi32, #tpu.memory_space<vmem>>) semaphore(%dma_start3A_48 : memref<!tpu.dma_semaphore, #tpu.memory_space<semaphore_mem>>)
    %scan3A = arith.constant 0 : i32
    %scan3A_49 = arith.constant 6 : i32
    %scan3A_50 = arith.addi %scan3A, %scan3A_49 : i32
    %scan3A_51 = arith.constant 1 : i32
    scf.for %scan3A_142 = %scan3A to %scan3A_50 step %scan3A_51  : i32 {
      %mul3A_143 = arith.constant 1 : i32
      %mul3A_144 = arith.muli %scan3A_142, %mul3A_143 : i32
      %add3A_145 = arith.constant 0 : i32
      %add3A_146 = arith.addi %add3A_145, %mul3A_144 : i32
      %mul3A_147 = arith.constant 5 : i32
      %mul3A_148 = arith.muli %mul3A_147, %add3A_146 : i32
      %add3A_149 = arith.constant 0 : i32
      %add3A_150 = arith.addi %mul3A_148, %add3A_149 : i32
      %dma_wait3A_151 = arith.constant 0 : i32
      %dma_wait3A_152 = arith.constant 0 : i32
      %dma_wait3A_153 = arith.constant 0 : i32
      %dma_wait3A_154 = arith.constant 0 : i32
      %dma_wait3A_155 = arith.constant 0 : i32
      %dma_wait3A_156 = tpu.memref_slice %arg7[%dma_wait3A_152, %dma_wait3A_154, %dma_wait3A_155] : memref<5x128x128xf32, #tpu.memory_space<vmem>> -> memref<1x128x128xf32, #tpu.memory_space<vmem>>
      %dma_wait3A_157 = tpu.memref_squeeze %dma_wait3A_156 : memref<1x128x128xf32, #tpu.memory_space<vmem>> -> memref<128x128xf32, #tpu.memory_space<vmem>>
      %dma_wait3A_158 = arith.constant 0 : i32
      %dma_wait3A_159 = tpu.memref_slice %arg5[%dma_wait3A_151, %dma_wait3A_158] : memref<30x128xi32, #tpu.memory_space<vmem>> -> memref<1x128xi32, #tpu.memory_space<vmem>>
      %dma_wait3A_160 = tpu.memref_squeeze %dma_wait3A_159 : memref<1x128xi32, #tpu.memory_space<vmem>> -> memref<128xi32, #tpu.memory_space<vmem>>
      %dma_wait3A_161 = arith.constant 0 : i32
      %dma_wait3A_162 = arith.constant 0 : i32
      %dma_wait3A_163 = tpu.memref_slice %arg2[%dma_wait3A_161, %dma_wait3A_162] : memref<100000x128xf32, #tpu.memory_space<hbm>> -> memref<100000x128xf32, #tpu.memory_space<hbm>>
      %dma_wait3A_164 = tpu.memref_slice %arg8[%dma_wait3A_153] : memref<5x!tpu.dma_semaphore, #tpu.memory_space<semaphore_mem>> -> memref<1x!tpu.dma_semaphore, #tpu.memory_space<semaphore_mem>>
      %dma_wait3A_165 = tpu.memref_squeeze %dma_wait3A_164 : memref<1x!tpu.dma_semaphore, #tpu.memory_space<semaphore_mem>> -> memref<!tpu.dma_semaphore, #tpu.memory_space<semaphore_mem>>
      tpu.wait_indirect_dma semaphore(%dma_wait3A_165 : memref<!tpu.dma_semaphore, #tpu.memory_space<semaphore_mem>>) src(%dma_wait3A_163 : memref<100000x128xf32, #tpu.memory_space<hbm>>) dst(%dma_wait3A_157 : memref<128x128xf32, #tpu.memory_space<vmem>>)
      %mul3A_166 = arith.constant 128 : i32
      %mul3A_167 = arith.muli %add3A_150, %mul3A_166 : i32
      %add3A_168 = arith.addi %mul3A_4, %mul3A_167 : i32
      %dma_start3A_169 = arith.constant 0 : i32
      %dma_start3A_170 = arith.constant 0 : i32
      %dma_start3A_171 = arith.constant 0 : i32
      %dma_start3A_172 = arith.constant 0 : i32
      %dma_start3A_173 = tpu.memref_slice %arg7[%dma_start3A_169, %dma_start3A_171, %dma_start3A_172] : memref<5x128x128xf32, #tpu.memory_space<vmem>> -> memref<1x128x128xf32, #tpu.memory_space<vmem>>
      %dma_start3A_174 = tpu.memref_squeeze %dma_start3A_173 : memref<1x128x128xf32, #tpu.memory_space<vmem>> -> memref<128x128xf32, #tpu.memory_space<vmem>>
      %dma_start3A_175 = arith.constant 0 : i32
      %dma_start3A_176 = tpu.memref_slice %arg4[%add3A_168, %dma_start3A_175] : memref<122880x128xf32, #tpu.memory_space<hbm>> -> memref<128x128xf32, #tpu.memory_space<hbm>>
      %dma_start3A_177 = tpu.memref_slice %arg9[%dma_start3A_170] : memref<5x!tpu.dma_semaphore, #tpu.memory_space<semaphore_mem>> -> memref<1x!tpu.dma_semaphore, #tpu.memory_space<semaphore_mem>>
      %dma_start3A_178 = tpu.memref_squeeze %dma_start3A_177 : memref<1x!tpu.dma_semaphore, #tpu.memory_space<semaphore_mem>> -> memref<!tpu.dma_semaphore, #tpu.memory_space<semaphore_mem>>
      %dma_start3A_179 = arith.constant 0 : i32
      %dma_start3A_180 = tpu.memref_slice %arg4[%add3A_168, %dma_start3A_179] : memref<122880x128xf32, #tpu.memory_space<hbm>> -> memref<128x128xf32, #tpu.memory_space<hbm>>
      %dma_start3A_181 = arith.constant 0 : i32
      %dma_start3A_182 = arith.constant 0 : i32
      %dma_start3A_183 = tpu.memref_slice %arg7[%dma_start3A_169, %dma_start3A_181, %dma_start3A_182] : memref<5x128x128xf32, #tpu.memory_space<vmem>> -> memref<1x128x128xf32, #tpu.memory_space<vmem>>
      %dma_start3A_184 = tpu.memref_squeeze %dma_start3A_183 : memref<1x128x128xf32, #tpu.memory_space<vmem>> -> memref<128x128xf32, #tpu.memory_space<vmem>>
      tpu.enqueue_dma source(%dma_start3A_184 : memref<128x128xf32, #tpu.memory_space<vmem>>) target(%dma_start3A_180 : memref<128x128xf32, #tpu.memory_space<hbm>>) target_semaphore(%dma_start3A_178 : memref<!tpu.dma_semaphore, #tpu.memory_space<semaphore_mem>>)
      %add3A_185 = arith.constant 3 : i32
      %add3A_186 = arith.addi %add3A_150, %add3A_185 : i32
      %lt3A = arith.constant 30 : i32
      %lt3A_187 = arith.cmpi slt, %add3A_186, %lt3A : i32
      %convert_element_type3A = arith.extui %lt3A_187 : i1 to i32
      %cond3A = arith.constant 0 : i32
      %cond3A_188 = arith.cmpi ne, %convert_element_type3A, %cond3A : i32
      scf.if %cond3A_188 {
        %ge3A = arith.constant 2 : i32
        %ge3A_369 = arith.cmpi sge, %add3A_150, %ge3A : i32
        %convert_element_type3A_370 = arith.extui %ge3A_369 : i1 to i32
        %cond3A_371 = arith.constant 0 : i32
        %cond3A_372 = arith.cmpi ne, %convert_element_type3A_370, %cond3A_371 : i32
        scf.if %cond3A_372 {
          %dma_wait3A_389 = arith.constant 3 : i32
          %dma_wait3A_390 = arith.constant 3 : i32
          %dma_wait3A_391 = arith.constant 0 : i32
          %dma_wait3A_392 = arith.constant 0 : i32
          %dma_wait3A_393 = tpu.memref_slice %arg7[%dma_wait3A_389, %dma_wait3A_391, %dma_wait3A_392] : memref<5x128x128xf32, #tpu.memory_space<vmem>> -> memref<1x128x128xf32, #tpu.memory_space<vmem>>
          %dma_wait3A_394 = tpu.memref_squeeze %dma_wait3A_393 : memref<1x128x128xf32, #tpu.memory_space<vmem>> -> memref<128x128xf32, #tpu.memory_space<vmem>>
          %dma_wait3A_395 = arith.constant 0 : i32
          %dma_wait3A_396 = arith.constant 0 : i32
          %dma_wait3A_397 = tpu.memref_slice %arg4[%dma_wait3A_395, %dma_wait3A_396] : memref<122880x128xf32, #tpu.memory_space<hbm>> -> memref<128x128xf32, #tpu.memory_space<hbm>>
          %dma_wait3A_398 = tpu.memref_slice %arg9[%dma_wait3A_390] : memref<5x!tpu.dma_semaphore, #tpu.memory_space<semaphore_mem>> -> memref<1x!tpu.dma_semaphore, #tpu.memory_space<semaphore_mem>>
          %dma_wait3A_399 = tpu.memref_squeeze %dma_wait3A_398 : memref<1x!tpu.dma_semaphore, #tpu.memory_space<semaphore_mem>> -> memref<!tpu.dma_semaphore, #tpu.memory_space<semaphore_mem>>
          %dma_wait3A_400 = arith.constant 0 : i32
          %dma_wait3A_401 = arith.constant 0 : i32
          %dma_wait3A_402 = tpu.memref_slice %arg4[%dma_wait3A_400, %dma_wait3A_401] : memref<122880x128xf32, #tpu.memory_space<hbm>> -> memref<128x128xf32, #tpu.memory_space<hbm>>
          %dma_wait3A_403 = arith.constant 0 : i32
          %dma_wait3A_404 = arith.constant 0 : i32
          %dma_wait3A_405 = tpu.memref_slice %arg7[%dma_wait3A_389, %dma_wait3A_403, %dma_wait3A_404] : memref<5x128x128xf32, #tpu.memory_space<vmem>> -> memref<1x128x128xf32, #tpu.memory_space<vmem>>
          %dma_wait3A_406 = tpu.memref_squeeze %dma_wait3A_405 : memref<1x128x128xf32, #tpu.memory_space<vmem>> -> memref<128x128xf32, #tpu.memory_space<vmem>>
          tpu.wait_dma2 semaphore(%dma_wait3A_399 : memref<!tpu.dma_semaphore, #tpu.memory_space<semaphore_mem>>) src(%dma_wait3A_406 : memref<128x128xf32, #tpu.memory_space<vmem>>) dst(%dma_wait3A_402 : memref<128x128xf32, #tpu.memory_space<hbm>>)
        } else {
        }
        %add3A_373 = arith.constant 3 : i32
        %add3A_374 = arith.addi %add3A_150, %add3A_373 : i32
        %dma_start3A_375 = arith.constant 3 : i32
        %dma_start3A_376 = arith.constant 3 : i32
        %dma_start3A_377 = arith.constant 0 : i32
        %dma_start3A_378 = arith.constant 0 : i32
        %dma_start3A_379 = tpu.memref_slice %arg7[%dma_start3A_375, %dma_start3A_377, %dma_start3A_378] : memref<5x128x128xf32, #tpu.memory_space<vmem>> -> memref<1x128x128xf32, #tpu.memory_space<vmem>>
        %dma_start3A_380 = tpu.memref_squeeze %dma_start3A_379 : memref<1x128x128xf32, #tpu.memory_space<vmem>> -> memref<128x128xf32, #tpu.memory_space<vmem>>
        %dma_start3A_381 = arith.constant 0 : i32
        %dma_start3A_382 = tpu.memref_slice %arg5[%add3A_374, %dma_start3A_381] : memref<30x128xi32, #tpu.memory_space<vmem>> -> memref<1x128xi32, #tpu.memory_space<vmem>>
        %dma_start3A_383 = tpu.memref_squeeze %dma_start3A_382 : memref<1x128xi32, #tpu.memory_space<vmem>> -> memref<128xi32, #tpu.memory_space<vmem>>
        %dma_start3A_384 = arith.constant 0 : i32
        %dma_start3A_385 = arith.constant 0 : i32
        %dma_start3A_386 = tpu.memref_slice %arg2[%dma_start3A_384, %dma_start3A_385] : memref<100000x128xf32, #tpu.memory_space<hbm>> -> memref<100000x128xf32, #tpu.memory_space<hbm>>
        %dma_start3A_387 = tpu.memref_slice %arg8[%dma_start3A_376] : memref<5x!tpu.dma_semaphore, #tpu.memory_space<semaphore_mem>> -> memref<1x!tpu.dma_semaphore, #tpu.memory_space<semaphore_mem>>
        %dma_start3A_388 = tpu.memref_squeeze %dma_start3A_387 : memref<1x!tpu.dma_semaphore, #tpu.memory_space<semaphore_mem>> -> memref<!tpu.dma_semaphore, #tpu.memory_space<semaphore_mem>>
        tpu.enqueue_indirect_dma source(%dma_start3A_386 : memref<100000x128xf32, #tpu.memory_space<hbm>>) target(%dma_start3A_380 : memref<128x128xf32, #tpu.memory_space<vmem>>) offsets(%dma_start3A_383 : memref<128xi32, #tpu.memory_space<vmem>>) semaphore(%dma_start3A_388 : memref<!tpu.dma_semaphore, #tpu.memory_space<semaphore_mem>>)
      } else {
      }
      %mul3A_189 = arith.constant 5 : i32
      %mul3A_190 = arith.muli %mul3A_189, %add3A_146 : i32
      %add3A_191 = arith.constant 1 : i32
      %add3A_192 = arith.addi %mul3A_190, %add3A_191 : i32
      %dma_wait3A_193 = arith.constant 0 : i32
      %dma_wait3A_194 = arith.constant 1 : i32
      %dma_wait3A_195 = arith.constant 1 : i32
      %dma_wait3A_196 = arith.constant 0 : i32
      %dma_wait3A_197 = arith.constant 0 : i32
      %dma_wait3A_198 = tpu.memref_slice %arg7[%dma_wait3A_194, %dma_wait3A_196, %dma_wait3A_197] : memref<5x128x128xf32, #tpu.memory_space<vmem>> -> memref<1x128x128xf32, #tpu.memory_space<vmem>>
      %dma_wait3A_199 = tpu.memref_squeeze %dma_wait3A_198 : memref<1x128x128xf32, #tpu.memory_space<vmem>> -> memref<128x128xf32, #tpu.memory_space<vmem>>
      %dma_wait3A_200 = arith.constant 0 : i32
      %dma_wait3A_201 = tpu.memref_slice %arg5[%dma_wait3A_193, %dma_wait3A_200] : memref<30x128xi32, #tpu.memory_space<vmem>> -> memref<1x128xi32, #tpu.memory_space<vmem>>
      %dma_wait3A_202 = tpu.memref_squeeze %dma_wait3A_201 : memref<1x128xi32, #tpu.memory_space<vmem>> -> memref<128xi32, #tpu.memory_space<vmem>>
      %dma_wait3A_203 = arith.constant 0 : i32
      %dma_wait3A_204 = arith.constant 0 : i32
      %dma_wait3A_205 = tpu.memref_slice %arg2[%dma_wait3A_203, %dma_wait3A_204] : memref<100000x128xf32, #tpu.memory_space<hbm>> -> memref<100000x128xf32, #tpu.memory_space<hbm>>
      %dma_wait3A_206 = tpu.memref_slice %arg8[%dma_wait3A_195] : memref<5x!tpu.dma_semaphore, #tpu.memory_space<semaphore_mem>> -> memref<1x!tpu.dma_semaphore, #tpu.memory_space<semaphore_mem>>
      %dma_wait3A_207 = tpu.memref_squeeze %dma_wait3A_206 : memref<1x!tpu.dma_semaphore, #tpu.memory_space<semaphore_mem>> -> memref<!tpu.dma_semaphore, #tpu.memory_space<semaphore_mem>>
      tpu.wait_indirect_dma semaphore(%dma_wait3A_207 : memref<!tpu.dma_semaphore, #tpu.memory_space<semaphore_mem>>) src(%dma_wait3A_205 : memref<100000x128xf32, #tpu.memory_space<hbm>>) dst(%dma_wait3A_199 : memref<128x128xf32, #tpu.memory_space<vmem>>)
      %mul3A_208 = arith.constant 128 : i32
      %mul3A_209 = arith.muli %add3A_192, %mul3A_208 : i32
      %add3A_210 = arith.addi %mul3A_4, %mul3A_209 : i32
      %dma_start3A_211 = arith.constant 1 : i32
      %dma_start3A_212 = arith.constant 1 : i32
      %dma_start3A_213 = arith.constant 0 : i32
      %dma_start3A_214 = arith.constant 0 : i32
      %dma_start3A_215 = tpu.memref_slice %arg7[%dma_start3A_211, %dma_start3A_213, %dma_start3A_214] : memref<5x128x128xf32, #tpu.memory_space<vmem>> -> memref<1x128x128xf32, #tpu.memory_space<vmem>>
      %dma_start3A_216 = tpu.memref_squeeze %dma_start3A_215 : memref<1x128x128xf32, #tpu.memory_space<vmem>> -> memref<128x128xf32, #tpu.memory_space<vmem>>
      %dma_start3A_217 = arith.constant 0 : i32
      %dma_start3A_218 = tpu.memref_slice %arg4[%add3A_210, %dma_start3A_217] : memref<122880x128xf32, #tpu.memory_space<hbm>> -> memref<128x128xf32, #tpu.memory_space<hbm>>
      %dma_start3A_219 = tpu.memref_slice %arg9[%dma_start3A_212] : memref<5x!tpu.dma_semaphore, #tpu.memory_space<semaphore_mem>> -> memref<1x!tpu.dma_semaphore, #tpu.memory_space<semaphore_mem>>
      %dma_start3A_220 = tpu.memref_squeeze %dma_start3A_219 : memref<1x!tpu.dma_semaphore, #tpu.memory_space<semaphore_mem>> -> memref<!tpu.dma_semaphore, #tpu.memory_space<semaphore_mem>>
      %dma_start3A_221 = arith.constant 0 : i32
      %dma_start3A_222 = tpu.memref_slice %arg4[%add3A_210, %dma_start3A_221] : memref<122880x128xf32, #tpu.memory_space<hbm>> -> memref<128x128xf32, #tpu.memory_space<hbm>>
      %dma_start3A_223 = arith.constant 0 : i32
      %dma_start3A_224 = arith.constant 0 : i32
      %dma_start3A_225 = tpu.memref_slice %arg7[%dma_start3A_211, %dma_start3A_223, %dma_start3A_224] : memref<5x128x128xf32, #tpu.memory_space<vmem>> -> memref<1x128x128xf32, #tpu.memory_space<vmem>>
      %dma_start3A_226 = tpu.memref_squeeze %dma_start3A_225 : memref<1x128x128xf32, #tpu.memory_space<vmem>> -> memref<128x128xf32, #tpu.memory_space<vmem>>
      tpu.enqueue_dma source(%dma_start3A_226 : memref<128x128xf32, #tpu.memory_space<vmem>>) target(%dma_start3A_222 : memref<128x128xf32, #tpu.memory_space<hbm>>) target_semaphore(%dma_start3A_220 : memref<!tpu.dma_semaphore, #tpu.memory_space<semaphore_mem>>)
      %add3A_227 = arith.constant 3 : i32
      %add3A_228 = arith.addi %add3A_192, %add3A_227 : i32
      %lt3A_229 = arith.constant 30 : i32
      %lt3A_230 = arith.cmpi slt, %add3A_228, %lt3A_229 : i32
      %convert_element_type3A_231 = arith.extui %lt3A_230 : i1 to i32
      %cond3A_232 = arith.constant 0 : i32
      %cond3A_233 = arith.cmpi ne, %convert_element_type3A_231, %cond3A_232 : i32
      scf.if %cond3A_233 {
        %ge3A = arith.constant 2 : i32
        %ge3A_369 = arith.cmpi sge, %add3A_192, %ge3A : i32
        %convert_element_type3A_370 = arith.extui %ge3A_369 : i1 to i32
        %cond3A_371 = arith.constant 0 : i32
        %cond3A_372 = arith.cmpi ne, %convert_element_type3A_370, %cond3A_371 : i32
        scf.if %cond3A_372 {
          %dma_wait3A_389 = arith.constant 4 : i32
          %dma_wait3A_390 = arith.constant 4 : i32
          %dma_wait3A_391 = arith.constant 0 : i32
          %dma_wait3A_392 = arith.constant 0 : i32
          %dma_wait3A_393 = tpu.memref_slice %arg7[%dma_wait3A_389, %dma_wait3A_391, %dma_wait3A_392] : memref<5x128x128xf32, #tpu.memory_space<vmem>> -> memref<1x128x128xf32, #tpu.memory_space<vmem>>
          %dma_wait3A_394 = tpu.memref_squeeze %dma_wait3A_393 : memref<1x128x128xf32, #tpu.memory_space<vmem>> -> memref<128x128xf32, #tpu.memory_space<vmem>>
          %dma_wait3A_395 = arith.constant 0 : i32
          %dma_wait3A_396 = arith.constant 0 : i32
          %dma_wait3A_397 = tpu.memref_slice %arg4[%dma_wait3A_395, %dma_wait3A_396] : memref<122880x128xf32, #tpu.memory_space<hbm>> -> memref<128x128xf32, #tpu.memory_space<hbm>>
          %dma_wait3A_398 = tpu.memref_slice %arg9[%dma_wait3A_390] : memref<5x!tpu.dma_semaphore, #tpu.memory_space<semaphore_mem>> -> memref<1x!tpu.dma_semaphore, #tpu.memory_space<semaphore_mem>>
          %dma_wait3A_399 = tpu.memref_squeeze %dma_wait3A_398 : memref<1x!tpu.dma_semaphore, #tpu.memory_space<semaphore_mem>> -> memref<!tpu.dma_semaphore, #tpu.memory_space<semaphore_mem>>
          %dma_wait3A_400 = arith.constant 0 : i32
          %dma_wait3A_401 = arith.constant 0 : i32
          %dma_wait3A_402 = tpu.memref_slice %arg4[%dma_wait3A_400, %dma_wait3A_401] : memref<122880x128xf32, #tpu.memory_space<hbm>> -> memref<128x128xf32, #tpu.memory_space<hbm>>
          %dma_wait3A_403 = arith.constant 0 : i32
          %dma_wait3A_404 = arith.constant 0 : i32
          %dma_wait3A_405 = tpu.memref_slice %arg7[%dma_wait3A_389, %dma_wait3A_403, %dma_wait3A_404] : memref<5x128x128xf32, #tpu.memory_space<vmem>> -> memref<1x128x128xf32, #tpu.memory_space<vmem>>
          %dma_wait3A_406 = tpu.memref_squeeze %dma_wait3A_405 : memref<1x128x128xf32, #tpu.memory_space<vmem>> -> memref<128x128xf32, #tpu.memory_space<vmem>>
          tpu.wait_dma2 semaphore(%dma_wait3A_399 : memref<!tpu.dma_semaphore, #tpu.memory_space<semaphore_mem>>) src(%dma_wait3A_406 : memref<128x128xf32, #tpu.memory_space<vmem>>) dst(%dma_wait3A_402 : memref<128x128xf32, #tpu.memory_space<hbm>>)
        } else {
        }
        %add3A_373 = arith.constant 3 : i32
        %add3A_374 = arith.addi %add3A_192, %add3A_373 : i32
        %dma_start3A_375 = arith.constant 4 : i32
        %dma_start3A_376 = arith.constant 4 : i32
        %dma_start3A_377 = arith.constant 0 : i32
        %dma_start3A_378 = arith.constant 0 : i32
        %dma_start3A_379 = tpu.memref_slice %arg7[%dma_start3A_375, %dma_start3A_377, %dma_start3A_378] : memref<5x128x128xf32, #tpu.memory_space<vmem>> -> memref<1x128x128xf32, #tpu.memory_space<vmem>>
        %dma_start3A_380 = tpu.memref_squeeze %dma_start3A_379 : memref<1x128x128xf32, #tpu.memory_space<vmem>> -> memref<128x128xf32, #tpu.memory_space<vmem>>
        %dma_start3A_381 = arith.constant 0 : i32
        %dma_start3A_382 = tpu.memref_slice %arg5[%add3A_374, %dma_start3A_381] : memref<30x128xi32, #tpu.memory_space<vmem>> -> memref<1x128xi32, #tpu.memory_space<vmem>>
        %dma_start3A_383 = tpu.memref_squeeze %dma_start3A_382 : memref<1x128xi32, #tpu.memory_space<vmem>> -> memref<128xi32, #tpu.memory_space<vmem>>
        %dma_start3A_384 = arith.constant 0 : i32
        %dma_start3A_385 = arith.constant 0 : i32
        %dma_start3A_386 = tpu.memref_slice %arg2[%dma_start3A_384, %dma_start3A_385] : memref<100000x128xf32, #tpu.memory_space<hbm>> -> memref<100000x128xf32, #tpu.memory_space<hbm>>
        %dma_start3A_387 = tpu.memref_slice %arg8[%dma_start3A_376] : memref<5x!tpu.dma_semaphore, #tpu.memory_space<semaphore_mem>> -> memref<1x!tpu.dma_semaphore, #tpu.memory_space<semaphore_mem>>
        %dma_start3A_388 = tpu.memref_squeeze %dma_start3A_387 : memref<1x!tpu.dma_semaphore, #tpu.memory_space<semaphore_mem>> -> memref<!tpu.dma_semaphore, #tpu.memory_space<semaphore_mem>>
        tpu.enqueue_indirect_dma source(%dma_start3A_386 : memref<100000x128xf32, #tpu.memory_space<hbm>>) target(%dma_start3A_380 : memref<128x128xf32, #tpu.memory_space<vmem>>) offsets(%dma_start3A_383 : memref<128xi32, #tpu.memory_space<vmem>>) semaphore(%dma_start3A_388 : memref<!tpu.dma_semaphore, #tpu.memory_space<semaphore_mem>>)
      } else {
      }
      %mul3A_234 = arith.constant 5 : i32
      %mul3A_235 = arith.muli %mul3A_234, %add3A_146 : i32
      %add3A_236 = arith.constant 2 : i32
      %add3A_237 = arith.addi %mul3A_235, %add3A_236 : i32
      %dma_wait3A_238 = arith.constant 0 : i32
      %dma_wait3A_239 = arith.constant 2 : i32
      %dma_wait3A_240 = arith.constant 2 : i32
      %dma_wait3A_241 = arith.constant 0 : i32
      %dma_wait3A_242 = arith.constant 0 : i32
      %dma_wait3A_243 = tpu.memref_slice %arg7[%dma_wait3A_239, %dma_wait3A_241, %dma_wait3A_242] : memref<5x128x128xf32, #tpu.memory_space<vmem>> -> memref<1x128x128xf32, #tpu.memory_space<vmem>>
      %dma_wait3A_244 = tpu.memref_squeeze %dma_wait3A_243 : memref<1x128x128xf32, #tpu.memory_space<vmem>> -> memref<128x128xf32, #tpu.memory_space<vmem>>
      %dma_wait3A_245 = arith.constant 0 : i32
      %dma_wait3A_246 = tpu.memref_slice %arg5[%dma_wait3A_238, %dma_wait3A_245] : memref<30x128xi32, #tpu.memory_space<vmem>> -> memref<1x128xi32, #tpu.memory_space<vmem>>
      %dma_wait3A_247 = tpu.memref_squeeze %dma_wait3A_246 : memref<1x128xi32, #tpu.memory_space<vmem>> -> memref<128xi32, #tpu.memory_space<vmem>>
      %dma_wait3A_248 = arith.constant 0 : i32
      %dma_wait3A_249 = arith.constant 0 : i32
      %dma_wait3A_250 = tpu.memref_slice %arg2[%dma_wait3A_248, %dma_wait3A_249] : memref<100000x128xf32, #tpu.memory_space<hbm>> -> memref<100000x128xf32, #tpu.memory_space<hbm>>
      %dma_wait3A_251 = tpu.memref_slice %arg8[%dma_wait3A_240] : memref<5x!tpu.dma_semaphore, #tpu.memory_space<semaphore_mem>> -> memref<1x!tpu.dma_semaphore, #tpu.memory_space<semaphore_mem>>
      %dma_wait3A_252 = tpu.memref_squeeze %dma_wait3A_251 : memref<1x!tpu.dma_semaphore, #tpu.memory_space<semaphore_mem>> -> memref<!tpu.dma_semaphore, #tpu.memory_space<semaphore_mem>>
      tpu.wait_indirect_dma semaphore(%dma_wait3A_252 : memref<!tpu.dma_semaphore, #tpu.memory_space<semaphore_mem>>) src(%dma_wait3A_250 : memref<100000x128xf32, #tpu.memory_space<hbm>>) dst(%dma_wait3A_244 : memref<128x128xf32, #tpu.memory_space<vmem>>)
      %mul3A_253 = arith.constant 128 : i32
      %mul3A_254 = arith.muli %add3A_237, %mul3A_253 : i32
      %add3A_255 = arith.addi %mul3A_4, %mul3A_254 : i32
      %dma_start3A_256 = arith.constant 2 : i32
      %dma_start3A_257 = arith.constant 2 : i32
      %dma_start3A_258 = arith.constant 0 : i32
      %dma_start3A_259 = arith.constant 0 : i32
      %dma_start3A_260 = tpu.memref_slice %arg7[%dma_start3A_256, %dma_start3A_258, %dma_start3A_259] : memref<5x128x128xf32, #tpu.memory_space<vmem>> -> memref<1x128x128xf32, #tpu.memory_space<vmem>>
      %dma_start3A_261 = tpu.memref_squeeze %dma_start3A_260 : memref<1x128x128xf32, #tpu.memory_space<vmem>> -> memref<128x128xf32, #tpu.memory_space<vmem>>
      %dma_start3A_262 = arith.constant 0 : i32
      %dma_start3A_263 = tpu.memref_slice %arg4[%add3A_255, %dma_start3A_262] : memref<122880x128xf32, #tpu.memory_space<hbm>> -> memref<128x128xf32, #tpu.memory_space<hbm>>
      %dma_start3A_264 = tpu.memref_slice %arg9[%dma_start3A_257] : memref<5x!tpu.dma_semaphore, #tpu.memory_space<semaphore_mem>> -> memref<1x!tpu.dma_semaphore, #tpu.memory_space<semaphore_mem>>
      %dma_start3A_265 = tpu.memref_squeeze %dma_start3A_264 : memref<1x!tpu.dma_semaphore, #tpu.memory_space<semaphore_mem>> -> memref<!tpu.dma_semaphore, #tpu.memory_space<semaphore_mem>>
      %dma_start3A_266 = arith.constant 0 : i32
      %dma_start3A_267 = tpu.memref_slice %arg4[%add3A_255, %dma_start3A_266] : memref<122880x128xf32, #tpu.memory_space<hbm>> -> memref<128x128xf32, #tpu.memory_space<hbm>>
      %dma_start3A_268 = arith.constant 0 : i32
      %dma_start3A_269 = arith.constant 0 : i32
      %dma_start3A_270 = tpu.memref_slice %arg7[%dma_start3A_256, %dma_start3A_268, %dma_start3A_269] : memref<5x128x128xf32, #tpu.memory_space<vmem>> -> memref<1x128x128xf32, #tpu.memory_space<vmem>>
      %dma_start3A_271 = tpu.memref_squeeze %dma_start3A_270 : memref<1x128x128xf32, #tpu.memory_space<vmem>> -> memref<128x128xf32, #tpu.memory_space<vmem>>
      tpu.enqueue_dma source(%dma_start3A_271 : memref<128x128xf32, #tpu.memory_space<vmem>>) target(%dma_start3A_267 : memref<128x128xf32, #tpu.memory_space<hbm>>) target_semaphore(%dma_start3A_265 : memref<!tpu.dma_semaphore, #tpu.memory_space<semaphore_mem>>)
      %add3A_272 = arith.constant 3 : i32
      %add3A_273 = arith.addi %add3A_237, %add3A_272 : i32
      %lt3A_274 = arith.constant 30 : i32
      %lt3A_275 = arith.cmpi slt, %add3A_273, %lt3A_274 : i32
      %convert_element_type3A_276 = arith.extui %lt3A_275 : i1 to i32
      %cond3A_277 = arith.constant 0 : i32
      %cond3A_278 = arith.cmpi ne, %convert_element_type3A_276, %cond3A_277 : i32
      scf.if %cond3A_278 {
        %ge3A = arith.constant 2 : i32
        %ge3A_369 = arith.cmpi sge, %add3A_237, %ge3A : i32
        %convert_element_type3A_370 = arith.extui %ge3A_369 : i1 to i32
        %cond3A_371 = arith.constant 0 : i32
        %cond3A_372 = arith.cmpi ne, %convert_element_type3A_370, %cond3A_371 : i32
        scf.if %cond3A_372 {
          %dma_wait3A_389 = arith.constant 0 : i32
          %dma_wait3A_390 = arith.constant 0 : i32
          %dma_wait3A_391 = arith.constant 0 : i32
          %dma_wait3A_392 = arith.constant 0 : i32
          %dma_wait3A_393 = tpu.memref_slice %arg7[%dma_wait3A_389, %dma_wait3A_391, %dma_wait3A_392] : memref<5x128x128xf32, #tpu.memory_space<vmem>> -> memref<1x128x128xf32, #tpu.memory_space<vmem>>
          %dma_wait3A_394 = tpu.memref_squeeze %dma_wait3A_393 : memref<1x128x128xf32, #tpu.memory_space<vmem>> -> memref<128x128xf32, #tpu.memory_space<vmem>>
          %dma_wait3A_395 = arith.constant 0 : i32
          %dma_wait3A_396 = arith.constant 0 : i32
          %dma_wait3A_397 = tpu.memref_slice %arg4[%dma_wait3A_395, %dma_wait3A_396] : memref<122880x128xf32, #tpu.memory_space<hbm>> -> memref<128x128xf32, #tpu.memory_space<hbm>>
          %dma_wait3A_398 = tpu.memref_slice %arg9[%dma_wait3A_390] : memref<5x!tpu.dma_semaphore, #tpu.memory_space<semaphore_mem>> -> memref<1x!tpu.dma_semaphore, #tpu.memory_space<semaphore_mem>>
          %dma_wait3A_399 = tpu.memref_squeeze %dma_wait3A_398 : memref<1x!tpu.dma_semaphore, #tpu.memory_space<semaphore_mem>> -> memref<!tpu.dma_semaphore, #tpu.memory_space<semaphore_mem>>
          %dma_wait3A_400 = arith.constant 0 : i32
          %dma_wait3A_401 = arith.constant 0 : i32
          %dma_wait3A_402 = tpu.memref_slice %arg4[%dma_wait3A_400, %dma_wait3A_401] : memref<122880x128xf32, #tpu.memory_space<hbm>> -> memref<128x128xf32, #tpu.memory_space<hbm>>
          %dma_wait3A_403 = arith.constant 0 : i32
          %dma_wait3A_404 = arith.constant 0 : i32
          %dma_wait3A_405 = tpu.memref_slice %arg7[%dma_wait3A_389, %dma_wait3A_403, %dma_wait3A_404] : memref<5x128x128xf32, #tpu.memory_space<vmem>> -> memref<1x128x128xf32, #tpu.memory_space<vmem>>
          %dma_wait3A_406 = tpu.memref_squeeze %dma_wait3A_405 : memref<1x128x128xf32, #tpu.memory_space<vmem>> -> memref<128x128xf32, #tpu.memory_space<vmem>>
          tpu.wait_dma2 semaphore(%dma_wait3A_399 : memref<!tpu.dma_semaphore, #tpu.memory_space<semaphore_mem>>) src(%dma_wait3A_406 : memref<128x128xf32, #tpu.memory_space<vmem>>) dst(%dma_wait3A_402 : memref<128x128xf32, #tpu.memory_space<hbm>>)
        } else {
        }
        %add3A_373 = arith.constant 3 : i32
        %add3A_374 = arith.addi %add3A_237, %add3A_373 : i32
        %dma_start3A_375 = arith.constant 0 : i32
        %dma_start3A_376 = arith.constant 0 : i32
        %dma_start3A_377 = arith.constant 0 : i32
        %dma_start3A_378 = arith.constant 0 : i32
        %dma_start3A_379 = tpu.memref_slice %arg7[%dma_start3A_375, %dma_start3A_377, %dma_start3A_378] : memref<5x128x128xf32, #tpu.memory_space<vmem>> -> memref<1x128x128xf32, #tpu.memory_space<vmem>>
        %dma_start3A_380 = tpu.memref_squeeze %dma_start3A_379 : memref<1x128x128xf32, #tpu.memory_space<vmem>> -> memref<128x128xf32, #tpu.memory_space<vmem>>
        %dma_start3A_381 = arith.constant 0 : i32
        %dma_start3A_382 = tpu.memref_slice %arg5[%add3A_374, %dma_start3A_381] : memref<30x128xi32, #tpu.memory_space<vmem>> -> memref<1x128xi32, #tpu.memory_space<vmem>>
        %dma_start3A_383 = tpu.memref_squeeze %dma_start3A_382 : memref<1x128xi32, #tpu.memory_space<vmem>> -> memref<128xi32, #tpu.memory_space<vmem>>
        %dma_start3A_384 = arith.constant 0 : i32
        %dma_start3A_385 = arith.constant 0 : i32
        %dma_start3A_386 = tpu.memref_slice %arg2[%dma_start3A_384, %dma_start3A_385] : memref<100000x128xf32, #tpu.memory_space<hbm>> -> memref<100000x128xf32, #tpu.memory_space<hbm>>
        %dma_start3A_387 = tpu.memref_slice %arg8[%dma_start3A_376] : memref<5x!tpu.dma_semaphore, #tpu.memory_space<semaphore_mem>> -> memref<1x!tpu.dma_semaphore, #tpu.memory_space<semaphore_mem>>
        %dma_start3A_388 = tpu.memref_squeeze %dma_start3A_387 : memref<1x!tpu.dma_semaphore, #tpu.memory_space<semaphore_mem>> -> memref<!tpu.dma_semaphore, #tpu.memory_space<semaphore_mem>>
        tpu.enqueue_indirect_dma source(%dma_start3A_386 : memref<100000x128xf32, #tpu.memory_space<hbm>>) target(%dma_start3A_380 : memref<128x128xf32, #tpu.memory_space<vmem>>) offsets(%dma_start3A_383 : memref<128xi32, #tpu.memory_space<vmem>>) semaphore(%dma_start3A_388 : memref<!tpu.dma_semaphore, #tpu.memory_space<semaphore_mem>>)
      } else {
      }
      %mul3A_279 = arith.constant 5 : i32
      %mul3A_280 = arith.muli %mul3A_279, %add3A_146 : i32
      %add3A_281 = arith.constant 3 : i32
      %add3A_282 = arith.addi %mul3A_280, %add3A_281 : i32
      %dma_wait3A_283 = arith.constant 0 : i32
      %dma_wait3A_284 = arith.constant 3 : i32
      %dma_wait3A_285 = arith.constant 3 : i32
      %dma_wait3A_286 = arith.constant 0 : i32
      %dma_wait3A_287 = arith.constant 0 : i32
      %dma_wait3A_288 = tpu.memref_slice %arg7[%dma_wait3A_284, %dma_wait3A_286, %dma_wait3A_287] : memref<5x128x128xf32, #tpu.memory_space<vmem>> -> memref<1x128x128xf32, #tpu.memory_space<vmem>>
      %dma_wait3A_289 = tpu.memref_squeeze %dma_wait3A_288 : memref<1x128x128xf32, #tpu.memory_space<vmem>> -> memref<128x128xf32, #tpu.memory_space<vmem>>
      %dma_wait3A_290 = arith.constant 0 : i32
      %dma_wait3A_291 = tpu.memref_slice %arg5[%dma_wait3A_283, %dma_wait3A_290] : memref<30x128xi32, #tpu.memory_space<vmem>> -> memref<1x128xi32, #tpu.memory_space<vmem>>
      %dma_wait3A_292 = tpu.memref_squeeze %dma_wait3A_291 : memref<1x128xi32, #tpu.memory_space<vmem>> -> memref<128xi32, #tpu.memory_space<vmem>>
      %dma_wait3A_293 = arith.constant 0 : i32
      %dma_wait3A_294 = arith.constant 0 : i32
      %dma_wait3A_295 = tpu.memref_slice %arg2[%dma_wait3A_293, %dma_wait3A_294] : memref<100000x128xf32, #tpu.memory_space<hbm>> -> memref<100000x128xf32, #tpu.memory_space<hbm>>
      %dma_wait3A_296 = tpu.memref_slice %arg8[%dma_wait3A_285] : memref<5x!tpu.dma_semaphore, #tpu.memory_space<semaphore_mem>> -> memref<1x!tpu.dma_semaphore, #tpu.memory_space<semaphore_mem>>
      %dma_wait3A_297 = tpu.memref_squeeze %dma_wait3A_296 : memref<1x!tpu.dma_semaphore, #tpu.memory_space<semaphore_mem>> -> memref<!tpu.dma_semaphore, #tpu.memory_space<semaphore_mem>>
      tpu.wait_indirect_dma semaphore(%dma_wait3A_297 : memref<!tpu.dma_semaphore, #tpu.memory_space<semaphore_mem>>) src(%dma_wait3A_295 : memref<100000x128xf32, #tpu.memory_space<hbm>>) dst(%dma_wait3A_289 : memref<128x128xf32, #tpu.memory_space<vmem>>)
      %mul3A_298 = arith.constant 128 : i32
      %mul3A_299 = arith.muli %add3A_282, %mul3A_298 : i32
      %add3A_300 = arith.addi %mul3A_4, %mul3A_299 : i32
      %dma_start3A_301 = arith.constant 3 : i32
      %dma_start3A_302 = arith.constant 3 : i32
      %dma_start3A_303 = arith.constant 0 : i32
      %dma_start3A_304 = arith.constant 0 : i32
      %dma_start3A_305 = tpu.memref_slice %arg7[%dma_start3A_301, %dma_start3A_303, %dma_start3A_304] : memref<5x128x128xf32, #tpu.memory_space<vmem>> -> memref<1x128x128xf32, #tpu.memory_space<vmem>>
      %dma_start3A_306 = tpu.memref_squeeze %dma_start3A_305 : memref<1x128x128xf32, #tpu.memory_space<vmem>> -> memref<128x128xf32, #tpu.memory_space<vmem>>
      %dma_start3A_307 = arith.constant 0 : i32
      %dma_start3A_308 = tpu.memref_slice %arg4[%add3A_300, %dma_start3A_307] : memref<122880x128xf32, #tpu.memory_space<hbm>> -> memref<128x128xf32, #tpu.memory_space<hbm>>
      %dma_start3A_309 = tpu.memref_slice %arg9[%dma_start3A_302] : memref<5x!tpu.dma_semaphore, #tpu.memory_space<semaphore_mem>> -> memref<1x!tpu.dma_semaphore, #tpu.memory_space<semaphore_mem>>
      %dma_start3A_310 = tpu.memref_squeeze %dma_start3A_309 : memref<1x!tpu.dma_semaphore, #tpu.memory_space<semaphore_mem>> -> memref<!tpu.dma_semaphore, #tpu.memory_space<semaphore_mem>>
      %dma_start3A_311 = arith.constant 0 : i32
      %dma_start3A_312 = tpu.memref_slice %arg4[%add3A_300, %dma_start3A_311] : memref<122880x128xf32, #tpu.memory_space<hbm>> -> memref<128x128xf32, #tpu.memory_space<hbm>>
      %dma_start3A_313 = arith.constant 0 : i32
      %dma_start3A_314 = arith.constant 0 : i32
      %dma_start3A_315 = tpu.memref_slice %arg7[%dma_start3A_301, %dma_start3A_313, %dma_start3A_314] : memref<5x128x128xf32, #tpu.memory_space<vmem>> -> memref<1x128x128xf32, #tpu.memory_space<vmem>>
      %dma_start3A_316 = tpu.memref_squeeze %dma_start3A_315 : memref<1x128x128xf32, #tpu.memory_space<vmem>> -> memref<128x128xf32, #tpu.memory_space<vmem>>
      tpu.enqueue_dma source(%dma_start3A_316 : memref<128x128xf32, #tpu.memory_space<vmem>>) target(%dma_start3A_312 : memref<128x128xf32, #tpu.memory_space<hbm>>) target_semaphore(%dma_start3A_310 : memref<!tpu.dma_semaphore, #tpu.memory_space<semaphore_mem>>)
      %add3A_317 = arith.constant 3 : i32
      %add3A_318 = arith.addi %add3A_282, %add3A_317 : i32
      %lt3A_319 = arith.constant 30 : i32
      %lt3A_320 = arith.cmpi slt, %add3A_318, %lt3A_319 : i32
      %convert_element_type3A_321 = arith.extui %lt3A_320 : i1 to i32
      %cond3A_322 = arith.constant 0 : i32
      %cond3A_323 = arith.cmpi ne, %convert_element_type3A_321, %cond3A_322 : i32
      scf.if %cond3A_323 {
        %ge3A = arith.constant 2 : i32
        %ge3A_369 = arith.cmpi sge, %add3A_282, %ge3A : i32
        %convert_element_type3A_370 = arith.extui %ge3A_369 : i1 to i32
        %cond3A_371 = arith.constant 0 : i32
        %cond3A_372 = arith.cmpi ne, %convert_element_type3A_370, %cond3A_371 : i32
        scf.if %cond3A_372 {
          %dma_wait3A_389 = arith.constant 1 : i32
          %dma_wait3A_390 = arith.constant 1 : i32
          %dma_wait3A_391 = arith.constant 0 : i32
          %dma_wait3A_392 = arith.constant 0 : i32
          %dma_wait3A_393 = tpu.memref_slice %arg7[%dma_wait3A_389, %dma_wait3A_391, %dma_wait3A_392] : memref<5x128x128xf32, #tpu.memory_space<vmem>> -> memref<1x128x128xf32, #tpu.memory_space<vmem>>
          %dma_wait3A_394 = tpu.memref_squeeze %dma_wait3A_393 : memref<1x128x128xf32, #tpu.memory_space<vmem>> -> memref<128x128xf32, #tpu.memory_space<vmem>>
          %dma_wait3A_395 = arith.constant 0 : i32
          %dma_wait3A_396 = arith.constant 0 : i32
          %dma_wait3A_397 = tpu.memref_slice %arg4[%dma_wait3A_395, %dma_wait3A_396] : memref<122880x128xf32, #tpu.memory_space<hbm>> -> memref<128x128xf32, #tpu.memory_space<hbm>>
          %dma_wait3A_398 = tpu.memref_slice %arg9[%dma_wait3A_390] : memref<5x!tpu.dma_semaphore, #tpu.memory_space<semaphore_mem>> -> memref<1x!tpu.dma_semaphore, #tpu.memory_space<semaphore_mem>>
          %dma_wait3A_399 = tpu.memref_squeeze %dma_wait3A_398 : memref<1x!tpu.dma_semaphore, #tpu.memory_space<semaphore_mem>> -> memref<!tpu.dma_semaphore, #tpu.memory_space<semaphore_mem>>
          %dma_wait3A_400 = arith.constant 0 : i32
          %dma_wait3A_401 = arith.constant 0 : i32
          %dma_wait3A_402 = tpu.memref_slice %arg4[%dma_wait3A_400, %dma_wait3A_401] : memref<122880x128xf32, #tpu.memory_space<hbm>> -> memref<128x128xf32, #tpu.memory_space<hbm>>
          %dma_wait3A_403 = arith.constant 0 : i32
          %dma_wait3A_404 = arith.constant 0 : i32
          %dma_wait3A_405 = tpu.memref_slice %arg7[%dma_wait3A_389, %dma_wait3A_403, %dma_wait3A_404] : memref<5x128x128xf32, #tpu.memory_space<vmem>> -> memref<1x128x128xf32, #tpu.memory_space<vmem>>
          %dma_wait3A_406 = tpu.memref_squeeze %dma_wait3A_405 : memref<1x128x128xf32, #tpu.memory_space<vmem>> -> memref<128x128xf32, #tpu.memory_space<vmem>>
          tpu.wait_dma2 semaphore(%dma_wait3A_399 : memref<!tpu.dma_semaphore, #tpu.memory_space<semaphore_mem>>) src(%dma_wait3A_406 : memref<128x128xf32, #tpu.memory_space<vmem>>) dst(%dma_wait3A_402 : memref<128x128xf32, #tpu.memory_space<hbm>>)
        } else {
        }
        %add3A_373 = arith.constant 3 : i32
        %add3A_374 = arith.addi %add3A_282, %add3A_373 : i32
        %dma_start3A_375 = arith.constant 1 : i32
        %dma_start3A_376 = arith.constant 1 : i32
        %dma_start3A_377 = arith.constant 0 : i32
        %dma_start3A_378 = arith.constant 0 : i32
        %dma_start3A_379 = tpu.memref_slice %arg7[%dma_start3A_375, %dma_start3A_377, %dma_start3A_378] : memref<5x128x128xf32, #tpu.memory_space<vmem>> -> memref<1x128x128xf32, #tpu.memory_space<vmem>>
        %dma_start3A_380 = tpu.memref_squeeze %dma_start3A_379 : memref<1x128x128xf32, #tpu.memory_space<vmem>> -> memref<128x128xf32, #tpu.memory_space<vmem>>
        %dma_start3A_381 = arith.constant 0 : i32
        %dma_start3A_382 = tpu.memref_slice %arg5[%add3A_374, %dma_start3A_381] : memref<30x128xi32, #tpu.memory_space<vmem>> -> memref<1x128xi32, #tpu.memory_space<vmem>>
        %dma_start3A_383 = tpu.memref_squeeze %dma_start3A_382 : memref<1x128xi32, #tpu.memory_space<vmem>> -> memref<128xi32, #tpu.memory_space<vmem>>
        %dma_start3A_384 = arith.constant 0 : i32
        %dma_start3A_385 = arith.constant 0 : i32
        %dma_start3A_386 = tpu.memref_slice %arg2[%dma_start3A_384, %dma_start3A_385] : memref<100000x128xf32, #tpu.memory_space<hbm>> -> memref<100000x128xf32, #tpu.memory_space<hbm>>
        %dma_start3A_387 = tpu.memref_slice %arg8[%dma_start3A_376] : memref<5x!tpu.dma_semaphore, #tpu.memory_space<semaphore_mem>> -> memref<1x!tpu.dma_semaphore, #tpu.memory_space<semaphore_mem>>
        %dma_start3A_388 = tpu.memref_squeeze %dma_start3A_387 : memref<1x!tpu.dma_semaphore, #tpu.memory_space<semaphore_mem>> -> memref<!tpu.dma_semaphore, #tpu.memory_space<semaphore_mem>>
        tpu.enqueue_indirect_dma source(%dma_start3A_386 : memref<100000x128xf32, #tpu.memory_space<hbm>>) target(%dma_start3A_380 : memref<128x128xf32, #tpu.memory_space<vmem>>) offsets(%dma_start3A_383 : memref<128xi32, #tpu.memory_space<vmem>>) semaphore(%dma_start3A_388 : memref<!tpu.dma_semaphore, #tpu.memory_space<semaphore_mem>>)
      } else {
      }
      %mul3A_324 = arith.constant 5 : i32
      %mul3A_325 = arith.muli %mul3A_324, %add3A_146 : i32
      %add3A_326 = arith.constant 4 : i32
      %add3A_327 = arith.addi %mul3A_325, %add3A_326 : i32
      %dma_wait3A_328 = arith.constant 0 : i32
      %dma_wait3A_329 = arith.constant 4 : i32
      %dma_wait3A_330 = arith.constant 4 : i32
      %dma_wait3A_331 = arith.constant 0 : i32
      %dma_wait3A_332 = arith.constant 0 : i32
      %dma_wait3A_333 = tpu.memref_slice %arg7[%dma_wait3A_329, %dma_wait3A_331, %dma_wait3A_332] : memref<5x128x128xf32, #tpu.memory_space<vmem>> -> memref<1x128x128xf32, #tpu.memory_space<vmem>>
      %dma_wait3A_334 = tpu.memref_squeeze %dma_wait3A_333 : memref<1x128x128xf32, #tpu.memory_space<vmem>> -> memref<128x128xf32, #tpu.memory_space<vmem>>
      %dma_wait3A_335 = arith.constant 0 : i32
      %dma_wait3A_336 = tpu.memref_slice %arg5[%dma_wait3A_328, %dma_wait3A_335] : memref<30x128xi32, #tpu.memory_space<vmem>> -> memref<1x128xi32, #tpu.memory_space<vmem>>
      %dma_wait3A_337 = tpu.memref_squeeze %dma_wait3A_336 : memref<1x128xi32, #tpu.memory_space<vmem>> -> memref<128xi32, #tpu.memory_space<vmem>>
      %dma_wait3A_338 = arith.constant 0 : i32
      %dma_wait3A_339 = arith.constant 0 : i32
      %dma_wait3A_340 = tpu.memref_slice %arg2[%dma_wait3A_338, %dma_wait3A_339] : memref<100000x128xf32, #tpu.memory_space<hbm>> -> memref<100000x128xf32, #tpu.memory_space<hbm>>
      %dma_wait3A_341 = tpu.memref_slice %arg8[%dma_wait3A_330] : memref<5x!tpu.dma_semaphore, #tpu.memory_space<semaphore_mem>> -> memref<1x!tpu.dma_semaphore, #tpu.memory_space<semaphore_mem>>
      %dma_wait3A_342 = tpu.memref_squeeze %dma_wait3A_341 : memref<1x!tpu.dma_semaphore, #tpu.memory_space<semaphore_mem>> -> memref<!tpu.dma_semaphore, #tpu.memory_space<semaphore_mem>>
      tpu.wait_indirect_dma semaphore(%dma_wait3A_342 : memref<!tpu.dma_semaphore, #tpu.memory_space<semaphore_mem>>) src(%dma_wait3A_340 : memref<100000x128xf32, #tpu.memory_space<hbm>>) dst(%dma_wait3A_334 : memref<128x128xf32, #tpu.memory_space<vmem>>)
      %mul3A_343 = arith.constant 128 : i32
      %mul3A_344 = arith.muli %add3A_327, %mul3A_343 : i32
      %add3A_345 = arith.addi %mul3A_4, %mul3A_344 : i32
      %dma_start3A_346 = arith.constant 4 : i32
      %dma_start3A_347 = arith.constant 4 : i32
      %dma_start3A_348 = arith.constant 0 : i32
      %dma_start3A_349 = arith.constant 0 : i32
      %dma_start3A_350 = tpu.memref_slice %arg7[%dma_start3A_346, %dma_start3A_348, %dma_start3A_349] : memref<5x128x128xf32, #tpu.memory_space<vmem>> -> memref<1x128x128xf32, #tpu.memory_space<vmem>>
      %dma_start3A_351 = tpu.memref_squeeze %dma_start3A_350 : memref<1x128x128xf32, #tpu.memory_space<vmem>> -> memref<128x128xf32, #tpu.memory_space<vmem>>
      %dma_start3A_352 = arith.constant 0 : i32
      %dma_start3A_353 = tpu.memref_slice %arg4[%add3A_345, %dma_start3A_352] : memref<122880x128xf32, #tpu.memory_space<hbm>> -> memref<128x128xf32, #tpu.memory_space<hbm>>
      %dma_start3A_354 = tpu.memref_slice %arg9[%dma_start3A_347] : memref<5x!tpu.dma_semaphore, #tpu.memory_space<semaphore_mem>> -> memref<1x!tpu.dma_semaphore, #tpu.memory_space<semaphore_mem>>
      %dma_start3A_355 = tpu.memref_squeeze %dma_start3A_354 : memref<1x!tpu.dma_semaphore, #tpu.memory_space<semaphore_mem>> -> memref<!tpu.dma_semaphore, #tpu.memory_space<semaphore_mem>>
      %dma_start3A_356 = arith.constant 0 : i32
      %dma_start3A_357 = tpu.memref_slice %arg4[%add3A_345, %dma_start3A_356] : memref<122880x128xf32, #tpu.memory_space<hbm>> -> memref<128x128xf32, #tpu.memory_space<hbm>>
      %dma_start3A_358 = arith.constant 0 : i32
      %dma_start3A_359 = arith.constant 0 : i32
      %dma_start3A_360 = tpu.memref_slice %arg7[%dma_start3A_346, %dma_start3A_358, %dma_start3A_359] : memref<5x128x128xf32, #tpu.memory_space<vmem>> -> memref<1x128x128xf32, #tpu.memory_space<vmem>>
      %dma_start3A_361 = tpu.memref_squeeze %dma_start3A_360 : memref<1x128x128xf32, #tpu.memory_space<vmem>> -> memref<128x128xf32, #tpu.memory_space<vmem>>
      tpu.enqueue_dma source(%dma_start3A_361 : memref<128x128xf32, #tpu.memory_space<vmem>>) target(%dma_start3A_357 : memref<128x128xf32, #tpu.memory_space<hbm>>) target_semaphore(%dma_start3A_355 : memref<!tpu.dma_semaphore, #tpu.memory_space<semaphore_mem>>)
      %add3A_362 = arith.constant 3 : i32
      %add3A_363 = arith.addi %add3A_327, %add3A_362 : i32
      %lt3A_364 = arith.constant 30 : i32
      %lt3A_365 = arith.cmpi slt, %add3A_363, %lt3A_364 : i32
      %convert_element_type3A_366 = arith.extui %lt3A_365 : i1 to i32
      %cond3A_367 = arith.constant 0 : i32
      %cond3A_368 = arith.cmpi ne, %convert_element_type3A_366, %cond3A_367 : i32
      scf.if %cond3A_368 {
        %ge3A = arith.constant 2 : i32
        %ge3A_369 = arith.cmpi sge, %add3A_327, %ge3A : i32
        %convert_element_type3A_370 = arith.extui %ge3A_369 : i1 to i32
        %cond3A_371 = arith.constant 0 : i32
        %cond3A_372 = arith.cmpi ne, %convert_element_type3A_370, %cond3A_371 : i32
        scf.if %cond3A_372 {
          %dma_wait3A_389 = arith.constant 2 : i32
          %dma_wait3A_390 = arith.constant 2 : i32
          %dma_wait3A_391 = arith.constant 0 : i32
          %dma_wait3A_392 = arith.constant 0 : i32
          %dma_wait3A_393 = tpu.memref_slice %arg7[%dma_wait3A_389, %dma_wait3A_391, %dma_wait3A_392] : memref<5x128x128xf32, #tpu.memory_space<vmem>> -> memref<1x128x128xf32, #tpu.memory_space<vmem>>
          %dma_wait3A_394 = tpu.memref_squeeze %dma_wait3A_393 : memref<1x128x128xf32, #tpu.memory_space<vmem>> -> memref<128x128xf32, #tpu.memory_space<vmem>>
          %dma_wait3A_395 = arith.constant 0 : i32
          %dma_wait3A_396 = arith.constant 0 : i32
          %dma_wait3A_397 = tpu.memref_slice %arg4[%dma_wait3A_395, %dma_wait3A_396] : memref<122880x128xf32, #tpu.memory_space<hbm>> -> memref<128x128xf32, #tpu.memory_space<hbm>>
          %dma_wait3A_398 = tpu.memref_slice %arg9[%dma_wait3A_390] : memref<5x!tpu.dma_semaphore, #tpu.memory_space<semaphore_mem>> -> memref<1x!tpu.dma_semaphore, #tpu.memory_space<semaphore_mem>>
          %dma_wait3A_399 = tpu.memref_squeeze %dma_wait3A_398 : memref<1x!tpu.dma_semaphore, #tpu.memory_space<semaphore_mem>> -> memref<!tpu.dma_semaphore, #tpu.memory_space<semaphore_mem>>
          %dma_wait3A_400 = arith.constant 0 : i32
          %dma_wait3A_401 = arith.constant 0 : i32
          %dma_wait3A_402 = tpu.memref_slice %arg4[%dma_wait3A_400, %dma_wait3A_401] : memref<122880x128xf32, #tpu.memory_space<hbm>> -> memref<128x128xf32, #tpu.memory_space<hbm>>
          %dma_wait3A_403 = arith.constant 0 : i32
          %dma_wait3A_404 = arith.constant 0 : i32
          %dma_wait3A_405 = tpu.memref_slice %arg7[%dma_wait3A_389, %dma_wait3A_403, %dma_wait3A_404] : memref<5x128x128xf32, #tpu.memory_space<vmem>> -> memref<1x128x128xf32, #tpu.memory_space<vmem>>
          %dma_wait3A_406 = tpu.memref_squeeze %dma_wait3A_405 : memref<1x128x128xf32, #tpu.memory_space<vmem>> -> memref<128x128xf32, #tpu.memory_space<vmem>>
          tpu.wait_dma2 semaphore(%dma_wait3A_399 : memref<!tpu.dma_semaphore, #tpu.memory_space<semaphore_mem>>) src(%dma_wait3A_406 : memref<128x128xf32, #tpu.memory_space<vmem>>) dst(%dma_wait3A_402 : memref<128x128xf32, #tpu.memory_space<hbm>>)
        } else {
        }
        %add3A_373 = arith.constant 3 : i32
        %add3A_374 = arith.addi %add3A_327, %add3A_373 : i32
        %dma_start3A_375 = arith.constant 2 : i32
        %dma_start3A_376 = arith.constant 2 : i32
        %dma_start3A_377 = arith.constant 0 : i32
        %dma_start3A_378 = arith.constant 0 : i32
        %dma_start3A_379 = tpu.memref_slice %arg7[%dma_start3A_375, %dma_start3A_377, %dma_start3A_378] : memref<5x128x128xf32, #tpu.memory_space<vmem>> -> memref<1x128x128xf32, #tpu.memory_space<vmem>>
        %dma_start3A_380 = tpu.memref_squeeze %dma_start3A_379 : memref<1x128x128xf32, #tpu.memory_space<vmem>> -> memref<128x128xf32, #tpu.memory_space<vmem>>
        %dma_start3A_381 = arith.constant 0 : i32
        %dma_start3A_382 = tpu.memref_slice %arg5[%add3A_374, %dma_start3A_381] : memref<30x128xi32, #tpu.memory_space<vmem>> -> memref<1x128xi32, #tpu.memory_space<vmem>>
        %dma_start3A_383 = tpu.memref_squeeze %dma_start3A_382 : memref<1x128xi32, #tpu.memory_space<vmem>> -> memref<128xi32, #tpu.memory_space<vmem>>
        %dma_start3A_384 = arith.constant 0 : i32
        %dma_start3A_385 = arith.constant 0 : i32
        %dma_start3A_386 = tpu.memref_slice %arg2[%dma_start3A_384, %dma_start3A_385] : memref<100000x128xf32, #tpu.memory_space<hbm>> -> memref<100000x128xf32, #tpu.memory_space<hbm>>
        %dma_start3A_387 = tpu.memref_slice %arg8[%dma_start3A_376] : memref<5x!tpu.dma_semaphore, #tpu.memory_space<semaphore_mem>> -> memref<1x!tpu.dma_semaphore, #tpu.memory_space<semaphore_mem>>
        %dma_start3A_388 = tpu.memref_squeeze %dma_start3A_387 : memref<1x!tpu.dma_semaphore, #tpu.memory_space<semaphore_mem>> -> memref<!tpu.dma_semaphore, #tpu.memory_space<semaphore_mem>>
        tpu.enqueue_indirect_dma source(%dma_start3A_386 : memref<100000x128xf32, #tpu.memory_space<hbm>>) target(%dma_start3A_380 : memref<128x128xf32, #tpu.memory_space<vmem>>) offsets(%dma_start3A_383 : memref<128xi32, #tpu.memory_space<vmem>>) semaphore(%dma_start3A_388 : memref<!tpu.dma_semaphore, #tpu.memory_space<semaphore_mem>>)
      } else {
      }
    }
    %scan3A_52 = arith.constant 6 : i32
    %dma_wait3A = arith.constant 0 : i32
    %dma_wait3A_53 = arith.constant 0 : i32
    %dma_wait3A_54 = arith.constant 0 : i32
    %dma_wait3A_55 = arith.constant 0 : i32
    %dma_wait3A_56 = tpu.memref_slice %arg7[%dma_wait3A, %dma_wait3A_54, %dma_wait3A_55] : memref<5x128x128xf32, #tpu.memory_space<vmem>> -> memref<1x128x128xf32, #tpu.memory_space<vmem>>
    %dma_wait3A_57 = tpu.memref_squeeze %dma_wait3A_56 : memref<1x128x128xf32, #tpu.memory_space<vmem>> -> memref<128x128xf32, #tpu.memory_space<vmem>>
    %dma_wait3A_58 = arith.constant 0 : i32
    %dma_wait3A_59 = arith.constant 0 : i32
    %dma_wait3A_60 = tpu.memref_slice %arg4[%dma_wait3A_58, %dma_wait3A_59] : memref<122880x128xf32, #tpu.memory_space<hbm>> -> memref<128x128xf32, #tpu.memory_space<hbm>>
    %dma_wait3A_61 = tpu.memref_slice %arg9[%dma_wait3A_53] : memref<5x!tpu.dma_semaphore, #tpu.memory_space<semaphore_mem>> -> memref<1x!tpu.dma_semaphore, #tpu.memory_space<semaphore_mem>>
    %dma_wait3A_62 = tpu.memref_squeeze %dma_wait3A_61 : memref<1x!tpu.dma_semaphore, #tpu.memory_space<semaphore_mem>> -> memref<!tpu.dma_semaphore, #tpu.memory_space<semaphore_mem>>
    %dma_wait3A_63 = arith.constant 0 : i32
    %dma_wait3A_64 = arith.constant 0 : i32
    %dma_wait3A_65 = tpu.memref_slice %arg4[%dma_wait3A_63, %dma_wait3A_64] : memref<122880x128xf32, #tpu.memory_space<hbm>> -> memref<128x128xf32, #tpu.memory_space<hbm>>
    %dma_wait3A_66 = arith.constant 0 : i32
    %dma_wait3A_67 = arith.constant 0 : i32
    %dma_wait3A_68 = tpu.memref_slice %arg7[%dma_wait3A, %dma_wait3A_66, %dma_wait3A_67] : memref<5x128x128xf32, #tpu.memory_space<vmem>> -> memref<1x128x128xf32, #tpu.memory_space<vmem>>
    %dma_wait3A_69 = tpu.memref_squeeze %dma_wait3A_68 : memref<1x128x128xf32, #tpu.memory_space<vmem>> -> memref<128x128xf32, #tpu.memory_space<vmem>>
    tpu.wait_dma2 semaphore(%dma_wait3A_62 : memref<!tpu.dma_semaphore, #tpu.memory_space<semaphore_mem>>) src(%dma_wait3A_69 : memref<128x128xf32, #tpu.memory_space<vmem>>) dst(%dma_wait3A_65 : memref<128x128xf32, #tpu.memory_space<hbm>>)
    %dma_wait3A_70 = arith.constant 1 : i32
    %dma_wait3A_71 = arith.constant 1 : i32
    %dma_wait3A_72 = arith.constant 0 : i32
    %dma_wait3A_73 = arith.constant 0 : i32
    %dma_wait3A_74 = tpu.memref_slice %arg7[%dma_wait3A_70, %dma_wait3A_72, %dma_wait3A_73] : memref<5x128x128xf32, #tpu.memory_space<vmem>> -> memref<1x128x128xf32, #tpu.memory_space<vmem>>
    %dma_wait3A_75 = tpu.memref_squeeze %dma_wait3A_74 : memref<1x128x128xf32, #tpu.memory_space<vmem>> -> memref<128x128xf32, #tpu.memory_space<vmem>>
    %dma_wait3A_76 = arith.constant 0 : i32
    %dma_wait3A_77 = arith.constant 0 : i32
    %dma_wait3A_78 = tpu.memref_slice %arg4[%dma_wait3A_76, %dma_wait3A_77] : memref<122880x128xf32, #tpu.memory_space<hbm>> -> memref<128x128xf32, #tpu.memory_space<hbm>>
    %dma_wait3A_79 = tpu.memref_slice %arg9[%dma_wait3A_71] : memref<5x!tpu.dma_semaphore, #tpu.memory_space<semaphore_mem>> -> memref<1x!tpu.dma_semaphore, #tpu.memory_space<semaphore_mem>>
    %dma_wait3A_80 = tpu.memref_squeeze %dma_wait3A_79 : memref<1x!tpu.dma_semaphore, #tpu.memory_space<semaphore_mem>> -> memref<!tpu.dma_semaphore, #tpu.memory_space<semaphore_mem>>
    %dma_wait3A_81 = arith.constant 0 : i32
    %dma_wait3A_82 = arith.constant 0 : i32
    %dma_wait3A_83 = tpu.memref_slice %arg4[%dma_wait3A_81, %dma_wait3A_82] : memref<122880x128xf32, #tpu.memory_space<hbm>> -> memref<128x128xf32, #tpu.memory_space<hbm>>
    %dma_wait3A_84 = arith.constant 0 : i32
    %dma_wait3A_85 = arith.constant 0 : i32
    %dma_wait3A_86 = tpu.memref_slice %arg7[%dma_wait3A_70, %dma_wait3A_84, %dma_wait3A_85] : memref<5x128x128xf32, #tpu.memory_space<vmem>> -> memref<1x128x128xf32, #tpu.memory_space<vmem>>
    %dma_wait3A_87 = tpu.memref_squeeze %dma_wait3A_86 : memref<1x128x128xf32, #tpu.memory_space<vmem>> -> memref<128x128xf32, #tpu.memory_space<vmem>>
    tpu.wait_dma2 semaphore(%dma_wait3A_80 : memref<!tpu.dma_semaphore, #tpu.memory_space<semaphore_mem>>) src(%dma_wait3A_87 : memref<128x128xf32, #tpu.memory_space<vmem>>) dst(%dma_wait3A_83 : memref<128x128xf32, #tpu.memory_space<hbm>>)
    %dma_wait3A_88 = arith.constant 2 : i32
    %dma_wait3A_89 = arith.constant 2 : i32
    %dma_wait3A_90 = arith.constant 0 : i32
    %dma_wait3A_91 = arith.constant 0 : i32
    %dma_wait3A_92 = tpu.memref_slice %arg7[%dma_wait3A_88, %dma_wait3A_90, %dma_wait3A_91] : memref<5x128x128xf32, #tpu.memory_space<vmem>> -> memref<1x128x128xf32, #tpu.memory_space<vmem>>
    %dma_wait3A_93 = tpu.memref_squeeze %dma_wait3A_92 : memref<1x128x128xf32, #tpu.memory_space<vmem>> -> memref<128x128xf32, #tpu.memory_space<vmem>>
    %dma_wait3A_94 = arith.constant 0 : i32
    %dma_wait3A_95 = arith.constant 0 : i32
    %dma_wait3A_96 = tpu.memref_slice %arg4[%dma_wait3A_94, %dma_wait3A_95] : memref<122880x128xf32, #tpu.memory_space<hbm>> -> memref<128x128xf32, #tpu.memory_space<hbm>>
    %dma_wait3A_97 = tpu.memref_slice %arg9[%dma_wait3A_89] : memref<5x!tpu.dma_semaphore, #tpu.memory_space<semaphore_mem>> -> memref<1x!tpu.dma_semaphore, #tpu.memory_space<semaphore_mem>>
    %dma_wait3A_98 = tpu.memref_squeeze %dma_wait3A_97 : memref<1x!tpu.dma_semaphore, #tpu.memory_space<semaphore_mem>> -> memref<!tpu.dma_semaphore, #tpu.memory_space<semaphore_mem>>
    %dma_wait3A_99 = arith.constant 0 : i32
    %dma_wait3A_100 = arith.constant 0 : i32
    %dma_wait3A_101 = tpu.memref_slice %arg4[%dma_wait3A_99, %dma_wait3A_100] : memref<122880x128xf32, #tpu.memory_space<hbm>> -> memref<128x128xf32, #tpu.memory_space<hbm>>
    %dma_wait3A_102 = arith.constant 0 : i32
    %dma_wait3A_103 = arith.constant 0 : i32
    %dma_wait3A_104 = tpu.memref_slice %arg7[%dma_wait3A_88, %dma_wait3A_102, %dma_wait3A_103] : memref<5x128x128xf32, #tpu.memory_space<vmem>> -> memref<1x128x128xf32, #tpu.memory_space<vmem>>
    %dma_wait3A_105 = tpu.memref_squeeze %dma_wait3A_104 : memref<1x128x128xf32, #tpu.memory_space<vmem>> -> memref<128x128xf32, #tpu.memory_space<vmem>>
    tpu.wait_dma2 semaphore(%dma_wait3A_98 : memref<!tpu.dma_semaphore, #tpu.memory_space<semaphore_mem>>) src(%dma_wait3A_105 : memref<128x128xf32, #tpu.memory_space<vmem>>) dst(%dma_wait3A_101 : memref<128x128xf32, #tpu.memory_space<hbm>>)
    %dma_wait3A_106 = arith.constant 3 : i32
    %dma_wait3A_107 = arith.constant 3 : i32
    %dma_wait3A_108 = arith.constant 0 : i32
    %dma_wait3A_109 = arith.constant 0 : i32
    %dma_wait3A_110 = tpu.memref_slice %arg7[%dma_wait3A_106, %dma_wait3A_108, %dma_wait3A_109] : memref<5x128x128xf32, #tpu.memory_space<vmem>> -> memref<1x128x128xf32, #tpu.memory_space<vmem>>
    %dma_wait3A_111 = tpu.memref_squeeze %dma_wait3A_110 : memref<1x128x128xf32, #tpu.memory_space<vmem>> -> memref<128x128xf32, #tpu.memory_space<vmem>>
    %dma_wait3A_112 = arith.constant 0 : i32
    %dma_wait3A_113 = arith.constant 0 : i32
    %dma_wait3A_114 = tpu.memref_slice %arg4[%dma_wait3A_112, %dma_wait3A_113] : memref<122880x128xf32, #tpu.memory_space<hbm>> -> memref<128x128xf32, #tpu.memory_space<hbm>>
    %dma_wait3A_115 = tpu.memref_slice %arg9[%dma_wait3A_107] : memref<5x!tpu.dma_semaphore, #tpu.memory_space<semaphore_mem>> -> memref<1x!tpu.dma_semaphore, #tpu.memory_space<semaphore_mem>>
    %dma_wait3A_116 = tpu.memref_squeeze %dma_wait3A_115 : memref<1x!tpu.dma_semaphore, #tpu.memory_space<semaphore_mem>> -> memref<!tpu.dma_semaphore, #tpu.memory_space<semaphore_mem>>
    %dma_wait3A_117 = arith.constant 0 : i32
    %dma_wait3A_118 = arith.constant 0 : i32
    %dma_wait3A_119 = tpu.memref_slice %arg4[%dma_wait3A_117, %dma_wait3A_118] : memref<122880x128xf32, #tpu.memory_space<hbm>> -> memref<128x128xf32, #tpu.memory_space<hbm>>
    %dma_wait3A_120 = arith.constant 0 : i32
    %dma_wait3A_121 = arith.constant 0 : i32
    %dma_wait3A_122 = tpu.memref_slice %arg7[%dma_wait3A_106, %dma_wait3A_120, %dma_wait3A_121] : memref<5x128x128xf32, #tpu.memory_space<vmem>> -> memref<1x128x128xf32, #tpu.memory_space<vmem>>
    %dma_wait3A_123 = tpu.memref_squeeze %dma_wait3A_122 : memref<1x128x128xf32, #tpu.memory_space<vmem>> -> memref<128x128xf32, #tpu.memory_space<vmem>>
    tpu.wait_dma2 semaphore(%dma_wait3A_116 : memref<!tpu.dma_semaphore, #tpu.memory_space<semaphore_mem>>) src(%dma_wait3A_123 : memref<128x128xf32, #tpu.memory_space<vmem>>) dst(%dma_wait3A_119 : memref<128x128xf32, #tpu.memory_space<hbm>>)
    %dma_wait3A_124 = arith.constant 4 : i32
    %dma_wait3A_125 = arith.constant 4 : i32
    %dma_wait3A_126 = arith.constant 0 : i32
    %dma_wait3A_127 = arith.constant 0 : i32
    %dma_wait3A_128 = tpu.memref_slice %arg7[%dma_wait3A_124, %dma_wait3A_126, %dma_wait3A_127] : memref<5x128x128xf32, #tpu.memory_space<vmem>> -> memref<1x128x128xf32, #tpu.memory_space<vmem>>
    %dma_wait3A_129 = tpu.memref_squeeze %dma_wait3A_128 : memref<1x128x128xf32, #tpu.memory_space<vmem>> -> memref<128x128xf32, #tpu.memory_space<vmem>>
    %dma_wait3A_130 = arith.constant 0 : i32
    %dma_wait3A_131 = arith.constant 0 : i32
    %dma_wait3A_132 = tpu.memref_slice %arg4[%dma_wait3A_130, %dma_wait3A_131] : memref<122880x128xf32, #tpu.memory_space<hbm>> -> memref<128x128xf32, #tpu.memory_space<hbm>>
    %dma_wait3A_133 = tpu.memref_slice %arg9[%dma_wait3A_125] : memref<5x!tpu.dma_semaphore, #tpu.memory_space<semaphore_mem>> -> memref<1x!tpu.dma_semaphore, #tpu.memory_space<semaphore_mem>>
    %dma_wait3A_134 = tpu.memref_squeeze %dma_wait3A_133 : memref<1x!tpu.dma_semaphore, #tpu.memory_space<semaphore_mem>> -> memref<!tpu.dma_semaphore, #tpu.memory_space<semaphore_mem>>
    %dma_wait3A_135 = arith.constant 0 : i32
    %dma_wait3A_136 = arith.constant 0 : i32
    %dma_wait3A_137 = tpu.memref_slice %arg4[%dma_wait3A_135, %dma_wait3A_136] : memref<122880x128xf32, #tpu.memory_space<hbm>> -> memref<128x128xf32, #tpu.memory_space<hbm>>
    %dma_wait3A_138 = arith.constant 0 : i32
    %dma_wait3A_139 = arith.constant 0 : i32
    %dma_wait3A_140 = tpu.memref_slice %arg7[%dma_wait3A_124, %dma_wait3A_138, %dma_wait3A_139] : memref<5x128x128xf32, #tpu.memory_space<vmem>> -> memref<1x128x128xf32, #tpu.memory_space<vmem>>
    %dma_wait3A_141 = tpu.memref_squeeze %dma_wait3A_140 : memref<1x128x128xf32, #tpu.memory_space<vmem>> -> memref<128x128xf32, #tpu.memory_space<vmem>>
    tpu.wait_dma2 semaphore(%dma_wait3A_134 : memref<!tpu.dma_semaphore, #tpu.memory_space<semaphore_mem>>) src(%dma_wait3A_141 : memref<128x128xf32, #tpu.memory_space<vmem>>) dst(%dma_wait3A_137 : memref<128x128xf32, #tpu.memory_space<hbm>>)
    return
  }
}

#map = affine_map<(d0, d1) -> (0, 0)>
#map1 = affine_map<(d0, d1) -> (0, 0, 0)>
module attributes {stable_mosaic.version = 14 : i64} {
  func.func @body(%arg0: i32, %arg1: i32, %arg2: memref<100000x128xf32, #tpu.memory_space<hbm>>, %arg3: memref<32x25x128xi32, #tpu.memory_space<hbm>>, %arg4: memref<32x3x128xi32, #tpu.memory_space<hbm>>, %arg5: memref<102400x128xf32, #tpu.memory_space<hbm>>, %arg6: memref<12288x128xf32, #tpu.memory_space<hbm>>, %arg7: memref<25x128xi32, #tpu.memory_space<vmem>>, %arg8: memref<3x128xi32, #tpu.memory_space<vmem>>, %arg9: memref<5x128x128xf32, #tpu.memory_space<vmem>>, %arg10: memref<5x!tpu.dma_semaphore, #tpu.memory_space<semaphore_mem>>, %arg11: memref<5x!tpu.dma_semaphore, #tpu.memory_space<semaphore_mem>>) attributes {dimension_semantics = [#tpu.dimension_semantics<core_parallel>, #tpu.dimension_semantics<subcore_parallel>], iteration_bounds = array<i64: 2, 16>, scalar_prefetch = 0 : i64, scratch_operands = 5 : i64, tpu.core_type = #tpu.core_type<sc_vector_subcore>, window_params = [{transform_indices = #map}, {transform_indices = #map1}, {transform_indices = #map1}, {transform_indices = #map}, {transform_indices = #map}]} {
    %mul3A = arith.constant 2 : i32
    %mul3A_0 = arith.muli %arg1, %mul3A : i32
    %add3A = arith.addi %mul3A_0, %arg0 : i32
    "tpu.region"() ({
      %run_scoped3A = tpu.sem_alloc : memref<!tpu.dma_semaphore, #tpu.memory_space<semaphore_mem>>
      %dma_start3A_344 = arith.constant 0 : i32
      %dma_start3A_345 = arith.constant 0 : i32
      %dma_start3A_346 = tpu.memref_slice %arg3[%add3A, %dma_start3A_344, %dma_start3A_345] : memref<32x25x128xi32, #tpu.memory_space<hbm>> -> memref<1x25x128xi32, #tpu.memory_space<hbm>>
      %dma_start3A_347 = tpu.memref_squeeze %dma_start3A_346 : memref<1x25x128xi32, #tpu.memory_space<hbm>> -> memref<25x128xi32, #tpu.memory_space<hbm>>
      %dma_start3A_348 = arith.constant 0 : i32
      %dma_start3A_349 = arith.constant 0 : i32
      %dma_start3A_350 = tpu.memref_slice %arg3[%add3A, %dma_start3A_348, %dma_start3A_349] : memref<32x25x128xi32, #tpu.memory_space<hbm>> -> memref<1x25x128xi32, #tpu.memory_space<hbm>>
      %dma_start3A_351 = tpu.memref_squeeze %dma_start3A_350 : memref<1x25x128xi32, #tpu.memory_space<hbm>> -> memref<25x128xi32, #tpu.memory_space<hbm>>
      tpu.enqueue_dma source(%dma_start3A_351 : memref<25x128xi32, #tpu.memory_space<hbm>>) target(%arg7 : memref<25x128xi32, #tpu.memory_space<vmem>>) target_semaphore(%run_scoped3A : memref<!tpu.dma_semaphore, #tpu.memory_space<semaphore_mem>>)
      %dma_wait3A_352 = arith.constant 0 : i32
      %dma_wait3A_353 = arith.constant 0 : i32
      %dma_wait3A_354 = tpu.memref_slice %arg3[%add3A, %dma_wait3A_352, %dma_wait3A_353] : memref<32x25x128xi32, #tpu.memory_space<hbm>> -> memref<1x25x128xi32, #tpu.memory_space<hbm>>
      %dma_wait3A_355 = tpu.memref_squeeze %dma_wait3A_354 : memref<1x25x128xi32, #tpu.memory_space<hbm>> -> memref<25x128xi32, #tpu.memory_space<hbm>>
      %dma_wait3A_356 = arith.constant 0 : i32
      %dma_wait3A_357 = arith.constant 0 : i32
      %dma_wait3A_358 = tpu.memref_slice %arg3[%add3A, %dma_wait3A_356, %dma_wait3A_357] : memref<32x25x128xi32, #tpu.memory_space<hbm>> -> memref<1x25x128xi32, #tpu.memory_space<hbm>>
      %dma_wait3A_359 = tpu.memref_squeeze %dma_wait3A_358 : memref<1x25x128xi32, #tpu.memory_space<hbm>> -> memref<25x128xi32, #tpu.memory_space<hbm>>
      tpu.wait_dma2 semaphore(%run_scoped3A : memref<!tpu.dma_semaphore, #tpu.memory_space<semaphore_mem>>) src(%dma_wait3A_359 : memref<25x128xi32, #tpu.memory_space<hbm>>) dst(%arg7 : memref<25x128xi32, #tpu.memory_space<vmem>>)
      tpu.yield
    }) : () -> ()
    "tpu.region"() ({
      %run_scoped3A = tpu.sem_alloc : memref<!tpu.dma_semaphore, #tpu.memory_space<semaphore_mem>>
      %dma_start3A_344 = arith.constant 0 : i32
      %dma_start3A_345 = arith.constant 0 : i32
      %dma_start3A_346 = tpu.memref_slice %arg4[%add3A, %dma_start3A_344, %dma_start3A_345] : memref<32x3x128xi32, #tpu.memory_space<hbm>> -> memref<1x3x128xi32, #tpu.memory_space<hbm>>
      %dma_start3A_347 = tpu.memref_squeeze %dma_start3A_346 : memref<1x3x128xi32, #tpu.memory_space<hbm>> -> memref<3x128xi32, #tpu.memory_space<hbm>>
      %dma_start3A_348 = arith.constant 0 : i32
      %dma_start3A_349 = arith.constant 0 : i32
      %dma_start3A_350 = tpu.memref_slice %arg4[%add3A, %dma_start3A_348, %dma_start3A_349] : memref<32x3x128xi32, #tpu.memory_space<hbm>> -> memref<1x3x128xi32, #tpu.memory_space<hbm>>
      %dma_start3A_351 = tpu.memref_squeeze %dma_start3A_350 : memref<1x3x128xi32, #tpu.memory_space<hbm>> -> memref<3x128xi32, #tpu.memory_space<hbm>>
      tpu.enqueue_dma source(%dma_start3A_351 : memref<3x128xi32, #tpu.memory_space<hbm>>) target(%arg8 : memref<3x128xi32, #tpu.memory_space<vmem>>) target_semaphore(%run_scoped3A : memref<!tpu.dma_semaphore, #tpu.memory_space<semaphore_mem>>)
      %dma_wait3A_352 = arith.constant 0 : i32
      %dma_wait3A_353 = arith.constant 0 : i32
      %dma_wait3A_354 = tpu.memref_slice %arg4[%add3A, %dma_wait3A_352, %dma_wait3A_353] : memref<32x3x128xi32, #tpu.memory_space<hbm>> -> memref<1x3x128xi32, #tpu.memory_space<hbm>>
      %dma_wait3A_355 = tpu.memref_squeeze %dma_wait3A_354 : memref<1x3x128xi32, #tpu.memory_space<hbm>> -> memref<3x128xi32, #tpu.memory_space<hbm>>
      %dma_wait3A_356 = arith.constant 0 : i32
      %dma_wait3A_357 = arith.constant 0 : i32
      %dma_wait3A_358 = tpu.memref_slice %arg4[%add3A, %dma_wait3A_356, %dma_wait3A_357] : memref<32x3x128xi32, #tpu.memory_space<hbm>> -> memref<1x3x128xi32, #tpu.memory_space<hbm>>
      %dma_wait3A_359 = tpu.memref_squeeze %dma_wait3A_358 : memref<1x3x128xi32, #tpu.memory_space<hbm>> -> memref<3x128xi32, #tpu.memory_space<hbm>>
      tpu.wait_dma2 semaphore(%run_scoped3A : memref<!tpu.dma_semaphore, #tpu.memory_space<semaphore_mem>>) src(%dma_wait3A_359 : memref<3x128xi32, #tpu.memory_space<hbm>>) dst(%arg8 : memref<3x128xi32, #tpu.memory_space<vmem>>)
      tpu.yield
    }) : () -> ()
    %mul3A_1 = arith.constant 25 : i32
    %mul3A_2 = arith.muli %add3A, %mul3A_1 : i32
    %mul3A_3 = arith.constant 128 : i32
    %mul3A_4 = arith.muli %mul3A_2, %mul3A_3 : i32
    %dma_start3A = arith.constant 0 : i32
    %dma_start3A_5 = arith.constant 0 : i32
    %dma_start3A_6 = arith.constant 0 : i32
    %dma_start3A_7 = arith.constant 0 : i32
    %dma_start3A_8 = arith.constant 0 : i32
    %dma_start3A_9 = tpu.memref_slice %arg9[%dma_start3A_5, %dma_start3A_7, %dma_start3A_8] : memref<5x128x128xf32, #tpu.memory_space<vmem>> -> memref<1x128x128xf32, #tpu.memory_space<vmem>>
    %dma_start3A_10 = tpu.memref_squeeze %dma_start3A_9 : memref<1x128x128xf32, #tpu.memory_space<vmem>> -> memref<128x128xf32, #tpu.memory_space<vmem>>
    %dma_start3A_11 = arith.constant 0 : i32
    %dma_start3A_12 = tpu.memref_slice %arg7[%dma_start3A, %dma_start3A_11] : memref<25x128xi32, #tpu.memory_space<vmem>> -> memref<1x128xi32, #tpu.memory_space<vmem>>
    %dma_start3A_13 = tpu.memref_squeeze %dma_start3A_12 : memref<1x128xi32, #tpu.memory_space<vmem>> -> memref<128xi32, #tpu.memory_space<vmem>>
    %dma_start3A_14 = arith.constant 0 : i32
    %dma_start3A_15 = arith.constant 0 : i32
    %dma_start3A_16 = tpu.memref_slice %arg2[%dma_start3A_14, %dma_start3A_15] : memref<100000x128xf32, #tpu.memory_space<hbm>> -> memref<100000x128xf32, #tpu.memory_space<hbm>>
    %dma_start3A_17 = tpu.memref_slice %arg10[%dma_start3A_6] : memref<5x!tpu.dma_semaphore, #tpu.memory_space<semaphore_mem>> -> memref<1x!tpu.dma_semaphore, #tpu.memory_space<semaphore_mem>>
    %dma_start3A_18 = tpu.memref_squeeze %dma_start3A_17 : memref<1x!tpu.dma_semaphore, #tpu.memory_space<semaphore_mem>> -> memref<!tpu.dma_semaphore, #tpu.memory_space<semaphore_mem>>
    tpu.enqueue_indirect_dma source(%dma_start3A_16 : memref<100000x128xf32, #tpu.memory_space<hbm>>) target(%dma_start3A_10 : memref<128x128xf32, #tpu.memory_space<vmem>>) offsets(%dma_start3A_13 : memref<128xi32, #tpu.memory_space<vmem>>) semaphore(%dma_start3A_18 : memref<!tpu.dma_semaphore, #tpu.memory_space<semaphore_mem>>)
    %dma_start3A_19 = arith.constant 1 : i32
    %dma_start3A_20 = arith.constant 1 : i32
    %dma_start3A_21 = arith.constant 1 : i32
    %dma_start3A_22 = arith.constant 0 : i32
    %dma_start3A_23 = arith.constant 0 : i32
    %dma_start3A_24 = tpu.memref_slice %arg9[%dma_start3A_20, %dma_start3A_22, %dma_start3A_23] : memref<5x128x128xf32, #tpu.memory_space<vmem>> -> memref<1x128x128xf32, #tpu.memory_space<vmem>>
    %dma_start3A_25 = tpu.memref_squeeze %dma_start3A_24 : memref<1x128x128xf32, #tpu.memory_space<vmem>> -> memref<128x128xf32, #tpu.memory_space<vmem>>
    %dma_start3A_26 = arith.constant 0 : i32
    %dma_start3A_27 = tpu.memref_slice %arg7[%dma_start3A_19, %dma_start3A_26] : memref<25x128xi32, #tpu.memory_space<vmem>> -> memref<1x128xi32, #tpu.memory_space<vmem>>
    %dma_start3A_28 = tpu.memref_squeeze %dma_start3A_27 : memref<1x128xi32, #tpu.memory_space<vmem>> -> memref<128xi32, #tpu.memory_space<vmem>>
    %dma_start3A_29 = arith.constant 0 : i32
    %dma_start3A_30 = arith.constant 0 : i32
    %dma_start3A_31 = tpu.memref_slice %arg2[%dma_start3A_29, %dma_start3A_30] : memref<100000x128xf32, #tpu.memory_space<hbm>> -> memref<100000x128xf32, #tpu.memory_space<hbm>>
    %dma_start3A_32 = tpu.memref_slice %arg10[%dma_start3A_21] : memref<5x!tpu.dma_semaphore, #tpu.memory_space<semaphore_mem>> -> memref<1x!tpu.dma_semaphore, #tpu.memory_space<semaphore_mem>>
    %dma_start3A_33 = tpu.memref_squeeze %dma_start3A_32 : memref<1x!tpu.dma_semaphore, #tpu.memory_space<semaphore_mem>> -> memref<!tpu.dma_semaphore, #tpu.memory_space<semaphore_mem>>
    tpu.enqueue_indirect_dma source(%dma_start3A_31 : memref<100000x128xf32, #tpu.memory_space<hbm>>) target(%dma_start3A_25 : memref<128x128xf32, #tpu.memory_space<vmem>>) offsets(%dma_start3A_28 : memref<128xi32, #tpu.memory_space<vmem>>) semaphore(%dma_start3A_33 : memref<!tpu.dma_semaphore, #tpu.memory_space<semaphore_mem>>)
    %dma_start3A_34 = arith.constant 2 : i32
    %dma_start3A_35 = arith.constant 2 : i32
    %dma_start3A_36 = arith.constant 2 : i32
    %dma_start3A_37 = arith.constant 0 : i32
    %dma_start3A_38 = arith.constant 0 : i32
    %dma_start3A_39 = tpu.memref_slice %arg9[%dma_start3A_35, %dma_start3A_37, %dma_start3A_38] : memref<5x128x128xf32, #tpu.memory_space<vmem>> -> memref<1x128x128xf32, #tpu.memory_space<vmem>>
    %dma_start3A_40 = tpu.memref_squeeze %dma_start3A_39 : memref<1x128x128xf32, #tpu.memory_space<vmem>> -> memref<128x128xf32, #tpu.memory_space<vmem>>
    %dma_start3A_41 = arith.constant 0 : i32
    %dma_start3A_42 = tpu.memref_slice %arg7[%dma_start3A_34, %dma_start3A_41] : memref<25x128xi32, #tpu.memory_space<vmem>> -> memref<1x128xi32, #tpu.memory_space<vmem>>
    %dma_start3A_43 = tpu.memref_squeeze %dma_start3A_42 : memref<1x128xi32, #tpu.memory_space<vmem>> -> memref<128xi32, #tpu.memory_space<vmem>>
    %dma_start3A_44 = arith.constant 0 : i32
    %dma_start3A_45 = arith.constant 0 : i32
    %dma_start3A_46 = tpu.memref_slice %arg2[%dma_start3A_44, %dma_start3A_45] : memref<100000x128xf32, #tpu.memory_space<hbm>> -> memref<100000x128xf32, #tpu.memory_space<hbm>>
    %dma_start3A_47 = tpu.memref_slice %arg10[%dma_start3A_36] : memref<5x!tpu.dma_semaphore, #tpu.memory_space<semaphore_mem>> -> memref<1x!tpu.dma_semaphore, #tpu.memory_space<semaphore_mem>>
    %dma_start3A_48 = tpu.memref_squeeze %dma_start3A_47 : memref<1x!tpu.dma_semaphore, #tpu.memory_space<semaphore_mem>> -> memref<!tpu.dma_semaphore, #tpu.memory_space<semaphore_mem>>
    tpu.enqueue_indirect_dma source(%dma_start3A_46 : memref<100000x128xf32, #tpu.memory_space<hbm>>) target(%dma_start3A_40 : memref<128x128xf32, #tpu.memory_space<vmem>>) offsets(%dma_start3A_43 : memref<128xi32, #tpu.memory_space<vmem>>) semaphore(%dma_start3A_48 : memref<!tpu.dma_semaphore, #tpu.memory_space<semaphore_mem>>)
    %scan3A = arith.constant 0 : i32
    %scan3A_49 = arith.constant 5 : i32
    %scan3A_50 = arith.addi %scan3A, %scan3A_49 : i32
    %scan3A_51 = arith.constant 1 : i32
    scf.for %scan3A_344 = %scan3A to %scan3A_50 step %scan3A_51  : i32 {
      %mul3A_345 = arith.constant 1 : i32
      %mul3A_346 = arith.muli %scan3A_344, %mul3A_345 : i32
      %add3A_347 = arith.constant 0 : i32
      %add3A_348 = arith.addi %add3A_347, %mul3A_346 : i32
      %mul3A_349 = arith.constant 5 : i32
      %mul3A_350 = arith.muli %mul3A_349, %add3A_348 : i32
      %add3A_351 = arith.constant 0 : i32
      %add3A_352 = arith.addi %mul3A_350, %add3A_351 : i32
      %dma_wait3A_353 = arith.constant 0 : i32
      %dma_wait3A_354 = arith.constant 0 : i32
      %dma_wait3A_355 = arith.constant 0 : i32
      %dma_wait3A_356 = arith.constant 0 : i32
      %dma_wait3A_357 = arith.constant 0 : i32
      %dma_wait3A_358 = tpu.memref_slice %arg9[%dma_wait3A_354, %dma_wait3A_356, %dma_wait3A_357] : memref<5x128x128xf32, #tpu.memory_space<vmem>> -> memref<1x128x128xf32, #tpu.memory_space<vmem>>
      %dma_wait3A_359 = tpu.memref_squeeze %dma_wait3A_358 : memref<1x128x128xf32, #tpu.memory_space<vmem>> -> memref<128x128xf32, #tpu.memory_space<vmem>>
      %dma_wait3A_360 = arith.constant 0 : i32
      %dma_wait3A_361 = tpu.memref_slice %arg7[%dma_wait3A_353, %dma_wait3A_360] : memref<25x128xi32, #tpu.memory_space<vmem>> -> memref<1x128xi32, #tpu.memory_space<vmem>>
      %dma_wait3A_362 = tpu.memref_squeeze %dma_wait3A_361 : memref<1x128xi32, #tpu.memory_space<vmem>> -> memref<128xi32, #tpu.memory_space<vmem>>
      %dma_wait3A_363 = arith.constant 0 : i32
      %dma_wait3A_364 = arith.constant 0 : i32
      %dma_wait3A_365 = tpu.memref_slice %arg2[%dma_wait3A_363, %dma_wait3A_364] : memref<100000x128xf32, #tpu.memory_space<hbm>> -> memref<100000x128xf32, #tpu.memory_space<hbm>>
      %dma_wait3A_366 = tpu.memref_slice %arg10[%dma_wait3A_355] : memref<5x!tpu.dma_semaphore, #tpu.memory_space<semaphore_mem>> -> memref<1x!tpu.dma_semaphore, #tpu.memory_space<semaphore_mem>>
      %dma_wait3A_367 = tpu.memref_squeeze %dma_wait3A_366 : memref<1x!tpu.dma_semaphore, #tpu.memory_space<semaphore_mem>> -> memref<!tpu.dma_semaphore, #tpu.memory_space<semaphore_mem>>
      tpu.wait_indirect_dma semaphore(%dma_wait3A_367 : memref<!tpu.dma_semaphore, #tpu.memory_space<semaphore_mem>>) src(%dma_wait3A_365 : memref<100000x128xf32, #tpu.memory_space<hbm>>) dst(%dma_wait3A_359 : memref<128x128xf32, #tpu.memory_space<vmem>>)
      %mul3A_368 = arith.constant 128 : i32
      %mul3A_369 = arith.muli %add3A_352, %mul3A_368 : i32
      %add3A_370 = arith.addi %mul3A_4, %mul3A_369 : i32
      %dma_start3A_371 = arith.constant 0 : i32
      %dma_start3A_372 = arith.constant 0 : i32
      %dma_start3A_373 = arith.constant 0 : i32
      %dma_start3A_374 = arith.constant 0 : i32
      %dma_start3A_375 = tpu.memref_slice %arg9[%dma_start3A_371, %dma_start3A_373, %dma_start3A_374] : memref<5x128x128xf32, #tpu.memory_space<vmem>> -> memref<1x128x128xf32, #tpu.memory_space<vmem>>
      %dma_start3A_376 = tpu.memref_squeeze %dma_start3A_375 : memref<1x128x128xf32, #tpu.memory_space<vmem>> -> memref<128x128xf32, #tpu.memory_space<vmem>>
      %dma_start3A_377 = arith.constant 0 : i32
      %dma_start3A_378 = tpu.memref_slice %arg5[%add3A_370, %dma_start3A_377] : memref<102400x128xf32, #tpu.memory_space<hbm>> -> memref<128x128xf32, #tpu.memory_space<hbm>>
      %dma_start3A_379 = tpu.memref_slice %arg11[%dma_start3A_372] : memref<5x!tpu.dma_semaphore, #tpu.memory_space<semaphore_mem>> -> memref<1x!tpu.dma_semaphore, #tpu.memory_space<semaphore_mem>>
      %dma_start3A_380 = tpu.memref_squeeze %dma_start3A_379 : memref<1x!tpu.dma_semaphore, #tpu.memory_space<semaphore_mem>> -> memref<!tpu.dma_semaphore, #tpu.memory_space<semaphore_mem>>
      %dma_start3A_381 = arith.constant 0 : i32
      %dma_start3A_382 = tpu.memref_slice %arg5[%add3A_370, %dma_start3A_381] : memref<102400x128xf32, #tpu.memory_space<hbm>> -> memref<128x128xf32, #tpu.memory_space<hbm>>
      %dma_start3A_383 = arith.constant 0 : i32
      %dma_start3A_384 = arith.constant 0 : i32
      %dma_start3A_385 = tpu.memref_slice %arg9[%dma_start3A_371, %dma_start3A_383, %dma_start3A_384] : memref<5x128x128xf32, #tpu.memory_space<vmem>> -> memref<1x128x128xf32, #tpu.memory_space<vmem>>
      %dma_start3A_386 = tpu.memref_squeeze %dma_start3A_385 : memref<1x128x128xf32, #tpu.memory_space<vmem>> -> memref<128x128xf32, #tpu.memory_space<vmem>>
      tpu.enqueue_dma source(%dma_start3A_386 : memref<128x128xf32, #tpu.memory_space<vmem>>) target(%dma_start3A_382 : memref<128x128xf32, #tpu.memory_space<hbm>>) target_semaphore(%dma_start3A_380 : memref<!tpu.dma_semaphore, #tpu.memory_space<semaphore_mem>>)
      %add3A_387 = arith.constant 3 : i32
      %add3A_388 = arith.addi %add3A_352, %add3A_387 : i32
      %lt3A = arith.constant 25 : i32
      %lt3A_389 = arith.cmpi slt, %add3A_388, %lt3A : i32
      %convert_element_type3A = arith.extui %lt3A_389 : i1 to i32
      %cond3A = arith.constant 0 : i32
      %cond3A_390 = arith.cmpi ne, %convert_element_type3A, %cond3A : i32
      scf.if %cond3A_390 {
        %ge3A = arith.constant 2 : i32
        %ge3A_571 = arith.cmpi sge, %add3A_352, %ge3A : i32
        %convert_element_type3A_572 = arith.extui %ge3A_571 : i1 to i32
        %cond3A_573 = arith.constant 0 : i32
        %cond3A_574 = arith.cmpi ne, %convert_element_type3A_572, %cond3A_573 : i32
        scf.if %cond3A_574 {
          %dma_wait3A_591 = arith.constant 3 : i32
          %dma_wait3A_592 = arith.constant 3 : i32
          %dma_wait3A_593 = arith.constant 0 : i32
          %dma_wait3A_594 = arith.constant 0 : i32
          %dma_wait3A_595 = tpu.memref_slice %arg9[%dma_wait3A_591, %dma_wait3A_593, %dma_wait3A_594] : memref<5x128x128xf32, #tpu.memory_space<vmem>> -> memref<1x128x128xf32, #tpu.memory_space<vmem>>
          %dma_wait3A_596 = tpu.memref_squeeze %dma_wait3A_595 : memref<1x128x128xf32, #tpu.memory_space<vmem>> -> memref<128x128xf32, #tpu.memory_space<vmem>>
          %dma_wait3A_597 = arith.constant 0 : i32
          %dma_wait3A_598 = arith.constant 0 : i32
          %dma_wait3A_599 = tpu.memref_slice %arg5[%dma_wait3A_597, %dma_wait3A_598] : memref<102400x128xf32, #tpu.memory_space<hbm>> -> memref<128x128xf32, #tpu.memory_space<hbm>>
          %dma_wait3A_600 = tpu.memref_slice %arg11[%dma_wait3A_592] : memref<5x!tpu.dma_semaphore, #tpu.memory_space<semaphore_mem>> -> memref<1x!tpu.dma_semaphore, #tpu.memory_space<semaphore_mem>>
          %dma_wait3A_601 = tpu.memref_squeeze %dma_wait3A_600 : memref<1x!tpu.dma_semaphore, #tpu.memory_space<semaphore_mem>> -> memref<!tpu.dma_semaphore, #tpu.memory_space<semaphore_mem>>
          %dma_wait3A_602 = arith.constant 0 : i32
          %dma_wait3A_603 = arith.constant 0 : i32
          %dma_wait3A_604 = tpu.memref_slice %arg5[%dma_wait3A_602, %dma_wait3A_603] : memref<102400x128xf32, #tpu.memory_space<hbm>> -> memref<128x128xf32, #tpu.memory_space<hbm>>
          %dma_wait3A_605 = arith.constant 0 : i32
          %dma_wait3A_606 = arith.constant 0 : i32
          %dma_wait3A_607 = tpu.memref_slice %arg9[%dma_wait3A_591, %dma_wait3A_605, %dma_wait3A_606] : memref<5x128x128xf32, #tpu.memory_space<vmem>> -> memref<1x128x128xf32, #tpu.memory_space<vmem>>
          %dma_wait3A_608 = tpu.memref_squeeze %dma_wait3A_607 : memref<1x128x128xf32, #tpu.memory_space<vmem>> -> memref<128x128xf32, #tpu.memory_space<vmem>>
          tpu.wait_dma2 semaphore(%dma_wait3A_601 : memref<!tpu.dma_semaphore, #tpu.memory_space<semaphore_mem>>) src(%dma_wait3A_608 : memref<128x128xf32, #tpu.memory_space<vmem>>) dst(%dma_wait3A_604 : memref<128x128xf32, #tpu.memory_space<hbm>>)
        } else {
        }
        %add3A_575 = arith.constant 3 : i32
        %add3A_576 = arith.addi %add3A_352, %add3A_575 : i32
        %dma_start3A_577 = arith.constant 3 : i32
        %dma_start3A_578 = arith.constant 3 : i32
        %dma_start3A_579 = arith.constant 0 : i32
        %dma_start3A_580 = arith.constant 0 : i32
        %dma_start3A_581 = tpu.memref_slice %arg9[%dma_start3A_577, %dma_start3A_579, %dma_start3A_580] : memref<5x128x128xf32, #tpu.memory_space<vmem>> -> memref<1x128x128xf32, #tpu.memory_space<vmem>>
        %dma_start3A_582 = tpu.memref_squeeze %dma_start3A_581 : memref<1x128x128xf32, #tpu.memory_space<vmem>> -> memref<128x128xf32, #tpu.memory_space<vmem>>
        %dma_start3A_583 = arith.constant 0 : i32
        %dma_start3A_584 = tpu.memref_slice %arg7[%add3A_576, %dma_start3A_583] : memref<25x128xi32, #tpu.memory_space<vmem>> -> memref<1x128xi32, #tpu.memory_space<vmem>>
        %dma_start3A_585 = tpu.memref_squeeze %dma_start3A_584 : memref<1x128xi32, #tpu.memory_space<vmem>> -> memref<128xi32, #tpu.memory_space<vmem>>
        %dma_start3A_586 = arith.constant 0 : i32
        %dma_start3A_587 = arith.constant 0 : i32
        %dma_start3A_588 = tpu.memref_slice %arg2[%dma_start3A_586, %dma_start3A_587] : memref<100000x128xf32, #tpu.memory_space<hbm>> -> memref<100000x128xf32, #tpu.memory_space<hbm>>
        %dma_start3A_589 = tpu.memref_slice %arg10[%dma_start3A_578] : memref<5x!tpu.dma_semaphore, #tpu.memory_space<semaphore_mem>> -> memref<1x!tpu.dma_semaphore, #tpu.memory_space<semaphore_mem>>
        %dma_start3A_590 = tpu.memref_squeeze %dma_start3A_589 : memref<1x!tpu.dma_semaphore, #tpu.memory_space<semaphore_mem>> -> memref<!tpu.dma_semaphore, #tpu.memory_space<semaphore_mem>>
        tpu.enqueue_indirect_dma source(%dma_start3A_588 : memref<100000x128xf32, #tpu.memory_space<hbm>>) target(%dma_start3A_582 : memref<128x128xf32, #tpu.memory_space<vmem>>) offsets(%dma_start3A_585 : memref<128xi32, #tpu.memory_space<vmem>>) semaphore(%dma_start3A_590 : memref<!tpu.dma_semaphore, #tpu.memory_space<semaphore_mem>>)
      } else {
      }
      %mul3A_391 = arith.constant 5 : i32
      %mul3A_392 = arith.muli %mul3A_391, %add3A_348 : i32
      %add3A_393 = arith.constant 1 : i32
      %add3A_394 = arith.addi %mul3A_392, %add3A_393 : i32
      %dma_wait3A_395 = arith.constant 0 : i32
      %dma_wait3A_396 = arith.constant 1 : i32
      %dma_wait3A_397 = arith.constant 1 : i32
      %dma_wait3A_398 = arith.constant 0 : i32
      %dma_wait3A_399 = arith.constant 0 : i32
      %dma_wait3A_400 = tpu.memref_slice %arg9[%dma_wait3A_396, %dma_wait3A_398, %dma_wait3A_399] : memref<5x128x128xf32, #tpu.memory_space<vmem>> -> memref<1x128x128xf32, #tpu.memory_space<vmem>>
      %dma_wait3A_401 = tpu.memref_squeeze %dma_wait3A_400 : memref<1x128x128xf32, #tpu.memory_space<vmem>> -> memref<128x128xf32, #tpu.memory_space<vmem>>
      %dma_wait3A_402 = arith.constant 0 : i32
      %dma_wait3A_403 = tpu.memref_slice %arg7[%dma_wait3A_395, %dma_wait3A_402] : memref<25x128xi32, #tpu.memory_space<vmem>> -> memref<1x128xi32, #tpu.memory_space<vmem>>
      %dma_wait3A_404 = tpu.memref_squeeze %dma_wait3A_403 : memref<1x128xi32, #tpu.memory_space<vmem>> -> memref<128xi32, #tpu.memory_space<vmem>>
      %dma_wait3A_405 = arith.constant 0 : i32
      %dma_wait3A_406 = arith.constant 0 : i32
      %dma_wait3A_407 = tpu.memref_slice %arg2[%dma_wait3A_405, %dma_wait3A_406] : memref<100000x128xf32, #tpu.memory_space<hbm>> -> memref<100000x128xf32, #tpu.memory_space<hbm>>
      %dma_wait3A_408 = tpu.memref_slice %arg10[%dma_wait3A_397] : memref<5x!tpu.dma_semaphore, #tpu.memory_space<semaphore_mem>> -> memref<1x!tpu.dma_semaphore, #tpu.memory_space<semaphore_mem>>
      %dma_wait3A_409 = tpu.memref_squeeze %dma_wait3A_408 : memref<1x!tpu.dma_semaphore, #tpu.memory_space<semaphore_mem>> -> memref<!tpu.dma_semaphore, #tpu.memory_space<semaphore_mem>>
      tpu.wait_indirect_dma semaphore(%dma_wait3A_409 : memref<!tpu.dma_semaphore, #tpu.memory_space<semaphore_mem>>) src(%dma_wait3A_407 : memref<100000x128xf32, #tpu.memory_space<hbm>>) dst(%dma_wait3A_401 : memref<128x128xf32, #tpu.memory_space<vmem>>)
      %mul3A_410 = arith.constant 128 : i32
      %mul3A_411 = arith.muli %add3A_394, %mul3A_410 : i32
      %add3A_412 = arith.addi %mul3A_4, %mul3A_411 : i32
      %dma_start3A_413 = arith.constant 1 : i32
      %dma_start3A_414 = arith.constant 1 : i32
      %dma_start3A_415 = arith.constant 0 : i32
      %dma_start3A_416 = arith.constant 0 : i32
      %dma_start3A_417 = tpu.memref_slice %arg9[%dma_start3A_413, %dma_start3A_415, %dma_start3A_416] : memref<5x128x128xf32, #tpu.memory_space<vmem>> -> memref<1x128x128xf32, #tpu.memory_space<vmem>>
      %dma_start3A_418 = tpu.memref_squeeze %dma_start3A_417 : memref<1x128x128xf32, #tpu.memory_space<vmem>> -> memref<128x128xf32, #tpu.memory_space<vmem>>
      %dma_start3A_419 = arith.constant 0 : i32
      %dma_start3A_420 = tpu.memref_slice %arg5[%add3A_412, %dma_start3A_419] : memref<102400x128xf32, #tpu.memory_space<hbm>> -> memref<128x128xf32, #tpu.memory_space<hbm>>
      %dma_start3A_421 = tpu.memref_slice %arg11[%dma_start3A_414] : memref<5x!tpu.dma_semaphore, #tpu.memory_space<semaphore_mem>> -> memref<1x!tpu.dma_semaphore, #tpu.memory_space<semaphore_mem>>
      %dma_start3A_422 = tpu.memref_squeeze %dma_start3A_421 : memref<1x!tpu.dma_semaphore, #tpu.memory_space<semaphore_mem>> -> memref<!tpu.dma_semaphore, #tpu.memory_space<semaphore_mem>>
      %dma_start3A_423 = arith.constant 0 : i32
      %dma_start3A_424 = tpu.memref_slice %arg5[%add3A_412, %dma_start3A_423] : memref<102400x128xf32, #tpu.memory_space<hbm>> -> memref<128x128xf32, #tpu.memory_space<hbm>>
      %dma_start3A_425 = arith.constant 0 : i32
      %dma_start3A_426 = arith.constant 0 : i32
      %dma_start3A_427 = tpu.memref_slice %arg9[%dma_start3A_413, %dma_start3A_425, %dma_start3A_426] : memref<5x128x128xf32, #tpu.memory_space<vmem>> -> memref<1x128x128xf32, #tpu.memory_space<vmem>>
      %dma_start3A_428 = tpu.memref_squeeze %dma_start3A_427 : memref<1x128x128xf32, #tpu.memory_space<vmem>> -> memref<128x128xf32, #tpu.memory_space<vmem>>
      tpu.enqueue_dma source(%dma_start3A_428 : memref<128x128xf32, #tpu.memory_space<vmem>>) target(%dma_start3A_424 : memref<128x128xf32, #tpu.memory_space<hbm>>) target_semaphore(%dma_start3A_422 : memref<!tpu.dma_semaphore, #tpu.memory_space<semaphore_mem>>)
      %add3A_429 = arith.constant 3 : i32
      %add3A_430 = arith.addi %add3A_394, %add3A_429 : i32
      %lt3A_431 = arith.constant 25 : i32
      %lt3A_432 = arith.cmpi slt, %add3A_430, %lt3A_431 : i32
      %convert_element_type3A_433 = arith.extui %lt3A_432 : i1 to i32
      %cond3A_434 = arith.constant 0 : i32
      %cond3A_435 = arith.cmpi ne, %convert_element_type3A_433, %cond3A_434 : i32
      scf.if %cond3A_435 {
        %ge3A = arith.constant 2 : i32
        %ge3A_571 = arith.cmpi sge, %add3A_394, %ge3A : i32
        %convert_element_type3A_572 = arith.extui %ge3A_571 : i1 to i32
        %cond3A_573 = arith.constant 0 : i32
        %cond3A_574 = arith.cmpi ne, %convert_element_type3A_572, %cond3A_573 : i32
        scf.if %cond3A_574 {
          %dma_wait3A_591 = arith.constant 4 : i32
          %dma_wait3A_592 = arith.constant 4 : i32
          %dma_wait3A_593 = arith.constant 0 : i32
          %dma_wait3A_594 = arith.constant 0 : i32
          %dma_wait3A_595 = tpu.memref_slice %arg9[%dma_wait3A_591, %dma_wait3A_593, %dma_wait3A_594] : memref<5x128x128xf32, #tpu.memory_space<vmem>> -> memref<1x128x128xf32, #tpu.memory_space<vmem>>
          %dma_wait3A_596 = tpu.memref_squeeze %dma_wait3A_595 : memref<1x128x128xf32, #tpu.memory_space<vmem>> -> memref<128x128xf32, #tpu.memory_space<vmem>>
          %dma_wait3A_597 = arith.constant 0 : i32
          %dma_wait3A_598 = arith.constant 0 : i32
          %dma_wait3A_599 = tpu.memref_slice %arg5[%dma_wait3A_597, %dma_wait3A_598] : memref<102400x128xf32, #tpu.memory_space<hbm>> -> memref<128x128xf32, #tpu.memory_space<hbm>>
          %dma_wait3A_600 = tpu.memref_slice %arg11[%dma_wait3A_592] : memref<5x!tpu.dma_semaphore, #tpu.memory_space<semaphore_mem>> -> memref<1x!tpu.dma_semaphore, #tpu.memory_space<semaphore_mem>>
          %dma_wait3A_601 = tpu.memref_squeeze %dma_wait3A_600 : memref<1x!tpu.dma_semaphore, #tpu.memory_space<semaphore_mem>> -> memref<!tpu.dma_semaphore, #tpu.memory_space<semaphore_mem>>
          %dma_wait3A_602 = arith.constant 0 : i32
          %dma_wait3A_603 = arith.constant 0 : i32
          %dma_wait3A_604 = tpu.memref_slice %arg5[%dma_wait3A_602, %dma_wait3A_603] : memref<102400x128xf32, #tpu.memory_space<hbm>> -> memref<128x128xf32, #tpu.memory_space<hbm>>
          %dma_wait3A_605 = arith.constant 0 : i32
          %dma_wait3A_606 = arith.constant 0 : i32
          %dma_wait3A_607 = tpu.memref_slice %arg9[%dma_wait3A_591, %dma_wait3A_605, %dma_wait3A_606] : memref<5x128x128xf32, #tpu.memory_space<vmem>> -> memref<1x128x128xf32, #tpu.memory_space<vmem>>
          %dma_wait3A_608 = tpu.memref_squeeze %dma_wait3A_607 : memref<1x128x128xf32, #tpu.memory_space<vmem>> -> memref<128x128xf32, #tpu.memory_space<vmem>>
          tpu.wait_dma2 semaphore(%dma_wait3A_601 : memref<!tpu.dma_semaphore, #tpu.memory_space<semaphore_mem>>) src(%dma_wait3A_608 : memref<128x128xf32, #tpu.memory_space<vmem>>) dst(%dma_wait3A_604 : memref<128x128xf32, #tpu.memory_space<hbm>>)
        } else {
        }
        %add3A_575 = arith.constant 3 : i32
        %add3A_576 = arith.addi %add3A_394, %add3A_575 : i32
        %dma_start3A_577 = arith.constant 4 : i32
        %dma_start3A_578 = arith.constant 4 : i32
        %dma_start3A_579 = arith.constant 0 : i32
        %dma_start3A_580 = arith.constant 0 : i32
        %dma_start3A_581 = tpu.memref_slice %arg9[%dma_start3A_577, %dma_start3A_579, %dma_start3A_580] : memref<5x128x128xf32, #tpu.memory_space<vmem>> -> memref<1x128x128xf32, #tpu.memory_space<vmem>>
        %dma_start3A_582 = tpu.memref_squeeze %dma_start3A_581 : memref<1x128x128xf32, #tpu.memory_space<vmem>> -> memref<128x128xf32, #tpu.memory_space<vmem>>
        %dma_start3A_583 = arith.constant 0 : i32
        %dma_start3A_584 = tpu.memref_slice %arg7[%add3A_576, %dma_start3A_583] : memref<25x128xi32, #tpu.memory_space<vmem>> -> memref<1x128xi32, #tpu.memory_space<vmem>>
        %dma_start3A_585 = tpu.memref_squeeze %dma_start3A_584 : memref<1x128xi32, #tpu.memory_space<vmem>> -> memref<128xi32, #tpu.memory_space<vmem>>
        %dma_start3A_586 = arith.constant 0 : i32
        %dma_start3A_587 = arith.constant 0 : i32
        %dma_start3A_588 = tpu.memref_slice %arg2[%dma_start3A_586, %dma_start3A_587] : memref<100000x128xf32, #tpu.memory_space<hbm>> -> memref<100000x128xf32, #tpu.memory_space<hbm>>
        %dma_start3A_589 = tpu.memref_slice %arg10[%dma_start3A_578] : memref<5x!tpu.dma_semaphore, #tpu.memory_space<semaphore_mem>> -> memref<1x!tpu.dma_semaphore, #tpu.memory_space<semaphore_mem>>
        %dma_start3A_590 = tpu.memref_squeeze %dma_start3A_589 : memref<1x!tpu.dma_semaphore, #tpu.memory_space<semaphore_mem>> -> memref<!tpu.dma_semaphore, #tpu.memory_space<semaphore_mem>>
        tpu.enqueue_indirect_dma source(%dma_start3A_588 : memref<100000x128xf32, #tpu.memory_space<hbm>>) target(%dma_start3A_582 : memref<128x128xf32, #tpu.memory_space<vmem>>) offsets(%dma_start3A_585 : memref<128xi32, #tpu.memory_space<vmem>>) semaphore(%dma_start3A_590 : memref<!tpu.dma_semaphore, #tpu.memory_space<semaphore_mem>>)
      } else {
      }
      %mul3A_436 = arith.constant 5 : i32
      %mul3A_437 = arith.muli %mul3A_436, %add3A_348 : i32
      %add3A_438 = arith.constant 2 : i32
      %add3A_439 = arith.addi %mul3A_437, %add3A_438 : i32
      %dma_wait3A_440 = arith.constant 0 : i32
      %dma_wait3A_441 = arith.constant 2 : i32
      %dma_wait3A_442 = arith.constant 2 : i32
      %dma_wait3A_443 = arith.constant 0 : i32
      %dma_wait3A_444 = arith.constant 0 : i32
      %dma_wait3A_445 = tpu.memref_slice %arg9[%dma_wait3A_441, %dma_wait3A_443, %dma_wait3A_444] : memref<5x128x128xf32, #tpu.memory_space<vmem>> -> memref<1x128x128xf32, #tpu.memory_space<vmem>>
      %dma_wait3A_446 = tpu.memref_squeeze %dma_wait3A_445 : memref<1x128x128xf32, #tpu.memory_space<vmem>> -> memref<128x128xf32, #tpu.memory_space<vmem>>
      %dma_wait3A_447 = arith.constant 0 : i32
      %dma_wait3A_448 = tpu.memref_slice %arg7[%dma_wait3A_440, %dma_wait3A_447] : memref<25x128xi32, #tpu.memory_space<vmem>> -> memref<1x128xi32, #tpu.memory_space<vmem>>
      %dma_wait3A_449 = tpu.memref_squeeze %dma_wait3A_448 : memref<1x128xi32, #tpu.memory_space<vmem>> -> memref<128xi32, #tpu.memory_space<vmem>>
      %dma_wait3A_450 = arith.constant 0 : i32
      %dma_wait3A_451 = arith.constant 0 : i32
      %dma_wait3A_452 = tpu.memref_slice %arg2[%dma_wait3A_450, %dma_wait3A_451] : memref<100000x128xf32, #tpu.memory_space<hbm>> -> memref<100000x128xf32, #tpu.memory_space<hbm>>
      %dma_wait3A_453 = tpu.memref_slice %arg10[%dma_wait3A_442] : memref<5x!tpu.dma_semaphore, #tpu.memory_space<semaphore_mem>> -> memref<1x!tpu.dma_semaphore, #tpu.memory_space<semaphore_mem>>
      %dma_wait3A_454 = tpu.memref_squeeze %dma_wait3A_453 : memref<1x!tpu.dma_semaphore, #tpu.memory_space<semaphore_mem>> -> memref<!tpu.dma_semaphore, #tpu.memory_space<semaphore_mem>>
      tpu.wait_indirect_dma semaphore(%dma_wait3A_454 : memref<!tpu.dma_semaphore, #tpu.memory_space<semaphore_mem>>) src(%dma_wait3A_452 : memref<100000x128xf32, #tpu.memory_space<hbm>>) dst(%dma_wait3A_446 : memref<128x128xf32, #tpu.memory_space<vmem>>)
      %mul3A_455 = arith.constant 128 : i32
      %mul3A_456 = arith.muli %add3A_439, %mul3A_455 : i32
      %add3A_457 = arith.addi %mul3A_4, %mul3A_456 : i32
      %dma_start3A_458 = arith.constant 2 : i32
      %dma_start3A_459 = arith.constant 2 : i32
      %dma_start3A_460 = arith.constant 0 : i32
      %dma_start3A_461 = arith.constant 0 : i32
      %dma_start3A_462 = tpu.memref_slice %arg9[%dma_start3A_458, %dma_start3A_460, %dma_start3A_461] : memref<5x128x128xf32, #tpu.memory_space<vmem>> -> memref<1x128x128xf32, #tpu.memory_space<vmem>>
      %dma_start3A_463 = tpu.memref_squeeze %dma_start3A_462 : memref<1x128x128xf32, #tpu.memory_space<vmem>> -> memref<128x128xf32, #tpu.memory_space<vmem>>
      %dma_start3A_464 = arith.constant 0 : i32
      %dma_start3A_465 = tpu.memref_slice %arg5[%add3A_457, %dma_start3A_464] : memref<102400x128xf32, #tpu.memory_space<hbm>> -> memref<128x128xf32, #tpu.memory_space<hbm>>
      %dma_start3A_466 = tpu.memref_slice %arg11[%dma_start3A_459] : memref<5x!tpu.dma_semaphore, #tpu.memory_space<semaphore_mem>> -> memref<1x!tpu.dma_semaphore, #tpu.memory_space<semaphore_mem>>
      %dma_start3A_467 = tpu.memref_squeeze %dma_start3A_466 : memref<1x!tpu.dma_semaphore, #tpu.memory_space<semaphore_mem>> -> memref<!tpu.dma_semaphore, #tpu.memory_space<semaphore_mem>>
      %dma_start3A_468 = arith.constant 0 : i32
      %dma_start3A_469 = tpu.memref_slice %arg5[%add3A_457, %dma_start3A_468] : memref<102400x128xf32, #tpu.memory_space<hbm>> -> memref<128x128xf32, #tpu.memory_space<hbm>>
      %dma_start3A_470 = arith.constant 0 : i32
      %dma_start3A_471 = arith.constant 0 : i32
      %dma_start3A_472 = tpu.memref_slice %arg9[%dma_start3A_458, %dma_start3A_470, %dma_start3A_471] : memref<5x128x128xf32, #tpu.memory_space<vmem>> -> memref<1x128x128xf32, #tpu.memory_space<vmem>>
      %dma_start3A_473 = tpu.memref_squeeze %dma_start3A_472 : memref<1x128x128xf32, #tpu.memory_space<vmem>> -> memref<128x128xf32, #tpu.memory_space<vmem>>
      tpu.enqueue_dma source(%dma_start3A_473 : memref<128x128xf32, #tpu.memory_space<vmem>>) target(%dma_start3A_469 : memref<128x128xf32, #tpu.memory_space<hbm>>) target_semaphore(%dma_start3A_467 : memref<!tpu.dma_semaphore, #tpu.memory_space<semaphore_mem>>)
      %add3A_474 = arith.constant 3 : i32
      %add3A_475 = arith.addi %add3A_439, %add3A_474 : i32
      %lt3A_476 = arith.constant 25 : i32
      %lt3A_477 = arith.cmpi slt, %add3A_475, %lt3A_476 : i32
      %convert_element_type3A_478 = arith.extui %lt3A_477 : i1 to i32
      %cond3A_479 = arith.constant 0 : i32
      %cond3A_480 = arith.cmpi ne, %convert_element_type3A_478, %cond3A_479 : i32
      scf.if %cond3A_480 {
        %ge3A = arith.constant 2 : i32
        %ge3A_571 = arith.cmpi sge, %add3A_439, %ge3A : i32
        %convert_element_type3A_572 = arith.extui %ge3A_571 : i1 to i32
        %cond3A_573 = arith.constant 0 : i32
        %cond3A_574 = arith.cmpi ne, %convert_element_type3A_572, %cond3A_573 : i32
        scf.if %cond3A_574 {
          %dma_wait3A_591 = arith.constant 0 : i32
          %dma_wait3A_592 = arith.constant 0 : i32
          %dma_wait3A_593 = arith.constant 0 : i32
          %dma_wait3A_594 = arith.constant 0 : i32
          %dma_wait3A_595 = tpu.memref_slice %arg9[%dma_wait3A_591, %dma_wait3A_593, %dma_wait3A_594] : memref<5x128x128xf32, #tpu.memory_space<vmem>> -> memref<1x128x128xf32, #tpu.memory_space<vmem>>
          %dma_wait3A_596 = tpu.memref_squeeze %dma_wait3A_595 : memref<1x128x128xf32, #tpu.memory_space<vmem>> -> memref<128x128xf32, #tpu.memory_space<vmem>>
          %dma_wait3A_597 = arith.constant 0 : i32
          %dma_wait3A_598 = arith.constant 0 : i32
          %dma_wait3A_599 = tpu.memref_slice %arg5[%dma_wait3A_597, %dma_wait3A_598] : memref<102400x128xf32, #tpu.memory_space<hbm>> -> memref<128x128xf32, #tpu.memory_space<hbm>>
          %dma_wait3A_600 = tpu.memref_slice %arg11[%dma_wait3A_592] : memref<5x!tpu.dma_semaphore, #tpu.memory_space<semaphore_mem>> -> memref<1x!tpu.dma_semaphore, #tpu.memory_space<semaphore_mem>>
          %dma_wait3A_601 = tpu.memref_squeeze %dma_wait3A_600 : memref<1x!tpu.dma_semaphore, #tpu.memory_space<semaphore_mem>> -> memref<!tpu.dma_semaphore, #tpu.memory_space<semaphore_mem>>
          %dma_wait3A_602 = arith.constant 0 : i32
          %dma_wait3A_603 = arith.constant 0 : i32
          %dma_wait3A_604 = tpu.memref_slice %arg5[%dma_wait3A_602, %dma_wait3A_603] : memref<102400x128xf32, #tpu.memory_space<hbm>> -> memref<128x128xf32, #tpu.memory_space<hbm>>
          %dma_wait3A_605 = arith.constant 0 : i32
          %dma_wait3A_606 = arith.constant 0 : i32
          %dma_wait3A_607 = tpu.memref_slice %arg9[%dma_wait3A_591, %dma_wait3A_605, %dma_wait3A_606] : memref<5x128x128xf32, #tpu.memory_space<vmem>> -> memref<1x128x128xf32, #tpu.memory_space<vmem>>
          %dma_wait3A_608 = tpu.memref_squeeze %dma_wait3A_607 : memref<1x128x128xf32, #tpu.memory_space<vmem>> -> memref<128x128xf32, #tpu.memory_space<vmem>>
          tpu.wait_dma2 semaphore(%dma_wait3A_601 : memref<!tpu.dma_semaphore, #tpu.memory_space<semaphore_mem>>) src(%dma_wait3A_608 : memref<128x128xf32, #tpu.memory_space<vmem>>) dst(%dma_wait3A_604 : memref<128x128xf32, #tpu.memory_space<hbm>>)
        } else {
        }
        %add3A_575 = arith.constant 3 : i32
        %add3A_576 = arith.addi %add3A_439, %add3A_575 : i32
        %dma_start3A_577 = arith.constant 0 : i32
        %dma_start3A_578 = arith.constant 0 : i32
        %dma_start3A_579 = arith.constant 0 : i32
        %dma_start3A_580 = arith.constant 0 : i32
        %dma_start3A_581 = tpu.memref_slice %arg9[%dma_start3A_577, %dma_start3A_579, %dma_start3A_580] : memref<5x128x128xf32, #tpu.memory_space<vmem>> -> memref<1x128x128xf32, #tpu.memory_space<vmem>>
        %dma_start3A_582 = tpu.memref_squeeze %dma_start3A_581 : memref<1x128x128xf32, #tpu.memory_space<vmem>> -> memref<128x128xf32, #tpu.memory_space<vmem>>
        %dma_start3A_583 = arith.constant 0 : i32
        %dma_start3A_584 = tpu.memref_slice %arg7[%add3A_576, %dma_start3A_583] : memref<25x128xi32, #tpu.memory_space<vmem>> -> memref<1x128xi32, #tpu.memory_space<vmem>>
        %dma_start3A_585 = tpu.memref_squeeze %dma_start3A_584 : memref<1x128xi32, #tpu.memory_space<vmem>> -> memref<128xi32, #tpu.memory_space<vmem>>
        %dma_start3A_586 = arith.constant 0 : i32
        %dma_start3A_587 = arith.constant 0 : i32
        %dma_start3A_588 = tpu.memref_slice %arg2[%dma_start3A_586, %dma_start3A_587] : memref<100000x128xf32, #tpu.memory_space<hbm>> -> memref<100000x128xf32, #tpu.memory_space<hbm>>
        %dma_start3A_589 = tpu.memref_slice %arg10[%dma_start3A_578] : memref<5x!tpu.dma_semaphore, #tpu.memory_space<semaphore_mem>> -> memref<1x!tpu.dma_semaphore, #tpu.memory_space<semaphore_mem>>
        %dma_start3A_590 = tpu.memref_squeeze %dma_start3A_589 : memref<1x!tpu.dma_semaphore, #tpu.memory_space<semaphore_mem>> -> memref<!tpu.dma_semaphore, #tpu.memory_space<semaphore_mem>>
        tpu.enqueue_indirect_dma source(%dma_start3A_588 : memref<100000x128xf32, #tpu.memory_space<hbm>>) target(%dma_start3A_582 : memref<128x128xf32, #tpu.memory_space<vmem>>) offsets(%dma_start3A_585 : memref<128xi32, #tpu.memory_space<vmem>>) semaphore(%dma_start3A_590 : memref<!tpu.dma_semaphore, #tpu.memory_space<semaphore_mem>>)
      } else {
      }
      %mul3A_481 = arith.constant 5 : i32
      %mul3A_482 = arith.muli %mul3A_481, %add3A_348 : i32
      %add3A_483 = arith.constant 3 : i32
      %add3A_484 = arith.addi %mul3A_482, %add3A_483 : i32
      %dma_wait3A_485 = arith.constant 0 : i32
      %dma_wait3A_486 = arith.constant 3 : i32
      %dma_wait3A_487 = arith.constant 3 : i32
      %dma_wait3A_488 = arith.constant 0 : i32
      %dma_wait3A_489 = arith.constant 0 : i32
      %dma_wait3A_490 = tpu.memref_slice %arg9[%dma_wait3A_486, %dma_wait3A_488, %dma_wait3A_489] : memref<5x128x128xf32, #tpu.memory_space<vmem>> -> memref<1x128x128xf32, #tpu.memory_space<vmem>>
      %dma_wait3A_491 = tpu.memref_squeeze %dma_wait3A_490 : memref<1x128x128xf32, #tpu.memory_space<vmem>> -> memref<128x128xf32, #tpu.memory_space<vmem>>
      %dma_wait3A_492 = arith.constant 0 : i32
      %dma_wait3A_493 = tpu.memref_slice %arg7[%dma_wait3A_485, %dma_wait3A_492] : memref<25x128xi32, #tpu.memory_space<vmem>> -> memref<1x128xi32, #tpu.memory_space<vmem>>
      %dma_wait3A_494 = tpu.memref_squeeze %dma_wait3A_493 : memref<1x128xi32, #tpu.memory_space<vmem>> -> memref<128xi32, #tpu.memory_space<vmem>>
      %dma_wait3A_495 = arith.constant 0 : i32
      %dma_wait3A_496 = arith.constant 0 : i32
      %dma_wait3A_497 = tpu.memref_slice %arg2[%dma_wait3A_495, %dma_wait3A_496] : memref<100000x128xf32, #tpu.memory_space<hbm>> -> memref<100000x128xf32, #tpu.memory_space<hbm>>
      %dma_wait3A_498 = tpu.memref_slice %arg10[%dma_wait3A_487] : memref<5x!tpu.dma_semaphore, #tpu.memory_space<semaphore_mem>> -> memref<1x!tpu.dma_semaphore, #tpu.memory_space<semaphore_mem>>
      %dma_wait3A_499 = tpu.memref_squeeze %dma_wait3A_498 : memref<1x!tpu.dma_semaphore, #tpu.memory_space<semaphore_mem>> -> memref<!tpu.dma_semaphore, #tpu.memory_space<semaphore_mem>>
      tpu.wait_indirect_dma semaphore(%dma_wait3A_499 : memref<!tpu.dma_semaphore, #tpu.memory_space<semaphore_mem>>) src(%dma_wait3A_497 : memref<100000x128xf32, #tpu.memory_space<hbm>>) dst(%dma_wait3A_491 : memref<128x128xf32, #tpu.memory_space<vmem>>)
      %mul3A_500 = arith.constant 128 : i32
      %mul3A_501 = arith.muli %add3A_484, %mul3A_500 : i32
      %add3A_502 = arith.addi %mul3A_4, %mul3A_501 : i32
      %dma_start3A_503 = arith.constant 3 : i32
      %dma_start3A_504 = arith.constant 3 : i32
      %dma_start3A_505 = arith.constant 0 : i32
      %dma_start3A_506 = arith.constant 0 : i32
      %dma_start3A_507 = tpu.memref_slice %arg9[%dma_start3A_503, %dma_start3A_505, %dma_start3A_506] : memref<5x128x128xf32, #tpu.memory_space<vmem>> -> memref<1x128x128xf32, #tpu.memory_space<vmem>>
      %dma_start3A_508 = tpu.memref_squeeze %dma_start3A_507 : memref<1x128x128xf32, #tpu.memory_space<vmem>> -> memref<128x128xf32, #tpu.memory_space<vmem>>
      %dma_start3A_509 = arith.constant 0 : i32
      %dma_start3A_510 = tpu.memref_slice %arg5[%add3A_502, %dma_start3A_509] : memref<102400x128xf32, #tpu.memory_space<hbm>> -> memref<128x128xf32, #tpu.memory_space<hbm>>
      %dma_start3A_511 = tpu.memref_slice %arg11[%dma_start3A_504] : memref<5x!tpu.dma_semaphore, #tpu.memory_space<semaphore_mem>> -> memref<1x!tpu.dma_semaphore, #tpu.memory_space<semaphore_mem>>
      %dma_start3A_512 = tpu.memref_squeeze %dma_start3A_511 : memref<1x!tpu.dma_semaphore, #tpu.memory_space<semaphore_mem>> -> memref<!tpu.dma_semaphore, #tpu.memory_space<semaphore_mem>>
      %dma_start3A_513 = arith.constant 0 : i32
      %dma_start3A_514 = tpu.memref_slice %arg5[%add3A_502, %dma_start3A_513] : memref<102400x128xf32, #tpu.memory_space<hbm>> -> memref<128x128xf32, #tpu.memory_space<hbm>>
      %dma_start3A_515 = arith.constant 0 : i32
      %dma_start3A_516 = arith.constant 0 : i32
      %dma_start3A_517 = tpu.memref_slice %arg9[%dma_start3A_503, %dma_start3A_515, %dma_start3A_516] : memref<5x128x128xf32, #tpu.memory_space<vmem>> -> memref<1x128x128xf32, #tpu.memory_space<vmem>>
      %dma_start3A_518 = tpu.memref_squeeze %dma_start3A_517 : memref<1x128x128xf32, #tpu.memory_space<vmem>> -> memref<128x128xf32, #tpu.memory_space<vmem>>
      tpu.enqueue_dma source(%dma_start3A_518 : memref<128x128xf32, #tpu.memory_space<vmem>>) target(%dma_start3A_514 : memref<128x128xf32, #tpu.memory_space<hbm>>) target_semaphore(%dma_start3A_512 : memref<!tpu.dma_semaphore, #tpu.memory_space<semaphore_mem>>)
      %add3A_519 = arith.constant 3 : i32
      %add3A_520 = arith.addi %add3A_484, %add3A_519 : i32
      %lt3A_521 = arith.constant 25 : i32
      %lt3A_522 = arith.cmpi slt, %add3A_520, %lt3A_521 : i32
      %convert_element_type3A_523 = arith.extui %lt3A_522 : i1 to i32
      %cond3A_524 = arith.constant 0 : i32
      %cond3A_525 = arith.cmpi ne, %convert_element_type3A_523, %cond3A_524 : i32
      scf.if %cond3A_525 {
        %ge3A = arith.constant 2 : i32
        %ge3A_571 = arith.cmpi sge, %add3A_484, %ge3A : i32
        %convert_element_type3A_572 = arith.extui %ge3A_571 : i1 to i32
        %cond3A_573 = arith.constant 0 : i32
        %cond3A_574 = arith.cmpi ne, %convert_element_type3A_572, %cond3A_573 : i32
        scf.if %cond3A_574 {
          %dma_wait3A_591 = arith.constant 1 : i32
          %dma_wait3A_592 = arith.constant 1 : i32
          %dma_wait3A_593 = arith.constant 0 : i32
          %dma_wait3A_594 = arith.constant 0 : i32
          %dma_wait3A_595 = tpu.memref_slice %arg9[%dma_wait3A_591, %dma_wait3A_593, %dma_wait3A_594] : memref<5x128x128xf32, #tpu.memory_space<vmem>> -> memref<1x128x128xf32, #tpu.memory_space<vmem>>
          %dma_wait3A_596 = tpu.memref_squeeze %dma_wait3A_595 : memref<1x128x128xf32, #tpu.memory_space<vmem>> -> memref<128x128xf32, #tpu.memory_space<vmem>>
          %dma_wait3A_597 = arith.constant 0 : i32
          %dma_wait3A_598 = arith.constant 0 : i32
          %dma_wait3A_599 = tpu.memref_slice %arg5[%dma_wait3A_597, %dma_wait3A_598] : memref<102400x128xf32, #tpu.memory_space<hbm>> -> memref<128x128xf32, #tpu.memory_space<hbm>>
          %dma_wait3A_600 = tpu.memref_slice %arg11[%dma_wait3A_592] : memref<5x!tpu.dma_semaphore, #tpu.memory_space<semaphore_mem>> -> memref<1x!tpu.dma_semaphore, #tpu.memory_space<semaphore_mem>>
          %dma_wait3A_601 = tpu.memref_squeeze %dma_wait3A_600 : memref<1x!tpu.dma_semaphore, #tpu.memory_space<semaphore_mem>> -> memref<!tpu.dma_semaphore, #tpu.memory_space<semaphore_mem>>
          %dma_wait3A_602 = arith.constant 0 : i32
          %dma_wait3A_603 = arith.constant 0 : i32
          %dma_wait3A_604 = tpu.memref_slice %arg5[%dma_wait3A_602, %dma_wait3A_603] : memref<102400x128xf32, #tpu.memory_space<hbm>> -> memref<128x128xf32, #tpu.memory_space<hbm>>
          %dma_wait3A_605 = arith.constant 0 : i32
          %dma_wait3A_606 = arith.constant 0 : i32
          %dma_wait3A_607 = tpu.memref_slice %arg9[%dma_wait3A_591, %dma_wait3A_605, %dma_wait3A_606] : memref<5x128x128xf32, #tpu.memory_space<vmem>> -> memref<1x128x128xf32, #tpu.memory_space<vmem>>
          %dma_wait3A_608 = tpu.memref_squeeze %dma_wait3A_607 : memref<1x128x128xf32, #tpu.memory_space<vmem>> -> memref<128x128xf32, #tpu.memory_space<vmem>>
          tpu.wait_dma2 semaphore(%dma_wait3A_601 : memref<!tpu.dma_semaphore, #tpu.memory_space<semaphore_mem>>) src(%dma_wait3A_608 : memref<128x128xf32, #tpu.memory_space<vmem>>) dst(%dma_wait3A_604 : memref<128x128xf32, #tpu.memory_space<hbm>>)
        } else {
        }
        %add3A_575 = arith.constant 3 : i32
        %add3A_576 = arith.addi %add3A_484, %add3A_575 : i32
        %dma_start3A_577 = arith.constant 1 : i32
        %dma_start3A_578 = arith.constant 1 : i32
        %dma_start3A_579 = arith.constant 0 : i32
        %dma_start3A_580 = arith.constant 0 : i32
        %dma_start3A_581 = tpu.memref_slice %arg9[%dma_start3A_577, %dma_start3A_579, %dma_start3A_580] : memref<5x128x128xf32, #tpu.memory_space<vmem>> -> memref<1x128x128xf32, #tpu.memory_space<vmem>>
        %dma_start3A_582 = tpu.memref_squeeze %dma_start3A_581 : memref<1x128x128xf32, #tpu.memory_space<vmem>> -> memref<128x128xf32, #tpu.memory_space<vmem>>
        %dma_start3A_583 = arith.constant 0 : i32
        %dma_start3A_584 = tpu.memref_slice %arg7[%add3A_576, %dma_start3A_583] : memref<25x128xi32, #tpu.memory_space<vmem>> -> memref<1x128xi32, #tpu.memory_space<vmem>>
        %dma_start3A_585 = tpu.memref_squeeze %dma_start3A_584 : memref<1x128xi32, #tpu.memory_space<vmem>> -> memref<128xi32, #tpu.memory_space<vmem>>
        %dma_start3A_586 = arith.constant 0 : i32
        %dma_start3A_587 = arith.constant 0 : i32
        %dma_start3A_588 = tpu.memref_slice %arg2[%dma_start3A_586, %dma_start3A_587] : memref<100000x128xf32, #tpu.memory_space<hbm>> -> memref<100000x128xf32, #tpu.memory_space<hbm>>
        %dma_start3A_589 = tpu.memref_slice %arg10[%dma_start3A_578] : memref<5x!tpu.dma_semaphore, #tpu.memory_space<semaphore_mem>> -> memref<1x!tpu.dma_semaphore, #tpu.memory_space<semaphore_mem>>
        %dma_start3A_590 = tpu.memref_squeeze %dma_start3A_589 : memref<1x!tpu.dma_semaphore, #tpu.memory_space<semaphore_mem>> -> memref<!tpu.dma_semaphore, #tpu.memory_space<semaphore_mem>>
        tpu.enqueue_indirect_dma source(%dma_start3A_588 : memref<100000x128xf32, #tpu.memory_space<hbm>>) target(%dma_start3A_582 : memref<128x128xf32, #tpu.memory_space<vmem>>) offsets(%dma_start3A_585 : memref<128xi32, #tpu.memory_space<vmem>>) semaphore(%dma_start3A_590 : memref<!tpu.dma_semaphore, #tpu.memory_space<semaphore_mem>>)
      } else {
      }
      %mul3A_526 = arith.constant 5 : i32
      %mul3A_527 = arith.muli %mul3A_526, %add3A_348 : i32
      %add3A_528 = arith.constant 4 : i32
      %add3A_529 = arith.addi %mul3A_527, %add3A_528 : i32
      %dma_wait3A_530 = arith.constant 0 : i32
      %dma_wait3A_531 = arith.constant 4 : i32
      %dma_wait3A_532 = arith.constant 4 : i32
      %dma_wait3A_533 = arith.constant 0 : i32
      %dma_wait3A_534 = arith.constant 0 : i32
      %dma_wait3A_535 = tpu.memref_slice %arg9[%dma_wait3A_531, %dma_wait3A_533, %dma_wait3A_534] : memref<5x128x128xf32, #tpu.memory_space<vmem>> -> memref<1x128x128xf32, #tpu.memory_space<vmem>>
      %dma_wait3A_536 = tpu.memref_squeeze %dma_wait3A_535 : memref<1x128x128xf32, #tpu.memory_space<vmem>> -> memref<128x128xf32, #tpu.memory_space<vmem>>
      %dma_wait3A_537 = arith.constant 0 : i32
      %dma_wait3A_538 = tpu.memref_slice %arg7[%dma_wait3A_530, %dma_wait3A_537] : memref<25x128xi32, #tpu.memory_space<vmem>> -> memref<1x128xi32, #tpu.memory_space<vmem>>
      %dma_wait3A_539 = tpu.memref_squeeze %dma_wait3A_538 : memref<1x128xi32, #tpu.memory_space<vmem>> -> memref<128xi32, #tpu.memory_space<vmem>>
      %dma_wait3A_540 = arith.constant 0 : i32
      %dma_wait3A_541 = arith.constant 0 : i32
      %dma_wait3A_542 = tpu.memref_slice %arg2[%dma_wait3A_540, %dma_wait3A_541] : memref<100000x128xf32, #tpu.memory_space<hbm>> -> memref<100000x128xf32, #tpu.memory_space<hbm>>
      %dma_wait3A_543 = tpu.memref_slice %arg10[%dma_wait3A_532] : memref<5x!tpu.dma_semaphore, #tpu.memory_space<semaphore_mem>> -> memref<1x!tpu.dma_semaphore, #tpu.memory_space<semaphore_mem>>
      %dma_wait3A_544 = tpu.memref_squeeze %dma_wait3A_543 : memref<1x!tpu.dma_semaphore, #tpu.memory_space<semaphore_mem>> -> memref<!tpu.dma_semaphore, #tpu.memory_space<semaphore_mem>>
      tpu.wait_indirect_dma semaphore(%dma_wait3A_544 : memref<!tpu.dma_semaphore, #tpu.memory_space<semaphore_mem>>) src(%dma_wait3A_542 : memref<100000x128xf32, #tpu.memory_space<hbm>>) dst(%dma_wait3A_536 : memref<128x128xf32, #tpu.memory_space<vmem>>)
      %mul3A_545 = arith.constant 128 : i32
      %mul3A_546 = arith.muli %add3A_529, %mul3A_545 : i32
      %add3A_547 = arith.addi %mul3A_4, %mul3A_546 : i32
      %dma_start3A_548 = arith.constant 4 : i32
      %dma_start3A_549 = arith.constant 4 : i32
      %dma_start3A_550 = arith.constant 0 : i32
      %dma_start3A_551 = arith.constant 0 : i32
      %dma_start3A_552 = tpu.memref_slice %arg9[%dma_start3A_548, %dma_start3A_550, %dma_start3A_551] : memref<5x128x128xf32, #tpu.memory_space<vmem>> -> memref<1x128x128xf32, #tpu.memory_space<vmem>>
      %dma_start3A_553 = tpu.memref_squeeze %dma_start3A_552 : memref<1x128x128xf32, #tpu.memory_space<vmem>> -> memref<128x128xf32, #tpu.memory_space<vmem>>
      %dma_start3A_554 = arith.constant 0 : i32
      %dma_start3A_555 = tpu.memref_slice %arg5[%add3A_547, %dma_start3A_554] : memref<102400x128xf32, #tpu.memory_space<hbm>> -> memref<128x128xf32, #tpu.memory_space<hbm>>
      %dma_start3A_556 = tpu.memref_slice %arg11[%dma_start3A_549] : memref<5x!tpu.dma_semaphore, #tpu.memory_space<semaphore_mem>> -> memref<1x!tpu.dma_semaphore, #tpu.memory_space<semaphore_mem>>
      %dma_start3A_557 = tpu.memref_squeeze %dma_start3A_556 : memref<1x!tpu.dma_semaphore, #tpu.memory_space<semaphore_mem>> -> memref<!tpu.dma_semaphore, #tpu.memory_space<semaphore_mem>>
      %dma_start3A_558 = arith.constant 0 : i32
      %dma_start3A_559 = tpu.memref_slice %arg5[%add3A_547, %dma_start3A_558] : memref<102400x128xf32, #tpu.memory_space<hbm>> -> memref<128x128xf32, #tpu.memory_space<hbm>>
      %dma_start3A_560 = arith.constant 0 : i32
      %dma_start3A_561 = arith.constant 0 : i32
      %dma_start3A_562 = tpu.memref_slice %arg9[%dma_start3A_548, %dma_start3A_560, %dma_start3A_561] : memref<5x128x128xf32, #tpu.memory_space<vmem>> -> memref<1x128x128xf32, #tpu.memory_space<vmem>>
      %dma_start3A_563 = tpu.memref_squeeze %dma_start3A_562 : memref<1x128x128xf32, #tpu.memory_space<vmem>> -> memref<128x128xf32, #tpu.memory_space<vmem>>
      tpu.enqueue_dma source(%dma_start3A_563 : memref<128x128xf32, #tpu.memory_space<vmem>>) target(%dma_start3A_559 : memref<128x128xf32, #tpu.memory_space<hbm>>) target_semaphore(%dma_start3A_557 : memref<!tpu.dma_semaphore, #tpu.memory_space<semaphore_mem>>)
      %add3A_564 = arith.constant 3 : i32
      %add3A_565 = arith.addi %add3A_529, %add3A_564 : i32
      %lt3A_566 = arith.constant 25 : i32
      %lt3A_567 = arith.cmpi slt, %add3A_565, %lt3A_566 : i32
      %convert_element_type3A_568 = arith.extui %lt3A_567 : i1 to i32
      %cond3A_569 = arith.constant 0 : i32
      %cond3A_570 = arith.cmpi ne, %convert_element_type3A_568, %cond3A_569 : i32
      scf.if %cond3A_570 {
        %ge3A = arith.constant 2 : i32
        %ge3A_571 = arith.cmpi sge, %add3A_529, %ge3A : i32
        %convert_element_type3A_572 = arith.extui %ge3A_571 : i1 to i32
        %cond3A_573 = arith.constant 0 : i32
        %cond3A_574 = arith.cmpi ne, %convert_element_type3A_572, %cond3A_573 : i32
        scf.if %cond3A_574 {
          %dma_wait3A_591 = arith.constant 2 : i32
          %dma_wait3A_592 = arith.constant 2 : i32
          %dma_wait3A_593 = arith.constant 0 : i32
          %dma_wait3A_594 = arith.constant 0 : i32
          %dma_wait3A_595 = tpu.memref_slice %arg9[%dma_wait3A_591, %dma_wait3A_593, %dma_wait3A_594] : memref<5x128x128xf32, #tpu.memory_space<vmem>> -> memref<1x128x128xf32, #tpu.memory_space<vmem>>
          %dma_wait3A_596 = tpu.memref_squeeze %dma_wait3A_595 : memref<1x128x128xf32, #tpu.memory_space<vmem>> -> memref<128x128xf32, #tpu.memory_space<vmem>>
          %dma_wait3A_597 = arith.constant 0 : i32
          %dma_wait3A_598 = arith.constant 0 : i32
          %dma_wait3A_599 = tpu.memref_slice %arg5[%dma_wait3A_597, %dma_wait3A_598] : memref<102400x128xf32, #tpu.memory_space<hbm>> -> memref<128x128xf32, #tpu.memory_space<hbm>>
          %dma_wait3A_600 = tpu.memref_slice %arg11[%dma_wait3A_592] : memref<5x!tpu.dma_semaphore, #tpu.memory_space<semaphore_mem>> -> memref<1x!tpu.dma_semaphore, #tpu.memory_space<semaphore_mem>>
          %dma_wait3A_601 = tpu.memref_squeeze %dma_wait3A_600 : memref<1x!tpu.dma_semaphore, #tpu.memory_space<semaphore_mem>> -> memref<!tpu.dma_semaphore, #tpu.memory_space<semaphore_mem>>
          %dma_wait3A_602 = arith.constant 0 : i32
          %dma_wait3A_603 = arith.constant 0 : i32
          %dma_wait3A_604 = tpu.memref_slice %arg5[%dma_wait3A_602, %dma_wait3A_603] : memref<102400x128xf32, #tpu.memory_space<hbm>> -> memref<128x128xf32, #tpu.memory_space<hbm>>
          %dma_wait3A_605 = arith.constant 0 : i32
          %dma_wait3A_606 = arith.constant 0 : i32
          %dma_wait3A_607 = tpu.memref_slice %arg9[%dma_wait3A_591, %dma_wait3A_605, %dma_wait3A_606] : memref<5x128x128xf32, #tpu.memory_space<vmem>> -> memref<1x128x128xf32, #tpu.memory_space<vmem>>
          %dma_wait3A_608 = tpu.memref_squeeze %dma_wait3A_607 : memref<1x128x128xf32, #tpu.memory_space<vmem>> -> memref<128x128xf32, #tpu.memory_space<vmem>>
          tpu.wait_dma2 semaphore(%dma_wait3A_601 : memref<!tpu.dma_semaphore, #tpu.memory_space<semaphore_mem>>) src(%dma_wait3A_608 : memref<128x128xf32, #tpu.memory_space<vmem>>) dst(%dma_wait3A_604 : memref<128x128xf32, #tpu.memory_space<hbm>>)
        } else {
        }
        %add3A_575 = arith.constant 3 : i32
        %add3A_576 = arith.addi %add3A_529, %add3A_575 : i32
        %dma_start3A_577 = arith.constant 2 : i32
        %dma_start3A_578 = arith.constant 2 : i32
        %dma_start3A_579 = arith.constant 0 : i32
        %dma_start3A_580 = arith.constant 0 : i32
        %dma_start3A_581 = tpu.memref_slice %arg9[%dma_start3A_577, %dma_start3A_579, %dma_start3A_580] : memref<5x128x128xf32, #tpu.memory_space<vmem>> -> memref<1x128x128xf32, #tpu.memory_space<vmem>>
        %dma_start3A_582 = tpu.memref_squeeze %dma_start3A_581 : memref<1x128x128xf32, #tpu.memory_space<vmem>> -> memref<128x128xf32, #tpu.memory_space<vmem>>
        %dma_start3A_583 = arith.constant 0 : i32
        %dma_start3A_584 = tpu.memref_slice %arg7[%add3A_576, %dma_start3A_583] : memref<25x128xi32, #tpu.memory_space<vmem>> -> memref<1x128xi32, #tpu.memory_space<vmem>>
        %dma_start3A_585 = tpu.memref_squeeze %dma_start3A_584 : memref<1x128xi32, #tpu.memory_space<vmem>> -> memref<128xi32, #tpu.memory_space<vmem>>
        %dma_start3A_586 = arith.constant 0 : i32
        %dma_start3A_587 = arith.constant 0 : i32
        %dma_start3A_588 = tpu.memref_slice %arg2[%dma_start3A_586, %dma_start3A_587] : memref<100000x128xf32, #tpu.memory_space<hbm>> -> memref<100000x128xf32, #tpu.memory_space<hbm>>
        %dma_start3A_589 = tpu.memref_slice %arg10[%dma_start3A_578] : memref<5x!tpu.dma_semaphore, #tpu.memory_space<semaphore_mem>> -> memref<1x!tpu.dma_semaphore, #tpu.memory_space<semaphore_mem>>
        %dma_start3A_590 = tpu.memref_squeeze %dma_start3A_589 : memref<1x!tpu.dma_semaphore, #tpu.memory_space<semaphore_mem>> -> memref<!tpu.dma_semaphore, #tpu.memory_space<semaphore_mem>>
        tpu.enqueue_indirect_dma source(%dma_start3A_588 : memref<100000x128xf32, #tpu.memory_space<hbm>>) target(%dma_start3A_582 : memref<128x128xf32, #tpu.memory_space<vmem>>) offsets(%dma_start3A_585 : memref<128xi32, #tpu.memory_space<vmem>>) semaphore(%dma_start3A_590 : memref<!tpu.dma_semaphore, #tpu.memory_space<semaphore_mem>>)
      } else {
      }
    }
    %scan3A_52 = arith.constant 5 : i32
    %dma_wait3A = arith.constant 0 : i32
    %dma_wait3A_53 = arith.constant 0 : i32
    %dma_wait3A_54 = arith.constant 0 : i32
    %dma_wait3A_55 = arith.constant 0 : i32
    %dma_wait3A_56 = tpu.memref_slice %arg9[%dma_wait3A, %dma_wait3A_54, %dma_wait3A_55] : memref<5x128x128xf32, #tpu.memory_space<vmem>> -> memref<1x128x128xf32, #tpu.memory_space<vmem>>
    %dma_wait3A_57 = tpu.memref_squeeze %dma_wait3A_56 : memref<1x128x128xf32, #tpu.memory_space<vmem>> -> memref<128x128xf32, #tpu.memory_space<vmem>>
    %dma_wait3A_58 = arith.constant 0 : i32
    %dma_wait3A_59 = arith.constant 0 : i32
    %dma_wait3A_60 = tpu.memref_slice %arg5[%dma_wait3A_58, %dma_wait3A_59] : memref<102400x128xf32, #tpu.memory_space<hbm>> -> memref<128x128xf32, #tpu.memory_space<hbm>>
    %dma_wait3A_61 = tpu.memref_slice %arg11[%dma_wait3A_53] : memref<5x!tpu.dma_semaphore, #tpu.memory_space<semaphore_mem>> -> memref<1x!tpu.dma_semaphore, #tpu.memory_space<semaphore_mem>>
    %dma_wait3A_62 = tpu.memref_squeeze %dma_wait3A_61 : memref<1x!tpu.dma_semaphore, #tpu.memory_space<semaphore_mem>> -> memref<!tpu.dma_semaphore, #tpu.memory_space<semaphore_mem>>
    %dma_wait3A_63 = arith.constant 0 : i32
    %dma_wait3A_64 = arith.constant 0 : i32
    %dma_wait3A_65 = tpu.memref_slice %arg5[%dma_wait3A_63, %dma_wait3A_64] : memref<102400x128xf32, #tpu.memory_space<hbm>> -> memref<128x128xf32, #tpu.memory_space<hbm>>
    %dma_wait3A_66 = arith.constant 0 : i32
    %dma_wait3A_67 = arith.constant 0 : i32
    %dma_wait3A_68 = tpu.memref_slice %arg9[%dma_wait3A, %dma_wait3A_66, %dma_wait3A_67] : memref<5x128x128xf32, #tpu.memory_space<vmem>> -> memref<1x128x128xf32, #tpu.memory_space<vmem>>
    %dma_wait3A_69 = tpu.memref_squeeze %dma_wait3A_68 : memref<1x128x128xf32, #tpu.memory_space<vmem>> -> memref<128x128xf32, #tpu.memory_space<vmem>>
    tpu.wait_dma2 semaphore(%dma_wait3A_62 : memref<!tpu.dma_semaphore, #tpu.memory_space<semaphore_mem>>) src(%dma_wait3A_69 : memref<128x128xf32, #tpu.memory_space<vmem>>) dst(%dma_wait3A_65 : memref<128x128xf32, #tpu.memory_space<hbm>>)
    %dma_wait3A_70 = arith.constant 1 : i32
    %dma_wait3A_71 = arith.constant 1 : i32
    %dma_wait3A_72 = arith.constant 0 : i32
    %dma_wait3A_73 = arith.constant 0 : i32
    %dma_wait3A_74 = tpu.memref_slice %arg9[%dma_wait3A_70, %dma_wait3A_72, %dma_wait3A_73] : memref<5x128x128xf32, #tpu.memory_space<vmem>> -> memref<1x128x128xf32, #tpu.memory_space<vmem>>
    %dma_wait3A_75 = tpu.memref_squeeze %dma_wait3A_74 : memref<1x128x128xf32, #tpu.memory_space<vmem>> -> memref<128x128xf32, #tpu.memory_space<vmem>>
    %dma_wait3A_76 = arith.constant 0 : i32
    %dma_wait3A_77 = arith.constant 0 : i32
    %dma_wait3A_78 = tpu.memref_slice %arg5[%dma_wait3A_76, %dma_wait3A_77] : memref<102400x128xf32, #tpu.memory_space<hbm>> -> memref<128x128xf32, #tpu.memory_space<hbm>>
    %dma_wait3A_79 = tpu.memref_slice %arg11[%dma_wait3A_71] : memref<5x!tpu.dma_semaphore, #tpu.memory_space<semaphore_mem>> -> memref<1x!tpu.dma_semaphore, #tpu.memory_space<semaphore_mem>>
    %dma_wait3A_80 = tpu.memref_squeeze %dma_wait3A_79 : memref<1x!tpu.dma_semaphore, #tpu.memory_space<semaphore_mem>> -> memref<!tpu.dma_semaphore, #tpu.memory_space<semaphore_mem>>
    %dma_wait3A_81 = arith.constant 0 : i32
    %dma_wait3A_82 = arith.constant 0 : i32
    %dma_wait3A_83 = tpu.memref_slice %arg5[%dma_wait3A_81, %dma_wait3A_82] : memref<102400x128xf32, #tpu.memory_space<hbm>> -> memref<128x128xf32, #tpu.memory_space<hbm>>
    %dma_wait3A_84 = arith.constant 0 : i32
    %dma_wait3A_85 = arith.constant 0 : i32
    %dma_wait3A_86 = tpu.memref_slice %arg9[%dma_wait3A_70, %dma_wait3A_84, %dma_wait3A_85] : memref<5x128x128xf32, #tpu.memory_space<vmem>> -> memref<1x128x128xf32, #tpu.memory_space<vmem>>
    %dma_wait3A_87 = tpu.memref_squeeze %dma_wait3A_86 : memref<1x128x128xf32, #tpu.memory_space<vmem>> -> memref<128x128xf32, #tpu.memory_space<vmem>>
    tpu.wait_dma2 semaphore(%dma_wait3A_80 : memref<!tpu.dma_semaphore, #tpu.memory_space<semaphore_mem>>) src(%dma_wait3A_87 : memref<128x128xf32, #tpu.memory_space<vmem>>) dst(%dma_wait3A_83 : memref<128x128xf32, #tpu.memory_space<hbm>>)
    %dma_wait3A_88 = arith.constant 2 : i32
    %dma_wait3A_89 = arith.constant 2 : i32
    %dma_wait3A_90 = arith.constant 0 : i32
    %dma_wait3A_91 = arith.constant 0 : i32
    %dma_wait3A_92 = tpu.memref_slice %arg9[%dma_wait3A_88, %dma_wait3A_90, %dma_wait3A_91] : memref<5x128x128xf32, #tpu.memory_space<vmem>> -> memref<1x128x128xf32, #tpu.memory_space<vmem>>
    %dma_wait3A_93 = tpu.memref_squeeze %dma_wait3A_92 : memref<1x128x128xf32, #tpu.memory_space<vmem>> -> memref<128x128xf32, #tpu.memory_space<vmem>>
    %dma_wait3A_94 = arith.constant 0 : i32
    %dma_wait3A_95 = arith.constant 0 : i32
    %dma_wait3A_96 = tpu.memref_slice %arg5[%dma_wait3A_94, %dma_wait3A_95] : memref<102400x128xf32, #tpu.memory_space<hbm>> -> memref<128x128xf32, #tpu.memory_space<hbm>>
    %dma_wait3A_97 = tpu.memref_slice %arg11[%dma_wait3A_89] : memref<5x!tpu.dma_semaphore, #tpu.memory_space<semaphore_mem>> -> memref<1x!tpu.dma_semaphore, #tpu.memory_space<semaphore_mem>>
    %dma_wait3A_98 = tpu.memref_squeeze %dma_wait3A_97 : memref<1x!tpu.dma_semaphore, #tpu.memory_space<semaphore_mem>> -> memref<!tpu.dma_semaphore, #tpu.memory_space<semaphore_mem>>
    %dma_wait3A_99 = arith.constant 0 : i32
    %dma_wait3A_100 = arith.constant 0 : i32
    %dma_wait3A_101 = tpu.memref_slice %arg5[%dma_wait3A_99, %dma_wait3A_100] : memref<102400x128xf32, #tpu.memory_space<hbm>> -> memref<128x128xf32, #tpu.memory_space<hbm>>
    %dma_wait3A_102 = arith.constant 0 : i32
    %dma_wait3A_103 = arith.constant 0 : i32
    %dma_wait3A_104 = tpu.memref_slice %arg9[%dma_wait3A_88, %dma_wait3A_102, %dma_wait3A_103] : memref<5x128x128xf32, #tpu.memory_space<vmem>> -> memref<1x128x128xf32, #tpu.memory_space<vmem>>
    %dma_wait3A_105 = tpu.memref_squeeze %dma_wait3A_104 : memref<1x128x128xf32, #tpu.memory_space<vmem>> -> memref<128x128xf32, #tpu.memory_space<vmem>>
    tpu.wait_dma2 semaphore(%dma_wait3A_98 : memref<!tpu.dma_semaphore, #tpu.memory_space<semaphore_mem>>) src(%dma_wait3A_105 : memref<128x128xf32, #tpu.memory_space<vmem>>) dst(%dma_wait3A_101 : memref<128x128xf32, #tpu.memory_space<hbm>>)
    %dma_wait3A_106 = arith.constant 3 : i32
    %dma_wait3A_107 = arith.constant 3 : i32
    %dma_wait3A_108 = arith.constant 0 : i32
    %dma_wait3A_109 = arith.constant 0 : i32
    %dma_wait3A_110 = tpu.memref_slice %arg9[%dma_wait3A_106, %dma_wait3A_108, %dma_wait3A_109] : memref<5x128x128xf32, #tpu.memory_space<vmem>> -> memref<1x128x128xf32, #tpu.memory_space<vmem>>
    %dma_wait3A_111 = tpu.memref_squeeze %dma_wait3A_110 : memref<1x128x128xf32, #tpu.memory_space<vmem>> -> memref<128x128xf32, #tpu.memory_space<vmem>>
    %dma_wait3A_112 = arith.constant 0 : i32
    %dma_wait3A_113 = arith.constant 0 : i32
    %dma_wait3A_114 = tpu.memref_slice %arg5[%dma_wait3A_112, %dma_wait3A_113] : memref<102400x128xf32, #tpu.memory_space<hbm>> -> memref<128x128xf32, #tpu.memory_space<hbm>>
    %dma_wait3A_115 = tpu.memref_slice %arg11[%dma_wait3A_107] : memref<5x!tpu.dma_semaphore, #tpu.memory_space<semaphore_mem>> -> memref<1x!tpu.dma_semaphore, #tpu.memory_space<semaphore_mem>>
    %dma_wait3A_116 = tpu.memref_squeeze %dma_wait3A_115 : memref<1x!tpu.dma_semaphore, #tpu.memory_space<semaphore_mem>> -> memref<!tpu.dma_semaphore, #tpu.memory_space<semaphore_mem>>
    %dma_wait3A_117 = arith.constant 0 : i32
    %dma_wait3A_118 = arith.constant 0 : i32
    %dma_wait3A_119 = tpu.memref_slice %arg5[%dma_wait3A_117, %dma_wait3A_118] : memref<102400x128xf32, #tpu.memory_space<hbm>> -> memref<128x128xf32, #tpu.memory_space<hbm>>
    %dma_wait3A_120 = arith.constant 0 : i32
    %dma_wait3A_121 = arith.constant 0 : i32
    %dma_wait3A_122 = tpu.memref_slice %arg9[%dma_wait3A_106, %dma_wait3A_120, %dma_wait3A_121] : memref<5x128x128xf32, #tpu.memory_space<vmem>> -> memref<1x128x128xf32, #tpu.memory_space<vmem>>
    %dma_wait3A_123 = tpu.memref_squeeze %dma_wait3A_122 : memref<1x128x128xf32, #tpu.memory_space<vmem>> -> memref<128x128xf32, #tpu.memory_space<vmem>>
    tpu.wait_dma2 semaphore(%dma_wait3A_116 : memref<!tpu.dma_semaphore, #tpu.memory_space<semaphore_mem>>) src(%dma_wait3A_123 : memref<128x128xf32, #tpu.memory_space<vmem>>) dst(%dma_wait3A_119 : memref<128x128xf32, #tpu.memory_space<hbm>>)
    %dma_wait3A_124 = arith.constant 4 : i32
    %dma_wait3A_125 = arith.constant 4 : i32
    %dma_wait3A_126 = arith.constant 0 : i32
    %dma_wait3A_127 = arith.constant 0 : i32
    %dma_wait3A_128 = tpu.memref_slice %arg9[%dma_wait3A_124, %dma_wait3A_126, %dma_wait3A_127] : memref<5x128x128xf32, #tpu.memory_space<vmem>> -> memref<1x128x128xf32, #tpu.memory_space<vmem>>
    %dma_wait3A_129 = tpu.memref_squeeze %dma_wait3A_128 : memref<1x128x128xf32, #tpu.memory_space<vmem>> -> memref<128x128xf32, #tpu.memory_space<vmem>>
    %dma_wait3A_130 = arith.constant 0 : i32
    %dma_wait3A_131 = arith.constant 0 : i32
    %dma_wait3A_132 = tpu.memref_slice %arg5[%dma_wait3A_130, %dma_wait3A_131] : memref<102400x128xf32, #tpu.memory_space<hbm>> -> memref<128x128xf32, #tpu.memory_space<hbm>>
    %dma_wait3A_133 = tpu.memref_slice %arg11[%dma_wait3A_125] : memref<5x!tpu.dma_semaphore, #tpu.memory_space<semaphore_mem>> -> memref<1x!tpu.dma_semaphore, #tpu.memory_space<semaphore_mem>>
    %dma_wait3A_134 = tpu.memref_squeeze %dma_wait3A_133 : memref<1x!tpu.dma_semaphore, #tpu.memory_space<semaphore_mem>> -> memref<!tpu.dma_semaphore, #tpu.memory_space<semaphore_mem>>
    %dma_wait3A_135 = arith.constant 0 : i32
    %dma_wait3A_136 = arith.constant 0 : i32
    %dma_wait3A_137 = tpu.memref_slice %arg5[%dma_wait3A_135, %dma_wait3A_136] : memref<102400x128xf32, #tpu.memory_space<hbm>> -> memref<128x128xf32, #tpu.memory_space<hbm>>
    %dma_wait3A_138 = arith.constant 0 : i32
    %dma_wait3A_139 = arith.constant 0 : i32
    %dma_wait3A_140 = tpu.memref_slice %arg9[%dma_wait3A_124, %dma_wait3A_138, %dma_wait3A_139] : memref<5x128x128xf32, #tpu.memory_space<vmem>> -> memref<1x128x128xf32, #tpu.memory_space<vmem>>
    %dma_wait3A_141 = tpu.memref_squeeze %dma_wait3A_140 : memref<1x128x128xf32, #tpu.memory_space<vmem>> -> memref<128x128xf32, #tpu.memory_space<vmem>>
    tpu.wait_dma2 semaphore(%dma_wait3A_134 : memref<!tpu.dma_semaphore, #tpu.memory_space<semaphore_mem>>) src(%dma_wait3A_141 : memref<128x128xf32, #tpu.memory_space<vmem>>) dst(%dma_wait3A_137 : memref<128x128xf32, #tpu.memory_space<hbm>>)
    %mul3A_142 = arith.constant 3 : i32
    %mul3A_143 = arith.muli %add3A, %mul3A_142 : i32
    %mul3A_144 = arith.constant 128 : i32
    %mul3A_145 = arith.muli %mul3A_143, %mul3A_144 : i32
    %dma_start3A_146 = arith.constant 0 : i32
    %dma_start3A_147 = arith.constant 0 : i32
    %dma_start3A_148 = arith.constant 0 : i32
    %dma_start3A_149 = arith.constant 0 : i32
    %dma_start3A_150 = arith.constant 0 : i32
    %dma_start3A_151 = tpu.memref_slice %arg9[%dma_start3A_147, %dma_start3A_149, %dma_start3A_150] : memref<5x128x128xf32, #tpu.memory_space<vmem>> -> memref<1x128x128xf32, #tpu.memory_space<vmem>>
    %dma_start3A_152 = tpu.memref_squeeze %dma_start3A_151 : memref<1x128x128xf32, #tpu.memory_space<vmem>> -> memref<128x128xf32, #tpu.memory_space<vmem>>
    %dma_start3A_153 = arith.constant 0 : i32
    %dma_start3A_154 = tpu.memref_slice %arg8[%dma_start3A_146, %dma_start3A_153] : memref<3x128xi32, #tpu.memory_space<vmem>> -> memref<1x128xi32, #tpu.memory_space<vmem>>
    %dma_start3A_155 = tpu.memref_squeeze %dma_start3A_154 : memref<1x128xi32, #tpu.memory_space<vmem>> -> memref<128xi32, #tpu.memory_space<vmem>>
    %dma_start3A_156 = arith.constant 0 : i32
    %dma_start3A_157 = arith.constant 0 : i32
    %dma_start3A_158 = tpu.memref_slice %arg2[%dma_start3A_156, %dma_start3A_157] : memref<100000x128xf32, #tpu.memory_space<hbm>> -> memref<100000x128xf32, #tpu.memory_space<hbm>>
    %dma_start3A_159 = tpu.memref_slice %arg10[%dma_start3A_148] : memref<5x!tpu.dma_semaphore, #tpu.memory_space<semaphore_mem>> -> memref<1x!tpu.dma_semaphore, #tpu.memory_space<semaphore_mem>>
    %dma_start3A_160 = tpu.memref_squeeze %dma_start3A_159 : memref<1x!tpu.dma_semaphore, #tpu.memory_space<semaphore_mem>> -> memref<!tpu.dma_semaphore, #tpu.memory_space<semaphore_mem>>
    tpu.enqueue_indirect_dma source(%dma_start3A_158 : memref<100000x128xf32, #tpu.memory_space<hbm>>) target(%dma_start3A_152 : memref<128x128xf32, #tpu.memory_space<vmem>>) offsets(%dma_start3A_155 : memref<128xi32, #tpu.memory_space<vmem>>) semaphore(%dma_start3A_160 : memref<!tpu.dma_semaphore, #tpu.memory_space<semaphore_mem>>)
    %dma_wait3A_161 = arith.constant 0 : i32
    %dma_wait3A_162 = arith.constant 0 : i32
    %dma_wait3A_163 = arith.constant 0 : i32
    %dma_wait3A_164 = arith.constant 0 : i32
    %dma_wait3A_165 = arith.constant 0 : i32
    %dma_wait3A_166 = tpu.memref_slice %arg9[%dma_wait3A_162, %dma_wait3A_164, %dma_wait3A_165] : memref<5x128x128xf32, #tpu.memory_space<vmem>> -> memref<1x128x128xf32, #tpu.memory_space<vmem>>
    %dma_wait3A_167 = tpu.memref_squeeze %dma_wait3A_166 : memref<1x128x128xf32, #tpu.memory_space<vmem>> -> memref<128x128xf32, #tpu.memory_space<vmem>>
    %dma_wait3A_168 = arith.constant 0 : i32
    %dma_wait3A_169 = tpu.memref_slice %arg8[%dma_wait3A_161, %dma_wait3A_168] : memref<3x128xi32, #tpu.memory_space<vmem>> -> memref<1x128xi32, #tpu.memory_space<vmem>>
    %dma_wait3A_170 = tpu.memref_squeeze %dma_wait3A_169 : memref<1x128xi32, #tpu.memory_space<vmem>> -> memref<128xi32, #tpu.memory_space<vmem>>
    %dma_wait3A_171 = arith.constant 0 : i32
    %dma_wait3A_172 = arith.constant 0 : i32
    %dma_wait3A_173 = tpu.memref_slice %arg2[%dma_wait3A_171, %dma_wait3A_172] : memref<100000x128xf32, #tpu.memory_space<hbm>> -> memref<100000x128xf32, #tpu.memory_space<hbm>>
    %dma_wait3A_174 = tpu.memref_slice %arg10[%dma_wait3A_163] : memref<5x!tpu.dma_semaphore, #tpu.memory_space<semaphore_mem>> -> memref<1x!tpu.dma_semaphore, #tpu.memory_space<semaphore_mem>>
    %dma_wait3A_175 = tpu.memref_squeeze %dma_wait3A_174 : memref<1x!tpu.dma_semaphore, #tpu.memory_space<semaphore_mem>> -> memref<!tpu.dma_semaphore, #tpu.memory_space<semaphore_mem>>
    tpu.wait_indirect_dma semaphore(%dma_wait3A_175 : memref<!tpu.dma_semaphore, #tpu.memory_space<semaphore_mem>>) src(%dma_wait3A_173 : memref<100000x128xf32, #tpu.memory_space<hbm>>) dst(%dma_wait3A_167 : memref<128x128xf32, #tpu.memory_space<vmem>>)
    %add3A_176 = arith.constant 0 : i32
    %add3A_177 = arith.addi %mul3A_145, %add3A_176 : i32
    %dma_start3A_178 = arith.constant 0 : i32
    %dma_start3A_179 = arith.constant 0 : i32
    %dma_start3A_180 = arith.constant 0 : i32
    %dma_start3A_181 = arith.constant 0 : i32
    %dma_start3A_182 = tpu.memref_slice %arg9[%dma_start3A_178, %dma_start3A_180, %dma_start3A_181] : memref<5x128x128xf32, #tpu.memory_space<vmem>> -> memref<1x128x128xf32, #tpu.memory_space<vmem>>
    %dma_start3A_183 = tpu.memref_squeeze %dma_start3A_182 : memref<1x128x128xf32, #tpu.memory_space<vmem>> -> memref<128x128xf32, #tpu.memory_space<vmem>>
    %dma_start3A_184 = arith.constant 0 : i32
    %dma_start3A_185 = tpu.memref_slice %arg6[%add3A_177, %dma_start3A_184] : memref<12288x128xf32, #tpu.memory_space<hbm>> -> memref<128x128xf32, #tpu.memory_space<hbm>>
    %dma_start3A_186 = tpu.memref_slice %arg11[%dma_start3A_179] : memref<5x!tpu.dma_semaphore, #tpu.memory_space<semaphore_mem>> -> memref<1x!tpu.dma_semaphore, #tpu.memory_space<semaphore_mem>>
    %dma_start3A_187 = tpu.memref_squeeze %dma_start3A_186 : memref<1x!tpu.dma_semaphore, #tpu.memory_space<semaphore_mem>> -> memref<!tpu.dma_semaphore, #tpu.memory_space<semaphore_mem>>
    %dma_start3A_188 = arith.constant 0 : i32
    %dma_start3A_189 = tpu.memref_slice %arg6[%add3A_177, %dma_start3A_188] : memref<12288x128xf32, #tpu.memory_space<hbm>> -> memref<128x128xf32, #tpu.memory_space<hbm>>
    %dma_start3A_190 = arith.constant 0 : i32
    %dma_start3A_191 = arith.constant 0 : i32
    %dma_start3A_192 = tpu.memref_slice %arg9[%dma_start3A_178, %dma_start3A_190, %dma_start3A_191] : memref<5x128x128xf32, #tpu.memory_space<vmem>> -> memref<1x128x128xf32, #tpu.memory_space<vmem>>
    %dma_start3A_193 = tpu.memref_squeeze %dma_start3A_192 : memref<1x128x128xf32, #tpu.memory_space<vmem>> -> memref<128x128xf32, #tpu.memory_space<vmem>>
    tpu.enqueue_dma source(%dma_start3A_193 : memref<128x128xf32, #tpu.memory_space<vmem>>) target(%dma_start3A_189 : memref<128x128xf32, #tpu.memory_space<hbm>>) target_semaphore(%dma_start3A_187 : memref<!tpu.dma_semaphore, #tpu.memory_space<semaphore_mem>>)
    %dma_start3A_194 = arith.constant 1 : i32
    %dma_start3A_195 = arith.constant 1 : i32
    %dma_start3A_196 = arith.constant 1 : i32
    %dma_start3A_197 = arith.constant 0 : i32
    %dma_start3A_198 = arith.constant 0 : i32
    %dma_start3A_199 = tpu.memref_slice %arg9[%dma_start3A_195, %dma_start3A_197, %dma_start3A_198] : memref<5x128x128xf32, #tpu.memory_space<vmem>> -> memref<1x128x128xf32, #tpu.memory_space<vmem>>
    %dma_start3A_200 = tpu.memref_squeeze %dma_start3A_199 : memref<1x128x128xf32, #tpu.memory_space<vmem>> -> memref<128x128xf32, #tpu.memory_space<vmem>>
    %dma_start3A_201 = arith.constant 0 : i32
    %dma_start3A_202 = tpu.memref_slice %arg8[%dma_start3A_194, %dma_start3A_201] : memref<3x128xi32, #tpu.memory_space<vmem>> -> memref<1x128xi32, #tpu.memory_space<vmem>>
    %dma_start3A_203 = tpu.memref_squeeze %dma_start3A_202 : memref<1x128xi32, #tpu.memory_space<vmem>> -> memref<128xi32, #tpu.memory_space<vmem>>
    %dma_start3A_204 = arith.constant 0 : i32
    %dma_start3A_205 = arith.constant 0 : i32
    %dma_start3A_206 = tpu.memref_slice %arg2[%dma_start3A_204, %dma_start3A_205] : memref<100000x128xf32, #tpu.memory_space<hbm>> -> memref<100000x128xf32, #tpu.memory_space<hbm>>
    %dma_start3A_207 = tpu.memref_slice %arg10[%dma_start3A_196] : memref<5x!tpu.dma_semaphore, #tpu.memory_space<semaphore_mem>> -> memref<1x!tpu.dma_semaphore, #tpu.memory_space<semaphore_mem>>
    %dma_start3A_208 = tpu.memref_squeeze %dma_start3A_207 : memref<1x!tpu.dma_semaphore, #tpu.memory_space<semaphore_mem>> -> memref<!tpu.dma_semaphore, #tpu.memory_space<semaphore_mem>>
    tpu.enqueue_indirect_dma source(%dma_start3A_206 : memref<100000x128xf32, #tpu.memory_space<hbm>>) target(%dma_start3A_200 : memref<128x128xf32, #tpu.memory_space<vmem>>) offsets(%dma_start3A_203 : memref<128xi32, #tpu.memory_space<vmem>>) semaphore(%dma_start3A_208 : memref<!tpu.dma_semaphore, #tpu.memory_space<semaphore_mem>>)
    %dma_wait3A_209 = arith.constant 1 : i32
    %dma_wait3A_210 = arith.constant 1 : i32
    %dma_wait3A_211 = arith.constant 1 : i32
    %dma_wait3A_212 = arith.constant 0 : i32
    %dma_wait3A_213 = arith.constant 0 : i32
    %dma_wait3A_214 = tpu.memref_slice %arg9[%dma_wait3A_210, %dma_wait3A_212, %dma_wait3A_213] : memref<5x128x128xf32, #tpu.memory_space<vmem>> -> memref<1x128x128xf32, #tpu.memory_space<vmem>>
    %dma_wait3A_215 = tpu.memref_squeeze %dma_wait3A_214 : memref<1x128x128xf32, #tpu.memory_space<vmem>> -> memref<128x128xf32, #tpu.memory_space<vmem>>
    %dma_wait3A_216 = arith.constant 0 : i32
    %dma_wait3A_217 = tpu.memref_slice %arg8[%dma_wait3A_209, %dma_wait3A_216] : memref<3x128xi32, #tpu.memory_space<vmem>> -> memref<1x128xi32, #tpu.memory_space<vmem>>
    %dma_wait3A_218 = tpu.memref_squeeze %dma_wait3A_217 : memref<1x128xi32, #tpu.memory_space<vmem>> -> memref<128xi32, #tpu.memory_space<vmem>>
    %dma_wait3A_219 = arith.constant 0 : i32
    %dma_wait3A_220 = arith.constant 0 : i32
    %dma_wait3A_221 = tpu.memref_slice %arg2[%dma_wait3A_219, %dma_wait3A_220] : memref<100000x128xf32, #tpu.memory_space<hbm>> -> memref<100000x128xf32, #tpu.memory_space<hbm>>
    %dma_wait3A_222 = tpu.memref_slice %arg10[%dma_wait3A_211] : memref<5x!tpu.dma_semaphore, #tpu.memory_space<semaphore_mem>> -> memref<1x!tpu.dma_semaphore, #tpu.memory_space<semaphore_mem>>
    %dma_wait3A_223 = tpu.memref_squeeze %dma_wait3A_222 : memref<1x!tpu.dma_semaphore, #tpu.memory_space<semaphore_mem>> -> memref<!tpu.dma_semaphore, #tpu.memory_space<semaphore_mem>>
    tpu.wait_indirect_dma semaphore(%dma_wait3A_223 : memref<!tpu.dma_semaphore, #tpu.memory_space<semaphore_mem>>) src(%dma_wait3A_221 : memref<100000x128xf32, #tpu.memory_space<hbm>>) dst(%dma_wait3A_215 : memref<128x128xf32, #tpu.memory_space<vmem>>)
    %add3A_224 = arith.constant 128 : i32
    %add3A_225 = arith.addi %mul3A_145, %add3A_224 : i32
    %dma_start3A_226 = arith.constant 1 : i32
    %dma_start3A_227 = arith.constant 1 : i32
    %dma_start3A_228 = arith.constant 0 : i32
    %dma_start3A_229 = arith.constant 0 : i32
    %dma_start3A_230 = tpu.memref_slice %arg9[%dma_start3A_226, %dma_start3A_228, %dma_start3A_229] : memref<5x128x128xf32, #tpu.memory_space<vmem>> -> memref<1x128x128xf32, #tpu.memory_space<vmem>>
    %dma_start3A_231 = tpu.memref_squeeze %dma_start3A_230 : memref<1x128x128xf32, #tpu.memory_space<vmem>> -> memref<128x128xf32, #tpu.memory_space<vmem>>
    %dma_start3A_232 = arith.constant 0 : i32
    %dma_start3A_233 = tpu.memref_slice %arg6[%add3A_225, %dma_start3A_232] : memref<12288x128xf32, #tpu.memory_space<hbm>> -> memref<128x128xf32, #tpu.memory_space<hbm>>
    %dma_start3A_234 = tpu.memref_slice %arg11[%dma_start3A_227] : memref<5x!tpu.dma_semaphore, #tpu.memory_space<semaphore_mem>> -> memref<1x!tpu.dma_semaphore, #tpu.memory_space<semaphore_mem>>
    %dma_start3A_235 = tpu.memref_squeeze %dma_start3A_234 : memref<1x!tpu.dma_semaphore, #tpu.memory_space<semaphore_mem>> -> memref<!tpu.dma_semaphore, #tpu.memory_space<semaphore_mem>>
    %dma_start3A_236 = arith.constant 0 : i32
    %dma_start3A_237 = tpu.memref_slice %arg6[%add3A_225, %dma_start3A_236] : memref<12288x128xf32, #tpu.memory_space<hbm>> -> memref<128x128xf32, #tpu.memory_space<hbm>>
    %dma_start3A_238 = arith.constant 0 : i32
    %dma_start3A_239 = arith.constant 0 : i32
    %dma_start3A_240 = tpu.memref_slice %arg9[%dma_start3A_226, %dma_start3A_238, %dma_start3A_239] : memref<5x128x128xf32, #tpu.memory_space<vmem>> -> memref<1x128x128xf32, #tpu.memory_space<vmem>>
    %dma_start3A_241 = tpu.memref_squeeze %dma_start3A_240 : memref<1x128x128xf32, #tpu.memory_space<vmem>> -> memref<128x128xf32, #tpu.memory_space<vmem>>
    tpu.enqueue_dma source(%dma_start3A_241 : memref<128x128xf32, #tpu.memory_space<vmem>>) target(%dma_start3A_237 : memref<128x128xf32, #tpu.memory_space<hbm>>) target_semaphore(%dma_start3A_235 : memref<!tpu.dma_semaphore, #tpu.memory_space<semaphore_mem>>)
    %dma_start3A_242 = arith.constant 2 : i32
    %dma_start3A_243 = arith.constant 2 : i32
    %dma_start3A_244 = arith.constant 2 : i32
    %dma_start3A_245 = arith.constant 0 : i32
    %dma_start3A_246 = arith.constant 0 : i32
    %dma_start3A_247 = tpu.memref_slice %arg9[%dma_start3A_243, %dma_start3A_245, %dma_start3A_246] : memref<5x128x128xf32, #tpu.memory_space<vmem>> -> memref<1x128x128xf32, #tpu.memory_space<vmem>>
    %dma_start3A_248 = tpu.memref_squeeze %dma_start3A_247 : memref<1x128x128xf32, #tpu.memory_space<vmem>> -> memref<128x128xf32, #tpu.memory_space<vmem>>
    %dma_start3A_249 = arith.constant 0 : i32
    %dma_start3A_250 = tpu.memref_slice %arg8[%dma_start3A_242, %dma_start3A_249] : memref<3x128xi32, #tpu.memory_space<vmem>> -> memref<1x128xi32, #tpu.memory_space<vmem>>
    %dma_start3A_251 = tpu.memref_squeeze %dma_start3A_250 : memref<1x128xi32, #tpu.memory_space<vmem>> -> memref<128xi32, #tpu.memory_space<vmem>>
    %dma_start3A_252 = arith.constant 0 : i32
    %dma_start3A_253 = arith.constant 0 : i32
    %dma_start3A_254 = tpu.memref_slice %arg2[%dma_start3A_252, %dma_start3A_253] : memref<100000x128xf32, #tpu.memory_space<hbm>> -> memref<100000x128xf32, #tpu.memory_space<hbm>>
    %dma_start3A_255 = tpu.memref_slice %arg10[%dma_start3A_244] : memref<5x!tpu.dma_semaphore, #tpu.memory_space<semaphore_mem>> -> memref<1x!tpu.dma_semaphore, #tpu.memory_space<semaphore_mem>>
    %dma_start3A_256 = tpu.memref_squeeze %dma_start3A_255 : memref<1x!tpu.dma_semaphore, #tpu.memory_space<semaphore_mem>> -> memref<!tpu.dma_semaphore, #tpu.memory_space<semaphore_mem>>
    tpu.enqueue_indirect_dma source(%dma_start3A_254 : memref<100000x128xf32, #tpu.memory_space<hbm>>) target(%dma_start3A_248 : memref<128x128xf32, #tpu.memory_space<vmem>>) offsets(%dma_start3A_251 : memref<128xi32, #tpu.memory_space<vmem>>) semaphore(%dma_start3A_256 : memref<!tpu.dma_semaphore, #tpu.memory_space<semaphore_mem>>)
    %dma_wait3A_257 = arith.constant 2 : i32
    %dma_wait3A_258 = arith.constant 2 : i32
    %dma_wait3A_259 = arith.constant 2 : i32
    %dma_wait3A_260 = arith.constant 0 : i32
    %dma_wait3A_261 = arith.constant 0 : i32
    %dma_wait3A_262 = tpu.memref_slice %arg9[%dma_wait3A_258, %dma_wait3A_260, %dma_wait3A_261] : memref<5x128x128xf32, #tpu.memory_space<vmem>> -> memref<1x128x128xf32, #tpu.memory_space<vmem>>
    %dma_wait3A_263 = tpu.memref_squeeze %dma_wait3A_262 : memref<1x128x128xf32, #tpu.memory_space<vmem>> -> memref<128x128xf32, #tpu.memory_space<vmem>>
    %dma_wait3A_264 = arith.constant 0 : i32
    %dma_wait3A_265 = tpu.memref_slice %arg8[%dma_wait3A_257, %dma_wait3A_264] : memref<3x128xi32, #tpu.memory_space<vmem>> -> memref<1x128xi32, #tpu.memory_space<vmem>>
    %dma_wait3A_266 = tpu.memref_squeeze %dma_wait3A_265 : memref<1x128xi32, #tpu.memory_space<vmem>> -> memref<128xi32, #tpu.memory_space<vmem>>
    %dma_wait3A_267 = arith.constant 0 : i32
    %dma_wait3A_268 = arith.constant 0 : i32
    %dma_wait3A_269 = tpu.memref_slice %arg2[%dma_wait3A_267, %dma_wait3A_268] : memref<100000x128xf32, #tpu.memory_space<hbm>> -> memref<100000x128xf32, #tpu.memory_space<hbm>>
    %dma_wait3A_270 = tpu.memref_slice %arg10[%dma_wait3A_259] : memref<5x!tpu.dma_semaphore, #tpu.memory_space<semaphore_mem>> -> memref<1x!tpu.dma_semaphore, #tpu.memory_space<semaphore_mem>>
    %dma_wait3A_271 = tpu.memref_squeeze %dma_wait3A_270 : memref<1x!tpu.dma_semaphore, #tpu.memory_space<semaphore_mem>> -> memref<!tpu.dma_semaphore, #tpu.memory_space<semaphore_mem>>
    tpu.wait_indirect_dma semaphore(%dma_wait3A_271 : memref<!tpu.dma_semaphore, #tpu.memory_space<semaphore_mem>>) src(%dma_wait3A_269 : memref<100000x128xf32, #tpu.memory_space<hbm>>) dst(%dma_wait3A_263 : memref<128x128xf32, #tpu.memory_space<vmem>>)
    %add3A_272 = arith.constant 256 : i32
    %add3A_273 = arith.addi %mul3A_145, %add3A_272 : i32
    %dma_start3A_274 = arith.constant 2 : i32
    %dma_start3A_275 = arith.constant 2 : i32
    %dma_start3A_276 = arith.constant 0 : i32
    %dma_start3A_277 = arith.constant 0 : i32
    %dma_start3A_278 = tpu.memref_slice %arg9[%dma_start3A_274, %dma_start3A_276, %dma_start3A_277] : memref<5x128x128xf32, #tpu.memory_space<vmem>> -> memref<1x128x128xf32, #tpu.memory_space<vmem>>
    %dma_start3A_279 = tpu.memref_squeeze %dma_start3A_278 : memref<1x128x128xf32, #tpu.memory_space<vmem>> -> memref<128x128xf32, #tpu.memory_space<vmem>>
    %dma_start3A_280 = arith.constant 0 : i32
    %dma_start3A_281 = tpu.memref_slice %arg6[%add3A_273, %dma_start3A_280] : memref<12288x128xf32, #tpu.memory_space<hbm>> -> memref<128x128xf32, #tpu.memory_space<hbm>>
    %dma_start3A_282 = tpu.memref_slice %arg11[%dma_start3A_275] : memref<5x!tpu.dma_semaphore, #tpu.memory_space<semaphore_mem>> -> memref<1x!tpu.dma_semaphore, #tpu.memory_space<semaphore_mem>>
    %dma_start3A_283 = tpu.memref_squeeze %dma_start3A_282 : memref<1x!tpu.dma_semaphore, #tpu.memory_space<semaphore_mem>> -> memref<!tpu.dma_semaphore, #tpu.memory_space<semaphore_mem>>
    %dma_start3A_284 = arith.constant 0 : i32
    %dma_start3A_285 = tpu.memref_slice %arg6[%add3A_273, %dma_start3A_284] : memref<12288x128xf32, #tpu.memory_space<hbm>> -> memref<128x128xf32, #tpu.memory_space<hbm>>
    %dma_start3A_286 = arith.constant 0 : i32
    %dma_start3A_287 = arith.constant 0 : i32
    %dma_start3A_288 = tpu.memref_slice %arg9[%dma_start3A_274, %dma_start3A_286, %dma_start3A_287] : memref<5x128x128xf32, #tpu.memory_space<vmem>> -> memref<1x128x128xf32, #tpu.memory_space<vmem>>
    %dma_start3A_289 = tpu.memref_squeeze %dma_start3A_288 : memref<1x128x128xf32, #tpu.memory_space<vmem>> -> memref<128x128xf32, #tpu.memory_space<vmem>>
    tpu.enqueue_dma source(%dma_start3A_289 : memref<128x128xf32, #tpu.memory_space<vmem>>) target(%dma_start3A_285 : memref<128x128xf32, #tpu.memory_space<hbm>>) target_semaphore(%dma_start3A_283 : memref<!tpu.dma_semaphore, #tpu.memory_space<semaphore_mem>>)
    %dma_wait3A_290 = arith.constant 0 : i32
    %dma_wait3A_291 = arith.constant 0 : i32
    %dma_wait3A_292 = arith.constant 0 : i32
    %dma_wait3A_293 = arith.constant 0 : i32
    %dma_wait3A_294 = tpu.memref_slice %arg9[%dma_wait3A_290, %dma_wait3A_292, %dma_wait3A_293] : memref<5x128x128xf32, #tpu.memory_space<vmem>> -> memref<1x128x128xf32, #tpu.memory_space<vmem>>
    %dma_wait3A_295 = tpu.memref_squeeze %dma_wait3A_294 : memref<1x128x128xf32, #tpu.memory_space<vmem>> -> memref<128x128xf32, #tpu.memory_space<vmem>>
    %dma_wait3A_296 = arith.constant 0 : i32
    %dma_wait3A_297 = arith.constant 0 : i32
    %dma_wait3A_298 = tpu.memref_slice %arg6[%dma_wait3A_296, %dma_wait3A_297] : memref<12288x128xf32, #tpu.memory_space<hbm>> -> memref<128x128xf32, #tpu.memory_space<hbm>>
    %dma_wait3A_299 = tpu.memref_slice %arg11[%dma_wait3A_291] : memref<5x!tpu.dma_semaphore, #tpu.memory_space<semaphore_mem>> -> memref<1x!tpu.dma_semaphore, #tpu.memory_space<semaphore_mem>>
    %dma_wait3A_300 = tpu.memref_squeeze %dma_wait3A_299 : memref<1x!tpu.dma_semaphore, #tpu.memory_space<semaphore_mem>> -> memref<!tpu.dma_semaphore, #tpu.memory_space<semaphore_mem>>
    %dma_wait3A_301 = arith.constant 0 : i32
    %dma_wait3A_302 = arith.constant 0 : i32
    %dma_wait3A_303 = tpu.memref_slice %arg6[%dma_wait3A_301, %dma_wait3A_302] : memref<12288x128xf32, #tpu.memory_space<hbm>> -> memref<128x128xf32, #tpu.memory_space<hbm>>
    %dma_wait3A_304 = arith.constant 0 : i32
    %dma_wait3A_305 = arith.constant 0 : i32
    %dma_wait3A_306 = tpu.memref_slice %arg9[%dma_wait3A_290, %dma_wait3A_304, %dma_wait3A_305] : memref<5x128x128xf32, #tpu.memory_space<vmem>> -> memref<1x128x128xf32, #tpu.memory_space<vmem>>
    %dma_wait3A_307 = tpu.memref_squeeze %dma_wait3A_306 : memref<1x128x128xf32, #tpu.memory_space<vmem>> -> memref<128x128xf32, #tpu.memory_space<vmem>>
    tpu.wait_dma2 semaphore(%dma_wait3A_300 : memref<!tpu.dma_semaphore, #tpu.memory_space<semaphore_mem>>) src(%dma_wait3A_307 : memref<128x128xf32, #tpu.memory_space<vmem>>) dst(%dma_wait3A_303 : memref<128x128xf32, #tpu.memory_space<hbm>>)
    %dma_wait3A_308 = arith.constant 1 : i32
    %dma_wait3A_309 = arith.constant 1 : i32
    %dma_wait3A_310 = arith.constant 0 : i32
    %dma_wait3A_311 = arith.constant 0 : i32
    %dma_wait3A_312 = tpu.memref_slice %arg9[%dma_wait3A_308, %dma_wait3A_310, %dma_wait3A_311] : memref<5x128x128xf32, #tpu.memory_space<vmem>> -> memref<1x128x128xf32, #tpu.memory_space<vmem>>
    %dma_wait3A_313 = tpu.memref_squeeze %dma_wait3A_312 : memref<1x128x128xf32, #tpu.memory_space<vmem>> -> memref<128x128xf32, #tpu.memory_space<vmem>>
    %dma_wait3A_314 = arith.constant 0 : i32
    %dma_wait3A_315 = arith.constant 0 : i32
    %dma_wait3A_316 = tpu.memref_slice %arg6[%dma_wait3A_314, %dma_wait3A_315] : memref<12288x128xf32, #tpu.memory_space<hbm>> -> memref<128x128xf32, #tpu.memory_space<hbm>>
    %dma_wait3A_317 = tpu.memref_slice %arg11[%dma_wait3A_309] : memref<5x!tpu.dma_semaphore, #tpu.memory_space<semaphore_mem>> -> memref<1x!tpu.dma_semaphore, #tpu.memory_space<semaphore_mem>>
    %dma_wait3A_318 = tpu.memref_squeeze %dma_wait3A_317 : memref<1x!tpu.dma_semaphore, #tpu.memory_space<semaphore_mem>> -> memref<!tpu.dma_semaphore, #tpu.memory_space<semaphore_mem>>
    %dma_wait3A_319 = arith.constant 0 : i32
    %dma_wait3A_320 = arith.constant 0 : i32
    %dma_wait3A_321 = tpu.memref_slice %arg6[%dma_wait3A_319, %dma_wait3A_320] : memref<12288x128xf32, #tpu.memory_space<hbm>> -> memref<128x128xf32, #tpu.memory_space<hbm>>
    %dma_wait3A_322 = arith.constant 0 : i32
    %dma_wait3A_323 = arith.constant 0 : i32
    %dma_wait3A_324 = tpu.memref_slice %arg9[%dma_wait3A_308, %dma_wait3A_322, %dma_wait3A_323] : memref<5x128x128xf32, #tpu.memory_space<vmem>> -> memref<1x128x128xf32, #tpu.memory_space<vmem>>
    %dma_wait3A_325 = tpu.memref_squeeze %dma_wait3A_324 : memref<1x128x128xf32, #tpu.memory_space<vmem>> -> memref<128x128xf32, #tpu.memory_space<vmem>>
    tpu.wait_dma2 semaphore(%dma_wait3A_318 : memref<!tpu.dma_semaphore, #tpu.memory_space<semaphore_mem>>) src(%dma_wait3A_325 : memref<128x128xf32, #tpu.memory_space<vmem>>) dst(%dma_wait3A_321 : memref<128x128xf32, #tpu.memory_space<hbm>>)
    %dma_wait3A_326 = arith.constant 2 : i32
    %dma_wait3A_327 = arith.constant 2 : i32
    %dma_wait3A_328 = arith.constant 0 : i32
    %dma_wait3A_329 = arith.constant 0 : i32
    %dma_wait3A_330 = tpu.memref_slice %arg9[%dma_wait3A_326, %dma_wait3A_328, %dma_wait3A_329] : memref<5x128x128xf32, #tpu.memory_space<vmem>> -> memref<1x128x128xf32, #tpu.memory_space<vmem>>
    %dma_wait3A_331 = tpu.memref_squeeze %dma_wait3A_330 : memref<1x128x128xf32, #tpu.memory_space<vmem>> -> memref<128x128xf32, #tpu.memory_space<vmem>>
    %dma_wait3A_332 = arith.constant 0 : i32
    %dma_wait3A_333 = arith.constant 0 : i32
    %dma_wait3A_334 = tpu.memref_slice %arg6[%dma_wait3A_332, %dma_wait3A_333] : memref<12288x128xf32, #tpu.memory_space<hbm>> -> memref<128x128xf32, #tpu.memory_space<hbm>>
    %dma_wait3A_335 = tpu.memref_slice %arg11[%dma_wait3A_327] : memref<5x!tpu.dma_semaphore, #tpu.memory_space<semaphore_mem>> -> memref<1x!tpu.dma_semaphore, #tpu.memory_space<semaphore_mem>>
    %dma_wait3A_336 = tpu.memref_squeeze %dma_wait3A_335 : memref<1x!tpu.dma_semaphore, #tpu.memory_space<semaphore_mem>> -> memref<!tpu.dma_semaphore, #tpu.memory_space<semaphore_mem>>
    %dma_wait3A_337 = arith.constant 0 : i32
    %dma_wait3A_338 = arith.constant 0 : i32
    %dma_wait3A_339 = tpu.memref_slice %arg6[%dma_wait3A_337, %dma_wait3A_338] : memref<12288x128xf32, #tpu.memory_space<hbm>> -> memref<128x128xf32, #tpu.memory_space<hbm>>
    %dma_wait3A_340 = arith.constant 0 : i32
    %dma_wait3A_341 = arith.constant 0 : i32
    %dma_wait3A_342 = tpu.memref_slice %arg9[%dma_wait3A_326, %dma_wait3A_340, %dma_wait3A_341] : memref<5x128x128xf32, #tpu.memory_space<vmem>> -> memref<1x128x128xf32, #tpu.memory_space<vmem>>
    %dma_wait3A_343 = tpu.memref_squeeze %dma_wait3A_342 : memref<1x128x128xf32, #tpu.memory_space<vmem>> -> memref<128x128xf32, #tpu.memory_space<vmem>>
    tpu.wait_dma2 semaphore(%dma_wait3A_336 : memref<!tpu.dma_semaphore, #tpu.memory_space<semaphore_mem>>) src(%dma_wait3A_343 : memref<128x128xf32, #tpu.memory_space<vmem>>) dst(%dma_wait3A_339 : memref<128x128xf32, #tpu.memory_space<hbm>>)
    return
  }
}

module attributes {stable_mosaic.version = 14 : i64} {
  func.func @_tc_mlp_body(%arg0: i32, %arg1: memref<200x32x128xf32, #tpu.memory_space<vmem>>, %arg2: memref<200x128xf32, #tpu.memory_space<vmem>>, %arg3: memref<128x128xbf16, #tpu.memory_space<vmem>>, %arg4: memref<128x128xbf16, #tpu.memory_space<vmem>>, %arg5: memref<128x128xbf16, #tpu.memory_space<vmem>>, %arg6: memref<1x128xf32, #tpu.memory_space<vmem>>, %arg7: memref<1x128xf32, #tpu.memory_space<vmem>>, %arg8: memref<1x128xf32, #tpu.memory_space<vmem>>, %arg9: memref<1x1xf32, #tpu.memory_space<vmem>>, %arg10: memref<200x128xf32, #tpu.memory_space<vmem>>) attributes {dimension_semantics = [#tpu.dimension_semantics<arbitrary>], iteration_bounds = array<i64: 16>, scalar_prefetch = 0 : i64, scratch_operands = 0 : i64, tpu.core_type = #tpu.core_type<tc>, window_params = [{transform_indices = @transform_0, window_bounds = array<i64: 200, 32, 128>}, {transform_indices = @transform_1, window_bounds = array<i64: 200, 128>}, {pipeline_mode = #tpu.pipeline_mode<synchronous>, transform_indices = @transform_2, window_bounds = array<i64: 128, 128>}, {pipeline_mode = #tpu.pipeline_mode<synchronous>, transform_indices = @transform_3, window_bounds = array<i64: 128, 128>}, {pipeline_mode = #tpu.pipeline_mode<synchronous>, transform_indices = @transform_4, window_bounds = array<i64: 128, 128>}, {pipeline_mode = #tpu.pipeline_mode<synchronous>, transform_indices = @transform_5, window_bounds = array<i64: 1, 128>}, {pipeline_mode = #tpu.pipeline_mode<synchronous>, transform_indices = @transform_6, window_bounds = array<i64: 1, 128>}, {pipeline_mode = #tpu.pipeline_mode<synchronous>, transform_indices = @transform_7, window_bounds = array<i64: 1, 128>}, {pipeline_mode = #tpu.pipeline_mode<synchronous>, transform_indices = @transform_8, window_bounds = array<i64: 1, 1>}, {transform_indices = @transform_9, window_bounds = array<i64: 200, 128>}]} {
    %get3A = arith.constant 0 : index
    %get3A_0 = arith.constant 0 : index
    %get3A_1 = arith.constant 0 : index
    %get3A_2 = vector.load %arg1[%get3A, %get3A_0, %get3A_1] : memref<200x32x128xf32, #tpu.memory_space<vmem>>, vector<200x32x128xf32>
    %reshape3A = vector.shape_cast %get3A_2 : vector<200x32x128xf32> to vector<6400x128xf32>
    %convert_element_type3A = arith.truncf %reshape3A : vector<6400x128xf32> to vector<6400x128xbf16>
    %get3A_3 = arith.constant 0 : index
    %get3A_4 = arith.constant 0 : index
    %get3A_5 = vector.load %arg2[%get3A_3, %get3A_4] : memref<200x128xf32, #tpu.memory_space<vmem>>, vector<200x128xf32>
    %convert_element_type3A_6 = arith.truncf %get3A_5 : vector<200x128xf32> to vector<200x128xbf16>
    %get3A_7 = arith.constant 0 : index
    %get3A_8 = arith.constant 0 : index
    %get3A_9 = vector.load %arg4[%get3A_7, %get3A_8] : memref<128x128xbf16, #tpu.memory_space<vmem>>, vector<128x128xbf16>
    %dot_general3A = arith.constant dense<0.000000e+00> : vector<200x128xf32>
    %dot_general3A_10 = tpu.matmul %convert_element_type3A_6, %get3A_9, %dot_general3A {dimension_numbers = #tpu.dot_dimension_numbers<[1], [0], [0], [1], [0, 0, 1, 1], [], []>, transpose_lhs_hint = false} : vector<200x128xbf16>, vector<128x128xbf16>, vector<200x128xf32> -> vector<200x128xf32>
    %get3A_11 = arith.constant 0 : index
    %get3A_12 = arith.constant 0 : index
    %get3A_13 = vector.load %arg7[%get3A_11, %get3A_12] : memref<1x128xf32, #tpu.memory_space<vmem>>, vector<1x128xf32>
    %add3A = vector.broadcast %get3A_13 : vector<1x128xf32> to vector<200x128xf32>
    %add3A_14 = arith.addf %dot_general3A_10, %add3A : vector<200x128xf32>
    %get3A_15 = arith.constant 0 : index
    %get3A_16 = arith.constant 0 : index
    %get3A_17 = vector.load %arg3[%get3A_15, %get3A_16] : memref<128x128xbf16, #tpu.memory_space<vmem>>, vector<128x128xbf16>
    %dot_general3A_18 = arith.constant dense<0.000000e+00> : vector<6400x128xf32>
    %dot_general3A_19 = tpu.matmul %convert_element_type3A, %get3A_17, %dot_general3A_18 {dimension_numbers = #tpu.dot_dimension_numbers<[1], [0], [0], [1], [0, 0, 1, 1], [], []>, transpose_lhs_hint = false} : vector<6400x128xbf16>, vector<128x128xbf16>, vector<6400x128xf32> -> vector<6400x128xf32>
    %reshape3A_20 = vector.shape_cast %dot_general3A_19 : vector<6400x128xf32> to vector<200x32x128xf32>
    %broadcast_in_dim3A = vector.shape_cast %add3A_14 : vector<200x128xf32> to vector<200x1x128xf32>
    %add3A_21 = vector.broadcast %broadcast_in_dim3A : vector<200x1x128xf32> to vector<200x32x128xf32>
    %add3A_22 = arith.addf %reshape3A_20, %add3A_21 : vector<200x32x128xf32>
    %max3A = arith.constant 0.000000e+00 : f32
    %max3A_23 = vector.broadcast %max3A : f32 to vector<200x32x128xf32>
    %max3A_24 = arith.maximumf %add3A_22, %max3A_23 : vector<200x32x128xf32>
    %reshape3A_25 = vector.shape_cast %max3A_24 : vector<200x32x128xf32> to vector<6400x128xf32>
    %convert_element_type3A_26 = arith.truncf %reshape3A_25 : vector<6400x128xf32> to vector<6400x128xbf16>
    %get3A_27 = arith.constant 0 : index
    %get3A_28 = arith.constant 0 : index
    %get3A_29 = vector.load %arg5[%get3A_27, %get3A_28] : memref<128x128xbf16, #tpu.memory_space<vmem>>, vector<128x128xbf16>
    %dot_general3A_30 = arith.constant dense<0.000000e+00> : vector<6400x128xf32>
    %dot_general3A_31 = tpu.matmul %convert_element_type3A_26, %get3A_29, %dot_general3A_30 {dimension_numbers = #tpu.dot_dimension_numbers<[1], [0], [0], [1], [0, 0, 1, 1], [], []>, transpose_lhs_hint = false} : vector<6400x128xbf16>, vector<128x128xbf16>, vector<6400x128xf32> -> vector<6400x128xf32>
    %get3A_32 = arith.constant 0 : index
    %get3A_33 = arith.constant 0 : index
    %get3A_34 = vector.load %arg8[%get3A_32, %get3A_33] : memref<1x128xf32, #tpu.memory_space<vmem>>, vector<1x128xf32>
    %add3A_35 = vector.broadcast %get3A_34 : vector<1x128xf32> to vector<6400x128xf32>
    %add3A_36 = arith.addf %dot_general3A_31, %add3A_35 : vector<6400x128xf32>
    %max3A_37 = arith.constant 0.000000e+00 : f32
    %max3A_38 = vector.broadcast %max3A_37 : f32 to vector<6400x128xf32>
    %max3A_39 = arith.maximumf %add3A_36, %max3A_38 : vector<6400x128xf32>
    %get3A_40 = arith.constant 0 : index
    %get3A_41 = arith.constant 0 : index
    %get3A_42 = vector.load %arg6[%get3A_40, %get3A_41] : memref<1x128xf32, #tpu.memory_space<vmem>>, vector<1x128xf32>
    %reshape3A_43 = vector.shape_cast %get3A_42 : vector<1x128xf32> to vector<1x1x128xf32>
    %reshape3A_44 = vector.shape_cast %max3A_39 : vector<6400x128xf32> to vector<200x32x128xf32>
    %mul3A = vector.broadcast %reshape3A_43 : vector<1x1x128xf32> to vector<200x32x128xf32>
    %mul3A_45 = arith.mulf %reshape3A_44, %mul3A : vector<200x32x128xf32>
    %reduce_sum3A = arith.constant dense<0.000000e+00> : vector<200x32xf32>
    %reduce_sum3A_46 = vector.multi_reduction <add>, %mul3A_45, %reduce_sum3A [2] : vector<200x32x128xf32> to vector<200x32xf32>
    %broadcast_in_dim3A_47 = vector.shape_cast %reduce_sum3A_46 : vector<200x32xf32> to vector<200x32x1xf32>
    %get3A_48 = arith.constant 0 : index
    %get3A_49 = arith.constant 0 : index
    %get3A_50 = vector.load %arg9[%get3A_48, %get3A_49] : memref<1x1xf32, #tpu.memory_space<vmem>>, vector<1x1xf32>
    %get3A_51 = vector.extract %get3A_50[0, 0] : f32 from vector<1x1xf32>
    %add3A_52 = vector.broadcast %get3A_51 : f32 to vector<200x32x1xf32>
    %add3A_53 = arith.addf %broadcast_in_dim3A_47, %add3A_52 : vector<200x32x1xf32>
    %reduce_max3A = arith.constant dense<0xFF800000> : vector<200x1xf32>
    %reduce_max3A_54 = vector.multi_reduction <maximumf>, %add3A_53, %reduce_max3A [1] : vector<200x32x1xf32> to vector<200x1xf32>
    %broadcast_in_dim3A_55 = vector.shape_cast %reduce_max3A_54 : vector<200x1xf32> to vector<200x1x1xf32>
    %sub3A = vector.broadcast %broadcast_in_dim3A_55 : vector<200x1x1xf32> to vector<200x32x1xf32>
    %sub3A_56 = arith.subf %add3A_53, %sub3A : vector<200x32x1xf32>
    %exp3A = math.exp %sub3A_56 : vector<200x32x1xf32>
    %reduce_sum3A_57 = arith.constant dense<0.000000e+00> : vector<200x1xf32>
    %reduce_sum3A_58 = vector.multi_reduction <add>, %exp3A, %reduce_sum3A_57 [1] : vector<200x32x1xf32> to vector<200x1xf32>
    %broadcast_in_dim3A_59 = vector.shape_cast %reduce_sum3A_58 : vector<200x1xf32> to vector<200x1x1xf32>
    %div3A = vector.broadcast %broadcast_in_dim3A_59 : vector<200x1x1xf32> to vector<200x32x1xf32>
    %div3A_60 = arith.divf %exp3A, %div3A : vector<200x32x1xf32>
    %mul3A_61 = vector.broadcast %div3A_60 : vector<200x32x1xf32> to vector<200x32x128xf32>
    %mul3A_62 = arith.mulf %get3A_2, %mul3A_61 : vector<200x32x128xf32>
    %reduce_sum3A_63 = arith.constant dense<0.000000e+00> : vector<200x128xf32>
    %reduce_sum3A_64 = vector.multi_reduction <add>, %mul3A_62, %reduce_sum3A_63 [1] : vector<200x32x128xf32> to vector<200x128xf32>
    %swap3A = arith.constant 0 : index
    %swap3A_65 = arith.constant 0 : index
    %swap3A_66 = vector.load %arg10[%swap3A, %swap3A_65] : memref<200x128xf32, #tpu.memory_space<vmem>>, vector<200x128xf32>
    tpu.vector_store %arg10[%swap3A, %swap3A_65], %reduce_sum3A_64 {strides = array<i32>} : memref<200x128xf32, #tpu.memory_space<vmem>>, vector<200x128xf32>,
    return
  }
  func.func @transform_0(%arg0: i32) -> (i32, i32, i32) {
    %c0_i32 = arith.constant 0 : i32
    %c0_i32_0 = arith.constant 0 : i32
    %c0_i32_1 = arith.constant 0 : i32
    return %arg0, %c0_i32, %c0_i32_0 : i32, i32, i32
  }
  func.func @transform_1(%arg0: i32) -> (i32, i32) {
    %add3A = arith.constant 16 : i32
    %add3A_0 = arith.addi %arg0, %add3A : i32
    %c0_i32 = arith.constant 0 : i32
    %c0_i32_1 = arith.constant 0 : i32
    return %add3A_0, %c0_i32 : i32, i32
  }
  func.func @transform_2(%arg0: i32) -> (i32, i32) {
    %c0_i32 = arith.constant 0 : i32
    %c0_i32_0 = arith.constant 0 : i32
    %c0_i32_1 = arith.constant 0 : i32
    return %c0_i32, %c0_i32_0 : i32, i32
  }
  func.func @transform_3(%arg0: i32) -> (i32, i32) {
    %c0_i32 = arith.constant 0 : i32
    %c0_i32_0 = arith.constant 0 : i32
    %c0_i32_1 = arith.constant 0 : i32
    return %c0_i32, %c0_i32_0 : i32, i32
  }
  func.func @transform_4(%arg0: i32) -> (i32, i32) {
    %c0_i32 = arith.constant 0 : i32
    %c0_i32_0 = arith.constant 0 : i32
    %c0_i32_1 = arith.constant 0 : i32
    return %c0_i32, %c0_i32_0 : i32, i32
  }
  func.func @transform_5(%arg0: i32) -> (i32, i32) {
    %c0_i32 = arith.constant 0 : i32
    %c0_i32_0 = arith.constant 0 : i32
    %c0_i32_1 = arith.constant 0 : i32
    return %c0_i32, %c0_i32_0 : i32, i32
  }
  func.func @transform_6(%arg0: i32) -> (i32, i32) {
    %c0_i32 = arith.constant 0 : i32
    %c0_i32_0 = arith.constant 0 : i32
    %c0_i32_1 = arith.constant 0 : i32
    return %c0_i32, %c0_i32_0 : i32, i32
  }
  func.func @transform_7(%arg0: i32) -> (i32, i32) {
    %c0_i32 = arith.constant 0 : i32
    %c0_i32_0 = arith.constant 0 : i32
    %c0_i32_1 = arith.constant 0 : i32
    return %c0_i32, %c0_i32_0 : i32, i32
  }
  func.func @transform_8(%arg0: i32) -> (i32, i32) {
    %c0_i32 = arith.constant 0 : i32
    %c0_i32_0 = arith.constant 0 : i32
    %c0_i32_1 = arith.constant 0 : i32
    return %c0_i32, %c0_i32_0 : i32, i32
  }
  func.func @transform_9(%arg0: i32) -> (i32, i32) {
    %c0_i32 = arith.constant 0 : i32
    %c0_i32_0 = arith.constant 0 : i32
    return %arg0, %c0_i32 : i32, i32
  }
}

module attributes {stable_mosaic.version = 14 : i64} {
  func.func @_tc_mlp_body(%arg0: i32, %arg1: memref<200x32x128xf32, #tpu.memory_space<vmem>>, %arg2: memref<200x128xf32, #tpu.memory_space<vmem>>, %arg3: memref<128x128xbf16, #tpu.memory_space<vmem>>, %arg4: memref<128x128xbf16, #tpu.memory_space<vmem>>, %arg5: memref<128x128xbf16, #tpu.memory_space<vmem>>, %arg6: memref<1x128xf32, #tpu.memory_space<vmem>>, %arg7: memref<1x128xf32, #tpu.memory_space<vmem>>, %arg8: memref<1x128xf32, #tpu.memory_space<vmem>>, %arg9: memref<1x1xf32, #tpu.memory_space<vmem>>, %arg10: memref<200x128xf32, #tpu.memory_space<vmem>>) attributes {dimension_semantics = [#tpu.dimension_semantics<arbitrary>], iteration_bounds = array<i64: 18>, scalar_prefetch = 0 : i64, scratch_operands = 0 : i64, tpu.core_type = #tpu.core_type<tc>, window_params = [{transform_indices = @transform_0, window_bounds = array<i64: 200, 32, 128>}, {transform_indices = @transform_1, window_bounds = array<i64: 200, 128>}, {pipeline_mode = #tpu.pipeline_mode<synchronous>, transform_indices = @transform_2, window_bounds = array<i64: 128, 128>}, {pipeline_mode = #tpu.pipeline_mode<synchronous>, transform_indices = @transform_3, window_bounds = array<i64: 128, 128>}, {pipeline_mode = #tpu.pipeline_mode<synchronous>, transform_indices = @transform_4, window_bounds = array<i64: 128, 128>}, {pipeline_mode = #tpu.pipeline_mode<synchronous>, transform_indices = @transform_5, window_bounds = array<i64: 1, 128>}, {pipeline_mode = #tpu.pipeline_mode<synchronous>, transform_indices = @transform_6, window_bounds = array<i64: 1, 128>}, {pipeline_mode = #tpu.pipeline_mode<synchronous>, transform_indices = @transform_7, window_bounds = array<i64: 1, 128>}, {pipeline_mode = #tpu.pipeline_mode<synchronous>, transform_indices = @transform_8, window_bounds = array<i64: 1, 1>}, {transform_indices = @transform_9, window_bounds = array<i64: 200, 128>}]} {
    %get3A = arith.constant 0 : index
    %get3A_0 = arith.constant 0 : index
    %get3A_1 = arith.constant 0 : index
    %get3A_2 = vector.load %arg1[%get3A, %get3A_0, %get3A_1] : memref<200x32x128xf32, #tpu.memory_space<vmem>>, vector<200x32x128xf32>
    %reshape3A = vector.shape_cast %get3A_2 : vector<200x32x128xf32> to vector<6400x128xf32>
    %convert_element_type3A = arith.truncf %reshape3A : vector<6400x128xf32> to vector<6400x128xbf16>
    %get3A_3 = arith.constant 0 : index
    %get3A_4 = arith.constant 0 : index
    %get3A_5 = vector.load %arg2[%get3A_3, %get3A_4] : memref<200x128xf32, #tpu.memory_space<vmem>>, vector<200x128xf32>
    %convert_element_type3A_6 = arith.truncf %get3A_5 : vector<200x128xf32> to vector<200x128xbf16>
    %get3A_7 = arith.constant 0 : index
    %get3A_8 = arith.constant 0 : index
    %get3A_9 = vector.load %arg4[%get3A_7, %get3A_8] : memref<128x128xbf16, #tpu.memory_space<vmem>>, vector<128x128xbf16>
    %dot_general3A = arith.constant dense<0.000000e+00> : vector<200x128xf32>
    %dot_general3A_10 = tpu.matmul %convert_element_type3A_6, %get3A_9, %dot_general3A {dimension_numbers = #tpu.dot_dimension_numbers<[1], [0], [0], [1], [0, 0, 1, 1], [], []>, transpose_lhs_hint = false} : vector<200x128xbf16>, vector<128x128xbf16>, vector<200x128xf32> -> vector<200x128xf32>
    %get3A_11 = arith.constant 0 : index
    %get3A_12 = arith.constant 0 : index
    %get3A_13 = vector.load %arg7[%get3A_11, %get3A_12] : memref<1x128xf32, #tpu.memory_space<vmem>>, vector<1x128xf32>
    %add3A = vector.broadcast %get3A_13 : vector<1x128xf32> to vector<200x128xf32>
    %add3A_14 = arith.addf %dot_general3A_10, %add3A : vector<200x128xf32>
    %get3A_15 = arith.constant 0 : index
    %get3A_16 = arith.constant 0 : index
    %get3A_17 = vector.load %arg3[%get3A_15, %get3A_16] : memref<128x128xbf16, #tpu.memory_space<vmem>>, vector<128x128xbf16>
    %dot_general3A_18 = arith.constant dense<0.000000e+00> : vector<6400x128xf32>
    %dot_general3A_19 = tpu.matmul %convert_element_type3A, %get3A_17, %dot_general3A_18 {dimension_numbers = #tpu.dot_dimension_numbers<[1], [0], [0], [1], [0, 0, 1, 1], [], []>, transpose_lhs_hint = false} : vector<6400x128xbf16>, vector<128x128xbf16>, vector<6400x128xf32> -> vector<6400x128xf32>
    %reshape3A_20 = vector.shape_cast %dot_general3A_19 : vector<6400x128xf32> to vector<200x32x128xf32>
    %broadcast_in_dim3A = vector.shape_cast %add3A_14 : vector<200x128xf32> to vector<200x1x128xf32>
    %add3A_21 = vector.broadcast %broadcast_in_dim3A : vector<200x1x128xf32> to vector<200x32x128xf32>
    %add3A_22 = arith.addf %reshape3A_20, %add3A_21 : vector<200x32x128xf32>
    %max3A = arith.constant 0.000000e+00 : f32
    %max3A_23 = vector.broadcast %max3A : f32 to vector<200x32x128xf32>
    %max3A_24 = arith.maximumf %add3A_22, %max3A_23 : vector<200x32x128xf32>
    %reshape3A_25 = vector.shape_cast %max3A_24 : vector<200x32x128xf32> to vector<6400x128xf32>
    %convert_element_type3A_26 = arith.truncf %reshape3A_25 : vector<6400x128xf32> to vector<6400x128xbf16>
    %get3A_27 = arith.constant 0 : index
    %get3A_28 = arith.constant 0 : index
    %get3A_29 = vector.load %arg5[%get3A_27, %get3A_28] : memref<128x128xbf16, #tpu.memory_space<vmem>>, vector<128x128xbf16>
    %dot_general3A_30 = arith.constant dense<0.000000e+00> : vector<6400x128xf32>
    %dot_general3A_31 = tpu.matmul %convert_element_type3A_26, %get3A_29, %dot_general3A_30 {dimension_numbers = #tpu.dot_dimension_numbers<[1], [0], [0], [1], [0, 0, 1, 1], [], []>, transpose_lhs_hint = false} : vector<6400x128xbf16>, vector<128x128xbf16>, vector<6400x128xf32> -> vector<6400x128xf32>
    %get3A_32 = arith.constant 0 : index
    %get3A_33 = arith.constant 0 : index
    %get3A_34 = vector.load %arg8[%get3A_32, %get3A_33] : memref<1x128xf32, #tpu.memory_space<vmem>>, vector<1x128xf32>
    %add3A_35 = vector.broadcast %get3A_34 : vector<1x128xf32> to vector<6400x128xf32>
    %add3A_36 = arith.addf %dot_general3A_31, %add3A_35 : vector<6400x128xf32>
    %max3A_37 = arith.constant 0.000000e+00 : f32
    %max3A_38 = vector.broadcast %max3A_37 : f32 to vector<6400x128xf32>
    %max3A_39 = arith.maximumf %add3A_36, %max3A_38 : vector<6400x128xf32>
    %get3A_40 = arith.constant 0 : index
    %get3A_41 = arith.constant 0 : index
    %get3A_42 = vector.load %arg6[%get3A_40, %get3A_41] : memref<1x128xf32, #tpu.memory_space<vmem>>, vector<1x128xf32>
    %reshape3A_43 = vector.shape_cast %get3A_42 : vector<1x128xf32> to vector<1x1x128xf32>
    %reshape3A_44 = vector.shape_cast %max3A_39 : vector<6400x128xf32> to vector<200x32x128xf32>
    %mul3A = vector.broadcast %reshape3A_43 : vector<1x1x128xf32> to vector<200x32x128xf32>
    %mul3A_45 = arith.mulf %reshape3A_44, %mul3A : vector<200x32x128xf32>
    %reduce_sum3A = arith.constant dense<0.000000e+00> : vector<200x32xf32>
    %reduce_sum3A_46 = vector.multi_reduction <add>, %mul3A_45, %reduce_sum3A [2] : vector<200x32x128xf32> to vector<200x32xf32>
    %broadcast_in_dim3A_47 = vector.shape_cast %reduce_sum3A_46 : vector<200x32xf32> to vector<200x32x1xf32>
    %get3A_48 = arith.constant 0 : index
    %get3A_49 = arith.constant 0 : index
    %get3A_50 = vector.load %arg9[%get3A_48, %get3A_49] : memref<1x1xf32, #tpu.memory_space<vmem>>, vector<1x1xf32>
    %get3A_51 = vector.extract %get3A_50[0, 0] : f32 from vector<1x1xf32>
    %add3A_52 = vector.broadcast %get3A_51 : f32 to vector<200x32x1xf32>
    %add3A_53 = arith.addf %broadcast_in_dim3A_47, %add3A_52 : vector<200x32x1xf32>
    %reduce_max3A = arith.constant dense<0xFF800000> : vector<200x1xf32>
    %reduce_max3A_54 = vector.multi_reduction <maximumf>, %add3A_53, %reduce_max3A [1] : vector<200x32x1xf32> to vector<200x1xf32>
    %broadcast_in_dim3A_55 = vector.shape_cast %reduce_max3A_54 : vector<200x1xf32> to vector<200x1x1xf32>
    %sub3A = vector.broadcast %broadcast_in_dim3A_55 : vector<200x1x1xf32> to vector<200x32x1xf32>
    %sub3A_56 = arith.subf %add3A_53, %sub3A : vector<200x32x1xf32>
    %exp3A = math.exp %sub3A_56 : vector<200x32x1xf32>
    %reduce_sum3A_57 = arith.constant dense<0.000000e+00> : vector<200x1xf32>
    %reduce_sum3A_58 = vector.multi_reduction <add>, %exp3A, %reduce_sum3A_57 [1] : vector<200x32x1xf32> to vector<200x1xf32>
    %broadcast_in_dim3A_59 = vector.shape_cast %reduce_sum3A_58 : vector<200x1xf32> to vector<200x1x1xf32>
    %div3A = vector.broadcast %broadcast_in_dim3A_59 : vector<200x1x1xf32> to vector<200x32x1xf32>
    %div3A_60 = arith.divf %exp3A, %div3A : vector<200x32x1xf32>
    %mul3A_61 = vector.broadcast %div3A_60 : vector<200x32x1xf32> to vector<200x32x128xf32>
    %mul3A_62 = arith.mulf %get3A_2, %mul3A_61 : vector<200x32x128xf32>
    %reduce_sum3A_63 = arith.constant dense<0.000000e+00> : vector<200x128xf32>
    %reduce_sum3A_64 = vector.multi_reduction <add>, %mul3A_62, %reduce_sum3A_63 [1] : vector<200x32x128xf32> to vector<200x128xf32>
    %swap3A = arith.constant 0 : index
    %swap3A_65 = arith.constant 0 : index
    %swap3A_66 = vector.load %arg10[%swap3A, %swap3A_65] : memref<200x128xf32, #tpu.memory_space<vmem>>, vector<200x128xf32>
    tpu.vector_store %arg10[%swap3A, %swap3A_65], %reduce_sum3A_64 {strides = array<i32>} : memref<200x128xf32, #tpu.memory_space<vmem>>, vector<200x128xf32>,
    return
  }
  func.func @transform_0(%arg0: i32) -> (i32, i32, i32) {
    %c0_i32 = arith.constant 0 : i32
    %c0_i32_0 = arith.constant 0 : i32
    %c0_i32_1 = arith.constant 0 : i32
    return %arg0, %c0_i32, %c0_i32_0 : i32, i32, i32
  }
  func.func @transform_1(%arg0: i32) -> (i32, i32) {
    %add3A = arith.constant 32 : i32
    %add3A_0 = arith.addi %arg0, %add3A : i32
    %c0_i32 = arith.constant 0 : i32
    %c0_i32_1 = arith.constant 0 : i32
    return %add3A_0, %c0_i32 : i32, i32
  }
  func.func @transform_2(%arg0: i32) -> (i32, i32) {
    %c0_i32 = arith.constant 0 : i32
    %c0_i32_0 = arith.constant 0 : i32
    %c0_i32_1 = arith.constant 0 : i32
    return %c0_i32, %c0_i32_0 : i32, i32
  }
  func.func @transform_3(%arg0: i32) -> (i32, i32) {
    %c0_i32 = arith.constant 0 : i32
    %c0_i32_0 = arith.constant 0 : i32
    %c0_i32_1 = arith.constant 0 : i32
    return %c0_i32, %c0_i32_0 : i32, i32
  }
  func.func @transform_4(%arg0: i32) -> (i32, i32) {
    %c0_i32 = arith.constant 0 : i32
    %c0_i32_0 = arith.constant 0 : i32
    %c0_i32_1 = arith.constant 0 : i32
    return %c0_i32, %c0_i32_0 : i32, i32
  }
  func.func @transform_5(%arg0: i32) -> (i32, i32) {
    %c0_i32 = arith.constant 0 : i32
    %c0_i32_0 = arith.constant 0 : i32
    %c0_i32_1 = arith.constant 0 : i32
    return %c0_i32, %c0_i32_0 : i32, i32
  }
  func.func @transform_6(%arg0: i32) -> (i32, i32) {
    %c0_i32 = arith.constant 0 : i32
    %c0_i32_0 = arith.constant 0 : i32
    %c0_i32_1 = arith.constant 0 : i32
    return %c0_i32, %c0_i32_0 : i32, i32
  }
  func.func @transform_7(%arg0: i32) -> (i32, i32) {
    %c0_i32 = arith.constant 0 : i32
    %c0_i32_0 = arith.constant 0 : i32
    %c0_i32_1 = arith.constant 0 : i32
    return %c0_i32, %c0_i32_0 : i32, i32
  }
  func.func @transform_8(%arg0: i32) -> (i32, i32) {
    %c0_i32 = arith.constant 0 : i32
    %c0_i32_0 = arith.constant 0 : i32
    %c0_i32_1 = arith.constant 0 : i32
    return %c0_i32, %c0_i32_0 : i32, i32
  }
  func.func @transform_9(%arg0: i32) -> (i32, i32) {
    %c0_i32 = arith.constant 0 : i32
    %c0_i32_0 = arith.constant 0 : i32
    return %arg0, %c0_i32 : i32, i32
  }
}

module attributes {stable_mosaic.version = 14 : i64} {
  func.func @_tc_mlp_body(%arg0: i32, %arg1: memref<200x32x128xf32, #tpu.memory_space<vmem>>, %arg2: memref<200x128xf32, #tpu.memory_space<vmem>>, %arg3: memref<128x128xbf16, #tpu.memory_space<vmem>>, %arg4: memref<128x128xbf16, #tpu.memory_space<vmem>>, %arg5: memref<128x128xbf16, #tpu.memory_space<vmem>>, %arg6: memref<1x128xf32, #tpu.memory_space<vmem>>, %arg7: memref<1x128xf32, #tpu.memory_space<vmem>>, %arg8: memref<1x128xf32, #tpu.memory_space<vmem>>, %arg9: memref<1x1xf32, #tpu.memory_space<vmem>>, %arg10: memref<200x128xf32, #tpu.memory_space<vmem>>) attributes {dimension_semantics = [#tpu.dimension_semantics<arbitrary>], iteration_bounds = array<i64: 16>, scalar_prefetch = 0 : i64, scratch_operands = 0 : i64, tpu.core_type = #tpu.core_type<tc>, window_params = [{transform_indices = @transform_0, window_bounds = array<i64: 200, 32, 128>}, {transform_indices = @transform_1, window_bounds = array<i64: 200, 128>}, {pipeline_mode = #tpu.pipeline_mode<synchronous>, transform_indices = @transform_2, window_bounds = array<i64: 128, 128>}, {pipeline_mode = #tpu.pipeline_mode<synchronous>, transform_indices = @transform_3, window_bounds = array<i64: 128, 128>}, {pipeline_mode = #tpu.pipeline_mode<synchronous>, transform_indices = @transform_4, window_bounds = array<i64: 128, 128>}, {pipeline_mode = #tpu.pipeline_mode<synchronous>, transform_indices = @transform_5, window_bounds = array<i64: 1, 128>}, {pipeline_mode = #tpu.pipeline_mode<synchronous>, transform_indices = @transform_6, window_bounds = array<i64: 1, 128>}, {pipeline_mode = #tpu.pipeline_mode<synchronous>, transform_indices = @transform_7, window_bounds = array<i64: 1, 128>}, {pipeline_mode = #tpu.pipeline_mode<synchronous>, transform_indices = @transform_8, window_bounds = array<i64: 1, 1>}, {transform_indices = @transform_9, window_bounds = array<i64: 200, 128>}]} {
    %get3A = arith.constant 0 : index
    %get3A_0 = arith.constant 0 : index
    %get3A_1 = arith.constant 0 : index
    %get3A_2 = vector.load %arg1[%get3A, %get3A_0, %get3A_1] : memref<200x32x128xf32, #tpu.memory_space<vmem>>, vector<200x32x128xf32>
    %reshape3A = vector.shape_cast %get3A_2 : vector<200x32x128xf32> to vector<6400x128xf32>
    %convert_element_type3A = arith.truncf %reshape3A : vector<6400x128xf32> to vector<6400x128xbf16>
    %get3A_3 = arith.constant 0 : index
    %get3A_4 = arith.constant 0 : index
    %get3A_5 = vector.load %arg2[%get3A_3, %get3A_4] : memref<200x128xf32, #tpu.memory_space<vmem>>, vector<200x128xf32>
    %convert_element_type3A_6 = arith.truncf %get3A_5 : vector<200x128xf32> to vector<200x128xbf16>
    %get3A_7 = arith.constant 0 : index
    %get3A_8 = arith.constant 0 : index
    %get3A_9 = vector.load %arg4[%get3A_7, %get3A_8] : memref<128x128xbf16, #tpu.memory_space<vmem>>, vector<128x128xbf16>
    %dot_general3A = arith.constant dense<0.000000e+00> : vector<200x128xf32>
    %dot_general3A_10 = tpu.matmul %convert_element_type3A_6, %get3A_9, %dot_general3A {dimension_numbers = #tpu.dot_dimension_numbers<[1], [0], [0], [1], [0, 0, 1, 1], [], []>, transpose_lhs_hint = false} : vector<200x128xbf16>, vector<128x128xbf16>, vector<200x128xf32> -> vector<200x128xf32>
    %get3A_11 = arith.constant 0 : index
    %get3A_12 = arith.constant 0 : index
    %get3A_13 = vector.load %arg7[%get3A_11, %get3A_12] : memref<1x128xf32, #tpu.memory_space<vmem>>, vector<1x128xf32>
    %add3A = vector.broadcast %get3A_13 : vector<1x128xf32> to vector<200x128xf32>
    %add3A_14 = arith.addf %dot_general3A_10, %add3A : vector<200x128xf32>
    %get3A_15 = arith.constant 0 : index
    %get3A_16 = arith.constant 0 : index
    %get3A_17 = vector.load %arg3[%get3A_15, %get3A_16] : memref<128x128xbf16, #tpu.memory_space<vmem>>, vector<128x128xbf16>
    %dot_general3A_18 = arith.constant dense<0.000000e+00> : vector<6400x128xf32>
    %dot_general3A_19 = tpu.matmul %convert_element_type3A, %get3A_17, %dot_general3A_18 {dimension_numbers = #tpu.dot_dimension_numbers<[1], [0], [0], [1], [0, 0, 1, 1], [], []>, transpose_lhs_hint = false} : vector<6400x128xbf16>, vector<128x128xbf16>, vector<6400x128xf32> -> vector<6400x128xf32>
    %reshape3A_20 = vector.shape_cast %dot_general3A_19 : vector<6400x128xf32> to vector<200x32x128xf32>
    %broadcast_in_dim3A = vector.shape_cast %add3A_14 : vector<200x128xf32> to vector<200x1x128xf32>
    %add3A_21 = vector.broadcast %broadcast_in_dim3A : vector<200x1x128xf32> to vector<200x32x128xf32>
    %add3A_22 = arith.addf %reshape3A_20, %add3A_21 : vector<200x32x128xf32>
    %max3A = arith.constant 0.000000e+00 : f32
    %max3A_23 = vector.broadcast %max3A : f32 to vector<200x32x128xf32>
    %max3A_24 = arith.maximumf %add3A_22, %max3A_23 : vector<200x32x128xf32>
    %reshape3A_25 = vector.shape_cast %max3A_24 : vector<200x32x128xf32> to vector<6400x128xf32>
    %convert_element_type3A_26 = arith.truncf %reshape3A_25 : vector<6400x128xf32> to vector<6400x128xbf16>
    %get3A_27 = arith.constant 0 : index
    %get3A_28 = arith.constant 0 : index
    %get3A_29 = vector.load %arg5[%get3A_27, %get3A_28] : memref<128x128xbf16, #tpu.memory_space<vmem>>, vector<128x128xbf16>
    %dot_general3A_30 = arith.constant dense<0.000000e+00> : vector<6400x128xf32>
    %dot_general3A_31 = tpu.matmul %convert_element_type3A_26, %get3A_29, %dot_general3A_30 {dimension_numbers = #tpu.dot_dimension_numbers<[1], [0], [0], [1], [0, 0, 1, 1], [], []>, transpose_lhs_hint = false} : vector<6400x128xbf16>, vector<128x128xbf16>, vector<6400x128xf32> -> vector<6400x128xf32>
    %get3A_32 = arith.constant 0 : index
    %get3A_33 = arith.constant 0 : index
    %get3A_34 = vector.load %arg8[%get3A_32, %get3A_33] : memref<1x128xf32, #tpu.memory_space<vmem>>, vector<1x128xf32>
    %add3A_35 = vector.broadcast %get3A_34 : vector<1x128xf32> to vector<6400x128xf32>
    %add3A_36 = arith.addf %dot_general3A_31, %add3A_35 : vector<6400x128xf32>
    %max3A_37 = arith.constant 0.000000e+00 : f32
    %max3A_38 = vector.broadcast %max3A_37 : f32 to vector<6400x128xf32>
    %max3A_39 = arith.maximumf %add3A_36, %max3A_38 : vector<6400x128xf32>
    %get3A_40 = arith.constant 0 : index
    %get3A_41 = arith.constant 0 : index
    %get3A_42 = vector.load %arg6[%get3A_40, %get3A_41] : memref<1x128xf32, #tpu.memory_space<vmem>>, vector<1x128xf32>
    %reshape3A_43 = vector.shape_cast %get3A_42 : vector<1x128xf32> to vector<1x1x128xf32>
    %reshape3A_44 = vector.shape_cast %max3A_39 : vector<6400x128xf32> to vector<200x32x128xf32>
    %mul3A = vector.broadcast %reshape3A_43 : vector<1x1x128xf32> to vector<200x32x128xf32>
    %mul3A_45 = arith.mulf %reshape3A_44, %mul3A : vector<200x32x128xf32>
    %reduce_sum3A = arith.constant dense<0.000000e+00> : vector<200x32xf32>
    %reduce_sum3A_46 = vector.multi_reduction <add>, %mul3A_45, %reduce_sum3A [2] : vector<200x32x128xf32> to vector<200x32xf32>
    %broadcast_in_dim3A_47 = vector.shape_cast %reduce_sum3A_46 : vector<200x32xf32> to vector<200x32x1xf32>
    %get3A_48 = arith.constant 0 : index
    %get3A_49 = arith.constant 0 : index
    %get3A_50 = vector.load %arg9[%get3A_48, %get3A_49] : memref<1x1xf32, #tpu.memory_space<vmem>>, vector<1x1xf32>
    %get3A_51 = vector.extract %get3A_50[0, 0] : f32 from vector<1x1xf32>
    %add3A_52 = vector.broadcast %get3A_51 : f32 to vector<200x32x1xf32>
    %add3A_53 = arith.addf %broadcast_in_dim3A_47, %add3A_52 : vector<200x32x1xf32>
    %reduce_max3A = arith.constant dense<0xFF800000> : vector<200x1xf32>
    %reduce_max3A_54 = vector.multi_reduction <maximumf>, %add3A_53, %reduce_max3A [1] : vector<200x32x1xf32> to vector<200x1xf32>
    %broadcast_in_dim3A_55 = vector.shape_cast %reduce_max3A_54 : vector<200x1xf32> to vector<200x1x1xf32>
    %sub3A = vector.broadcast %broadcast_in_dim3A_55 : vector<200x1x1xf32> to vector<200x32x1xf32>
    %sub3A_56 = arith.subf %add3A_53, %sub3A : vector<200x32x1xf32>
    %exp3A = math.exp %sub3A_56 : vector<200x32x1xf32>
    %reduce_sum3A_57 = arith.constant dense<0.000000e+00> : vector<200x1xf32>
    %reduce_sum3A_58 = vector.multi_reduction <add>, %exp3A, %reduce_sum3A_57 [1] : vector<200x32x1xf32> to vector<200x1xf32>
    %broadcast_in_dim3A_59 = vector.shape_cast %reduce_sum3A_58 : vector<200x1xf32> to vector<200x1x1xf32>
    %div3A = vector.broadcast %broadcast_in_dim3A_59 : vector<200x1x1xf32> to vector<200x32x1xf32>
    %div3A_60 = arith.divf %exp3A, %div3A : vector<200x32x1xf32>
    %mul3A_61 = vector.broadcast %div3A_60 : vector<200x32x1xf32> to vector<200x32x128xf32>
    %mul3A_62 = arith.mulf %get3A_2, %mul3A_61 : vector<200x32x128xf32>
    %reduce_sum3A_63 = arith.constant dense<0.000000e+00> : vector<200x128xf32>
    %reduce_sum3A_64 = vector.multi_reduction <add>, %mul3A_62, %reduce_sum3A_63 [1] : vector<200x32x128xf32> to vector<200x128xf32>
    %swap3A = arith.constant 0 : index
    %swap3A_65 = arith.constant 0 : index
    %swap3A_66 = vector.load %arg10[%swap3A, %swap3A_65] : memref<200x128xf32, #tpu.memory_space<vmem>>, vector<200x128xf32>
    tpu.vector_store %arg10[%swap3A, %swap3A_65], %reduce_sum3A_64 {strides = array<i32>} : memref<200x128xf32, #tpu.memory_space<vmem>>, vector<200x128xf32>,
    return
  }
  func.func @transform_0(%arg0: i32) -> (i32, i32, i32) {
    %c0_i32 = arith.constant 0 : i32
    %c0_i32_0 = arith.constant 0 : i32
    %c0_i32_1 = arith.constant 0 : i32
    return %arg0, %c0_i32, %c0_i32_0 : i32, i32, i32
  }
  func.func @transform_1(%arg0: i32) -> (i32, i32) {
    %add3A = arith.constant 0 : i32
    %add3A_0 = arith.addi %arg0, %add3A : i32
    %c0_i32 = arith.constant 0 : i32
    %c0_i32_1 = arith.constant 0 : i32
    return %add3A_0, %c0_i32 : i32, i32
  }
  func.func @transform_2(%arg0: i32) -> (i32, i32) {
    %c0_i32 = arith.constant 0 : i32
    %c0_i32_0 = arith.constant 0 : i32
    %c0_i32_1 = arith.constant 0 : i32
    return %c0_i32, %c0_i32_0 : i32, i32
  }
  func.func @transform_3(%arg0: i32) -> (i32, i32) {
    %c0_i32 = arith.constant 0 : i32
    %c0_i32_0 = arith.constant 0 : i32
    %c0_i32_1 = arith.constant 0 : i32
    return %c0_i32, %c0_i32_0 : i32, i32
  }
  func.func @transform_4(%arg0: i32) -> (i32, i32) {
    %c0_i32 = arith.constant 0 : i32
    %c0_i32_0 = arith.constant 0 : i32
    %c0_i32_1 = arith.constant 0 : i32
    return %c0_i32, %c0_i32_0 : i32, i32
  }
  func.func @transform_5(%arg0: i32) -> (i32, i32) {
    %c0_i32 = arith.constant 0 : i32
    %c0_i32_0 = arith.constant 0 : i32
    %c0_i32_1 = arith.constant 0 : i32
    return %c0_i32, %c0_i32_0 : i32, i32
  }
  func.func @transform_6(%arg0: i32) -> (i32, i32) {
    %c0_i32 = arith.constant 0 : i32
    %c0_i32_0 = arith.constant 0 : i32
    %c0_i32_1 = arith.constant 0 : i32
    return %c0_i32, %c0_i32_0 : i32, i32
  }
  func.func @transform_7(%arg0: i32) -> (i32, i32) {
    %c0_i32 = arith.constant 0 : i32
    %c0_i32_0 = arith.constant 0 : i32
    %c0_i32_1 = arith.constant 0 : i32
    return %c0_i32, %c0_i32_0 : i32, i32
  }
  func.func @transform_8(%arg0: i32) -> (i32, i32) {
    %c0_i32 = arith.constant 0 : i32
    %c0_i32_0 = arith.constant 0 : i32
    %c0_i32_1 = arith.constant 0 : i32
    return %c0_i32, %c0_i32_0 : i32, i32
  }
  func.func @transform_9(%arg0: i32) -> (i32, i32) {
    %c0_i32 = arith.constant 0 : i32
    %c0_i32_0 = arith.constant 0 : i32
    return %arg0, %c0_i32 : i32, i32
  }
}

</mosaic_0001>

<sc_bundles>
// kernel: kernel.11.cloned.1.call-start
scs
__scs_entry_jumppad:
0x0: {  	(pc) =	sbr.rel $0x88, $3  }
0x1: {  	(tag) =	ssettag $0x0;
	lr =	simm.s32 $0x1  }
0x2: {  	[smem:$0x3F98] =	sst lr;
	_ =	strace $0xD0000000  }
0x3: {  	_ = 	snop  }
0x4: {  	_ = 	snop  }
0x5: {  	_ = 	snop  }
0x6: {  	_ = 	snop  }
0x7: {  	_ = 	snop  }
__scs_overlays_trampoline_lowered:
0x8: {  	[smem:$0x3FA7] =	sst s0  }
0x9: {  	[smem:$0x3FA8] =	sst s1  }
0xa: {  	[smem:$0x3FA9] =	sst s2  }
0xb: {  	[smem:$0x3FAA] =	sst s3  }
0xc: {  	[smem:$0x3FAB] =	sst s4  }
0xd: {  	[smem:$0x3FAC] =	sst s5  }
0xe: {  	[smem:$0x3FAD] =	sst s6  }
0xf: {  	[smem:$0x3FAE] =	sst s7  }
0x10: {  	[smem:$0x3FAF] =	sst s8  }
0x11: {  	[smem:$0x3FB0] =	sst s9;
	s0 =	simm.s32 @!p0 $0x0  }
0x12: {  	s1 =	sld [smem:$0x3F96];
	s0 =	simm.s32 @p0 $0x1  }
0x13: {  	[smem:$0x3FB1] =	sst s0;
	s0 =	simm.s32 @!p1 $0x0  }
0x14: {  	s2 =	sld [smem:$0x3F95];
	s0 =	simm.s32 @p1 $0x1  }
0x15: {  	[smem:$0x3FB2] =	sst s0;
	s0 =	simm.s32 @!p2 $0x0  }
0x16: {  	s3 =	sld [smem:$0x3FDB];
	s0 =	simm.s32 @p2 $0x1  }
0x17: {  	s4 =	simm.s32 $0x1BF5;
	[smem:$0x3FB4] =	sst s0  }
0x18: {  	s0 =	sld [smem:$0x3F97];
	_ =	swait.ge [sflag:s4], $0x0  }
0x19: {  	s7 =	sld [smem:$0x3F98]  }
0x1a: {  	s8 =	sadd.s32 $0xFFFFE003, lr  }
0x1b: {  	s9 =	sadd.s32 $0xFFFFFEF7, lr;
	s5 =	simm.s32 $0xFFFFFFFF;
	p2 =	slt.u32 s8, $0xFFFFF086  }
0x1c: {  	p1 =	slt.u32 s9, $0xF7A;
	s5 =	simm.s32 @!p2 $0x0  }
0x1d: {  	s5 =	simm.s32 @p1 $0x1;
	p0 =	seq.s32 s7, s2  }
0x1e: {  	s7 =	smul.u32 @!p0 $0xF7A, s2;
	p2 =	seq.s32 @!p0 s5, $0x0  }
0x1f: {  	s9 =	smul.u32 $0xF7A, s1;
	s8 =	simm.s32 @!p0 $0x1BF5;
	p2 =	por !p2, p0  }
0x20: {  	[sflag:s8] =	ssyncset.s32 @!p0 $0xFFFFF086;
	s6 =	sadd.s32 @!p0 s3, s7;
	s7 =	simm.s32 @!p0 $0x108  }
0x21: {  	s3 =	sadd.s32 s3, s9;
	s6 =	sadd.s32 @!p0 $0x88, s6;
	s7 =	simm.s32 @p2 $0x1082  }
0x22: {  	[simem:s7], [sflag:s8] =	dma.local @!p0 [hbm:s6], $0xF7A  }
0x23: {  	s9 =	sor.u32 $0xD0000000, s2;
	s6 =	simm.s32 $0x108;
	_ =	swait.ge @!p0 [sflag:s8], $0x0  }
0x24: {  	s3 =	sadd.s32 $0x88, s3;
	s6 =	simm.s32 @!p1 $0x1082;
	[sflag:s4] =	ssyncset.s32 $0xFFFFF086  }
0x25: {  	[simem:s6], [sflag:s4] =	dma.local [hbm:s3], $0xF7A  }
0x26: {  	[smem:$0x3F98] =	sst s1;
	(tag) =	ssettag s2;
	_ =	strace s9  }
0x27: {  	s1 =	sld [smem:$0x3FA8]  }
0x28: {  	s2 =	sld [smem:$0x3FA9]  }
0x29: {  	s4 =	sld [smem:$0x3FAB]  }
0x2a: {  	p0 =	seq.s32 s5, $0x0;
	s5 =	sld [smem:$0x3FAC]  }
0x2b: {  	s6 =	sld [smem:$0x3FAD]  }
0x2c: {  	s7 =	sld [smem:$0x3FAE]  }
0x2d: {  	s3 =	simm.s32 $0x108;
	s8 =	sld [smem:$0x3FAF]  }
0x2e: {  	s3 =	simm.s32 @!p0 $0x1082;
	s9 =	sld [smem:$0x3FB0]  }
0x2f: {  	lr =	sadd.s32 s0, s3;
	s0 =	sld [smem:$0x3FA7]  }
0x30: {  	s3 =	sld [smem:$0x3FAA]  }
0x31: {  	[smem:$0x3FB3] =	sst s10  }
0x32: {  	s10 =	sld [smem:$0x3FB1];
	_ =	sdelay $0x3  }
0x33: {  	p0 =	seq.s32 s10, $0x1;
	s10 =	sld [smem:$0x3FB3];
	_ =	sdelay $0x3  }
0x34: {  	[smem:$0x3FB3] =	sst s10  }
0x35: {  	s10 =	sld [smem:$0x3FB2];
	_ =	sdelay $0x3  }
0x36: {  	p1 =	seq.s32 s10, $0x1;
	s10 =	sld [smem:$0x3FB3];
	_ =	sdelay $0x3  }
0x37: {  	[smem:$0x3FB3] =	sst s10  }
0x38: {  	s10 =	sld [smem:$0x3FB4]  }
0x39: {  	_ = 	snop;
	(pc) =	sbr.ind lr, $3  }
0x3a: {  	_ = 	snop  }
0x3b: {  	_ = 	snop  }
0x3c: {  	p2 =	seq.s32 s10, $0x1;
	s10 =	sld [smem:$0x3FB3]  }
0x3d: {  	_ =	shalt  }
0x3e: {  	_ =	shalt  }
0x3f: {  	_ =	shalt  }
0x40: {  	_ =	shalt  }
0x41: {  	_ =	shalt  }
0x42: {  	_ =	shalt  }
0x43: {  	_ =	shalt  }
0x44: {  	_ =	shalt  }
0x45: {  	_ =	shalt  }
0x46: {  	_ =	shalt  }
0x47: {  	_ =	shalt  }
0x48: {  	_ =	shalt  }
0x49: {  	_ =	shalt  }
0x4a: {  	_ =	shalt  }
0x4b: {  	_ =	shalt  }
0x4c: {  	_ =	shalt  }
0x4d: {  	_ =	shalt  }
0x4e: {  	_ =	shalt  }
0x4f: {  	_ =	shalt  }
0x50: {  	_ =	shalt  }
0x51: {  	_ =	shalt  }
0x52: {  	_ =	shalt  }
0x53: {  	_ =	shalt  }
0x54: {  	_ =	shalt  }
0x55: {  	_ =	shalt  }
0x56: {  	_ =	shalt  }
0x57: {  	_ =	shalt  }
0x58: {  	_ =	shalt  }
0x59: {  	_ =	shalt  }
0x5a: {  	_ =	shalt  }
0x5b: {  	_ =	shalt  }
0x5c: {  	_ =	shalt  }
0x5d: {  	_ =	shalt  }
0x5e: {  	_ =	shalt  }
0x5f: {  	_ =	shalt  }
0x60: {  	_ =	shalt  }
0x61: {  	_ =	shalt  }
0x62: {  	_ =	shalt  }
0x63: {  	_ =	shalt  }
0x64: {  	_ =	shalt  }
0x65: {  	_ =	shalt  }
0x66: {  	_ =	shalt  }
0x67: {  	_ =	shalt  }
0x68: {  	_ =	shalt  }
0x69: {  	_ =	shalt  }
0x6a: {  	_ =	shalt  }
0x6b: {  	_ =	shalt  }
0x6c: {  	_ =	shalt  }
0x6d: {  	_ =	shalt  }
0x6e: {  	_ =	shalt  }
0x6f: {  	_ =	shalt  }
0x70: {  	_ =	shalt  }
0x71: {  	_ =	shalt  }
0x72: {  	_ =	shalt  }
0x73: {  	_ =	shalt  }
0x74: {  	_ =	shalt  }
0x75: {  	_ =	shalt  }
0x76: {  	_ =	shalt  }
0x77: {  	_ =	shalt  }
0x78: {  	_ =	shalt  }
0x79: {  	_ =	shalt  }
0x7a: {  	_ =	shalt  }
0x7b: {  	_ =	shalt  }
0x7c: {  	_ =	shalt  }
0x7d: {  	_ =	shalt  }
0x7e: {  	_ =	shalt  }
0x7f: {  	_ =	shalt  }
0x80: {  	_ =	shalt  }
0x81: {  	_ =	shalt  }
0x82: {  	_ =	shalt  }
0x83: {  	_ =	shalt  }
0x84: {  	_ =	shalt  }
0x85: {  	_ =	shalt  }
0x86: {  	_ =	shalt  }
0x87: {  	_ =	shalt  }
.Lfunc_end0:
.L_simem_size_0:
called_computation.1_lowered:
.L_overlay_start_0:
0x88: {  	s2 =	sld [smem:$0x3FD9]  }
0x89: {  	s3 =	sld [smem:$0x3FFE];
	_ =	sdelay $0x1  }
0x8a: {  	s1 =	srdreg.scid  }
0x8b: {  	s0 =	sand.u32 $0x1, s1  }
0x8c: {  	s17 =	sshll.u32 s0, $0xA;
	s2 =	sadd.s32 s3, s2  }
0x8d: {  	s2 =	sadd.s32 s2, s17  }
0x8e: {  	[smem:$0x3FBF] =	sst s2  }
0x8f: {  	_ = 	snop  }
0x90: {  	s2 =	sld [smem:$0x3FC7];
	(tm) =	ssettm $0x1  }
0x91: {  	s18 =	sld [smem:$0x3FFB];
	_ =	sdelay $0x3  }
0x92: {  	_ =	strace s18  }
0x93: {  	s3 =	sld [smem:$0x3FFC];
	_ =	sdelay $0x3  }
0x94: {  	_ =	strace s3  }
0x95: {  	s3 =	sld [smem:$0x3FFD];
	_ =	sdelay $0x3  }
0x96: {  	_ =	strace s3  }
0x97: {  	_ =	strace $0x8FFFFFFF  }
0x98: {  	s19 =	sld [smem:$0x3FDB];
	_ =	sdelay $0x1  }
0x99: {  	s4 =	simm.s32 $_scs_section_size  }
0x9a: {  	s5 =	simm.s32 $_size__tile_overlayer_lowered;
	s6 =	simm.s32 $_tile_overlayer_lowered  }
0x9b: {  	s22 =	simm.s32 $0x1BFF;
	s21 =	sshll.u32 s6, $0x1;
	s3 =	sadd.s32 s4, s19  }
0x9c: {  	s7 =	simm.s32 $0x0;
	s20 =	sshll.u32 s5, $0x1;
	s5 =	sadd.s32 s21, s3  }
0x9d: {  	[timem:s7], [sflag:s22] =	dma.local [hbm:s5], s20  }
0x9e: {  	_ =	swait.ge [sflag:s22], s20  }
0x9f: {  	s4 =	ssub.s32 $0x0, s20;
	[sflag:s22] =	ssyncset.done $0x0  }
0xa0: {  	[sflag:s22] =	ssyncadd.s32 s4;
	_ =	sdelay $0x1  }
0xa1: {  	s23 =	simm.s32 $0x1B8B  }
0xa2: {  	_ =	swait.ge [sflag:s23], $0x1  }
0xa3: {  	[sflag:s23] =	ssyncset.done $0x0  }
0xa4: {  	s25 =	simm.s32 $0x1B8E;
	s24 =	sld [smem:$0x3FFE];
	[sflag:s23] =	ssyncadd.s32 $0xFFFFFFFF  }
0xa5: {  	s26 =	simm.s32 $execute0_lowered;
	[smem:$0x3FD2] =	sst s25  }
0xa6: {  	s5 =	sshll.u32 s26, $0x1;
	_ =	strace $0x80000046;
	[dreg:$0x1] =	wrdreg $0xFFFFFFFF  }
0xa7: {  	s28 =	simm.s32 $_size_execute0_lowered;
	s3 =	sadd.s32 s3, s5;
	[dreg:$0x0] =	wrdreg $0x0  }
0xa8: {  	s5 =	sshll.u32 s28, $0x1;
	[dreg:$0x2] =	wrdreg s3  }
0xa9: {  	[dreg:$0x3] =	wrdreg s5  }
0xaa: {  	[dreg:$0x4] =	wrdreg $0xC0  }
0xab: {  	_ =	task [dreg:s7], $0x5FFFF  }
0xac: {  	[dreg:$0x1] =	wrdreg $0xFFFFFFFF  }
0xad: {  	[dreg:$0x0] =	wrdreg $0x60  }
0xae: {  	[dreg:$0x2] =	wrdreg s2  }
0xaf: {  	[dreg:$0x3] =	wrdreg s24  }
0xb0: {  	[dreg:$0x4] =	wrdreg $0xA  }
0xb1: {  	_ =	task.clear_ibuf [dreg:s7], $0x5FFFF;
	_ =	strace $0x90000046  }
0xb2: {  	s29 =	simm.s32 $0xA;
	_ =	strace $0x80000048  }
0xb3: {  	_ =	swait.ge [sflag:s29], $0x1  }
0xb4: {  	[sflag:s29] =	ssyncadd.s32 $0xFFFFFFFF  }
0xb5: {  	_ =	strace $0x90000048  }
0xb6: {  	_ =	sfence  }
0xb7: {  	s30 =	sld [smem:$0x0];
	_ =	sdelay $0x2  }
0xb8: {  	s31 =	sshll.u32 s1, $0xD;
	s1 =	sshrl.u32 s1, $0x2  }
0xb9: {  	s3 =	sand.u32 $0x4000, s31;
	s1 =	sadd.s32 s1, s30  }
0xba: {  	s0 =	sor.u32 s3, s0;
	s1 =	sshll.u32 s1, $0x11  }
0xbb: {  	s0 =	sor.u32 s1, s0  }
0xbc: {  	s0 =	sadd.s32 $0x8F2B, s0  }
0xbd: {  	[sflag:s0] =	ssyncadd.remote.s32 $0x1  }
0xbe: {  	_ =	sfence.sel $0xFFFF  }
0xbf: {  	[dreg:$0x0] =	wrdreg $0xFFFFFFFF;
	(pc) =	sbr.abs _section_cstart, $3  }
0xc0: {  	[dreg:$0x1] =	wrdreg $0xFFFFFFFF  }
0xc1: {  	_ =	task.clear_ibuf [dreg:s7], $0x2FFFF;
	_ =	strace $0x9FFFFFFF  }
0xc2: {  	(tm) =	ssettm $0x7FFFFFFF  }
0xc3: {  	_ =	shalt  }
tec
execute0_lowered:
.L_overlay_start_1:
0x0: {  	(tag) =	ssettag $0x1  }
0x1: {  	s1 =	rddreg [dreg:$0x0]  }
0x2: {  	s0 =	rddreg [dreg:$0x1];
	s3 =	simm.s32 $0x0  }
0x3: {  	s2 =	srdreg.scid;
	s9 =	stileid.u32;
	s11 =	simm.s32 $0xB  }
0x4: {  	s12 =	simm.s32 $0x80;
	s13 =	simm.s32 $0x1000;
	s14 =	simm.s32 $0x5000  }
0x5: {  	s28 =	simm.s32 $0x9;
	s29 =	simm.s32 $0xA;
	s30 =	simm.s32 $0x0  }
0x6: {  	[smem:$0x7FF] =	sst s3;
	s2 =	sand.u32 $0x1, s2;
	s6 =	smul.u32 $0xC8000, s9  }
0x7: {  	s4 =	sshll.u32 s9, $0xA;
	s8 =	sadd.s32 $0x6400, s0;
	s18 =	smul.u32 $0x19000, s9  }
0x8: {  	_ =	strace $0x80000047;
	s5 =	sshll.u32 s2, $0x9;
	s7 =	smul.u32 $0x64000, s2  }
0x9: {  	s16 =	ssub.s32 $0x2, s2;
	s2 =	smul.u32 $0xC800, s2;
	s4 =	sor.u32 s5, s4  }
0xa: {  	s17 =	sshrl.u32 s16, $0x1;
	s20 =	sadd.s32 s18, s8;
	s18 =	simm.s32 $0xD000  }
0xb: {  	s4 =	sadd.s32 s4, s0;
	s0 =	ssub.s32 s16, s17;
	s6 =	sadd.s32 s7, s6  }
0xc: {  	s16 =	simm.s32 $0x9000;
	s17 =	simm.s32 $0x1;
	s4 =	sadd.s32 $0x2400, s4  }
0xd: {  	s19 =	sadd.s32 $0x10000, s6;
	s0 =	smax.u32 s0, $0x1;
	s22 =	sadd.s32 $0xC000, s6  }
0xe: {  	s23 =	sadd.s32 $0x8000, s6;
	s24 =	sadd.s32 $0x4000, s6;
	[dreg:$0x3] =	wrdreg s4  }
0xf: {  	[dreg:$0x4] =	wrdreg s0;
	s4 =	sshrl.u32 s19, $0x3;
	s0 =	sadd.s32 s2, s20  }
0x10: {  	s25 =	sshrl.u32 s23, $0x3;
	s26 =	sshrl.u32 s24, $0x3;
	s19 =	simm.s32 $0x2  }
0x11: {  	s20 =	simm.s32 $0x11000;
	s23 =	simm.s32 $0x5;
	s24 =	simm.s32 $0x6  }
.Ltmp0:
0x12: {  	[dreg:$0x5] =	wrdreg s0;
	s21 =	sadd.s32 s4, s8;
	(pc) =	sbr.rel .LBB2_1-.Ltmp0, $4  }
0x13: {  	s0 =	sshrl.u32 s22, $0x3;
	s31 =	sadd.s32 s26, s8;
	[dreg:$0x6] =	wrdreg s21  }
0x14: {  	s22 =	simm.s32 $0x4;
	s0 =	sadd.s32 s0, s8;
	[dreg:$0x9] =	wrdreg s31  }
0x15: {  	s26 =	simm.s32 $0x8;
	[dreg:$0x7] =	wrdreg s0;
	s0 =	sadd.s32 s25, s8  }
0x16: {  	s21 =	simm.s32 $0x3;
	s25 =	simm.s32 $0x7;
	[dreg:$0x8] =	wrdreg s0  }
.LBB2_4:
0x17: {  	_ =	swait.ge [sflag:s24], $0x4000  }
0x18: {  	[sflag:s24] =	ssyncset.done $0x0  }
0x19: {  	[sflag:s24] =	ssyncadd.s32 $0xFFFFC000  }
0x1a: {  	_ =	swait.ge [sflag:s25], $0x4000  }
0x1b: {  	[sflag:s25] =	ssyncset.done $0x0  }
0x1c: {  	[sflag:s25] =	ssyncadd.s32 $0xFFFFC000  }
0x1d: {  	_ =	swait.ge [sflag:s26], $0x4000  }
0x1e: {  	[sflag:s26] =	ssyncset.done $0x0  }
0x1f: {  	[sflag:s26] =	ssyncadd.s32 $0xFFFFC000  }
0x20: {  	_ =	swait.ge [sflag:s28], $0x4000  }
0x21: {  	[sflag:s28] =	ssyncset.done $0x0  }
0x22: {  	[sflag:s28] =	ssyncadd.s32 $0xFFFFC000  }
0x23: {  	_ =	swait.ge [sflag:s29], $0x4000  }
0x24: {  	s30 =	sadd.s32 $0x1, s30;
	s0 =	rddreg [dreg:$0x4]  }
0x25: {  	p0 =	sne.s32 s30, s0  }
.Ltmp1:
0x26: {  	_ = 	snop;
	(pc) =	sbr.rel @!p0 .LBB2_5-.Ltmp1, $3  }
0x27: {  	_ =	sdelay $0x1  }
0x28: {  	[sflag:s29] =	ssyncset.done $0x0  }
0x29: {  	[sflag:s29] =	ssyncadd.s32 $0xFFFFC000  }
.LBB2_1:
0x2a: {  	s0 =	rddreg [dreg:$0x3]  }
0x2b: {  	[tilespmem:s3], [sflag:$0xB] =	stream.linear.gather [hbm4b:s0+s3], $0xC80, $0x38;
	[tilespmem:$0x15000] =	vst v63  }
0x2c: {  	_ =	swait.ge [sflag:s11], $0xC80  }
0x2d: {  	s31 =	rddreg [dreg:$0x9]  }
0x2e: {  	[sflag:s11] =	ssyncset.done $0x0;
	s9 =	rddreg [dreg:$0x8]  }
0x2f: {  	s8 =	rddreg [dreg:$0x7];
	[sflag:s11] =	ssyncadd.s32 $0xFFFFF380  }
0x30: {  	[tilespmem:s13], [sflag:$0x1] =	stream.indirect.gather [hbm4b:s1+s12], $0x80, s3, s12, $0xb8;
	[tilespmem:$0x15000] =	vst v63  }
0x31: {  	s7 =	rddreg [dreg:$0x6]  }
0x32: {  	[tilespmem:s14], [sflag:$0x2] =	stream.indirect.gather [hbm4b:s1+s12], $0x80, s12, s12, $0xb8;
	[tilespmem:$0x15000] =	vst v63  }
0x33: {  	s15 =	simm.s32 $0x100;
	s5 =	simm.s32 $0x0;
	s6 =	rddreg [dreg:$0x5]  }
0x34: {  	[tilespmem:s16], [sflag:$0x3] =	stream.indirect.gather [hbm4b:s1+s12], $0x80, s15, s12, $0xb8;
	[tilespmem:$0x15000] =	vst v63  }
.LBB2_2:
0x35: {  	_ =	swait.ge [sflag:s17], $0x4000  }
0x36: {  	p0 =	seq.s32 s5, $0x0;
	[sflag:s17] =	ssyncset.done $0x0  }
0x37: {  	s15 =	simm.s32 @!p0 $0x9;
	[sflag:s17] =	ssyncadd.s32 $0xFFFFC000  }
0x38: {  	[hbm4b:s6+s3] =	stream.linear.scatter [tilespmem:s13], [sflag:$0x6], $0x4000, $0x38;
	[tilespmem:$0x15000] =	vst v63  }
0x39: {  	_ =	swait.ge @!p0 [sflag:s15], $0x4000  }
0x3a: {  	s4 =	sshra.s32 s5, $0x2;
	[sflag:s15] =	ssyncset.done @!p0 $0x0  }
0x3b: {  	s2 =	sadd.s32 $0x180, s4;
	[sflag:s15] =	ssyncadd.s32 @!p0 $0xFFFFC000  }
0x3c: {  	[tilespmem:s18], [sflag:$0x4] =	stream.indirect.gather [hbm4b:s1+s12], $0x80, s2, s12, $0xb8;
	[tilespmem:$0x15000] =	vst v63  }
0x3d: {  	_ =	swait.ge [sflag:s19], $0x4000  }
0x3e: {  	[sflag:s19] =	ssyncset.done $0x0  }
0x3f: {  	s15 =	simm.s32 @!p0 $0xA;
	[sflag:s19] =	ssyncadd.s32 $0xFFFFC000  }
0x40: {  	[hbm4b:s31+s3] =	stream.linear.scatter [tilespmem:s14], [sflag:$0x7], $0x4000, $0x38;
	[tilespmem:$0x15000] =	vst v63  }
0x41: {  	_ =	swait.ge @!p0 [sflag:s15], $0x4000  }
0x42: {  	[sflag:s15] =	ssyncset.done @!p0 $0x0  }
0x43: {  	s10 =	sadd.s32 $0x200, s4;
	[sflag:s15] =	ssyncadd.s32 @!p0 $0xFFFFC000  }
0x44: {  	[tilespmem:s20], [sflag:$0x5] =	stream.indirect.gather [hbm4b:s1+s12], $0x80, s10, s12, $0xb8;
	[tilespmem:$0x15000] =	vst v63  }
0x45: {  	_ =	swait.ge [sflag:s21], $0x4000  }
0x46: {  	p0 =	seq.s32 s5, $0x2800;
	[sflag:s21] =	ssyncset.done $0x0  }
0x47: {  	s15 =	simm.s32 @!p0 $0x6;
	[sflag:s21] =	ssyncadd.s32 $0xFFFFC000  }
0x48: {  	[hbm4b:s9+s3] =	stream.linear.scatter [tilespmem:s16], [sflag:$0x8], $0x4000, $0x38;
	[tilespmem:$0x15000] =	vst v63  }
0x49: {  	_ =	swait.ge @!p0 [sflag:s15], $0x4000  }
0x4a: {  	[sflag:s15] =	ssyncset.done @!p0 $0x0  }
0x4b: {  	[sflag:s15] =	ssyncadd.s32 @!p0 $0xFFFFC000;
	s15 =	sshra.s32 @!p0 s5, $0x2  }
0x4c: {  	s0 =	simm.s32 @!p0 $0x80;
	s10 =	simm.s32 @!p0 $0x1000;
	s2 =	sadd.s32 @!p0 $0x280, s15  }
0x4d: {  	[tilespmem:s10], [sflag:$0x1] =	stream.indirect.gather @!p0 [hbm4b:s1+s0], $0x80, s2, s0, $0xb8;
	[tilespmem:$0x15000] =	vst v63  }
0x4e: {  	_ =	swait.ge [sflag:s22], $0x4000  }
0x4f: {  	[sflag:s22] =	ssyncset.done $0x0  }
0x50: {  	s2 =	simm.s32 @!p0 $0x7;
	[sflag:s22] =	ssyncadd.s32 $0xFFFFC000  }
0x51: {  	[hbm4b:s8+s3] =	stream.linear.scatter [tilespmem:s18], [sflag:$0x9], $0x4000, $0x38;
	[tilespmem:$0x15000] =	vst v63  }
0x52: {  	_ =	swait.ge @!p0 [sflag:s2], $0x4000  }
0x53: {  	[sflag:s2] =	ssyncset.done @!p0 $0x0  }
0x54: {  	s10 =	simm.s32 @!p0 $0x5000;
	[sflag:s2] =	ssyncadd.s32 @!p0 $0xFFFFC000;
	s2 =	sadd.s32 @!p0 $0x300, s15  }
0x55: {  	[tilespmem:s10], [sflag:$0x2] =	stream.indirect.gather @!p0 [hbm4b:s1+s0], $0x80, s2, s0, $0xb8;
	[tilespmem:$0x15000] =	vst v63  }
.Ltmp2:
0x56: {  	_ = 	snop;
	(pc) =	sbr.rel @p0 .LBB2_4-.Ltmp2, $4  }
0x57: {  	_ =	swait.ge [sflag:s23], $0x4000  }
0x58: {  	[sflag:s23] =	ssyncset.done $0x0  }
0x59: {  	[sflag:s23] =	ssyncadd.s32 $0xFFFFC000  }
0x5a: {  	[hbm4b:s7+s3] =	stream.linear.scatter [tilespmem:s20], [sflag:$0xA], $0x4000, $0x38;
	[tilespmem:$0x15000] =	vst v63  }
.Ltmp3:
0x5b: {  	_ =	swait.ge [sflag:s26], $0x4000;
	(pc) =	sbr.rel .LBB2_2-.Ltmp3, $4  }
0x5c: {  	s0 =	sadd.s32 $0x380, s4;
	s5 =	sadd.s32 $0xA00, s5;
	s6 =	sadd.s32 $0x2800, s6  }
0x5d: {  	s7 =	sadd.s32 $0x2800, s7;
	s8 =	sadd.s32 $0x2800, s8;
	[sflag:s26] =	ssyncset.done $0x0  }
0x5e: {  	s9 =	sadd.s32 $0x2800, s9;
	s31 =	sadd.s32 $0x2800, s31;
	[sflag:s26] =	ssyncadd.s32 $0xFFFFC000  }
0x5f: {  	[tilespmem:s16], [sflag:$0x3] =	stream.indirect.gather [hbm4b:s1+s12], $0x80, s0, s12, $0xb8;
	[tilespmem:$0x15000] =	vst v63  }
.LBB2_5:
0x60: {  	_ =	sfence.sel $0x180000  }
0x61: {  	[bflag:$0x0] =	sbarrier.arrive $0xFFFF  }
0x62: {  	_ =	strace $0x90000047  }
0x63: {  	s0 =	stileid.u32;
	[bflag:$0x2] =	sbarrier.arrive $0xFFFF  }
0x64: {  	p0 =	sne.s32 s0, $0x0;
	s0 =	rddreg [dreg:$0x2]  }
0x65: {  	s0 =	sadd.s32 @!p0 $0x100000, s0  }
0x66: {  	[sflag:s0] =	ssyncadd.tile.s32 @!p0 $0x1;
	_ =	shalt  }
.Lfunc_end2:
_tile_overlayer_lowered:
.L_overlay_start_2:
0x67: {  	(tag) =	ssettag $0x2  }
0x68: {  	s0 =	rddreg [dreg:$0x0];
	s2 =	stileid.u32  }
0x69: {  	s1 =	rddreg [dreg:$0x1];
	p0 =	sne.s32 s2, $0x0  }
0x6a: {  	s3 =	rddreg [dreg:$0x2];
	[bflag:$0x3] =	sbarrier.arrive $0xFFFF;
	s2 =	simm.s32 @!p0 $0x1C0B  }
0x6b: {  	[timem:s3], [sflag:s2] =	dma.local @!p0 [hbm:s0], s1  }
0x6c: {  	s0 =	simm.s32 @!p0 $0xB  }
0x6d: {  	_ =	swait.ge @!p0 [sflag:s0], s1  }
0x6e: {  	s1 =	ssub.s32 @!p0 $0x0, s1;
	[sflag:s0] =	ssyncset.done @!p0 $0x0  }
0x6f: {  	[sflag:s0] =	ssyncadd.s32 @!p0 s1  }
0x70: {  	[bflag:$0x3] =	sbarrier.arrive $0xFFFF  }
0x71: {  	_ =	shalt  }

// kernel: kernel.14.cloned.1.call-start
scs
__scs_entry_jumppad:
0x0: {  	(pc) =	sbr.rel $0x88, $3  }
0x1: {  	(tag) =	ssettag $0x0;
	lr =	simm.s32 $0x1  }
0x2: {  	[smem:$0x3F98] =	sst lr;
	_ =	strace $0xD0000000  }
0x3: {  	_ = 	snop  }
0x4: {  	_ = 	snop  }
0x5: {  	_ = 	snop  }
0x6: {  	_ = 	snop  }
0x7: {  	_ = 	snop  }
__scs_overlays_trampoline_lowered:
0x8: {  	[smem:$0x3FA7] =	sst s0  }
0x9: {  	[smem:$0x3FA8] =	sst s1  }
0xa: {  	[smem:$0x3FA9] =	sst s2  }
0xb: {  	[smem:$0x3FAA] =	sst s3  }
0xc: {  	[smem:$0x3FAB] =	sst s4  }
0xd: {  	[smem:$0x3FAC] =	sst s5  }
0xe: {  	[smem:$0x3FAD] =	sst s6  }
0xf: {  	[smem:$0x3FAE] =	sst s7  }
0x10: {  	[smem:$0x3FAF] =	sst s8  }
0x11: {  	[smem:$0x3FB0] =	sst s9;
	s0 =	simm.s32 @!p0 $0x0  }
0x12: {  	s1 =	sld [smem:$0x3F96];
	s0 =	simm.s32 @p0 $0x1  }
0x13: {  	[smem:$0x3FB1] =	sst s0;
	s0 =	simm.s32 @!p1 $0x0  }
0x14: {  	s2 =	sld [smem:$0x3F95];
	s0 =	simm.s32 @p1 $0x1  }
0x15: {  	[smem:$0x3FB2] =	sst s0;
	s0 =	simm.s32 @!p2 $0x0  }
0x16: {  	s3 =	sld [smem:$0x3FDB];
	s0 =	simm.s32 @p2 $0x1  }
0x17: {  	s4 =	simm.s32 $0x1BF5;
	[smem:$0x3FB4] =	sst s0  }
0x18: {  	s0 =	sld [smem:$0x3F97];
	_ =	swait.ge [sflag:s4], $0x0  }
0x19: {  	s7 =	sld [smem:$0x3F98]  }
0x1a: {  	s8 =	sadd.s32 $0xFFFFE003, lr  }
0x1b: {  	s9 =	sadd.s32 $0xFFFFFEF7, lr;
	s5 =	simm.s32 $0xFFFFFFFF;
	p2 =	slt.u32 s8, $0xFFFFF086  }
0x1c: {  	p1 =	slt.u32 s9, $0xF7A;
	s5 =	simm.s32 @!p2 $0x0  }
0x1d: {  	s5 =	simm.s32 @p1 $0x1;
	p0 =	seq.s32 s7, s2  }
0x1e: {  	s7 =	smul.u32 @!p0 $0xF7A, s2;
	p2 =	seq.s32 @!p0 s5, $0x0  }
0x1f: {  	s9 =	smul.u32 $0xF7A, s1;
	s8 =	simm.s32 @!p0 $0x1BF5;
	p2 =	por !p2, p0  }
0x20: {  	[sflag:s8] =	ssyncset.s32 @!p0 $0xFFFFF086;
	s6 =	sadd.s32 @!p0 s3, s7;
	s7 =	simm.s32 @!p0 $0x108  }
0x21: {  	s3 =	sadd.s32 s3, s9;
	s6 =	sadd.s32 @!p0 $0x88, s6;
	s7 =	simm.s32 @p2 $0x1082  }
0x22: {  	[simem:s7], [sflag:s8] =	dma.local @!p0 [hbm:s6], $0xF7A  }
0x23: {  	s9 =	sor.u32 $0xD0000000, s2;
	s6 =	simm.s32 $0x108;
	_ =	swait.ge @!p0 [sflag:s8], $0x0  }
0x24: {  	s3 =	sadd.s32 $0x88, s3;
	s6 =	simm.s32 @!p1 $0x1082;
	[sflag:s4] =	ssyncset.s32 $0xFFFFF086  }
0x25: {  	[simem:s6], [sflag:s4] =	dma.local [hbm:s3], $0xF7A  }
0x26: {  	[smem:$0x3F98] =	sst s1;
	(tag) =	ssettag s2;
	_ =	strace s9  }
0x27: {  	s1 =	sld [smem:$0x3FA8]  }
0x28: {  	s2 =	sld [smem:$0x3FA9]  }
0x29: {  	s4 =	sld [smem:$0x3FAB]  }
0x2a: {  	p0 =	seq.s32 s5, $0x0;
	s5 =	sld [smem:$0x3FAC]  }
0x2b: {  	s6 =	sld [smem:$0x3FAD]  }
0x2c: {  	s7 =	sld [smem:$0x3FAE]  }
0x2d: {  	s3 =	simm.s32 $0x108;
	s8 =	sld [smem:$0x3FAF]  }
0x2e: {  	s3 =	simm.s32 @!p0 $0x1082;
	s9 =	sld [smem:$0x3FB0]  }
0x2f: {  	lr =	sadd.s32 s0, s3;
	s0 =	sld [smem:$0x3FA7]  }
0x30: {  	s3 =	sld [smem:$0x3FAA]  }
0x31: {  	[smem:$0x3FB3] =	sst s10  }
0x32: {  	s10 =	sld [smem:$0x3FB1];
	_ =	sdelay $0x3  }
0x33: {  	p0 =	seq.s32 s10, $0x1;
	s10 =	sld [smem:$0x3FB3];
	_ =	sdelay $0x3  }
0x34: {  	[smem:$0x3FB3] =	sst s10  }
0x35: {  	s10 =	sld [smem:$0x3FB2];
	_ =	sdelay $0x3  }
0x36: {  	p1 =	seq.s32 s10, $0x1;
	s10 =	sld [smem:$0x3FB3];
	_ =	sdelay $0x3  }
0x37: {  	[smem:$0x3FB3] =	sst s10  }
0x38: {  	s10 =	sld [smem:$0x3FB4]  }
0x39: {  	_ = 	snop;
	(pc) =	sbr.ind lr, $3  }
0x3a: {  	_ = 	snop  }
0x3b: {  	_ = 	snop  }
0x3c: {  	p2 =	seq.s32 s10, $0x1;
	s10 =	sld [smem:$0x3FB3]  }
0x3d: {  	_ =	shalt  }
0x3e: {  	_ =	shalt  }
0x3f: {  	_ =	shalt  }
0x40: {  	_ =	shalt  }
0x41: {  	_ =	shalt  }
0x42: {  	_ =	shalt  }
0x43: {  	_ =	shalt  }
0x44: {  	_ =	shalt  }
0x45: {  	_ =	shalt  }
0x46: {  	_ =	shalt  }
0x47: {  	_ =	shalt  }
0x48: {  	_ =	shalt  }
0x49: {  	_ =	shalt  }
0x4a: {  	_ =	shalt  }
0x4b: {  	_ =	shalt  }
0x4c: {  	_ =	shalt  }
0x4d: {  	_ =	shalt  }
0x4e: {  	_ =	shalt  }
0x4f: {  	_ =	shalt  }
0x50: {  	_ =	shalt  }
0x51: {  	_ =	shalt  }
0x52: {  	_ =	shalt  }
0x53: {  	_ =	shalt  }
0x54: {  	_ =	shalt  }
0x55: {  	_ =	shalt  }
0x56: {  	_ =	shalt  }
0x57: {  	_ =	shalt  }
0x58: {  	_ =	shalt  }
0x59: {  	_ =	shalt  }
0x5a: {  	_ =	shalt  }
0x5b: {  	_ =	shalt  }
0x5c: {  	_ =	shalt  }
0x5d: {  	_ =	shalt  }
0x5e: {  	_ =	shalt  }
0x5f: {  	_ =	shalt  }
0x60: {  	_ =	shalt  }
0x61: {  	_ =	shalt  }
0x62: {  	_ =	shalt  }
0x63: {  	_ =	shalt  }
0x64: {  	_ =	shalt  }
0x65: {  	_ =	shalt  }
0x66: {  	_ =	shalt  }
0x67: {  	_ =	shalt  }
0x68: {  	_ =	shalt  }
0x69: {  	_ =	shalt  }
0x6a: {  	_ =	shalt  }
0x6b: {  	_ =	shalt  }
0x6c: {  	_ =	shalt  }
0x6d: {  	_ =	shalt  }
0x6e: {  	_ =	shalt  }
0x6f: {  	_ =	shalt  }
0x70: {  	_ =	shalt  }
0x71: {  	_ =	shalt  }
0x72: {  	_ =	shalt  }
0x73: {  	_ =	shalt  }
0x74: {  	_ =	shalt  }
0x75: {  	_ =	shalt  }
0x76: {  	_ =	shalt  }
0x77: {  	_ =	shalt  }
0x78: {  	_ =	shalt  }
0x79: {  	_ =	shalt  }
0x7a: {  	_ =	shalt  }
0x7b: {  	_ =	shalt  }
0x7c: {  	_ =	shalt  }
0x7d: {  	_ =	shalt  }
0x7e: {  	_ =	shalt  }
0x7f: {  	_ =	shalt  }
0x80: {  	_ =	shalt  }
0x81: {  	_ =	shalt  }
0x82: {  	_ =	shalt  }
0x83: {  	_ =	shalt  }
0x84: {  	_ =	shalt  }
0x85: {  	_ =	shalt  }
0x86: {  	_ =	shalt  }
0x87: {  	_ =	shalt  }
.Lfunc_end0:
.L_simem_size_0:
called_computation.2_lowered:
.L_overlay_start_0:
0x88: {  	s2 =	sld [smem:$0x3FD9]  }
0x89: {  	s3 =	sld [smem:$0x3FFE];
	_ =	sdelay $0x1  }
0x8a: {  	s1 =	srdreg.scid  }
0x8b: {  	s0 =	sand.u32 $0x1, s1  }
0x8c: {  	s17 =	sshll.u32 s0, $0xA;
	s2 =	sadd.s32 s3, s2  }
0x8d: {  	s2 =	sadd.s32 s2, s17  }
0x8e: {  	[smem:$0x3FBF] =	sst s2  }
0x8f: {  	_ = 	snop  }
0x90: {  	s18 =	sld [smem:$0x3FC7]  }
0x91: {  	s4 =	sld [smem:$0x3FD0];
	(tm) =	ssettm $0x1  }
0x92: {  	s19 =	sld [smem:$0x3FFB];
	_ =	sdelay $0x3  }
0x93: {  	_ =	strace s19  }
0x94: {  	s2 =	sld [smem:$0x3FFC];
	_ =	sdelay $0x3  }
0x95: {  	_ =	strace s2  }
0x96: {  	s2 =	sld [smem:$0x3FFD];
	_ =	sdelay $0x3  }
0x97: {  	_ =	strace s2  }
0x98: {  	_ =	strace $0x8FFFFFFF  }
0x99: {  	s20 =	sld [smem:$0x3FDB];
	_ =	sdelay $0x1  }
0x9a: {  	s5 =	simm.s32 $_scs_section_size  }
0x9b: {  	s6 =	simm.s32 $_size__tile_overlayer_lowered;
	s7 =	simm.s32 $_tile_overlayer_lowered  }
0x9c: {  	s8 =	simm.s32 $0x1BFF;
	s21 =	sshll.u32 s7, $0x1;
	s5 =	sadd.s32 s5, s20  }
0x9d: {  	s22 =	simm.s32 $0x0;
	s6 =	sshll.u32 s6, $0x1;
	s7 =	sadd.s32 s21, s5  }
0x9e: {  	[timem:s22], [sflag:s8] =	dma.local [hbm:s7], s6  }
0x9f: {  	_ =	swait.ge [sflag:s8], s6  }
0xa0: {  	s6 =	ssub.s32 $0x0, s6;
	[sflag:s8] =	ssyncset.done $0x0  }
0xa1: {  	[sflag:s8] =	ssyncadd.s32 s6;
	_ =	sdelay $0x1  }
0xa2: {  	s23 =	simm.s32 $0x1B8B  }
0xa3: {  	_ =	swait.ge [sflag:s23], $0x1  }
0xa4: {  	[sflag:s23] =	ssyncset.done $0x0  }
0xa5: {  	[sflag:s23] =	ssyncadd.s32 $0xFFFFFFFF  }
0xa6: {  	s6 =	sld [smem:$0x0]  }
0xa7: {  	s7 =	sand.u32 $0xFFFFFFFE, s1  }
0xa8: {  	p0 =	sne.s32 s1, s7  }
0xa9: {  	s7 =	sshll.u32 @p0 s7, $0xE  }
0xaa: {  	s7 =	sadd.s32 @p0 $0x11B8D, s7;
	s8 =	sshll.u32 @p0 s6, $0x11  }
0xab: {  	s7 =	sor.u32 @p0 s8, s7  }
0xac: {  	[sflag:s7] =	ssyncadd.remote.s32 @p0 $0x1;
	_ =	sdelay $0x1  }
0xad: {  	s7 =	simm.s32 @p0 $0x1B8D  }
0xae: {  	_ =	swait.eq @p0 [sflag:s7], $0x1  }
0xaf: {  	[sflag:s7] =	ssyncadd.s32 @p0 $0xFFFFFFFF  }
0xb0: {  	s8 =	sshll.u32 @!p0 s1, $0xE  }
0xb1: {  	s8 =	sor.u32 @!p0 $0x4000, s8;
	s7 =	simm.s32 @!p0 $0x1B8D  }
0xb2: {  	s6 =	sshll.u32 @!p0 s6, $0x11;
	s8 =	sadd.s32 @!p0 $0x11B8D, s8;
	_ =	swait.eq @!p0 [sflag:s7], $0x1  }
0xb3: {  	s6 =	sor.u32 @!p0 s6, s8;
	[sflag:s7] =	ssyncadd.s32 @!p0 $0xFFFFFFFF  }
0xb4: {  	s25 =	simm.s32 $0x1B8E;
	s24 =	sld [smem:$0x3FFE];
	[sflag:s6] =	ssyncadd.remote.s32 @!p0 $0x1  }
0xb5: {  	s26 =	simm.s32 $execute0_lowered;
	[smem:$0x3FD2] =	sst s25  }
0xb6: {  	s7 =	sshll.u32 s26, $0x1;
	_ =	strace $0x8000004C;
	[dreg:$0x1] =	wrdreg $0xFFFFFFFF  }
0xb7: {  	s28 =	simm.s32 $_size_execute0_lowered;
	s5 =	sadd.s32 s5, s7;
	[dreg:$0x0] =	wrdreg $0x0  }
0xb8: {  	s7 =	sshll.u32 s28, $0x1;
	[dreg:$0x2] =	wrdreg s5  }
0xb9: {  	[dreg:$0x3] =	wrdreg s7  }
0xba: {  	[dreg:$0x4] =	wrdreg $0xC0  }
0xbb: {  	_ =	task [dreg:s22], $0x5FFFF  }
0xbc: {  	[dreg:$0x1] =	wrdreg $0xFFFFFFFF  }
0xbd: {  	[dreg:$0x0] =	wrdreg $0x60  }
0xbe: {  	[dreg:$0x2] =	wrdreg s18  }
0xbf: {  	[dreg:$0x3] =	wrdreg s4  }
0xc0: {  	[dreg:$0x4] =	wrdreg s24  }
0xc1: {  	[dreg:$0x5] =	wrdreg $0xB  }
0xc2: {  	_ =	task.clear_ibuf [dreg:s22], $0x6FFFF;
	_ =	strace $0x9000004C  }
0xc3: {  	s29 =	simm.s32 $0xB;
	_ =	strace $0x8000004E  }
0xc4: {  	_ =	swait.ge [sflag:s29], $0x1  }
0xc5: {  	[sflag:s29] =	ssyncadd.s32 $0xFFFFFFFF  }
0xc6: {  	_ =	strace $0x9000004E  }
0xc7: {  	_ =	sfence  }
0xc8: {  	s30 =	sld [smem:$0x0];
	_ =	sdelay $0x2  }
0xc9: {  	s31 =	sshll.u32 s1, $0xD;
	s1 =	sshrl.u32 s1, $0x2  }
0xca: {  	s4 =	sand.u32 $0x4000, s31;
	s1 =	sadd.s32 s1, s30  }
0xcb: {  	s0 =	sor.u32 s4, s0;
	s1 =	sshll.u32 s1, $0x11  }
0xcc: {  	s0 =	sor.u32 s1, s0  }
0xcd: {  	s0 =	sadd.s32 $0x8F2B, s0  }
0xce: {  	[sflag:s0] =	ssyncadd.remote.s32 $0x1  }
0xcf: {  	_ =	sfence.sel $0xFFFF  }
0xd0: {  	[dreg:$0x0] =	wrdreg $0xFFFFFFFF;
	(pc) =	sbr.abs _section_cstart, $3  }
0xd1: {  	[dreg:$0x1] =	wrdreg $0xFFFFFFFF  }
0xd2: {  	_ =	task.clear_ibuf [dreg:s22], $0x2FFFF;
	_ =	strace $0x9FFFFFFF  }
0xd3: {  	(tm) =	ssettm $0x7FFFFFFF  }
tec
execute0_lowered:
.L_overlay_start_1:
0x0: {  	(tag) =	ssettag $0x1  }
0x1: {  	s1 =	rddreg [dreg:$0x0]  }
0x2: {  	s0 =	rddreg [dreg:$0x1]  }
0x3: {  	s2 =	rddreg [dreg:$0x2]  }
0x4: {  	s3 =	simm.s32 $0x0;
	s4 =	srdreg.scid;
	s10 =	stileid.u32  }
0x5: {  	s11 =	simm.s32 $0xB;
	s12 =	simm.s32 $0x80;
	s13 =	simm.s32 $0x1000  }
0x6: {  	s14 =	simm.s32 $0x5000;
	s28 =	simm.s32 $0x9;
	s29 =	simm.s32 $0xA  }
0x7: {  	s30 =	simm.s32 $0x0;
	[smem:$0x7FF] =	sst s3;
	s6 =	smul.u32 $0xF0000, s10  }
0x8: {  	s4 =	sand.u32 $0x1, s4;
	s7 =	sadd.s32 $0x35AC00, s2;
	s17 =	smul.u32 $0x1E000, s10  }
0x9: {  	s16 =	sshll.u32 s10, $0xA;
	_ =	strace $0x8000004D;
	s8 =	smul.u32 $0x78000, s4  }
0xa: {  	s5 =	ssub.s32 $0x2, s4;
	s9 =	sshll.u32 s4, $0x9;
	s18 =	smul.u32 $0xF000, s4  }
0xb: {  	s15 =	sshrl.u32 s5, $0x1;
	s20 =	sadd.s32 s17, s7;
	s17 =	simm.s32 $0x1  }
0xc: {  	s2 =	ssub.s32 s5, s15;
	s5 =	sor.u32 s9, s16;
	s6 =	sadd.s32 s8, s6  }
0xd: {  	s16 =	simm.s32 $0x9000;
	s0 =	sadd.s32 s0, s5;
	s19 =	sadd.s32 $0x10000, s6  }
0xe: {  	s2 =	smax.u32 s2, $0x1;
	s22 =	sadd.s32 $0xC000, s6;
	[dreg:$0x4] =	wrdreg s0  }
0xf: {  	s23 =	sadd.s32 $0x8000, s6;
	s24 =	sor.u32 $0x4000, s6;
	[dreg:$0x5] =	wrdreg s2  }
0x10: {  	s4 =	sshrl.u32 s19, $0x3;
	s0 =	sadd.s32 s18, s20;
	s25 =	sshrl.u32 s23, $0x3  }
0x11: {  	s26 =	sshrl.u32 s24, $0x3;
	s18 =	simm.s32 $0xD000;
	s19 =	simm.s32 $0x2  }
0x12: {  	s20 =	simm.s32 $0x11000;
	s23 =	simm.s32 $0x5;
	s24 =	simm.s32 $0x6  }
.Ltmp0:
0x13: {  	[dreg:$0x6] =	wrdreg s0;
	s21 =	sadd.s32 s4, s7;
	(pc) =	sbr.rel .LBB2_1-.Ltmp0, $4  }
0x14: {  	s0 =	sshrl.u32 s22, $0x3;
	s31 =	sadd.s32 s26, s7;
	[dreg:$0x7] =	wrdreg s21  }
0x15: {  	s22 =	simm.s32 $0x4;
	s0 =	sadd.s32 s0, s7;
	[dreg:$0xa] =	wrdreg s31  }
0x16: {  	s26 =	simm.s32 $0x8;
	[dreg:$0x8] =	wrdreg s0;
	s0 =	sadd.s32 s25, s7  }
0x17: {  	s21 =	simm.s32 $0x3;
	s25 =	simm.s32 $0x7;
	[dreg:$0x9] =	wrdreg s0  }
.LBB2_4:
0x18: {  	_ =	swait.ge [sflag:s24], $0x4000  }
0x19: {  	[sflag:s24] =	ssyncset.done $0x0  }
0x1a: {  	[sflag:s24] =	ssyncadd.s32 $0xFFFFC000  }
0x1b: {  	_ =	swait.ge [sflag:s25], $0x4000  }
0x1c: {  	[sflag:s25] =	ssyncset.done $0x0  }
0x1d: {  	[sflag:s25] =	ssyncadd.s32 $0xFFFFC000  }
0x1e: {  	_ =	swait.ge [sflag:s26], $0x4000  }
0x1f: {  	[sflag:s26] =	ssyncset.done $0x0  }
0x20: {  	[sflag:s26] =	ssyncadd.s32 $0xFFFFC000  }
0x21: {  	_ =	swait.ge [sflag:s28], $0x4000  }
0x22: {  	[sflag:s28] =	ssyncset.done $0x0  }
0x23: {  	[sflag:s28] =	ssyncadd.s32 $0xFFFFC000  }
0x24: {  	_ =	swait.ge [sflag:s29], $0x4000  }
0x25: {  	s30 =	sadd.s32 $0x1, s30;
	s0 =	rddreg [dreg:$0x5]  }
0x26: {  	p0 =	sne.s32 s30, s0  }
.Ltmp1:
0x27: {  	_ = 	snop;
	(pc) =	sbr.rel @!p0 .LBB2_5-.Ltmp1, $3  }
0x28: {  	_ =	sdelay $0x1  }
0x29: {  	[sflag:s29] =	ssyncset.done $0x0  }
0x2a: {  	[sflag:s29] =	ssyncadd.s32 $0xFFFFC000  }
.LBB2_1:
0x2b: {  	s0 =	rddreg [dreg:$0x4]  }
0x2c: {  	[tilespmem:s3], [sflag:$0xB] =	stream.linear.gather [hbm4b:s0+s3], $0xF00, $0x38;
	[tilespmem:$0x15000] =	vst v63  }
0x2d: {  	_ =	swait.ge [sflag:s11], $0xF00  }
0x2e: {  	s31 =	rddreg [dreg:$0xa]  }
0x2f: {  	[sflag:s11] =	ssyncset.done $0x0;
	s9 =	rddreg [dreg:$0x9]  }
0x30: {  	s8 =	rddreg [dreg:$0x8];
	[sflag:s11] =	ssyncadd.s32 $0xFFFFF100  }
0x31: {  	[tilespmem:s13], [sflag:$0x1] =	stream.indirect.gather [hbm4b:s1+s12], $0x80, s3, s12, $0xb8;
	[tilespmem:$0x15000] =	vst v63  }
0x32: {  	s7 =	rddreg [dreg:$0x7]  }
0x33: {  	[tilespmem:s14], [sflag:$0x2] =	stream.indirect.gather [hbm4b:s1+s12], $0x80, s12, s12, $0xb8;
	[tilespmem:$0x15000] =	vst v63  }
0x34: {  	s15 =	simm.s32 $0x100;
	s5 =	simm.s32 $0x0;
	s6 =	rddreg [dreg:$0x6]  }
0x35: {  	[tilespmem:s16], [sflag:$0x3] =	stream.indirect.gather [hbm4b:s1+s12], $0x80, s15, s12, $0xb8;
	[tilespmem:$0x15000] =	vst v63  }
.LBB2_2:
0x36: {  	_ =	swait.ge [sflag:s17], $0x4000  }
0x37: {  	p0 =	seq.s32 s5, $0x0;
	[sflag:s17] =	ssyncset.done $0x0  }
0x38: {  	s15 =	simm.s32 @!p0 $0x9;
	[sflag:s17] =	ssyncadd.s32 $0xFFFFC000  }
0x39: {  	[hbm4b:s6+s3] =	stream.linear.scatter [tilespmem:s13], [sflag:$0x6], $0x4000, $0x38;
	[tilespmem:$0x15000] =	vst v63  }
0x3a: {  	_ =	swait.ge @!p0 [sflag:s15], $0x4000  }
0x3b: {  	s4 =	sshra.s32 s5, $0x2;
	[sflag:s15] =	ssyncset.done @!p0 $0x0  }
0x3c: {  	s2 =	sadd.s32 $0x180, s4;
	[sflag:s15] =	ssyncadd.s32 @!p0 $0xFFFFC000  }
0x3d: {  	[tilespmem:s18], [sflag:$0x4] =	stream.indirect.gather [hbm4b:s1+s12], $0x80, s2, s12, $0xb8;
	[tilespmem:$0x15000] =	vst v63  }
0x3e: {  	_ =	swait.ge [sflag:s19], $0x4000  }
0x3f: {  	[sflag:s19] =	ssyncset.done $0x0  }
0x40: {  	s15 =	simm.s32 @!p0 $0xA;
	[sflag:s19] =	ssyncadd.s32 $0xFFFFC000  }
0x41: {  	[hbm4b:s31+s3] =	stream.linear.scatter [tilespmem:s14], [sflag:$0x7], $0x4000, $0x38;
	[tilespmem:$0x15000] =	vst v63  }
0x42: {  	_ =	swait.ge @!p0 [sflag:s15], $0x4000  }
0x43: {  	[sflag:s15] =	ssyncset.done @!p0 $0x0  }
0x44: {  	s10 =	sadd.s32 $0x200, s4;
	[sflag:s15] =	ssyncadd.s32 @!p0 $0xFFFFC000  }
0x45: {  	[tilespmem:s20], [sflag:$0x5] =	stream.indirect.gather [hbm4b:s1+s12], $0x80, s10, s12, $0xb8;
	[tilespmem:$0x15000] =	vst v63  }
0x46: {  	_ =	swait.ge [sflag:s21], $0x4000  }
0x47: {  	p0 =	seq.s32 s5, $0x3200;
	[sflag:s21] =	ssyncset.done $0x0  }
0x48: {  	s15 =	simm.s32 @!p0 $0x6;
	[sflag:s21] =	ssyncadd.s32 $0xFFFFC000  }
0x49: {  	[hbm4b:s9+s3] =	stream.linear.scatter [tilespmem:s16], [sflag:$0x8], $0x4000, $0x38;
	[tilespmem:$0x15000] =	vst v63  }
0x4a: {  	_ =	swait.ge @!p0 [sflag:s15], $0x4000  }
0x4b: {  	[sflag:s15] =	ssyncset.done @!p0 $0x0  }
0x4c: {  	[sflag:s15] =	ssyncadd.s32 @!p0 $0xFFFFC000;
	s15 =	sshra.s32 @!p0 s5, $0x2  }
0x4d: {  	s0 =	simm.s32 @!p0 $0x80;
	s10 =	simm.s32 @!p0 $0x1000;
	s2 =	sadd.s32 @!p0 $0x280, s15  }
0x4e: {  	[tilespmem:s10], [sflag:$0x1] =	stream.indirect.gather @!p0 [hbm4b:s1+s0], $0x80, s2, s0, $0xb8;
	[tilespmem:$0x15000] =	vst v63  }
0x4f: {  	_ =	swait.ge [sflag:s22], $0x4000  }
0x50: {  	[sflag:s22] =	ssyncset.done $0x0  }
0x51: {  	s2 =	simm.s32 @!p0 $0x7;
	[sflag:s22] =	ssyncadd.s32 $0xFFFFC000  }
0x52: {  	[hbm4b:s8+s3] =	stream.linear.scatter [tilespmem:s18], [sflag:$0x9], $0x4000, $0x38;
	[tilespmem:$0x15000] =	vst v63  }
0x53: {  	_ =	swait.ge @!p0 [sflag:s2], $0x4000  }
0x54: {  	[sflag:s2] =	ssyncset.done @!p0 $0x0  }
0x55: {  	s10 =	simm.s32 @!p0 $0x5000;
	[sflag:s2] =	ssyncadd.s32 @!p0 $0xFFFFC000;
	s2 =	sadd.s32 @!p0 $0x300, s15  }
0x56: {  	[tilespmem:s10], [sflag:$0x2] =	stream.indirect.gather @!p0 [hbm4b:s1+s0], $0x80, s2, s0, $0xb8;
	[tilespmem:$0x15000] =	vst v63  }
.Ltmp2:
0x57: {  	_ = 	snop;
	(pc) =	sbr.rel @p0 .LBB2_4-.Ltmp2, $4  }
0x58: {  	_ =	swait.ge [sflag:s23], $0x4000  }
0x59: {  	[sflag:s23] =	ssyncset.done $0x0  }
0x5a: {  	[sflag:s23] =	ssyncadd.s32 $0xFFFFC000  }
0x5b: {  	[hbm4b:s7+s3] =	stream.linear.scatter [tilespmem:s20], [sflag:$0xA], $0x4000, $0x38;
	[tilespmem:$0x15000] =	vst v63  }
.Ltmp3:
0x5c: {  	_ =	swait.ge [sflag:s26], $0x4000;
	(pc) =	sbr.rel .LBB2_2-.Ltmp3, $4  }
0x5d: {  	s0 =	sadd.s32 $0x380, s4;
	s5 =	sadd.s32 $0xA00, s5;
	s6 =	sadd.s32 $0x2800, s6  }
0x5e: {  	s7 =	sadd.s32 $0x2800, s7;
	s8 =	sadd.s32 $0x2800, s8;
	[sflag:s26] =	ssyncset.done $0x0  }
0x5f: {  	s9 =	sadd.s32 $0x2800, s9;
	s31 =	sadd.s32 $0x2800, s31;
	[sflag:s26] =	ssyncadd.s32 $0xFFFFC000  }
0x60: {  	[tilespmem:s16], [sflag:$0x3] =	stream.indirect.gather [hbm4b:s1+s12], $0x80, s0, s12, $0xb8;
	[tilespmem:$0x15000] =	vst v63  }
.LBB2_5:
0x61: {  	_ =	sfence.sel $0x180000  }
0x62: {  	[bflag:$0x0] =	sbarrier.arrive $0xFFFF  }
0x63: {  	_ =	strace $0x9000004D  }
0x64: {  	s0 =	stileid.u32;
	[bflag:$0x2] =	sbarrier.arrive $0xFFFF  }
0x65: {  	p0 =	sne.s32 s0, $0x0;
	s0 =	rddreg [dreg:$0x3]  }
0x66: {  	s0 =	sadd.s32 @!p0 $0x100000, s0  }
0x67: {  	[sflag:s0] =	ssyncadd.tile.s32 @!p0 $0x1;
	_ =	shalt  }
.Lfunc_end2:
_tile_overlayer_lowered:
.L_overlay_start_2:
0x68: {  	(tag) =	ssettag $0x2  }
0x69: {  	s0 =	rddreg [dreg:$0x0];
	s2 =	stileid.u32  }
0x6a: {  	s1 =	rddreg [dreg:$0x1];
	p0 =	sne.s32 s2, $0x0  }
0x6b: {  	s3 =	rddreg [dreg:$0x2];
	[bflag:$0x3] =	sbarrier.arrive $0xFFFF;
	s2 =	simm.s32 @!p0 $0x1C0B  }
0x6c: {  	[timem:s3], [sflag:s2] =	dma.local @!p0 [hbm:s0], s1  }
0x6d: {  	s0 =	simm.s32 @!p0 $0xB  }
0x6e: {  	_ =	swait.ge @!p0 [sflag:s0], s1  }
0x6f: {  	s1 =	ssub.s32 @!p0 $0x0, s1;
	[sflag:s0] =	ssyncset.done @!p0 $0x0  }
0x70: {  	[sflag:s0] =	ssyncadd.s32 @!p0 s1  }
0x71: {  	[bflag:$0x3] =	sbarrier.arrive $0xFFFF  }
0x72: {  	_ =	shalt  }

// kernel: kernel.8.cloned.1.call-start
scs
__scs_entry_jumppad:
0x0: {  	(pc) =	sbr.rel $0x88, $3  }
0x1: {  	(tag) =	ssettag $0x0;
	lr =	simm.s32 $0x1  }
0x2: {  	[smem:$0x3F98] =	sst lr;
	_ =	strace $0xD0000000  }
0x3: {  	_ = 	snop  }
0x4: {  	_ = 	snop  }
0x5: {  	_ = 	snop  }
0x6: {  	_ = 	snop  }
0x7: {  	_ = 	snop  }
__scs_overlays_trampoline_lowered:
0x8: {  	[smem:$0x3FA7] =	sst s0  }
0x9: {  	[smem:$0x3FA8] =	sst s1  }
0xa: {  	[smem:$0x3FA9] =	sst s2  }
0xb: {  	[smem:$0x3FAA] =	sst s3  }
0xc: {  	[smem:$0x3FAB] =	sst s4  }
0xd: {  	[smem:$0x3FAC] =	sst s5  }
0xe: {  	[smem:$0x3FAD] =	sst s6  }
0xf: {  	[smem:$0x3FAE] =	sst s7  }
0x10: {  	[smem:$0x3FAF] =	sst s8  }
0x11: {  	[smem:$0x3FB0] =	sst s9;
	s0 =	simm.s32 @!p0 $0x0  }
0x12: {  	s1 =	sld [smem:$0x3F96];
	s0 =	simm.s32 @p0 $0x1  }
0x13: {  	[smem:$0x3FB1] =	sst s0;
	s0 =	simm.s32 @!p1 $0x0  }
0x14: {  	s2 =	sld [smem:$0x3F95];
	s0 =	simm.s32 @p1 $0x1  }
0x15: {  	[smem:$0x3FB2] =	sst s0;
	s0 =	simm.s32 @!p2 $0x0  }
0x16: {  	s3 =	sld [smem:$0x3FDB];
	s0 =	simm.s32 @p2 $0x1  }
0x17: {  	s4 =	simm.s32 $0x1BF5;
	[smem:$0x3FB4] =	sst s0  }
0x18: {  	s0 =	sld [smem:$0x3F97];
	_ =	swait.ge [sflag:s4], $0x0  }
0x19: {  	s7 =	sld [smem:$0x3F98]  }
0x1a: {  	s8 =	sadd.s32 $0xFFFFE003, lr  }
0x1b: {  	s9 =	sadd.s32 $0xFFFFFEF7, lr;
	s5 =	simm.s32 $0xFFFFFFFF;
	p2 =	slt.u32 s8, $0xFFFFF086  }
0x1c: {  	p1 =	slt.u32 s9, $0xF7A;
	s5 =	simm.s32 @!p2 $0x0  }
0x1d: {  	s5 =	simm.s32 @p1 $0x1;
	p0 =	seq.s32 s7, s2  }
0x1e: {  	s7 =	smul.u32 @!p0 $0xF7A, s2;
	p2 =	seq.s32 @!p0 s5, $0x0  }
0x1f: {  	s9 =	smul.u32 $0xF7A, s1;
	s8 =	simm.s32 @!p0 $0x1BF5;
	p2 =	por !p2, p0  }
0x20: {  	[sflag:s8] =	ssyncset.s32 @!p0 $0xFFFFF086;
	s6 =	sadd.s32 @!p0 s3, s7;
	s7 =	simm.s32 @!p0 $0x108  }
0x21: {  	s3 =	sadd.s32 s3, s9;
	s6 =	sadd.s32 @!p0 $0x88, s6;
	s7 =	simm.s32 @p2 $0x1082  }
0x22: {  	[simem:s7], [sflag:s8] =	dma.local @!p0 [hbm:s6], $0xF7A  }
0x23: {  	s9 =	sor.u32 $0xD0000000, s2;
	s6 =	simm.s32 $0x108;
	_ =	swait.ge @!p0 [sflag:s8], $0x0  }
0x24: {  	s3 =	sadd.s32 $0x88, s3;
	s6 =	simm.s32 @!p1 $0x1082;
	[sflag:s4] =	ssyncset.s32 $0xFFFFF086  }
0x25: {  	[simem:s6], [sflag:s4] =	dma.local [hbm:s3], $0xF7A  }
0x26: {  	[smem:$0x3F98] =	sst s1;
	(tag) =	ssettag s2;
	_ =	strace s9  }
0x27: {  	s1 =	sld [smem:$0x3FA8]  }
0x28: {  	s2 =	sld [smem:$0x3FA9]  }
0x29: {  	s4 =	sld [smem:$0x3FAB]  }
0x2a: {  	p0 =	seq.s32 s5, $0x0;
	s5 =	sld [smem:$0x3FAC]  }
0x2b: {  	s6 =	sld [smem:$0x3FAD]  }
0x2c: {  	s7 =	sld [smem:$0x3FAE]  }
0x2d: {  	s3 =	simm.s32 $0x108;
	s8 =	sld [smem:$0x3FAF]  }
0x2e: {  	s3 =	simm.s32 @!p0 $0x1082;
	s9 =	sld [smem:$0x3FB0]  }
0x2f: {  	lr =	sadd.s32 s0, s3;
	s0 =	sld [smem:$0x3FA7]  }
0x30: {  	s3 =	sld [smem:$0x3FAA]  }
0x31: {  	[smem:$0x3FB3] =	sst s10  }
0x32: {  	s10 =	sld [smem:$0x3FB1];
	_ =	sdelay $0x3  }
0x33: {  	p0 =	seq.s32 s10, $0x1;
	s10 =	sld [smem:$0x3FB3];
	_ =	sdelay $0x3  }
0x34: {  	[smem:$0x3FB3] =	sst s10  }
0x35: {  	s10 =	sld [smem:$0x3FB2];
	_ =	sdelay $0x3  }
0x36: {  	p1 =	seq.s32 s10, $0x1;
	s10 =	sld [smem:$0x3FB3];
	_ =	sdelay $0x3  }
0x37: {  	[smem:$0x3FB3] =	sst s10  }
0x38: {  	s10 =	sld [smem:$0x3FB4]  }
0x39: {  	_ = 	snop;
	(pc) =	sbr.ind lr, $3  }
0x3a: {  	_ = 	snop  }
0x3b: {  	_ = 	snop  }
0x3c: {  	p2 =	seq.s32 s10, $0x1;
	s10 =	sld [smem:$0x3FB3]  }
0x3d: {  	_ =	shalt  }
0x3e: {  	_ =	shalt  }
0x3f: {  	_ =	shalt  }
0x40: {  	_ =	shalt  }
0x41: {  	_ =	shalt  }
0x42: {  	_ =	shalt  }
0x43: {  	_ =	shalt  }
0x44: {  	_ =	shalt  }
0x45: {  	_ =	shalt  }
0x46: {  	_ =	shalt  }
0x47: {  	_ =	shalt  }
0x48: {  	_ =	shalt  }
0x49: {  	_ =	shalt  }
0x4a: {  	_ =	shalt  }
0x4b: {  	_ =	shalt  }
0x4c: {  	_ =	shalt  }
0x4d: {  	_ =	shalt  }
0x4e: {  	_ =	shalt  }
0x4f: {  	_ =	shalt  }
0x50: {  	_ =	shalt  }
0x51: {  	_ =	shalt  }
0x52: {  	_ =	shalt  }
0x53: {  	_ =	shalt  }
0x54: {  	_ =	shalt  }
0x55: {  	_ =	shalt  }
0x56: {  	_ =	shalt  }
0x57: {  	_ =	shalt  }
0x58: {  	_ =	shalt  }
0x59: {  	_ =	shalt  }
0x5a: {  	_ =	shalt  }
0x5b: {  	_ =	shalt  }
0x5c: {  	_ =	shalt  }
0x5d: {  	_ =	shalt  }
0x5e: {  	_ =	shalt  }
0x5f: {  	_ =	shalt  }
0x60: {  	_ =	shalt  }
0x61: {  	_ =	shalt  }
0x62: {  	_ =	shalt  }
0x63: {  	_ =	shalt  }
0x64: {  	_ =	shalt  }
0x65: {  	_ =	shalt  }
0x66: {  	_ =	shalt  }
0x67: {  	_ =	shalt  }
0x68: {  	_ =	shalt  }
0x69: {  	_ =	shalt  }
0x6a: {  	_ =	shalt  }
0x6b: {  	_ =	shalt  }
0x6c: {  	_ =	shalt  }
0x6d: {  	_ =	shalt  }
0x6e: {  	_ =	shalt  }
0x6f: {  	_ =	shalt  }
0x70: {  	_ =	shalt  }
0x71: {  	_ =	shalt  }
0x72: {  	_ =	shalt  }
0x73: {  	_ =	shalt  }
0x74: {  	_ =	shalt  }
0x75: {  	_ =	shalt  }
0x76: {  	_ =	shalt  }
0x77: {  	_ =	shalt  }
0x78: {  	_ =	shalt  }
0x79: {  	_ =	shalt  }
0x7a: {  	_ =	shalt  }
0x7b: {  	_ =	shalt  }
0x7c: {  	_ =	shalt  }
0x7d: {  	_ =	shalt  }
0x7e: {  	_ =	shalt  }
0x7f: {  	_ =	shalt  }
0x80: {  	_ =	shalt  }
0x81: {  	_ =	shalt  }
0x82: {  	_ =	shalt  }
0x83: {  	_ =	shalt  }
0x84: {  	_ =	shalt  }
0x85: {  	_ =	shalt  }
0x86: {  	_ =	shalt  }
0x87: {  	_ =	shalt  }
.Lfunc_end0:
.L_simem_size_0:
called_computation_lowered:
.L_overlay_start_0:
0x88: {  	s2 =	sld [smem:$0x3FD9]  }
0x89: {  	s3 =	sld [smem:$0x3FFE];
	_ =	sdelay $0x1  }
0x8a: {  	s1 =	srdreg.scid  }
0x8b: {  	s0 =	sand.u32 $0x1, s1  }
0x8c: {  	s17 =	sshll.u32 s0, $0xA;
	s2 =	sadd.s32 s3, s2  }
0x8d: {  	s2 =	sadd.s32 s2, s17  }
0x8e: {  	[smem:$0x3FBF] =	sst s2  }
0x8f: {  	_ = 	snop  }
0x90: {  	s18 =	sld [smem:$0x3FC7];
	(tm) =	ssettm $0x1  }
0x91: {  	s19 =	sld [smem:$0x3FFB];
	_ =	sdelay $0x3  }
0x92: {  	_ =	strace s19  }
0x93: {  	s2 =	sld [smem:$0x3FFC];
	_ =	sdelay $0x3  }
0x94: {  	_ =	strace s2  }
0x95: {  	s2 =	sld [smem:$0x3FFD];
	_ =	sdelay $0x3  }
0x96: {  	_ =	strace s2  }
0x97: {  	_ =	strace $0x8FFFFFFF  }
0x98: {  	s20 =	sld [smem:$0x3FDB];
	_ =	sdelay $0x1  }
0x99: {  	s4 =	simm.s32 $_scs_section_size  }
0x9a: {  	s5 =	simm.s32 $_size__tile_overlayer_lowered;
	s6 =	simm.s32 $_tile_overlayer_lowered  }
0x9b: {  	s7 =	simm.s32 $0x1BFF;
	s21 =	sshll.u32 s6, $0x1;
	s4 =	sadd.s32 s4, s20  }
0x9c: {  	s22 =	simm.s32 $0x0;
	s5 =	sshll.u32 s5, $0x1;
	s6 =	sadd.s32 s21, s4  }
0x9d: {  	[timem:s22], [sflag:s7] =	dma.local [hbm:s6], s5  }
0x9e: {  	_ =	swait.ge [sflag:s7], s5  }
0x9f: {  	s5 =	ssub.s32 $0x0, s5;
	[sflag:s7] =	ssyncset.done $0x0  }
0xa0: {  	[sflag:s7] =	ssyncadd.s32 s5;
	_ =	sdelay $0x1  }
0xa1: {  	s23 =	simm.s32 $0x1B8B  }
0xa2: {  	_ =	swait.ge [sflag:s23], $0x1  }
0xa3: {  	[sflag:s23] =	ssyncset.done $0x0  }
0xa4: {  	[sflag:s23] =	ssyncadd.s32 $0xFFFFFFFF  }
0xa5: {  	s5 =	sld [smem:$0x0]  }
0xa6: {  	s6 =	sand.u32 $0xFFFFFFFE, s1  }
0xa7: {  	p0 =	sne.s32 s1, s6  }
0xa8: {  	s6 =	sshll.u32 @p0 s6, $0xE  }
0xa9: {  	s6 =	sadd.s32 @p0 $0x11B8D, s6;
	s7 =	sshll.u32 @p0 s5, $0x11  }
0xaa: {  	s6 =	sor.u32 @p0 s7, s6  }
0xab: {  	[sflag:s6] =	ssyncadd.remote.s32 @p0 $0x1;
	_ =	sdelay $0x1  }
0xac: {  	s6 =	simm.s32 @p0 $0x1B8D  }
0xad: {  	_ =	swait.eq @p0 [sflag:s6], $0x1  }
0xae: {  	[sflag:s6] =	ssyncadd.s32 @p0 $0xFFFFFFFF  }
0xaf: {  	s7 =	sshll.u32 @!p0 s1, $0xE  }
0xb0: {  	s7 =	sor.u32 @!p0 $0x4000, s7;
	s6 =	simm.s32 @!p0 $0x1B8D  }
0xb1: {  	s5 =	sshll.u32 @!p0 s5, $0x11;
	s7 =	sadd.s32 @!p0 $0x11B8D, s7;
	_ =	swait.eq @!p0 [sflag:s6], $0x1  }
0xb2: {  	s5 =	sor.u32 @!p0 s5, s7;
	[sflag:s6] =	ssyncadd.s32 @!p0 $0xFFFFFFFF  }
0xb3: {  	s25 =	simm.s32 $0x1B8E;
	s24 =	sld [smem:$0x3FFE];
	[sflag:s5] =	ssyncadd.remote.s32 @!p0 $0x1  }
0xb4: {  	s26 =	simm.s32 $execute0_lowered;
	[smem:$0x3FD2] =	sst s25  }
0xb5: {  	s6 =	sshll.u32 s26, $0x1;
	_ =	strace $0x80000049;
	[dreg:$0x1] =	wrdreg $0xFFFFFFFF  }
0xb6: {  	s28 =	simm.s32 $_size_execute0_lowered;
	s4 =	sadd.s32 s4, s6;
	[dreg:$0x0] =	wrdreg $0x0  }
0xb7: {  	s6 =	sshll.u32 s28, $0x1;
	[dreg:$0x2] =	wrdreg s4  }
0xb8: {  	[dreg:$0x3] =	wrdreg s6  }
0xb9: {  	[dreg:$0x4] =	wrdreg $0xC0  }
0xba: {  	_ =	task [dreg:s22], $0x5FFFF  }
0xbb: {  	[dreg:$0x1] =	wrdreg $0xFFFFFFFF  }
0xbc: {  	[dreg:$0x0] =	wrdreg $0x60  }
0xbd: {  	[dreg:$0x2] =	wrdreg s18  }
0xbe: {  	[dreg:$0x3] =	wrdreg s24  }
0xbf: {  	[dreg:$0x4] =	wrdreg $0x9  }
0xc0: {  	_ =	task.clear_ibuf [dreg:s22], $0x5FFFF;
	_ =	strace $0x90000049  }
0xc1: {  	s29 =	simm.s32 $0x9;
	_ =	strace $0x8000004B  }
0xc2: {  	_ =	swait.ge [sflag:s29], $0x1  }
0xc3: {  	[sflag:s29] =	ssyncadd.s32 $0xFFFFFFFF  }
0xc4: {  	_ =	strace $0x9000004B  }
0xc5: {  	_ =	sfence  }
0xc6: {  	s30 =	sld [smem:$0x0];
	_ =	sdelay $0x2  }
0xc7: {  	s31 =	sshll.u32 s1, $0xD;
	s1 =	sshrl.u32 s1, $0x2  }
0xc8: {  	s4 =	sand.u32 $0x4000, s31;
	s1 =	sadd.s32 s1, s30  }
0xc9: {  	s0 =	sor.u32 s4, s0;
	s1 =	sshll.u32 s1, $0x11  }
0xca: {  	s0 =	sor.u32 s1, s0  }
0xcb: {  	s0 =	sadd.s32 $0x8F2B, s0  }
0xcc: {  	[sflag:s0] =	ssyncadd.remote.s32 $0x1  }
0xcd: {  	_ =	sfence.sel $0xFFFF  }
0xce: {  	[dreg:$0x0] =	wrdreg $0xFFFFFFFF;
	(pc) =	sbr.abs _section_cstart, $3  }
0xcf: {  	[dreg:$0x1] =	wrdreg $0xFFFFFFFF  }
0xd0: {  	_ =	task.clear_ibuf [dreg:s22], $0x2FFFF;
	_ =	strace $0x9FFFFFFF  }
0xd1: {  	(tm) =	ssettm $0x7FFFFFFF  }
tec
execute0_lowered:
.L_overlay_start_1:
0x0: {  	(tag) =	ssettag $0x1  }
0x1: {  	s2 =	rddreg [dreg:$0x0];
	s0 =	srdreg.scid  }
0x2: {  	s11 =	stileid.u32;
	s1 =	rddreg [dreg:$0x1]  }
0x3: {  	s3 =	simm.s32 $0x0;
	s28 =	simm.s32 $0x4;
	s29 =	simm.s32 $0x5  }
0x4: {  	s30 =	simm.s32 $0x6;
	s31 =	simm.s32 $0x7;
	s0 =	sand.u32 $0x1, s0  }
0x5: {  	s4 =	sshll.u32 s11, $0x1;
	[smem:$0x7FF] =	sst s3;
	s14 =	smul.u32 $0xC8000, s11  }
0x6: {  	s9 =	sadd.s32 $0x1CAC00, s1;
	s17 =	smul.u32 $0x19000, s11;
	s4 =	sor.u32 s0, s4  }
0x7: {  	_ =	strace $0x8000004A;
	s7 =	ssub.s32 $0x2, s0;
	s15 =	smul.u32 $0x64000, s0  }
0x8: {  	s0 =	smul.u32 $0xC800, s0;
	s5 =	sshll.u32 s4, $0x9;
	s6 =	sshll.u32 s4, $0x6  }
0x9: {  	s8 =	smul.u32 $0x1800, s4;
	s10 =	sshrl.u32 s7, $0x1;
	s5 =	sadd.s32 s5, s1  }
0xa: {  	s4 =	smul.u32 $0xC000, s4;
	s6 =	sadd.s32 s6, s1;
	s5 =	sadd.s32 $0x196C00, s5  }
0xb: {  	s1 =	sadd.s32 $0x19AC00, s1;
	s6 =	sadd.s32 $0x196400, s6;
	[dreg:$0x3] =	wrdreg s5  }
0xc: {  	s7 =	ssub.s32 s7, s10;
	s16 =	sadd.s32 s1, s8;
	[dreg:$0x4] =	wrdreg s6  }
0xd: {  	s4 =	sshrl.u32 s4, $0x3;
	s19 =	smax.u32 s7, $0x1;
	[dreg:$0x5] =	wrdreg s16  }
0xe: {  	s1 =	sadd.s32 s1, s4;
	s5 =	sadd.s32 s15, s14;
	[dreg:$0x8] =	wrdreg s19  }
0xf: {  	s15 =	simm.s32 $0xB;
	s6 =	simm.s32 $0x1000;
	s19 =	simm.s32 $0x5200  }
0x10: {  	s4 =	sadd.s32 $0x800, s1;
	s1 =	sadd.s32 $0x1000, s1;
	s18 =	sadd.s32 $0x10000, s5  }
0x11: {  	s21 =	sadd.s32 $0xC000, s5;
	s22 =	sadd.s32 $0x8000, s5;
	[dreg:$0x6] =	wrdreg s4  }
0x12: {  	s23 =	sadd.s32 $0x4000, s5;
	[dreg:$0x7] =	wrdreg s1;
	s4 =	sadd.s32 s17, s9  }
0x13: {  	s1 =	sshrl.u32 s18, $0x3;
	s24 =	sshrl.u32 s22, $0x3;
	s25 =	sshrl.u32 s23, $0x3  }
0x14: {  	s17 =	simm.s32 $0x80;
	s18 =	simm.s32 $0x1200;
	s22 =	simm.s32 $0x1  }
0x15: {  	s23 =	simm.s32 $0xD200;
	s0 =	sadd.s32 s0, s4;
	s20 =	sadd.s32 s1, s9  }
0x16: {  	s26 =	sadd.s32 s25, s9;
	s25 =	simm.s32 $0x11200;
	[dreg:$0x9] =	wrdreg s0  }
.Ltmp0:
0x17: {  	s1 =	simm.s32 $0x8;
	[dreg:$0xa] =	wrdreg s20;
	(pc) =	sbr.rel .LBB2_1-.Ltmp0, $4  }
0x18: {  	s4 =	simm.s32 $0x0;
	s0 =	sshrl.u32 s21, $0x3;
	[dreg:$0xd] =	wrdreg s26  }
0x19: {  	s21 =	simm.s32 $0x9200;
	s26 =	simm.s32 $0x3;
	s0 =	sadd.s32 s0, s9  }
0x1a: {  	s20 =	simm.s32 $0xA;
	[dreg:$0xb] =	wrdreg s0;
	s0 =	sadd.s32 s24, s9  }
0x1b: {  	s24 =	simm.s32 $0x2;
	[dreg:$0xc] =	wrdreg s0;
	s0 =	simm.s32 $0x9  }
.LBB2_4:
0x1c: {  	_ =	swait.ge [sflag:s30], $0x4000  }
0x1d: {  	[sflag:s30] =	ssyncset.done $0x0  }
0x1e: {  	[sflag:s30] =	ssyncadd.s32 $0xFFFFC000  }
0x1f: {  	_ =	swait.ge [sflag:s31], $0x4000  }
0x20: {  	[sflag:s31] =	ssyncset.done $0x0  }
0x21: {  	[sflag:s31] =	ssyncadd.s32 $0xFFFFC000  }
0x22: {  	_ =	swait.ge [sflag:s1], $0x4000  }
0x23: {  	[sflag:s1] =	ssyncset.done $0x0  }
0x24: {  	[sflag:s1] =	ssyncadd.s32 $0xFFFFC000  }
0x25: {  	_ =	swait.ge [sflag:s0], $0x4000  }
0x26: {  	[sflag:s0] =	ssyncset.done $0x0  }
0x27: {  	[sflag:s0] =	ssyncadd.s32 $0xFFFFC000  }
0x28: {  	_ =	swait.ge [sflag:s20], $0x4000  }
0x29: {  	[sflag:s20] =	ssyncset.done $0x0  }
0x2a: {  	s6 =	simm.s32 $0x1000;
	[sflag:s20] =	ssyncadd.s32 $0xFFFFC000  }
0x2b: {  	[tilespmem:s18], [sflag:$0x1] =	stream.indirect.gather [hbm4b:s2+s17], $0x80, s6, s17, $0xb8;
	[tilespmem:$0x15200] =	vst v63  }
0x2c: {  	_ =	swait.ge [sflag:s22], $0x4000  }
0x2d: {  	[sflag:s22] =	ssyncset.done $0x0  }
0x2e: {  	s5 =	rddreg [dreg:$0x5];
	[sflag:s22] =	ssyncadd.s32 $0xFFFFC000  }
0x2f: {  	[hbm4b:s5+s3] =	stream.linear.scatter [tilespmem:s18], [sflag:$0x6], $0x4000, $0x38;
	[tilespmem:$0x15200] =	vst v63  }
0x30: {  	s11 =	simm.s32 $0x1080  }
0x31: {  	[tilespmem:s19], [sflag:$0x2] =	stream.indirect.gather [hbm4b:s2+s17], $0x80, s11, s17, $0xb8;
	[tilespmem:$0x15200] =	vst v63  }
0x32: {  	_ =	swait.ge [sflag:s24], $0x4000  }
0x33: {  	[sflag:s24] =	ssyncset.done $0x0  }
0x34: {  	s12 =	rddreg [dreg:$0x6];
	[sflag:s24] =	ssyncadd.s32 $0xFFFFC000  }
0x35: {  	[hbm4b:s12+s3] =	stream.linear.scatter [tilespmem:s19], [sflag:$0x7], $0x4000, $0x38;
	[tilespmem:$0x15200] =	vst v63  }
0x36: {  	s13 =	simm.s32 $0x1100  }
0x37: {  	[tilespmem:s21], [sflag:$0x3] =	stream.indirect.gather [hbm4b:s2+s17], $0x80, s13, s17, $0xb8;
	[tilespmem:$0x15200] =	vst v63  }
0x38: {  	_ =	swait.ge [sflag:s26], $0x4000  }
0x39: {  	[sflag:s26] =	ssyncset.done $0x0  }
0x3a: {  	s14 =	rddreg [dreg:$0x7];
	[sflag:s26] =	ssyncadd.s32 $0xFFFFC000  }
0x3b: {  	[hbm4b:s14+s3] =	stream.linear.scatter [tilespmem:s21], [sflag:$0x8], $0x4000, $0x38;
	[tilespmem:$0x15200] =	vst v63  }
0x3c: {  	_ =	swait.ge [sflag:s30], $0x4000  }
0x3d: {  	[sflag:s30] =	ssyncset.done $0x0  }
0x3e: {  	[sflag:s30] =	ssyncadd.s32 $0xFFFFC000  }
0x3f: {  	_ =	swait.ge [sflag:s31], $0x4000  }
0x40: {  	[sflag:s31] =	ssyncset.done $0x0  }
0x41: {  	[sflag:s31] =	ssyncadd.s32 $0xFFFFC000  }
0x42: {  	_ =	swait.ge [sflag:s1], $0x4000  }
0x43: {  	s4 =	sadd.s32 $0x1, s4;
	s16 =	rddreg [dreg:$0x8]  }
0x44: {  	p0 =	sne.s32 s4, s16  }
.Ltmp1:
0x45: {  	_ = 	snop;
	(pc) =	sbr.rel @!p0 .LBB2_5-.Ltmp1, $3  }
0x46: {  	_ =	sdelay $0x1  }
0x47: {  	[sflag:s1] =	ssyncset.done $0x0  }
0x48: {  	[sflag:s1] =	ssyncadd.s32 $0xFFFFC000  }
.LBB2_1:
0x49: {  	s5 =	rddreg [dreg:$0x3]  }
0x4a: {  	[tilespmem:s3], [sflag:$0xB] =	stream.linear.gather [hbm4b:s5+s3], $0xC80, $0x38;
	[tilespmem:$0x15200] =	vst v63  }
0x4b: {  	_ =	swait.ge [sflag:s15], $0xC80  }
0x4c: {  	[sflag:s15] =	ssyncset.done $0x0  }
0x4d: {  	s14 =	rddreg [dreg:$0x4];
	[sflag:s15] =	ssyncadd.s32 $0xFFFFF380  }
0x4e: {  	[tilespmem:s6], [sflag:$0xB] =	stream.linear.gather [hbm4b:s14+s3], $0x180, $0x38;
	[tilespmem:$0x15200] =	vst v63  }
0x4f: {  	_ =	swait.ge [sflag:s15], $0x180  }
0x50: {  	s14 =	rddreg [dreg:$0xd]  }
0x51: {  	[sflag:s15] =	ssyncset.done $0x0;
	s13 =	rddreg [dreg:$0xc]  }
0x52: {  	s12 =	rddreg [dreg:$0xb];
	[sflag:s15] =	ssyncadd.s32 $0xFFFFFE80  }
0x53: {  	[tilespmem:s18], [sflag:$0x1] =	stream.indirect.gather [hbm4b:s2+s17], $0x80, s3, s17, $0xb8;
	[tilespmem:$0x15200] =	vst v63  }
0x54: {  	s11 =	rddreg [dreg:$0xa]  }
0x55: {  	[tilespmem:s19], [sflag:$0x2] =	stream.indirect.gather [hbm4b:s2+s17], $0x80, s17, s17, $0xb8;
	[tilespmem:$0x15200] =	vst v63  }
0x56: {  	s16 =	simm.s32 $0x100;
	s9 =	simm.s32 $0x0;
	s10 =	rddreg [dreg:$0x9]  }
0x57: {  	[tilespmem:s21], [sflag:$0x3] =	stream.indirect.gather [hbm4b:s2+s17], $0x80, s16, s17, $0xb8;
	[tilespmem:$0x15200] =	vst v63  }
.LBB2_2:
0x58: {  	_ =	swait.ge [sflag:s22], $0x4000  }
0x59: {  	p0 =	seq.s32 s9, $0x0;
	[sflag:s22] =	ssyncset.done $0x0  }
0x5a: {  	s7 =	simm.s32 @!p0 $0x9;
	[sflag:s22] =	ssyncadd.s32 $0xFFFFC000  }
0x5b: {  	[hbm4b:s10+s3] =	stream.linear.scatter [tilespmem:s18], [sflag:$0x6], $0x4000, $0x38;
	[tilespmem:$0x15200] =	vst v63  }
0x5c: {  	_ =	swait.ge @!p0 [sflag:s7], $0x4000  }
0x5d: {  	s8 =	sshra.s32 s9, $0x2;
	[sflag:s7] =	ssyncset.done @!p0 $0x0  }
0x5e: {  	s6 =	sadd.s32 $0x180, s8;
	[sflag:s7] =	ssyncadd.s32 @!p0 $0xFFFFC000  }
0x5f: {  	[tilespmem:s23], [sflag:$0x4] =	stream.indirect.gather [hbm4b:s2+s17], $0x80, s6, s17, $0xb8;
	[tilespmem:$0x15200] =	vst v63  }
0x60: {  	_ =	swait.ge [sflag:s24], $0x4000  }
0x61: {  	[sflag:s24] =	ssyncset.done $0x0  }
0x62: {  	s7 =	simm.s32 @!p0 $0xA;
	[sflag:s24] =	ssyncadd.s32 $0xFFFFC000  }
0x63: {  	[hbm4b:s14+s3] =	stream.linear.scatter [tilespmem:s19], [sflag:$0x7], $0x4000, $0x38;
	[tilespmem:$0x15200] =	vst v63  }
0x64: {  	_ =	swait.ge @!p0 [sflag:s7], $0x4000  }
0x65: {  	[sflag:s7] =	ssyncset.done @!p0 $0x0  }
0x66: {  	s16 =	sadd.s32 $0x200, s8;
	[sflag:s7] =	ssyncadd.s32 @!p0 $0xFFFFC000  }
0x67: {  	[tilespmem:s25], [sflag:$0x5] =	stream.indirect.gather [hbm4b:s2+s17], $0x80, s16, s17, $0xb8;
	[tilespmem:$0x15200] =	vst v63  }
0x68: {  	_ =	swait.ge [sflag:s26], $0x4000  }
0x69: {  	p0 =	seq.s32 s9, $0x2800;
	[sflag:s26] =	ssyncset.done $0x0  }
0x6a: {  	s7 =	simm.s32 @!p0 $0x6;
	[sflag:s26] =	ssyncadd.s32 $0xFFFFC000  }
0x6b: {  	[hbm4b:s13+s3] =	stream.linear.scatter [tilespmem:s21], [sflag:$0x8], $0x4000, $0x38;
	[tilespmem:$0x15200] =	vst v63  }
0x6c: {  	_ =	swait.ge @!p0 [sflag:s7], $0x4000  }
0x6d: {  	[sflag:s7] =	ssyncset.done @!p0 $0x0  }
0x6e: {  	[sflag:s7] =	ssyncadd.s32 @!p0 $0xFFFFC000;
	s7 =	sshra.s32 @!p0 s9, $0x2  }
0x6f: {  	s6 =	simm.s32 @!p0 $0x80;
	s5 =	simm.s32 @!p0 $0x1200;
	s16 =	sadd.s32 @!p0 $0x280, s7  }
0x70: {  	[tilespmem:s5], [sflag:$0x1] =	stream.indirect.gather @!p0 [hbm4b:s2+s6], $0x80, s16, s6, $0xb8;
	[tilespmem:$0x15200] =	vst v63  }
0x71: {  	_ =	swait.ge [sflag:s28], $0x4000  }
0x72: {  	[sflag:s28] =	ssyncset.done $0x0  }
0x73: {  	s5 =	simm.s32 @!p0 $0x7;
	[sflag:s28] =	ssyncadd.s32 $0xFFFFC000  }
0x74: {  	[hbm4b:s12+s3] =	stream.linear.scatter [tilespmem:s23], [sflag:$0x9], $0x4000, $0x38;
	[tilespmem:$0x15200] =	vst v63  }
0x75: {  	_ =	swait.ge @!p0 [sflag:s5], $0x4000  }
0x76: {  	[sflag:s5] =	ssyncset.done @!p0 $0x0  }
0x77: {  	[sflag:s5] =	ssyncadd.s32 @!p0 $0xFFFFC000;
	s5 =	sadd.s32 @!p0 $0x300, s7;
	s7 =	simm.s32 @!p0 $0x5200  }
0x78: {  	[tilespmem:s7], [sflag:$0x2] =	stream.indirect.gather @!p0 [hbm4b:s2+s6], $0x80, s5, s6, $0xb8;
	[tilespmem:$0x15200] =	vst v63  }
.Ltmp2:
0x79: {  	_ = 	snop;
	(pc) =	sbr.rel @p0 .LBB2_4-.Ltmp2, $4  }
0x7a: {  	_ =	swait.ge [sflag:s29], $0x4000  }
0x7b: {  	[sflag:s29] =	ssyncset.done $0x0  }
0x7c: {  	[sflag:s29] =	ssyncadd.s32 $0xFFFFC000  }
0x7d: {  	[hbm4b:s11+s3] =	stream.linear.scatter [tilespmem:s25], [sflag:$0xA], $0x4000, $0x38;
	[tilespmem:$0x15200] =	vst v63  }
.Ltmp3:
0x7e: {  	_ =	swait.ge [sflag:s1], $0x4000;
	(pc) =	sbr.rel .LBB2_2-.Ltmp3, $4  }
0x7f: {  	s5 =	sadd.s32 $0x380, s8;
	s9 =	sadd.s32 $0xA00, s9;
	s10 =	sadd.s32 $0x2800, s10  }
0x80: {  	s11 =	sadd.s32 $0x2800, s11;
	s12 =	sadd.s32 $0x2800, s12;
	[sflag:s1] =	ssyncset.done $0x0  }
0x81: {  	s13 =	sadd.s32 $0x2800, s13;
	s14 =	sadd.s32 $0x2800, s14;
	[sflag:s1] =	ssyncadd.s32 $0xFFFFC000  }
0x82: {  	[tilespmem:s21], [sflag:$0x3] =	stream.indirect.gather [hbm4b:s2+s17], $0x80, s5, s17, $0xb8;
	[tilespmem:$0x15200] =	vst v63  }
.LBB2_5:
0x83: {  	_ =	sfence.sel $0x180000  }
0x84: {  	[bflag:$0x0] =	sbarrier.arrive $0xFFFF  }
0x85: {  	_ =	strace $0x9000004A  }
0x86: {  	s0 =	stileid.u32;
	[bflag:$0x2] =	sbarrier.arrive $0xFFFF  }
0x87: {  	p0 =	sne.s32 s0, $0x0;
	s0 =	rddreg [dreg:$0x2]  }
0x88: {  	s0 =	sadd.s32 @!p0 $0x100000, s0  }
0x89: {  	[sflag:s0] =	ssyncadd.tile.s32 @!p0 $0x1;
	_ =	shalt  }
.Lfunc_end2:
_tile_overlayer_lowered:
.L_overlay_start_2:
0x8a: {  	(tag) =	ssettag $0x2  }
0x8b: {  	s0 =	rddreg [dreg:$0x0];
	s2 =	stileid.u32  }
0x8c: {  	s1 =	rddreg [dreg:$0x1];
	p0 =	sne.s32 s2, $0x0  }
0x8d: {  	s3 =	rddreg [dreg:$0x2];
	[bflag:$0x3] =	sbarrier.arrive $0xFFFF;
	s2 =	simm.s32 @!p0 $0x1C0B  }
0x8e: {  	[timem:s3], [sflag:s2] =	dma.local @!p0 [hbm:s0], s1  }
0x8f: {  	s0 =	simm.s32 @!p0 $0xB  }
0x90: {  	_ =	swait.ge @!p0 [sflag:s0], s1  }
0x91: {  	s1 =	ssub.s32 @!p0 $0x0, s1;
	[sflag:s0] =	ssyncset.done @!p0 $0x0  }
0x92: {  	[sflag:s0] =	ssyncadd.s32 @!p0 s1  }
0x93: {  	[bflag:$0x3] =	sbarrier.arrive $0xFFFF  }
0x94: {  	_ =	shalt  }

</sc_bundles>
